<compile_context>
chip_gen: v7x
topology: tpu7x:2x2x1
jax: 0.10.2.dev20260603
libtpu: 0.0.44.dev20260713+nightly
codegen_flags: <defaults>
</compile_context>

<pallas_src>
import functools

import jax
import jax.numpy as jnp
from jax import lax
from jax.experimental import pallas as pl
from jax.experimental.pallas import tpu as pltpu
from jax.experimental.pallas import tpu_sc as plsc

_NC = 2
_NS = 16
_LANES = 16
_NW = _NC * _NS
_KDIM = 8
_GCHUNK = 128


def _sc_gather_aug(table, idx, B, M_total, M, boff=0):
    wpb = _NW // B
    mpw = M // wpb
    ngc = mpw // _GCHUNK
    mesh = plsc.VectorSubcoreMesh(core_axis_name="c", subcore_axis_name="s")

    @functools.partial(
        pl.kernel,
        mesh=mesh,
        out_type=jax.ShapeDtypeStruct((B, _KDIM, M), jnp.float32),
        scratch_types=[
            pltpu.VMEM((mpw,), jnp.int32),
            pltpu.VMEM((ngc, _GCHUNK), jnp.int32),
            pltpu.VMEM((mpw, _LANES), jnp.float32),
            pltpu.VMEM((_KDIM, mpw), jnp.float32),
            pltpu.SemaphoreType.DMA,
        ],
        compiler_params=pltpu.CompilerParams(
            needs_layout_passes=False, use_tc_tiling_on_sc=False
        ),
    )
    def sc_kernel(table_hbm, idx_hbm, out_hbm, idx_v, g_v, rows_v, outT_v, sem):
        wid = lax.axis_index("s") * _NC + lax.axis_index("c")
        b = wid % B
        base = (wid // B) * mpw
        pltpu.sync_copy(idx_hbm.at[pl.ds(base, mpw)], idx_v)
        lane = lax.iota(jnp.int32, _LANES)
        zeros = jnp.zeros((_LANES,), jnp.float32)
        for j in range(mpw // _LANES):
            r = j * _LANES
            g_v[r // _GCHUNK, pl.ds(r % _GCHUNK, _LANES)] = (
                idx_v[pl.ds(r, _LANES)] + (b + boff) * M_total
            )
        handles = [
            pltpu.async_copy(
                table_hbm.at[g_v.at[p]],
                rows_v.at[pl.ds(p * _GCHUNK, _GCHUNK)],
                sem,
            )
            for p in range(ngc)
        ]
        for k in range(6, _KDIM):
            for j in range(mpw // _LANES):
                outT_v[k, pl.ds(j * _LANES, _LANES)] = zeros
        for h in handles:
            h.wait()
        def bf16_round(x):
            u = plsc.bitcast(x, jnp.uint32)
            r = (u + 0x7FFF + ((u >> 16) & 1)) & jnp.uint32(0xFFFF0000)
            return plsc.bitcast(r, jnp.float32)

        for j in range(mpw // _LANES):
            m_idx = lane + j * _LANES
            comp = [
                plsc.load_gather(rows_v, [m_idx, jnp.full((_LANES,), k, jnp.int32)])
                for k in range(3)
            ]
            sl = pl.ds(j * _LANES, _LANES)
            for k in range(3):
                outT_v[k, sl] = -2.0 * comp[k]
            c2 = comp[0] * comp[0] + comp[1] * comp[1] + comp[2] * comp[2]
            h = bf16_round(c2)
            r1 = c2 - h
            mmid = bf16_round(r1)
            low = bf16_round(r1 - mmid)
            outT_v[3, sl] = h
            outT_v[4, sl] = mmid
            outT_v[5, sl] = low
        pltpu.sync_copy(outT_v, out_hbm.at[b, :, pl.ds(base, mpw)])

    return sc_kernel(table, idx)


def _tc_nn(verticesT, caug, B, N, M, boff=0):
    NBLK = 2048
    iota_row = jnp.arange(M, dtype=jnp.float32).reshape(1, M)

    def body(v_ref, c_ref, i_ref, o_ref):
        vt = v_ref[0]
        vt6 = jnp.concatenate([vt, jnp.ones((3, NBLK), jnp.float32)], axis=0)
        score_m = lax.dot_general(
            vt6,
            c_ref[0, 0:6, :],
            (((0,), (0,)), ((), ())),
            preferred_element_type=jnp.float32,
        )
        nchunk = M // 128
        val = score_m[:, 0:128]
        cidf = jnp.zeros((NBLK, 128), jnp.float32)
        for j in range(1, nchunk):
            sj = score_m[:, j * 128:(j + 1) * 128]
            lt = sj < val
            val = jnp.minimum(val, sj)
            cidf = jnp.where(lt, jnp.float32(j), cidf)
        mf = cidf * 128.0 + i_ref[:, 0:128]
        mnv = jnp.min(val, axis=1, keepdims=True)
        nn_f = jnp.min(jnp.where(val == mnv, mf, jnp.float32(M)), axis=1)
        nn = nn_f.astype(jnp.int32)
        b = pl.program_id(0) + boff
        brow = jnp.full((1, NBLK), b, jnp.int32)
        o_ref[0] = jnp.concatenate([brow, nn.reshape(1, NBLK)], axis=0)

    return pl.pallas_call(
        body,
        grid=(B, N // NBLK),
        in_specs=[
            pl.BlockSpec((1, 3, NBLK), lambda b, i: (b, 0, i)),
            pl.BlockSpec((1, _KDIM, M), lambda b, i: (b, 0, 0)),
            pl.BlockSpec((1, M), lambda b, i: (0, 0)),
        ],
        out_specs=pl.BlockSpec((1, 2, NBLK), lambda b, i: (b, 0, i)),
        out_shape=jax.ShapeDtypeStruct((B, 2, N), jnp.int32),
    )(verticesT, caug, iota_row)


def kernel(vertices, collider, collision_vertices):
    B, N, _ = vertices.shape
    M_total = collider.shape[1]
    M = collision_vertices.shape[0]
    idx = collision_vertices.astype(jnp.int32)
    table = jnp.pad(collider, ((0, 0), (0, 0), (0, _LANES - 3))).reshape(
        B * M_total, _LANES
    )
    h = B // 2
    verticesT = jnp.transpose(vertices, (0, 2, 1))
    caug0 = _sc_gather_aug(table, idx, h, M_total, M, boff=0)
    caug1 = _sc_gather_aug(table, idx, h, M_total, M, boff=h)
    out0 = _tc_nn(verticesT[:h], caug0, h, N, M, boff=0)
    out1 = _tc_nn(verticesT[h:], caug1, h, N, M, boff=h)
    out = jnp.concatenate([out0, out1], axis=0)
    return jnp.transpose(out, (0, 2, 1))

# --- scband reference (transcript-rebuilt; emitter-appended) ---
"""Pipeline reference for scband-collision-69741678952642 (READ-ONLY COPY).

The authoritative reference and input builder live on the scoring server;
editing this copy changes nothing except your own understanding.
"""

import jax, jax.numpy as jnp
import numpy as np


def setup_inputs(seed: int = 0) -> dict:
    key = jax.random.key(seed)
    k1, k2, k3 = jax.random.split(key, 3)
    B, N, M_total, M = 8, 8192, 4096, 2048
    vertices = jax.random.normal(k1, (B, N, 3), dtype=jnp.float32)
    collider = jax.random.normal(k2, (B, M_total, 3), dtype=jnp.float32)
    collision_vertices = jax.random.randint(k3, (M,), 0, M_total, dtype=jnp.int64)
    return {"vertices": vertices, "collider": collider, "collision_vertices": collision_vertices}


def reference(vertices, collider, collision_vertices):
    # gather collider vertices at registered collision indices (axis=-2)
    coll = jnp.take(collider, collision_vertices, axis=1)  # [B, M, 3]
    # brute-force nearest neighbor (replaces per-sample cKDTree query)
    v2 = jnp.sum(vertices * vertices, axis=-1)[:, :, None]          # [B, N, 1]
    c2 = jnp.sum(coll * coll, axis=-1)[:, None, :]                  # [B, 1, M]
    cross = jnp.einsum('bnd,bmd->bnm', vertices, coll)              # [B, N, M]
    d2 = v2 - 2.0 * cross + c2                                      # [B, N, M]
    nn_idx = jnp.argmin(d2, axis=-1).astype(jnp.int32)              # [B, N]
    B = vertices.shape[0]
    N = vertices.shape[1]
    batch_idx = jnp.tile(jnp.arange(B, dtype=jnp.int32)[:, None], (1, N))  # [B, N]
    idx = jnp.stack([batch_idx, nn_idx], axis=-1)                   # [B, N, 2]
    return idx

if __name__ == "__main__":
    import jax
    _d = setup_inputs()
    print(jax.jit(kernel)(*tuple(_d.values())))

</pallas_src>

<mosaic_0001>
#map = affine_map<(d0, d1) -> (0, 0)>
#map1 = affine_map<(d0, d1) -> (0)>
#map2 = affine_map<(d0, d1) -> (0, 0, 0)>
module attributes {stable_mosaic.version = 14 : i64} {
  func.func @sc_kernel(%arg0: i32, %arg1: i32, %arg2: memref<32768x16xf32, #tpu.memory_space<hbm>>, %arg3: memref<2048xi32, #tpu.memory_space<hbm>>, %arg4: memref<4x8x2048xf32, #tpu.memory_space<hbm>>, %arg5: memref<256xi32, #tpu.memory_space<vmem>>, %arg6: memref<2x128xi32, #tpu.memory_space<vmem>>, %arg7: memref<256x16xf32, #tpu.memory_space<vmem>>, %arg8: memref<8x256xf32, #tpu.memory_space<vmem>>, %arg9: memref<!tpu.dma_semaphore, #tpu.memory_space<semaphore_mem>>) attributes {dimension_semantics = [#tpu.dimension_semantics<core_parallel>, #tpu.dimension_semantics<subcore_parallel>], iteration_bounds = array<i64: 2, 16>, scalar_prefetch = 0 : i64, scratch_operands = 5 : i64, tpu.core_type = #tpu.core_type<sc_vector_subcore>, window_params = [{transform_indices = #map}, {transform_indices = #map1}, {transform_indices = #map2}]} {
    %mul3A = arith.constant 2 : i32
    %mul3A_0 = arith.muli %arg1, %mul3A : i32
    %add3A = arith.addi %mul3A_0, %arg0 : i32
    %jit3A = arith.constant 4 : i32
    %eq3A = arith.constant 0 : i32
    %eq3A_1 = arith.cmpi eq, %jit3A, %eq3A : i32
    %jit3A_2 = arith.constant 1 : i32
    %select_n3A = arith.select %eq3A_1, %jit3A_2, %jit3A : i32
    %rem3A = arith.remsi %add3A, %select_n3A : i32
    %ne3A = arith.constant 0 : i32
    %ne3A_3 = arith.cmpi ne, %rem3A, %ne3A : i32
    %lt3A = arith.constant 0 : i32
    %lt3A_4 = arith.cmpi slt, %rem3A, %lt3A : i32
    %lt3A_5 = arith.constant 0 : i32
    %lt3A_6 = arith.cmpi slt, %select_n3A, %lt3A_5 : i32
    %ne3A_7 = arith.xori %lt3A_4, %lt3A_6 : i1
    %and3A = arith.andi %ne3A_7, %ne3A_3 : i1
    %add3A_8 = arith.addi %rem3A, %select_n3A : i32
    %select_n3A_9 = arith.select %and3A, %add3A_8, %rem3A : i32
    %jit3A_10 = arith.constant 4 : i32
    %div3A = arith.divsi %add3A, %jit3A_10 : i32
    %sign3A = arith.constant 0 : i32
    %sign3A_11 = arith.cmpi sgt, %add3A, %sign3A : i32
    %sign3A_12 = arith.extui %sign3A_11 : i1 to i32
    %sign3A_13 = arith.constant 0 : i32
    %sign3A_14 = arith.cmpi slt, %add3A, %sign3A_13 : i32
    %sign3A_15 = arith.extui %sign3A_14 : i1 to i32
    %sign3A_16 = arith.subi %sign3A_12, %sign3A_15 : i32
    %sign3A_17 = arith.constant 0 : i32
    %sign3A_18 = arith.cmpi sgt, %jit3A_10, %sign3A_17 : i32
    %sign3A_19 = arith.extui %sign3A_18 : i1 to i32
    %sign3A_20 = arith.constant 0 : i32
    %sign3A_21 = arith.cmpi slt, %jit3A_10, %sign3A_20 : i32
    %sign3A_22 = arith.extui %sign3A_21 : i1 to i32
    %sign3A_23 = arith.subi %sign3A_19, %sign3A_22 : i32
    %ne3A_24 = arith.cmpi ne, %sign3A_16, %sign3A_23 : i32
    %rem3A_25 = arith.remsi %add3A, %jit3A_10 : i32
    %ne3A_26 = arith.constant 0 : i32
    %ne3A_27 = arith.cmpi ne, %rem3A_25, %ne3A_26 : i32
    %and3A_28 = arith.andi %ne3A_24, %ne3A_27 : i1
    %sub3A = arith.constant 1 : i32
    %sub3A_29 = arith.subi %div3A, %sub3A : i32
    %select_n3A_30 = arith.select %and3A_28, %sub3A_29, %div3A : i32
    %mul3A_31 = arith.constant 256 : i32
    %mul3A_32 = arith.muli %select_n3A_30, %mul3A_31 : i32
    "tpu.region"() ({
      %run_scoped3A = tpu.sem_alloc : memref<!tpu.dma_semaphore, #tpu.memory_space<semaphore_mem>>
      %dma_start3A_1939 = tpu.memref_slice %arg3[%mul3A_32] : memref<2048xi32, #tpu.memory_space<hbm>> -> memref<256xi32, #tpu.memory_space<hbm>>
      %dma_start3A_1940 = tpu.memref_slice %arg3[%mul3A_32] : memref<2048xi32, #tpu.memory_space<hbm>> -> memref<256xi32, #tpu.memory_space<hbm>>
      tpu.enqueue_dma source(%dma_start3A_1940 : memref<256xi32, #tpu.memory_space<hbm>>) target(%arg5 : memref<256xi32, #tpu.memory_space<vmem>>) target_semaphore(%run_scoped3A : memref<!tpu.dma_semaphore, #tpu.memory_space<semaphore_mem>>)
      %dma_wait3A_1941 = tpu.memref_slice %arg3[%mul3A_32] : memref<2048xi32, #tpu.memory_space<hbm>> -> memref<256xi32, #tpu.memory_space<hbm>>
      %dma_wait3A_1942 = tpu.memref_slice %arg3[%mul3A_32] : memref<2048xi32, #tpu.memory_space<hbm>> -> memref<256xi32, #tpu.memory_space<hbm>>
      tpu.wait_dma2 semaphore(%run_scoped3A : memref<!tpu.dma_semaphore, #tpu.memory_space<semaphore_mem>>) src(%dma_wait3A_1942 : memref<256xi32, #tpu.memory_space<hbm>>) dst(%arg5 : memref<256xi32, #tpu.memory_space<vmem>>)
      tpu.yield
    }) : () -> ()
    %iota3A = tpu.iota {dimensions = array<i32: 0>} : vector<16xi32>
    %broadcast_in_dim3A = arith.constant 0.000000e+00 : f32
    %broadcast_in_dim3A_33 = vector.broadcast %broadcast_in_dim3A : f32 to vector<16xf32>
    %get3A = arith.constant 0 : index
    %get3A_34 = tpu.vector_load %arg5[%get3A] {strides = array<i32>} : memref<256xi32, #tpu.memory_space<vmem>>, vector<16xi32>,
    %add3A_35 = arith.constant 0 : i32
    %add3A_36 = arith.addi %select_n3A_9, %add3A_35 : i32
    %mul3A_37 = arith.constant 4096 : i32
    %mul3A_38 = arith.muli %add3A_36, %mul3A_37 : i32
    %add3A_39 = vector.broadcast %mul3A_38 : i32 to vector<16xi32>
    %add3A_40 = arith.addi %get3A_34, %add3A_39 : vector<16xi32>
    %swap3A = arith.constant 0 : i32
    %swap3A_41 = arith.index_cast %swap3A : i32 to index
    %swap3A_42 = arith.constant 0 : index
    %swap3A_43 = tpu.vector_load %arg6[%swap3A_41, %swap3A_42] {strides = array<i32>} : memref<2x128xi32, #tpu.memory_space<vmem>>, vector<16xi32>,
    tpu.vector_store %arg6[%swap3A_41, %swap3A_42], %add3A_40 {strides = array<i32>} : memref<2x128xi32, #tpu.memory_space<vmem>>, vector<16xi32>,
    %get3A_44 = arith.constant 16 : index
    %get3A_45 = tpu.vector_load %arg5[%get3A_44] {strides = array<i32>} : memref<256xi32, #tpu.memory_space<vmem>>, vector<16xi32>,
    %add3A_46 = arith.constant 0 : i32
    %add3A_47 = arith.addi %select_n3A_9, %add3A_46 : i32
    %mul3A_48 = arith.constant 4096 : i32
    %mul3A_49 = arith.muli %add3A_47, %mul3A_48 : i32
    %add3A_50 = vector.broadcast %mul3A_49 : i32 to vector<16xi32>
    %add3A_51 = arith.addi %get3A_45, %add3A_50 : vector<16xi32>
    %swap3A_52 = arith.constant 0 : i32
    %swap3A_53 = arith.index_cast %swap3A_52 : i32 to index
    %swap3A_54 = arith.constant 16 : index
    %swap3A_55 = tpu.vector_load %arg6[%swap3A_53, %swap3A_54] {strides = array<i32>} : memref<2x128xi32, #tpu.memory_space<vmem>>, vector<16xi32>,
    tpu.vector_store %arg6[%swap3A_53, %swap3A_54], %add3A_51 {strides = array<i32>} : memref<2x128xi32, #tpu.memory_space<vmem>>, vector<16xi32>,
    %get3A_56 = arith.constant 32 : index
    %get3A_57 = tpu.vector_load %arg5[%get3A_56] {strides = array<i32>} : memref<256xi32, #tpu.memory_space<vmem>>, vector<16xi32>,
    %add3A_58 = arith.constant 0 : i32
    %add3A_59 = arith.addi %select_n3A_9, %add3A_58 : i32
    %mul3A_60 = arith.constant 4096 : i32
    %mul3A_61 = arith.muli %add3A_59, %mul3A_60 : i32
    %add3A_62 = vector.broadcast %mul3A_61 : i32 to vector<16xi32>
    %add3A_63 = arith.addi %get3A_57, %add3A_62 : vector<16xi32>
    %swap3A_64 = arith.constant 0 : i32
    %swap3A_65 = arith.index_cast %swap3A_64 : i32 to index
    %swap3A_66 = arith.constant 32 : index
    %swap3A_67 = tpu.vector_load %arg6[%swap3A_65, %swap3A_66] {strides = array<i32>} : memref<2x128xi32, #tpu.memory_space<vmem>>, vector<16xi32>,
    tpu.vector_store %arg6[%swap3A_65, %swap3A_66], %add3A_63 {strides = array<i32>} : memref<2x128xi32, #tpu.memory_space<vmem>>, vector<16xi32>,
    %get3A_68 = arith.constant 48 : index
    %get3A_69 = tpu.vector_load %arg5[%get3A_68] {strides = array<i32>} : memref<256xi32, #tpu.memory_space<vmem>>, vector<16xi32>,
    %add3A_70 = arith.constant 0 : i32
    %add3A_71 = arith.addi %select_n3A_9, %add3A_70 : i32
    %mul3A_72 = arith.constant 4096 : i32
    %mul3A_73 = arith.muli %add3A_71, %mul3A_72 : i32
    %add3A_74 = vector.broadcast %mul3A_73 : i32 to vector<16xi32>
    %add3A_75 = arith.addi %get3A_69, %add3A_74 : vector<16xi32>
    %swap3A_76 = arith.constant 0 : i32
    %swap3A_77 = arith.index_cast %swap3A_76 : i32 to index
    %swap3A_78 = arith.constant 48 : index
    %swap3A_79 = tpu.vector_load %arg6[%swap3A_77, %swap3A_78] {strides = array<i32>} : memref<2x128xi32, #tpu.memory_space<vmem>>, vector<16xi32>,
    tpu.vector_store %arg6[%swap3A_77, %swap3A_78], %add3A_75 {strides = array<i32>} : memref<2x128xi32, #tpu.memory_space<vmem>>, vector<16xi32>,
    %get3A_80 = arith.constant 64 : index
    %get3A_81 = tpu.vector_load %arg5[%get3A_80] {strides = array<i32>} : memref<256xi32, #tpu.memory_space<vmem>>, vector<16xi32>,
    %add3A_82 = arith.constant 0 : i32
    %add3A_83 = arith.addi %select_n3A_9, %add3A_82 : i32
    %mul3A_84 = arith.constant 4096 : i32
    %mul3A_85 = arith.muli %add3A_83, %mul3A_84 : i32
    %add3A_86 = vector.broadcast %mul3A_85 : i32 to vector<16xi32>
    %add3A_87 = arith.addi %get3A_81, %add3A_86 : vector<16xi32>
    %swap3A_88 = arith.constant 0 : i32
    %swap3A_89 = arith.index_cast %swap3A_88 : i32 to index
    %swap3A_90 = arith.constant 64 : index
    %swap3A_91 = tpu.vector_load %arg6[%swap3A_89, %swap3A_90] {strides = array<i32>} : memref<2x128xi32, #tpu.memory_space<vmem>>, vector<16xi32>,
    tpu.vector_store %arg6[%swap3A_89, %swap3A_90], %add3A_87 {strides = array<i32>} : memref<2x128xi32, #tpu.memory_space<vmem>>, vector<16xi32>,
    %get3A_92 = arith.constant 80 : index
    %get3A_93 = tpu.vector_load %arg5[%get3A_92] {strides = array<i32>} : memref<256xi32, #tpu.memory_space<vmem>>, vector<16xi32>,
    %add3A_94 = arith.constant 0 : i32
    %add3A_95 = arith.addi %select_n3A_9, %add3A_94 : i32
    %mul3A_96 = arith.constant 4096 : i32
    %mul3A_97 = arith.muli %add3A_95, %mul3A_96 : i32
    %add3A_98 = vector.broadcast %mul3A_97 : i32 to vector<16xi32>
    %add3A_99 = arith.addi %get3A_93, %add3A_98 : vector<16xi32>
    %swap3A_100 = arith.constant 0 : i32
    %swap3A_101 = arith.index_cast %swap3A_100 : i32 to index
    %swap3A_102 = arith.constant 80 : index
    %swap3A_103 = tpu.vector_load %arg6[%swap3A_101, %swap3A_102] {strides = array<i32>} : memref<2x128xi32, #tpu.memory_space<vmem>>, vector<16xi32>,
    tpu.vector_store %arg6[%swap3A_101, %swap3A_102], %add3A_99 {strides = array<i32>} : memref<2x128xi32, #tpu.memory_space<vmem>>, vector<16xi32>,
    %get3A_104 = arith.constant 96 : index
    %get3A_105 = tpu.vector_load %arg5[%get3A_104] {strides = array<i32>} : memref<256xi32, #tpu.memory_space<vmem>>, vector<16xi32>,
    %add3A_106 = arith.constant 0 : i32
    %add3A_107 = arith.addi %select_n3A_9, %add3A_106 : i32
    %mul3A_108 = arith.constant 4096 : i32
    %mul3A_109 = arith.muli %add3A_107, %mul3A_108 : i32
    %add3A_110 = vector.broadcast %mul3A_109 : i32 to vector<16xi32>
    %add3A_111 = arith.addi %get3A_105, %add3A_110 : vector<16xi32>
    %swap3A_112 = arith.constant 0 : i32
    %swap3A_113 = arith.index_cast %swap3A_112 : i32 to index
    %swap3A_114 = arith.constant 96 : index
    %swap3A_115 = tpu.vector_load %arg6[%swap3A_113, %swap3A_114] {strides = array<i32>} : memref<2x128xi32, #tpu.memory_space<vmem>>, vector<16xi32>,
    tpu.vector_store %arg6[%swap3A_113, %swap3A_114], %add3A_111 {strides = array<i32>} : memref<2x128xi32, #tpu.memory_space<vmem>>, vector<16xi32>,
    %get3A_116 = arith.constant 112 : index
    %get3A_117 = tpu.vector_load %arg5[%get3A_116] {strides = array<i32>} : memref<256xi32, #tpu.memory_space<vmem>>, vector<16xi32>,
    %add3A_118 = arith.constant 0 : i32
    %add3A_119 = arith.addi %select_n3A_9, %add3A_118 : i32
    %mul3A_120 = arith.constant 4096 : i32
    %mul3A_121 = arith.muli %add3A_119, %mul3A_120 : i32
    %add3A_122 = vector.broadcast %mul3A_121 : i32 to vector<16xi32>
    %add3A_123 = arith.addi %get3A_117, %add3A_122 : vector<16xi32>
    %swap3A_124 = arith.constant 0 : i32
    %swap3A_125 = arith.index_cast %swap3A_124 : i32 to index
    %swap3A_126 = arith.constant 112 : index
    %swap3A_127 = tpu.vector_load %arg6[%swap3A_125, %swap3A_126] {strides = array<i32>} : memref<2x128xi32, #tpu.memory_space<vmem>>, vector<16xi32>,
    tpu.vector_store %arg6[%swap3A_125, %swap3A_126], %add3A_123 {strides = array<i32>} : memref<2x128xi32, #tpu.memory_space<vmem>>, vector<16xi32>,
    %get3A_128 = arith.constant 128 : index
    %get3A_129 = tpu.vector_load %arg5[%get3A_128] {strides = array<i32>} : memref<256xi32, #tpu.memory_space<vmem>>, vector<16xi32>,
    %add3A_130 = arith.constant 0 : i32
    %add3A_131 = arith.addi %select_n3A_9, %add3A_130 : i32
    %mul3A_132 = arith.constant 4096 : i32
    %mul3A_133 = arith.muli %add3A_131, %mul3A_132 : i32
    %add3A_134 = vector.broadcast %mul3A_133 : i32 to vector<16xi32>
    %add3A_135 = arith.addi %get3A_129, %add3A_134 : vector<16xi32>
    %swap3A_136 = arith.constant 1 : i32
    %swap3A_137 = arith.index_cast %swap3A_136 : i32 to index
    %swap3A_138 = arith.constant 0 : index
    %swap3A_139 = tpu.vector_load %arg6[%swap3A_137, %swap3A_138] {strides = array<i32>} : memref<2x128xi32, #tpu.memory_space<vmem>>, vector<16xi32>,
    tpu.vector_store %arg6[%swap3A_137, %swap3A_138], %add3A_135 {strides = array<i32>} : memref<2x128xi32, #tpu.memory_space<vmem>>, vector<16xi32>,
    %get3A_140 = arith.constant 144 : index
    %get3A_141 = tpu.vector_load %arg5[%get3A_140] {strides = array<i32>} : memref<256xi32, #tpu.memory_space<vmem>>, vector<16xi32>,
    %add3A_142 = arith.constant 0 : i32
    %add3A_143 = arith.addi %select_n3A_9, %add3A_142 : i32
    %mul3A_144 = arith.constant 4096 : i32
    %mul3A_145 = arith.muli %add3A_143, %mul3A_144 : i32
    %add3A_146 = vector.broadcast %mul3A_145 : i32 to vector<16xi32>
    %add3A_147 = arith.addi %get3A_141, %add3A_146 : vector<16xi32>
    %swap3A_148 = arith.constant 1 : i32
    %swap3A_149 = arith.index_cast %swap3A_148 : i32 to index
    %swap3A_150 = arith.constant 16 : index
    %swap3A_151 = tpu.vector_load %arg6[%swap3A_149, %swap3A_150] {strides = array<i32>} : memref<2x128xi32, #tpu.memory_space<vmem>>, vector<16xi32>,
    tpu.vector_store %arg6[%swap3A_149, %swap3A_150], %add3A_147 {strides = array<i32>} : memref<2x128xi32, #tpu.memory_space<vmem>>, vector<16xi32>,
    %get3A_152 = arith.constant 160 : index
    %get3A_153 = tpu.vector_load %arg5[%get3A_152] {strides = array<i32>} : memref<256xi32, #tpu.memory_space<vmem>>, vector<16xi32>,
    %add3A_154 = arith.constant 0 : i32
    %add3A_155 = arith.addi %select_n3A_9, %add3A_154 : i32
    %mul3A_156 = arith.constant 4096 : i32
    %mul3A_157 = arith.muli %add3A_155, %mul3A_156 : i32
    %add3A_158 = vector.broadcast %mul3A_157 : i32 to vector<16xi32>
    %add3A_159 = arith.addi %get3A_153, %add3A_158 : vector<16xi32>
    %swap3A_160 = arith.constant 1 : i32
    %swap3A_161 = arith.index_cast %swap3A_160 : i32 to index
    %swap3A_162 = arith.constant 32 : index
    %swap3A_163 = tpu.vector_load %arg6[%swap3A_161, %swap3A_162] {strides = array<i32>} : memref<2x128xi32, #tpu.memory_space<vmem>>, vector<16xi32>,
    tpu.vector_store %arg6[%swap3A_161, %swap3A_162], %add3A_159 {strides = array<i32>} : memref<2x128xi32, #tpu.memory_space<vmem>>, vector<16xi32>,
    %get3A_164 = arith.constant 176 : index
    %get3A_165 = tpu.vector_load %arg5[%get3A_164] {strides = array<i32>} : memref<256xi32, #tpu.memory_space<vmem>>, vector<16xi32>,
    %add3A_166 = arith.constant 0 : i32
    %add3A_167 = arith.addi %select_n3A_9, %add3A_166 : i32
    %mul3A_168 = arith.constant 4096 : i32
    %mul3A_169 = arith.muli %add3A_167, %mul3A_168 : i32
    %add3A_170 = vector.broadcast %mul3A_169 : i32 to vector<16xi32>
    %add3A_171 = arith.addi %get3A_165, %add3A_170 : vector<16xi32>
    %swap3A_172 = arith.constant 1 : i32
    %swap3A_173 = arith.index_cast %swap3A_172 : i32 to index
    %swap3A_174 = arith.constant 48 : index
    %swap3A_175 = tpu.vector_load %arg6[%swap3A_173, %swap3A_174] {strides = array<i32>} : memref<2x128xi32, #tpu.memory_space<vmem>>, vector<16xi32>,
    tpu.vector_store %arg6[%swap3A_173, %swap3A_174], %add3A_171 {strides = array<i32>} : memref<2x128xi32, #tpu.memory_space<vmem>>, vector<16xi32>,
    %get3A_176 = arith.constant 192 : index
    %get3A_177 = tpu.vector_load %arg5[%get3A_176] {strides = array<i32>} : memref<256xi32, #tpu.memory_space<vmem>>, vector<16xi32>,
    %add3A_178 = arith.constant 0 : i32
    %add3A_179 = arith.addi %select_n3A_9, %add3A_178 : i32
    %mul3A_180 = arith.constant 4096 : i32
    %mul3A_181 = arith.muli %add3A_179, %mul3A_180 : i32
    %add3A_182 = vector.broadcast %mul3A_181 : i32 to vector<16xi32>
    %add3A_183 = arith.addi %get3A_177, %add3A_182 : vector<16xi32>
    %swap3A_184 = arith.constant 1 : i32
    %swap3A_185 = arith.index_cast %swap3A_184 : i32 to index
    %swap3A_186 = arith.constant 64 : index
    %swap3A_187 = tpu.vector_load %arg6[%swap3A_185, %swap3A_186] {strides = array<i32>} : memref<2x128xi32, #tpu.memory_space<vmem>>, vector<16xi32>,
    tpu.vector_store %arg6[%swap3A_185, %swap3A_186], %add3A_183 {strides = array<i32>} : memref<2x128xi32, #tpu.memory_space<vmem>>, vector<16xi32>,
    %get3A_188 = arith.constant 208 : index
    %get3A_189 = tpu.vector_load %arg5[%get3A_188] {strides = array<i32>} : memref<256xi32, #tpu.memory_space<vmem>>, vector<16xi32>,
    %add3A_190 = arith.constant 0 : i32
    %add3A_191 = arith.addi %select_n3A_9, %add3A_190 : i32
    %mul3A_192 = arith.constant 4096 : i32
    %mul3A_193 = arith.muli %add3A_191, %mul3A_192 : i32
    %add3A_194 = vector.broadcast %mul3A_193 : i32 to vector<16xi32>
    %add3A_195 = arith.addi %get3A_189, %add3A_194 : vector<16xi32>
    %swap3A_196 = arith.constant 1 : i32
    %swap3A_197 = arith.index_cast %swap3A_196 : i32 to index
    %swap3A_198 = arith.constant 80 : index
    %swap3A_199 = tpu.vector_load %arg6[%swap3A_197, %swap3A_198] {strides = array<i32>} : memref<2x128xi32, #tpu.memory_space<vmem>>, vector<16xi32>,
    tpu.vector_store %arg6[%swap3A_197, %swap3A_198], %add3A_195 {strides = array<i32>} : memref<2x128xi32, #tpu.memory_space<vmem>>, vector<16xi32>,
    %get3A_200 = arith.constant 224 : index
    %get3A_201 = tpu.vector_load %arg5[%get3A_200] {strides = array<i32>} : memref<256xi32, #tpu.memory_space<vmem>>, vector<16xi32>,
    %add3A_202 = arith.constant 0 : i32
    %add3A_203 = arith.addi %select_n3A_9, %add3A_202 : i32
    %mul3A_204 = arith.constant 4096 : i32
    %mul3A_205 = arith.muli %add3A_203, %mul3A_204 : i32
    %add3A_206 = vector.broadcast %mul3A_205 : i32 to vector<16xi32>
    %add3A_207 = arith.addi %get3A_201, %add3A_206 : vector<16xi32>
    %swap3A_208 = arith.constant 1 : i32
    %swap3A_209 = arith.index_cast %swap3A_208 : i32 to index
    %swap3A_210 = arith.constant 96 : index
    %swap3A_211 = tpu.vector_load %arg6[%swap3A_209, %swap3A_210] {strides = array<i32>} : memref<2x128xi32, #tpu.memory_space<vmem>>, vector<16xi32>,
    tpu.vector_store %arg6[%swap3A_209, %swap3A_210], %add3A_207 {strides = array<i32>} : memref<2x128xi32, #tpu.memory_space<vmem>>, vector<16xi32>,
    %get3A_212 = arith.constant 240 : index
    %get3A_213 = tpu.vector_load %arg5[%get3A_212] {strides = array<i32>} : memref<256xi32, #tpu.memory_space<vmem>>, vector<16xi32>,
    %add3A_214 = arith.constant 0 : i32
    %add3A_215 = arith.addi %select_n3A_9, %add3A_214 : i32
    %mul3A_216 = arith.constant 4096 : i32
    %mul3A_217 = arith.muli %add3A_215, %mul3A_216 : i32
    %add3A_218 = vector.broadcast %mul3A_217 : i32 to vector<16xi32>
    %add3A_219 = arith.addi %get3A_213, %add3A_218 : vector<16xi32>
    %swap3A_220 = arith.constant 1 : i32
    %swap3A_221 = arith.index_cast %swap3A_220 : i32 to index
    %swap3A_222 = arith.constant 112 : index
    %swap3A_223 = tpu.vector_load %arg6[%swap3A_221, %swap3A_222] {strides = array<i32>} : memref<2x128xi32, #tpu.memory_space<vmem>>, vector<16xi32>,
    tpu.vector_store %arg6[%swap3A_221, %swap3A_222], %add3A_219 {strides = array<i32>} : memref<2x128xi32, #tpu.memory_space<vmem>>, vector<16xi32>,
    %dma_start3A = arith.constant 0 : i32
    %dma_start3A_224 = arith.constant 0 : i32
    %dma_start3A_225 = arith.constant 0 : i32
    %dma_start3A_226 = tpu.memref_slice %arg7[%dma_start3A_224, %dma_start3A_225] : memref<256x16xf32, #tpu.memory_space<vmem>> -> memref<128x16xf32, #tpu.memory_space<vmem>>
    %dma_start3A_227 = arith.constant 0 : i32
    %dma_start3A_228 = tpu.memref_slice %arg6[%dma_start3A, %dma_start3A_227] : memref<2x128xi32, #tpu.memory_space<vmem>> -> memref<1x128xi32, #tpu.memory_space<vmem>>
    %dma_start3A_229 = tpu.memref_squeeze %dma_start3A_228 : memref<1x128xi32, #tpu.memory_space<vmem>> -> memref<128xi32, #tpu.memory_space<vmem>>
    %dma_start3A_230 = arith.constant 0 : i32
    %dma_start3A_231 = arith.constant 0 : i32
    %dma_start3A_232 = tpu.memref_slice %arg2[%dma_start3A_230, %dma_start3A_231] : memref<32768x16xf32, #tpu.memory_space<hbm>> -> memref<32768x16xf32, #tpu.memory_space<hbm>>
    tpu.enqueue_indirect_dma source(%dma_start3A_232 : memref<32768x16xf32, #tpu.memory_space<hbm>>) target(%dma_start3A_226 : memref<128x16xf32, #tpu.memory_space<vmem>>) offsets(%dma_start3A_229 : memref<128xi32, #tpu.memory_space<vmem>>) semaphore(%arg9 : memref<!tpu.dma_semaphore, #tpu.memory_space<semaphore_mem>>)
    %dma_start3A_233 = arith.constant 1 : i32
    %dma_start3A_234 = arith.constant 128 : i32
    %dma_start3A_235 = arith.constant 0 : i32
    %dma_start3A_236 = tpu.memref_slice %arg7[%dma_start3A_234, %dma_start3A_235] : memref<256x16xf32, #tpu.memory_space<vmem>> -> memref<128x16xf32, #tpu.memory_space<vmem>>
    %dma_start3A_237 = arith.constant 0 : i32
    %dma_start3A_238 = tpu.memref_slice %arg6[%dma_start3A_233, %dma_start3A_237] : memref<2x128xi32, #tpu.memory_space<vmem>> -> memref<1x128xi32, #tpu.memory_space<vmem>>
    %dma_start3A_239 = tpu.memref_squeeze %dma_start3A_238 : memref<1x128xi32, #tpu.memory_space<vmem>> -> memref<128xi32, #tpu.memory_space<vmem>>
    %dma_start3A_240 = arith.constant 0 : i32
    %dma_start3A_241 = arith.constant 0 : i32
    %dma_start3A_242 = tpu.memref_slice %arg2[%dma_start3A_240, %dma_start3A_241] : memref<32768x16xf32, #tpu.memory_space<hbm>> -> memref<32768x16xf32, #tpu.memory_space<hbm>>
    tpu.enqueue_indirect_dma source(%dma_start3A_242 : memref<32768x16xf32, #tpu.memory_space<hbm>>) target(%dma_start3A_236 : memref<128x16xf32, #tpu.memory_space<vmem>>) offsets(%dma_start3A_239 : memref<128xi32, #tpu.memory_space<vmem>>) semaphore(%arg9 : memref<!tpu.dma_semaphore, #tpu.memory_space<semaphore_mem>>)
    %swap3A_243 = arith.constant 6 : i32
    %swap3A_244 = arith.index_cast %swap3A_243 : i32 to index
    %swap3A_245 = arith.constant 0 : index
    %swap3A_246 = tpu.vector_load %arg8[%swap3A_244, %swap3A_245] {strides = array<i32>} : memref<8x256xf32, #tpu.memory_space<vmem>>, vector<16xf32>,
    tpu.vector_store %arg8[%swap3A_244, %swap3A_245], %broadcast_in_dim3A_33 {strides = array<i32>} : memref<8x256xf32, #tpu.memory_space<vmem>>, vector<16xf32>,
    %swap3A_247 = arith.constant 6 : i32
    %swap3A_248 = arith.index_cast %swap3A_247 : i32 to index
    %swap3A_249 = arith.constant 16 : index
    %swap3A_250 = tpu.vector_load %arg8[%swap3A_248, %swap3A_249] {strides = array<i32>} : memref<8x256xf32, #tpu.memory_space<vmem>>, vector<16xf32>,
    tpu.vector_store %arg8[%swap3A_248, %swap3A_249], %broadcast_in_dim3A_33 {strides = array<i32>} : memref<8x256xf32, #tpu.memory_space<vmem>>, vector<16xf32>,
    %swap3A_251 = arith.constant 6 : i32
    %swap3A_252 = arith.index_cast %swap3A_251 : i32 to index
    %swap3A_253 = arith.constant 32 : index
    %swap3A_254 = tpu.vector_load %arg8[%swap3A_252, %swap3A_253] {strides = array<i32>} : memref<8x256xf32, #tpu.memory_space<vmem>>, vector<16xf32>,
    tpu.vector_store %arg8[%swap3A_252, %swap3A_253], %broadcast_in_dim3A_33 {strides = array<i32>} : memref<8x256xf32, #tpu.memory_space<vmem>>, vector<16xf32>,
    %swap3A_255 = arith.constant 6 : i32
    %swap3A_256 = arith.index_cast %swap3A_255 : i32 to index
    %swap3A_257 = arith.constant 48 : index
    %swap3A_258 = tpu.vector_load %arg8[%swap3A_256, %swap3A_257] {strides = array<i32>} : memref<8x256xf32, #tpu.memory_space<vmem>>, vector<16xf32>,
    tpu.vector_store %arg8[%swap3A_256, %swap3A_257], %broadcast_in_dim3A_33 {strides = array<i32>} : memref<8x256xf32, #tpu.memory_space<vmem>>, vector<16xf32>,
    %swap3A_259 = arith.constant 6 : i32
    %swap3A_260 = arith.index_cast %swap3A_259 : i32 to index
    %swap3A_261 = arith.constant 64 : index
    %swap3A_262 = tpu.vector_load %arg8[%swap3A_260, %swap3A_261] {strides = array<i32>} : memref<8x256xf32, #tpu.memory_space<vmem>>, vector<16xf32>,
    tpu.vector_store %arg8[%swap3A_260, %swap3A_261], %broadcast_in_dim3A_33 {strides = array<i32>} : memref<8x256xf32, #tpu.memory_space<vmem>>, vector<16xf32>,
    %swap3A_263 = arith.constant 6 : i32
    %swap3A_264 = arith.index_cast %swap3A_263 : i32 to index
    %swap3A_265 = arith.constant 80 : index
    %swap3A_266 = tpu.vector_load %arg8[%swap3A_264, %swap3A_265] {strides = array<i32>} : memref<8x256xf32, #tpu.memory_space<vmem>>, vector<16xf32>,
    tpu.vector_store %arg8[%swap3A_264, %swap3A_265], %broadcast_in_dim3A_33 {strides = array<i32>} : memref<8x256xf32, #tpu.memory_space<vmem>>, vector<16xf32>,
    %swap3A_267 = arith.constant 6 : i32
    %swap3A_268 = arith.index_cast %swap3A_267 : i32 to index
    %swap3A_269 = arith.constant 96 : index
    %swap3A_270 = tpu.vector_load %arg8[%swap3A_268, %swap3A_269] {strides = array<i32>} : memref<8x256xf32, #tpu.memory_space<vmem>>, vector<16xf32>,
    tpu.vector_store %arg8[%swap3A_268, %swap3A_269], %broadcast_in_dim3A_33 {strides = array<i32>} : memref<8x256xf32, #tpu.memory_space<vmem>>, vector<16xf32>,
    %swap3A_271 = arith.constant 6 : i32
    %swap3A_272 = arith.index_cast %swap3A_271 : i32 to index
    %swap3A_273 = arith.constant 112 : index
    %swap3A_274 = tpu.vector_load %arg8[%swap3A_272, %swap3A_273] {strides = array<i32>} : memref<8x256xf32, #tpu.memory_space<vmem>>, vector<16xf32>,
    tpu.vector_store %arg8[%swap3A_272, %swap3A_273], %broadcast_in_dim3A_33 {strides = array<i32>} : memref<8x256xf32, #tpu.memory_space<vmem>>, vector<16xf32>,
    %swap3A_275 = arith.constant 6 : i32
    %swap3A_276 = arith.index_cast %swap3A_275 : i32 to index
    %swap3A_277 = arith.constant 128 : index
    %swap3A_278 = tpu.vector_load %arg8[%swap3A_276, %swap3A_277] {strides = array<i32>} : memref<8x256xf32, #tpu.memory_space<vmem>>, vector<16xf32>,
    tpu.vector_store %arg8[%swap3A_276, %swap3A_277], %broadcast_in_dim3A_33 {strides = array<i32>} : memref<8x256xf32, #tpu.memory_space<vmem>>, vector<16xf32>,
    %swap3A_279 = arith.constant 6 : i32
    %swap3A_280 = arith.index_cast %swap3A_279 : i32 to index
    %swap3A_281 = arith.constant 144 : index
    %swap3A_282 = tpu.vector_load %arg8[%swap3A_280, %swap3A_281] {strides = array<i32>} : memref<8x256xf32, #tpu.memory_space<vmem>>, vector<16xf32>,
    tpu.vector_store %arg8[%swap3A_280, %swap3A_281], %broadcast_in_dim3A_33 {strides = array<i32>} : memref<8x256xf32, #tpu.memory_space<vmem>>, vector<16xf32>,
    %swap3A_283 = arith.constant 6 : i32
    %swap3A_284 = arith.index_cast %swap3A_283 : i32 to index
    %swap3A_285 = arith.constant 160 : index
    %swap3A_286 = tpu.vector_load %arg8[%swap3A_284, %swap3A_285] {strides = array<i32>} : memref<8x256xf32, #tpu.memory_space<vmem>>, vector<16xf32>,
    tpu.vector_store %arg8[%swap3A_284, %swap3A_285], %broadcast_in_dim3A_33 {strides = array<i32>} : memref<8x256xf32, #tpu.memory_space<vmem>>, vector<16xf32>,
    %swap3A_287 = arith.constant 6 : i32
    %swap3A_288 = arith.index_cast %swap3A_287 : i32 to index
    %swap3A_289 = arith.constant 176 : index
    %swap3A_290 = tpu.vector_load %arg8[%swap3A_288, %swap3A_289] {strides = array<i32>} : memref<8x256xf32, #tpu.memory_space<vmem>>, vector<16xf32>,
    tpu.vector_store %arg8[%swap3A_288, %swap3A_289], %broadcast_in_dim3A_33 {strides = array<i32>} : memref<8x256xf32, #tpu.memory_space<vmem>>, vector<16xf32>,
    %swap3A_291 = arith.constant 6 : i32
    %swap3A_292 = arith.index_cast %swap3A_291 : i32 to index
    %swap3A_293 = arith.constant 192 : index
    %swap3A_294 = tpu.vector_load %arg8[%swap3A_292, %swap3A_293] {strides = array<i32>} : memref<8x256xf32, #tpu.memory_space<vmem>>, vector<16xf32>,
    tpu.vector_store %arg8[%swap3A_292, %swap3A_293], %broadcast_in_dim3A_33 {strides = array<i32>} : memref<8x256xf32, #tpu.memory_space<vmem>>, vector<16xf32>,
    %swap3A_295 = arith.constant 6 : i32
    %swap3A_296 = arith.index_cast %swap3A_295 : i32 to index
    %swap3A_297 = arith.constant 208 : index
    %swap3A_298 = tpu.vector_load %arg8[%swap3A_296, %swap3A_297] {strides = array<i32>} : memref<8x256xf32, #tpu.memory_space<vmem>>, vector<16xf32>,
    tpu.vector_store %arg8[%swap3A_296, %swap3A_297], %broadcast_in_dim3A_33 {strides = array<i32>} : memref<8x256xf32, #tpu.memory_space<vmem>>, vector<16xf32>,
    %swap3A_299 = arith.constant 6 : i32
    %swap3A_300 = arith.index_cast %swap3A_299 : i32 to index
    %swap3A_301 = arith.constant 224 : index
    %swap3A_302 = tpu.vector_load %arg8[%swap3A_300, %swap3A_301] {strides = array<i32>} : memref<8x256xf32, #tpu.memory_space<vmem>>, vector<16xf32>,
    tpu.vector_store %arg8[%swap3A_300, %swap3A_301], %broadcast_in_dim3A_33 {strides = array<i32>} : memref<8x256xf32, #tpu.memory_space<vmem>>, vector<16xf32>,
    %swap3A_303 = arith.constant 6 : i32
    %swap3A_304 = arith.index_cast %swap3A_303 : i32 to index
    %swap3A_305 = arith.constant 240 : index
    %swap3A_306 = tpu.vector_load %arg8[%swap3A_304, %swap3A_305] {strides = array<i32>} : memref<8x256xf32, #tpu.memory_space<vmem>>, vector<16xf32>,
    tpu.vector_store %arg8[%swap3A_304, %swap3A_305], %broadcast_in_dim3A_33 {strides = array<i32>} : memref<8x256xf32, #tpu.memory_space<vmem>>, vector<16xf32>,
    %swap3A_307 = arith.constant 7 : i32
    %swap3A_308 = arith.index_cast %swap3A_307 : i32 to index
    %swap3A_309 = arith.constant 0 : index
    %swap3A_310 = tpu.vector_load %arg8[%swap3A_308, %swap3A_309] {strides = array<i32>} : memref<8x256xf32, #tpu.memory_space<vmem>>, vector<16xf32>,
    tpu.vector_store %arg8[%swap3A_308, %swap3A_309], %broadcast_in_dim3A_33 {strides = array<i32>} : memref<8x256xf32, #tpu.memory_space<vmem>>, vector<16xf32>,
    %swap3A_311 = arith.constant 7 : i32
    %swap3A_312 = arith.index_cast %swap3A_311 : i32 to index
    %swap3A_313 = arith.constant 16 : index
    %swap3A_314 = tpu.vector_load %arg8[%swap3A_312, %swap3A_313] {strides = array<i32>} : memref<8x256xf32, #tpu.memory_space<vmem>>, vector<16xf32>,
    tpu.vector_store %arg8[%swap3A_312, %swap3A_313], %broadcast_in_dim3A_33 {strides = array<i32>} : memref<8x256xf32, #tpu.memory_space<vmem>>, vector<16xf32>,
    %swap3A_315 = arith.constant 7 : i32
    %swap3A_316 = arith.index_cast %swap3A_315 : i32 to index
    %swap3A_317 = arith.constant 32 : index
    %swap3A_318 = tpu.vector_load %arg8[%swap3A_316, %swap3A_317] {strides = array<i32>} : memref<8x256xf32, #tpu.memory_space<vmem>>, vector<16xf32>,
    tpu.vector_store %arg8[%swap3A_316, %swap3A_317], %broadcast_in_dim3A_33 {strides = array<i32>} : memref<8x256xf32, #tpu.memory_space<vmem>>, vector<16xf32>,
    %swap3A_319 = arith.constant 7 : i32
    %swap3A_320 = arith.index_cast %swap3A_319 : i32 to index
    %swap3A_321 = arith.constant 48 : index
    %swap3A_322 = tpu.vector_load %arg8[%swap3A_320, %swap3A_321] {strides = array<i32>} : memref<8x256xf32, #tpu.memory_space<vmem>>, vector<16xf32>,
    tpu.vector_store %arg8[%swap3A_320, %swap3A_321], %broadcast_in_dim3A_33 {strides = array<i32>} : memref<8x256xf32, #tpu.memory_space<vmem>>, vector<16xf32>,
    %swap3A_323 = arith.constant 7 : i32
    %swap3A_324 = arith.index_cast %swap3A_323 : i32 to index
    %swap3A_325 = arith.constant 64 : index
    %swap3A_326 = tpu.vector_load %arg8[%swap3A_324, %swap3A_325] {strides = array<i32>} : memref<8x256xf32, #tpu.memory_space<vmem>>, vector<16xf32>,
    tpu.vector_store %arg8[%swap3A_324, %swap3A_325], %broadcast_in_dim3A_33 {strides = array<i32>} : memref<8x256xf32, #tpu.memory_space<vmem>>, vector<16xf32>,
    %swap3A_327 = arith.constant 7 : i32
    %swap3A_328 = arith.index_cast %swap3A_327 : i32 to index
    %swap3A_329 = arith.constant 80 : index
    %swap3A_330 = tpu.vector_load %arg8[%swap3A_328, %swap3A_329] {strides = array<i32>} : memref<8x256xf32, #tpu.memory_space<vmem>>, vector<16xf32>,
    tpu.vector_store %arg8[%swap3A_328, %swap3A_329], %broadcast_in_dim3A_33 {strides = array<i32>} : memref<8x256xf32, #tpu.memory_space<vmem>>, vector<16xf32>,
    %swap3A_331 = arith.constant 7 : i32
    %swap3A_332 = arith.index_cast %swap3A_331 : i32 to index
    %swap3A_333 = arith.constant 96 : index
    %swap3A_334 = tpu.vector_load %arg8[%swap3A_332, %swap3A_333] {strides = array<i32>} : memref<8x256xf32, #tpu.memory_space<vmem>>, vector<16xf32>,
    tpu.vector_store %arg8[%swap3A_332, %swap3A_333], %broadcast_in_dim3A_33 {strides = array<i32>} : memref<8x256xf32, #tpu.memory_space<vmem>>, vector<16xf32>,
    %swap3A_335 = arith.constant 7 : i32
    %swap3A_336 = arith.index_cast %swap3A_335 : i32 to index
    %swap3A_337 = arith.constant 112 : index
    %swap3A_338 = tpu.vector_load %arg8[%swap3A_336, %swap3A_337] {strides = array<i32>} : memref<8x256xf32, #tpu.memory_space<vmem>>, vector<16xf32>,
    tpu.vector_store %arg8[%swap3A_336, %swap3A_337], %broadcast_in_dim3A_33 {strides = array<i32>} : memref<8x256xf32, #tpu.memory_space<vmem>>, vector<16xf32>,
    %swap3A_339 = arith.constant 7 : i32
    %swap3A_340 = arith.index_cast %swap3A_339 : i32 to index
    %swap3A_341 = arith.constant 128 : index
    %swap3A_342 = tpu.vector_load %arg8[%swap3A_340, %swap3A_341] {strides = array<i32>} : memref<8x256xf32, #tpu.memory_space<vmem>>, vector<16xf32>,
    tpu.vector_store %arg8[%swap3A_340, %swap3A_341], %broadcast_in_dim3A_33 {strides = array<i32>} : memref<8x256xf32, #tpu.memory_space<vmem>>, vector<16xf32>,
    %swap3A_343 = arith.constant 7 : i32
    %swap3A_344 = arith.index_cast %swap3A_343 : i32 to index
    %swap3A_345 = arith.constant 144 : index
    %swap3A_346 = tpu.vector_load %arg8[%swap3A_344, %swap3A_345] {strides = array<i32>} : memref<8x256xf32, #tpu.memory_space<vmem>>, vector<16xf32>,
    tpu.vector_store %arg8[%swap3A_344, %swap3A_345], %broadcast_in_dim3A_33 {strides = array<i32>} : memref<8x256xf32, #tpu.memory_space<vmem>>, vector<16xf32>,
    %swap3A_347 = arith.constant 7 : i32
    %swap3A_348 = arith.index_cast %swap3A_347 : i32 to index
    %swap3A_349 = arith.constant 160 : index
    %swap3A_350 = tpu.vector_load %arg8[%swap3A_348, %swap3A_349] {strides = array<i32>} : memref<8x256xf32, #tpu.memory_space<vmem>>, vector<16xf32>,
    tpu.vector_store %arg8[%swap3A_348, %swap3A_349], %broadcast_in_dim3A_33 {strides = array<i32>} : memref<8x256xf32, #tpu.memory_space<vmem>>, vector<16xf32>,
    %swap3A_351 = arith.constant 7 : i32
    %swap3A_352 = arith.index_cast %swap3A_351 : i32 to index
    %swap3A_353 = arith.constant 176 : index
    %swap3A_354 = tpu.vector_load %arg8[%swap3A_352, %swap3A_353] {strides = array<i32>} : memref<8x256xf32, #tpu.memory_space<vmem>>, vector<16xf32>,
    tpu.vector_store %arg8[%swap3A_352, %swap3A_353], %broadcast_in_dim3A_33 {strides = array<i32>} : memref<8x256xf32, #tpu.memory_space<vmem>>, vector<16xf32>,
    %swap3A_355 = arith.constant 7 : i32
    %swap3A_356 = arith.index_cast %swap3A_355 : i32 to index
    %swap3A_357 = arith.constant 192 : index
    %swap3A_358 = tpu.vector_load %arg8[%swap3A_356, %swap3A_357] {strides = array<i32>} : memref<8x256xf32, #tpu.memory_space<vmem>>, vector<16xf32>,
    tpu.vector_store %arg8[%swap3A_356, %swap3A_357], %broadcast_in_dim3A_33 {strides = array<i32>} : memref<8x256xf32, #tpu.memory_space<vmem>>, vector<16xf32>,
    %swap3A_359 = arith.constant 7 : i32
    %swap3A_360 = arith.index_cast %swap3A_359 : i32 to index
    %swap3A_361 = arith.constant 208 : index
    %swap3A_362 = tpu.vector_load %arg8[%swap3A_360, %swap3A_361] {strides = array<i32>} : memref<8x256xf32, #tpu.memory_space<vmem>>, vector<16xf32>,
    tpu.vector_store %arg8[%swap3A_360, %swap3A_361], %broadcast_in_dim3A_33 {strides = array<i32>} : memref<8x256xf32, #tpu.memory_space<vmem>>, vector<16xf32>,
    %swap3A_363 = arith.constant 7 : i32
    %swap3A_364 = arith.index_cast %swap3A_363 : i32 to index
    %swap3A_365 = arith.constant 224 : index
    %swap3A_366 = tpu.vector_load %arg8[%swap3A_364, %swap3A_365] {strides = array<i32>} : memref<8x256xf32, #tpu.memory_space<vmem>>, vector<16xf32>,
    tpu.vector_store %arg8[%swap3A_364, %swap3A_365], %broadcast_in_dim3A_33 {strides = array<i32>} : memref<8x256xf32, #tpu.memory_space<vmem>>, vector<16xf32>,
    %swap3A_367 = arith.constant 7 : i32
    %swap3A_368 = arith.index_cast %swap3A_367 : i32 to index
    %swap3A_369 = arith.constant 240 : index
    %swap3A_370 = tpu.vector_load %arg8[%swap3A_368, %swap3A_369] {strides = array<i32>} : memref<8x256xf32, #tpu.memory_space<vmem>>, vector<16xf32>,
    tpu.vector_store %arg8[%swap3A_368, %swap3A_369], %broadcast_in_dim3A_33 {strides = array<i32>} : memref<8x256xf32, #tpu.memory_space<vmem>>, vector<16xf32>,
    %dma_wait3A = arith.constant 0 : i32
    %dma_wait3A_371 = arith.constant 0 : i32
    %dma_wait3A_372 = arith.constant 0 : i32
    %dma_wait3A_373 = tpu.memref_slice %arg7[%dma_wait3A_371, %dma_wait3A_372] : memref<256x16xf32, #tpu.memory_space<vmem>> -> memref<128x16xf32, #tpu.memory_space<vmem>>
    %dma_wait3A_374 = arith.constant 0 : i32
    %dma_wait3A_375 = tpu.memref_slice %arg6[%dma_wait3A, %dma_wait3A_374] : memref<2x128xi32, #tpu.memory_space<vmem>> -> memref<1x128xi32, #tpu.memory_space<vmem>>
    %dma_wait3A_376 = tpu.memref_squeeze %dma_wait3A_375 : memref<1x128xi32, #tpu.memory_space<vmem>> -> memref<128xi32, #tpu.memory_space<vmem>>
    %dma_wait3A_377 = arith.constant 0 : i32
    %dma_wait3A_378 = arith.constant 0 : i32
    %dma_wait3A_379 = tpu.memref_slice %arg2[%dma_wait3A_377, %dma_wait3A_378] : memref<32768x16xf32, #tpu.memory_space<hbm>> -> memref<32768x16xf32, #tpu.memory_space<hbm>>
    tpu.wait_indirect_dma semaphore(%arg9 : memref<!tpu.dma_semaphore, #tpu.memory_space<semaphore_mem>>) src(%dma_wait3A_379 : memref<32768x16xf32, #tpu.memory_space<hbm>>) dst(%dma_wait3A_373 : memref<128x16xf32, #tpu.memory_space<vmem>>)
    %dma_wait3A_380 = arith.constant 1 : i32
    %dma_wait3A_381 = arith.constant 128 : i32
    %dma_wait3A_382 = arith.constant 0 : i32
    %dma_wait3A_383 = tpu.memref_slice %arg7[%dma_wait3A_381, %dma_wait3A_382] : memref<256x16xf32, #tpu.memory_space<vmem>> -> memref<128x16xf32, #tpu.memory_space<vmem>>
    %dma_wait3A_384 = arith.constant 0 : i32
    %dma_wait3A_385 = tpu.memref_slice %arg6[%dma_wait3A_380, %dma_wait3A_384] : memref<2x128xi32, #tpu.memory_space<vmem>> -> memref<1x128xi32, #tpu.memory_space<vmem>>
    %dma_wait3A_386 = tpu.memref_squeeze %dma_wait3A_385 : memref<1x128xi32, #tpu.memory_space<vmem>> -> memref<128xi32, #tpu.memory_space<vmem>>
    %dma_wait3A_387 = arith.constant 0 : i32
    %dma_wait3A_388 = arith.constant 0 : i32
    %dma_wait3A_389 = tpu.memref_slice %arg2[%dma_wait3A_387, %dma_wait3A_388] : memref<32768x16xf32, #tpu.memory_space<hbm>> -> memref<32768x16xf32, #tpu.memory_space<hbm>>
    tpu.wait_indirect_dma semaphore(%arg9 : memref<!tpu.dma_semaphore, #tpu.memory_space<semaphore_mem>>) src(%dma_wait3A_389 : memref<32768x16xf32, #tpu.memory_space<hbm>>) dst(%dma_wait3A_383 : memref<128x16xf32, #tpu.memory_space<vmem>>)
    %add3A_390 = arith.constant 0 : i32
    %add3A_391 = vector.broadcast %add3A_390 : i32 to vector<16xi32>
    %add3A_392 = arith.addi %iota3A, %add3A_391 : vector<16xi32>
    %broadcast_in_dim3A_393 = arith.constant 0 : i32
    %broadcast_in_dim3A_394 = vector.broadcast %broadcast_in_dim3A_393 : i32 to vector<16xi32>
    %gather3A = tpu.vector_load_idx %arg7[%add3A_392, %broadcast_in_dim3A_394] : memref<256x16xf32, #tpu.memory_space<vmem>>[vector<16xi32>, vector<16xi32>], vector<16xf32>,
    %broadcast_in_dim3A_395 = arith.constant 1 : i32
    %broadcast_in_dim3A_396 = vector.broadcast %broadcast_in_dim3A_395 : i32 to vector<16xi32>
    %gather3A_397 = tpu.vector_load_idx %arg7[%add3A_392, %broadcast_in_dim3A_396] : memref<256x16xf32, #tpu.memory_space<vmem>>[vector<16xi32>, vector<16xi32>], vector<16xf32>,
    %broadcast_in_dim3A_398 = arith.constant 2 : i32
    %broadcast_in_dim3A_399 = vector.broadcast %broadcast_in_dim3A_398 : i32 to vector<16xi32>
    %gather3A_400 = tpu.vector_load_idx %arg7[%add3A_392, %broadcast_in_dim3A_399] : memref<256x16xf32, #tpu.memory_space<vmem>>[vector<16xi32>, vector<16xi32>], vector<16xf32>,
    %mul3A_401 = arith.constant -2.000000e+00 : f32
    %mul3A_402 = vector.broadcast %mul3A_401 : f32 to vector<16xf32>
    %mul3A_403 = arith.mulf %mul3A_402, %gather3A : vector<16xf32>
    %swap3A_404 = arith.constant 0 : i32
    %swap3A_405 = arith.index_cast %swap3A_404 : i32 to index
    %swap3A_406 = arith.constant 0 : index
    %swap3A_407 = tpu.vector_load %arg8[%swap3A_405, %swap3A_406] {strides = array<i32>} : memref<8x256xf32, #tpu.memory_space<vmem>>, vector<16xf32>,
    tpu.vector_store %arg8[%swap3A_405, %swap3A_406], %mul3A_403 {strides = array<i32>} : memref<8x256xf32, #tpu.memory_space<vmem>>, vector<16xf32>,
    %mul3A_408 = arith.constant -2.000000e+00 : f32
    %mul3A_409 = vector.broadcast %mul3A_408 : f32 to vector<16xf32>
    %mul3A_410 = arith.mulf %mul3A_409, %gather3A_397 : vector<16xf32>
    %swap3A_411 = arith.constant 1 : i32
    %swap3A_412 = arith.index_cast %swap3A_411 : i32 to index
    %swap3A_413 = arith.constant 0 : index
    %swap3A_414 = tpu.vector_load %arg8[%swap3A_412, %swap3A_413] {strides = array<i32>} : memref<8x256xf32, #tpu.memory_space<vmem>>, vector<16xf32>,
    tpu.vector_store %arg8[%swap3A_412, %swap3A_413], %mul3A_410 {strides = array<i32>} : memref<8x256xf32, #tpu.memory_space<vmem>>, vector<16xf32>,
    %mul3A_415 = arith.constant -2.000000e+00 : f32
    %mul3A_416 = vector.broadcast %mul3A_415 : f32 to vector<16xf32>
    %mul3A_417 = arith.mulf %mul3A_416, %gather3A_400 : vector<16xf32>
    %swap3A_418 = arith.constant 2 : i32
    %swap3A_419 = arith.index_cast %swap3A_418 : i32 to index
    %swap3A_420 = arith.constant 0 : index
    %swap3A_421 = tpu.vector_load %arg8[%swap3A_419, %swap3A_420] {strides = array<i32>} : memref<8x256xf32, #tpu.memory_space<vmem>>, vector<16xf32>,
    tpu.vector_store %arg8[%swap3A_419, %swap3A_420], %mul3A_417 {strides = array<i32>} : memref<8x256xf32, #tpu.memory_space<vmem>>, vector<16xf32>,
    %mul3A_422 = arith.mulf %gather3A, %gather3A : vector<16xf32>
    %mul3A_423 = arith.mulf %gather3A_397, %gather3A_397 : vector<16xf32>
    %add3A_424 = arith.addf %mul3A_422, %mul3A_423 : vector<16xf32>
    %mul3A_425 = arith.mulf %gather3A_400, %gather3A_400 : vector<16xf32>
    %add3A_426 = arith.addf %add3A_424, %mul3A_425 : vector<16xf32>
    %bitcast3A = vector.bitcast %add3A_426 : vector<16xf32> to vector<16xi32>
    %add3A_427 = arith.constant 32767 : i32
    %add3A_428 = vector.broadcast %add3A_427 : i32 to vector<16xi32>
    %add3A_429 = arith.addi %bitcast3A, %add3A_428 : vector<16xi32>
    %shift_right_logical3A = arith.constant 16 : i32
    %shift_right_logical3A_430 = vector.broadcast %shift_right_logical3A : i32 to vector<16xi32>
    %shift_right_logical3A_431 = arith.shrui %bitcast3A, %shift_right_logical3A_430 : vector<16xi32>
    %and3A_432 = arith.constant 1 : i32
    %and3A_433 = vector.broadcast %and3A_432 : i32 to vector<16xi32>
    %and3A_434 = arith.andi %shift_right_logical3A_431, %and3A_433 : vector<16xi32>
    %add3A_435 = arith.addi %add3A_429, %and3A_434 : vector<16xi32>
    %and3A_436 = arith.constant -65536 : i32
    %and3A_437 = vector.broadcast %and3A_436 : i32 to vector<16xi32>
    %and3A_438 = arith.andi %add3A_435, %and3A_437 : vector<16xi32>
    %bitcast3A_439 = vector.bitcast %and3A_438 : vector<16xi32> to vector<16xf32>
    %sub3A_440 = arith.subf %add3A_426, %bitcast3A_439 : vector<16xf32>
    %bitcast3A_441 = vector.bitcast %sub3A_440 : vector<16xf32> to vector<16xi32>
    %add3A_442 = arith.constant 32767 : i32
    %add3A_443 = vector.broadcast %add3A_442 : i32 to vector<16xi32>
    %add3A_444 = arith.addi %bitcast3A_441, %add3A_443 : vector<16xi32>
    %shift_right_logical3A_445 = arith.constant 16 : i32
    %shift_right_logical3A_446 = vector.broadcast %shift_right_logical3A_445 : i32 to vector<16xi32>
    %shift_right_logical3A_447 = arith.shrui %bitcast3A_441, %shift_right_logical3A_446 : vector<16xi32>
    %and3A_448 = arith.constant 1 : i32
    %and3A_449 = vector.broadcast %and3A_448 : i32 to vector<16xi32>
    %and3A_450 = arith.andi %shift_right_logical3A_447, %and3A_449 : vector<16xi32>
    %add3A_451 = arith.addi %add3A_444, %and3A_450 : vector<16xi32>
    %and3A_452 = arith.constant -65536 : i32
    %and3A_453 = vector.broadcast %and3A_452 : i32 to vector<16xi32>
    %and3A_454 = arith.andi %add3A_451, %and3A_453 : vector<16xi32>
    %bitcast3A_455 = vector.bitcast %and3A_454 : vector<16xi32> to vector<16xf32>
    %sub3A_456 = arith.subf %sub3A_440, %bitcast3A_455 : vector<16xf32>
    %bitcast3A_457 = vector.bitcast %sub3A_456 : vector<16xf32> to vector<16xi32>
    %add3A_458 = arith.constant 32767 : i32
    %add3A_459 = vector.broadcast %add3A_458 : i32 to vector<16xi32>
    %add3A_460 = arith.addi %bitcast3A_457, %add3A_459 : vector<16xi32>
    %shift_right_logical3A_461 = arith.constant 16 : i32
    %shift_right_logical3A_462 = vector.broadcast %shift_right_logical3A_461 : i32 to vector<16xi32>
    %shift_right_logical3A_463 = arith.shrui %bitcast3A_457, %shift_right_logical3A_462 : vector<16xi32>
    %and3A_464 = arith.constant 1 : i32
    %and3A_465 = vector.broadcast %and3A_464 : i32 to vector<16xi32>
    %and3A_466 = arith.andi %shift_right_logical3A_463, %and3A_465 : vector<16xi32>
    %add3A_467 = arith.addi %add3A_460, %and3A_466 : vector<16xi32>
    %and3A_468 = arith.constant -65536 : i32
    %and3A_469 = vector.broadcast %and3A_468 : i32 to vector<16xi32>
    %and3A_470 = arith.andi %add3A_467, %and3A_469 : vector<16xi32>
    %bitcast3A_471 = vector.bitcast %and3A_470 : vector<16xi32> to vector<16xf32>
    %swap3A_472 = arith.constant 3 : i32
    %swap3A_473 = arith.index_cast %swap3A_472 : i32 to index
    %swap3A_474 = arith.constant 0 : index
    %swap3A_475 = tpu.vector_load %arg8[%swap3A_473, %swap3A_474] {strides = array<i32>} : memref<8x256xf32, #tpu.memory_space<vmem>>, vector<16xf32>,
    tpu.vector_store %arg8[%swap3A_473, %swap3A_474], %bitcast3A_439 {strides = array<i32>} : memref<8x256xf32, #tpu.memory_space<vmem>>, vector<16xf32>,
    %swap3A_476 = arith.constant 4 : i32
    %swap3A_477 = arith.index_cast %swap3A_476 : i32 to index
    %swap3A_478 = arith.constant 0 : index
    %swap3A_479 = tpu.vector_load %arg8[%swap3A_477, %swap3A_478] {strides = array<i32>} : memref<8x256xf32, #tpu.memory_space<vmem>>, vector<16xf32>,
    tpu.vector_store %arg8[%swap3A_477, %swap3A_478], %bitcast3A_455 {strides = array<i32>} : memref<8x256xf32, #tpu.memory_space<vmem>>, vector<16xf32>,
    %swap3A_480 = arith.constant 5 : i32
    %swap3A_481 = arith.index_cast %swap3A_480 : i32 to index
    %swap3A_482 = arith.constant 0 : index
    %swap3A_483 = tpu.vector_load %arg8[%swap3A_481, %swap3A_482] {strides = array<i32>} : memref<8x256xf32, #tpu.memory_space<vmem>>, vector<16xf32>,
    tpu.vector_store %arg8[%swap3A_481, %swap3A_482], %bitcast3A_471 {strides = array<i32>} : memref<8x256xf32, #tpu.memory_space<vmem>>, vector<16xf32>,
    %add3A_484 = arith.constant 16 : i32
    %add3A_485 = vector.broadcast %add3A_484 : i32 to vector<16xi32>
    %add3A_486 = arith.addi %iota3A, %add3A_485 : vector<16xi32>
    %broadcast_in_dim3A_487 = arith.constant 0 : i32
    %broadcast_in_dim3A_488 = vector.broadcast %broadcast_in_dim3A_487 : i32 to vector<16xi32>
    %gather3A_489 = tpu.vector_load_idx %arg7[%add3A_486, %broadcast_in_dim3A_488] : memref<256x16xf32, #tpu.memory_space<vmem>>[vector<16xi32>, vector<16xi32>], vector<16xf32>,
    %broadcast_in_dim3A_490 = arith.constant 1 : i32
    %broadcast_in_dim3A_491 = vector.broadcast %broadcast_in_dim3A_490 : i32 to vector<16xi32>
    %gather3A_492 = tpu.vector_load_idx %arg7[%add3A_486, %broadcast_in_dim3A_491] : memref<256x16xf32, #tpu.memory_space<vmem>>[vector<16xi32>, vector<16xi32>], vector<16xf32>,
    %broadcast_in_dim3A_493 = arith.constant 2 : i32
    %broadcast_in_dim3A_494 = vector.broadcast %broadcast_in_dim3A_493 : i32 to vector<16xi32>
    %gather3A_495 = tpu.vector_load_idx %arg7[%add3A_486, %broadcast_in_dim3A_494] : memref<256x16xf32, #tpu.memory_space<vmem>>[vector<16xi32>, vector<16xi32>], vector<16xf32>,
    %mul3A_496 = arith.constant -2.000000e+00 : f32
    %mul3A_497 = vector.broadcast %mul3A_496 : f32 to vector<16xf32>
    %mul3A_498 = arith.mulf %mul3A_497, %gather3A_489 : vector<16xf32>
    %swap3A_499 = arith.constant 0 : i32
    %swap3A_500 = arith.index_cast %swap3A_499 : i32 to index
    %swap3A_501 = arith.constant 16 : index
    %swap3A_502 = tpu.vector_load %arg8[%swap3A_500, %swap3A_501] {strides = array<i32>} : memref<8x256xf32, #tpu.memory_space<vmem>>, vector<16xf32>,
    tpu.vector_store %arg8[%swap3A_500, %swap3A_501], %mul3A_498 {strides = array<i32>} : memref<8x256xf32, #tpu.memory_space<vmem>>, vector<16xf32>,
    %mul3A_503 = arith.constant -2.000000e+00 : f32
    %mul3A_504 = vector.broadcast %mul3A_503 : f32 to vector<16xf32>
    %mul3A_505 = arith.mulf %mul3A_504, %gather3A_492 : vector<16xf32>
    %swap3A_506 = arith.constant 1 : i32
    %swap3A_507 = arith.index_cast %swap3A_506 : i32 to index
    %swap3A_508 = arith.constant 16 : index
    %swap3A_509 = tpu.vector_load %arg8[%swap3A_507, %swap3A_508] {strides = array<i32>} : memref<8x256xf32, #tpu.memory_space<vmem>>, vector<16xf32>,
    tpu.vector_store %arg8[%swap3A_507, %swap3A_508], %mul3A_505 {strides = array<i32>} : memref<8x256xf32, #tpu.memory_space<vmem>>, vector<16xf32>,
    %mul3A_510 = arith.constant -2.000000e+00 : f32
    %mul3A_511 = vector.broadcast %mul3A_510 : f32 to vector<16xf32>
    %mul3A_512 = arith.mulf %mul3A_511, %gather3A_495 : vector<16xf32>
    %swap3A_513 = arith.constant 2 : i32
    %swap3A_514 = arith.index_cast %swap3A_513 : i32 to index
    %swap3A_515 = arith.constant 16 : index
    %swap3A_516 = tpu.vector_load %arg8[%swap3A_514, %swap3A_515] {strides = array<i32>} : memref<8x256xf32, #tpu.memory_space<vmem>>, vector<16xf32>,
    tpu.vector_store %arg8[%swap3A_514, %swap3A_515], %mul3A_512 {strides = array<i32>} : memref<8x256xf32, #tpu.memory_space<vmem>>, vector<16xf32>,
    %mul3A_517 = arith.mulf %gather3A_489, %gather3A_489 : vector<16xf32>
    %mul3A_518 = arith.mulf %gather3A_492, %gather3A_492 : vector<16xf32>
    %add3A_519 = arith.addf %mul3A_517, %mul3A_518 : vector<16xf32>
    %mul3A_520 = arith.mulf %gather3A_495, %gather3A_495 : vector<16xf32>
    %add3A_521 = arith.addf %add3A_519, %mul3A_520 : vector<16xf32>
    %bitcast3A_522 = vector.bitcast %add3A_521 : vector<16xf32> to vector<16xi32>
    %add3A_523 = arith.constant 32767 : i32
    %add3A_524 = vector.broadcast %add3A_523 : i32 to vector<16xi32>
    %add3A_525 = arith.addi %bitcast3A_522, %add3A_524 : vector<16xi32>
    %shift_right_logical3A_526 = arith.constant 16 : i32
    %shift_right_logical3A_527 = vector.broadcast %shift_right_logical3A_526 : i32 to vector<16xi32>
    %shift_right_logical3A_528 = arith.shrui %bitcast3A_522, %shift_right_logical3A_527 : vector<16xi32>
    %and3A_529 = arith.constant 1 : i32
    %and3A_530 = vector.broadcast %and3A_529 : i32 to vector<16xi32>
    %and3A_531 = arith.andi %shift_right_logical3A_528, %and3A_530 : vector<16xi32>
    %add3A_532 = arith.addi %add3A_525, %and3A_531 : vector<16xi32>
    %and3A_533 = arith.constant -65536 : i32
    %and3A_534 = vector.broadcast %and3A_533 : i32 to vector<16xi32>
    %and3A_535 = arith.andi %add3A_532, %and3A_534 : vector<16xi32>
    %bitcast3A_536 = vector.bitcast %and3A_535 : vector<16xi32> to vector<16xf32>
    %sub3A_537 = arith.subf %add3A_521, %bitcast3A_536 : vector<16xf32>
    %bitcast3A_538 = vector.bitcast %sub3A_537 : vector<16xf32> to vector<16xi32>
    %add3A_539 = arith.constant 32767 : i32
    %add3A_540 = vector.broadcast %add3A_539 : i32 to vector<16xi32>
    %add3A_541 = arith.addi %bitcast3A_538, %add3A_540 : vector<16xi32>
    %shift_right_logical3A_542 = arith.constant 16 : i32
    %shift_right_logical3A_543 = vector.broadcast %shift_right_logical3A_542 : i32 to vector<16xi32>
    %shift_right_logical3A_544 = arith.shrui %bitcast3A_538, %shift_right_logical3A_543 : vector<16xi32>
    %and3A_545 = arith.constant 1 : i32
    %and3A_546 = vector.broadcast %and3A_545 : i32 to vector<16xi32>
    %and3A_547 = arith.andi %shift_right_logical3A_544, %and3A_546 : vector<16xi32>
    %add3A_548 = arith.addi %add3A_541, %and3A_547 : vector<16xi32>
    %and3A_549 = arith.constant -65536 : i32
    %and3A_550 = vector.broadcast %and3A_549 : i32 to vector<16xi32>
    %and3A_551 = arith.andi %add3A_548, %and3A_550 : vector<16xi32>
    %bitcast3A_552 = vector.bitcast %and3A_551 : vector<16xi32> to vector<16xf32>
    %sub3A_553 = arith.subf %sub3A_537, %bitcast3A_552 : vector<16xf32>
    %bitcast3A_554 = vector.bitcast %sub3A_553 : vector<16xf32> to vector<16xi32>
    %add3A_555 = arith.constant 32767 : i32
    %add3A_556 = vector.broadcast %add3A_555 : i32 to vector<16xi32>
    %add3A_557 = arith.addi %bitcast3A_554, %add3A_556 : vector<16xi32>
    %shift_right_logical3A_558 = arith.constant 16 : i32
    %shift_right_logical3A_559 = vector.broadcast %shift_right_logical3A_558 : i32 to vector<16xi32>
    %shift_right_logical3A_560 = arith.shrui %bitcast3A_554, %shift_right_logical3A_559 : vector<16xi32>
    %and3A_561 = arith.constant 1 : i32
    %and3A_562 = vector.broadcast %and3A_561 : i32 to vector<16xi32>
    %and3A_563 = arith.andi %shift_right_logical3A_560, %and3A_562 : vector<16xi32>
    %add3A_564 = arith.addi %add3A_557, %and3A_563 : vector<16xi32>
    %and3A_565 = arith.constant -65536 : i32
    %and3A_566 = vector.broadcast %and3A_565 : i32 to vector<16xi32>
    %and3A_567 = arith.andi %add3A_564, %and3A_566 : vector<16xi32>
    %bitcast3A_568 = vector.bitcast %and3A_567 : vector<16xi32> to vector<16xf32>
    %swap3A_569 = arith.constant 3 : i32
    %swap3A_570 = arith.index_cast %swap3A_569 : i32 to index
    %swap3A_571 = arith.constant 16 : index
    %swap3A_572 = tpu.vector_load %arg8[%swap3A_570, %swap3A_571] {strides = array<i32>} : memref<8x256xf32, #tpu.memory_space<vmem>>, vector<16xf32>,
    tpu.vector_store %arg8[%swap3A_570, %swap3A_571], %bitcast3A_536 {strides = array<i32>} : memref<8x256xf32, #tpu.memory_space<vmem>>, vector<16xf32>,
    %swap3A_573 = arith.constant 4 : i32
    %swap3A_574 = arith.index_cast %swap3A_573 : i32 to index
    %swap3A_575 = arith.constant 16 : index
    %swap3A_576 = tpu.vector_load %arg8[%swap3A_574, %swap3A_575] {strides = array<i32>} : memref<8x256xf32, #tpu.memory_space<vmem>>, vector<16xf32>,
    tpu.vector_store %arg8[%swap3A_574, %swap3A_575], %bitcast3A_552 {strides = array<i32>} : memref<8x256xf32, #tpu.memory_space<vmem>>, vector<16xf32>,
    %swap3A_577 = arith.constant 5 : i32
    %swap3A_578 = arith.index_cast %swap3A_577 : i32 to index
    %swap3A_579 = arith.constant 16 : index
    %swap3A_580 = tpu.vector_load %arg8[%swap3A_578, %swap3A_579] {strides = array<i32>} : memref<8x256xf32, #tpu.memory_space<vmem>>, vector<16xf32>,
    tpu.vector_store %arg8[%swap3A_578, %swap3A_579], %bitcast3A_568 {strides = array<i32>} : memref<8x256xf32, #tpu.memory_space<vmem>>, vector<16xf32>,
    %add3A_581 = arith.constant 32 : i32
    %add3A_582 = vector.broadcast %add3A_581 : i32 to vector<16xi32>
    %add3A_583 = arith.addi %iota3A, %add3A_582 : vector<16xi32>
    %broadcast_in_dim3A_584 = arith.constant 0 : i32
    %broadcast_in_dim3A_585 = vector.broadcast %broadcast_in_dim3A_584 : i32 to vector<16xi32>
    %gather3A_586 = tpu.vector_load_idx %arg7[%add3A_583, %broadcast_in_dim3A_585] : memref<256x16xf32, #tpu.memory_space<vmem>>[vector<16xi32>, vector<16xi32>], vector<16xf32>,
    %broadcast_in_dim3A_587 = arith.constant 1 : i32
    %broadcast_in_dim3A_588 = vector.broadcast %broadcast_in_dim3A_587 : i32 to vector<16xi32>
    %gather3A_589 = tpu.vector_load_idx %arg7[%add3A_583, %broadcast_in_dim3A_588] : memref<256x16xf32, #tpu.memory_space<vmem>>[vector<16xi32>, vector<16xi32>], vector<16xf32>,
    %broadcast_in_dim3A_590 = arith.constant 2 : i32
    %broadcast_in_dim3A_591 = vector.broadcast %broadcast_in_dim3A_590 : i32 to vector<16xi32>
    %gather3A_592 = tpu.vector_load_idx %arg7[%add3A_583, %broadcast_in_dim3A_591] : memref<256x16xf32, #tpu.memory_space<vmem>>[vector<16xi32>, vector<16xi32>], vector<16xf32>,
    %mul3A_593 = arith.constant -2.000000e+00 : f32
    %mul3A_594 = vector.broadcast %mul3A_593 : f32 to vector<16xf32>
    %mul3A_595 = arith.mulf %mul3A_594, %gather3A_586 : vector<16xf32>
    %swap3A_596 = arith.constant 0 : i32
    %swap3A_597 = arith.index_cast %swap3A_596 : i32 to index
    %swap3A_598 = arith.constant 32 : index
    %swap3A_599 = tpu.vector_load %arg8[%swap3A_597, %swap3A_598] {strides = array<i32>} : memref<8x256xf32, #tpu.memory_space<vmem>>, vector<16xf32>,
    tpu.vector_store %arg8[%swap3A_597, %swap3A_598], %mul3A_595 {strides = array<i32>} : memref<8x256xf32, #tpu.memory_space<vmem>>, vector<16xf32>,
    %mul3A_600 = arith.constant -2.000000e+00 : f32
    %mul3A_601 = vector.broadcast %mul3A_600 : f32 to vector<16xf32>
    %mul3A_602 = arith.mulf %mul3A_601, %gather3A_589 : vector<16xf32>
    %swap3A_603 = arith.constant 1 : i32
    %swap3A_604 = arith.index_cast %swap3A_603 : i32 to index
    %swap3A_605 = arith.constant 32 : index
    %swap3A_606 = tpu.vector_load %arg8[%swap3A_604, %swap3A_605] {strides = array<i32>} : memref<8x256xf32, #tpu.memory_space<vmem>>, vector<16xf32>,
    tpu.vector_store %arg8[%swap3A_604, %swap3A_605], %mul3A_602 {strides = array<i32>} : memref<8x256xf32, #tpu.memory_space<vmem>>, vector<16xf32>,
    %mul3A_607 = arith.constant -2.000000e+00 : f32
    %mul3A_608 = vector.broadcast %mul3A_607 : f32 to vector<16xf32>
    %mul3A_609 = arith.mulf %mul3A_608, %gather3A_592 : vector<16xf32>
    %swap3A_610 = arith.constant 2 : i32
    %swap3A_611 = arith.index_cast %swap3A_610 : i32 to index
    %swap3A_612 = arith.constant 32 : index
    %swap3A_613 = tpu.vector_load %arg8[%swap3A_611, %swap3A_612] {strides = array<i32>} : memref<8x256xf32, #tpu.memory_space<vmem>>, vector<16xf32>,
    tpu.vector_store %arg8[%swap3A_611, %swap3A_612], %mul3A_609 {strides = array<i32>} : memref<8x256xf32, #tpu.memory_space<vmem>>, vector<16xf32>,
    %mul3A_614 = arith.mulf %gather3A_586, %gather3A_586 : vector<16xf32>
    %mul3A_615 = arith.mulf %gather3A_589, %gather3A_589 : vector<16xf32>
    %add3A_616 = arith.addf %mul3A_614, %mul3A_615 : vector<16xf32>
    %mul3A_617 = arith.mulf %gather3A_592, %gather3A_592 : vector<16xf32>
    %add3A_618 = arith.addf %add3A_616, %mul3A_617 : vector<16xf32>
    %bitcast3A_619 = vector.bitcast %add3A_618 : vector<16xf32> to vector<16xi32>
    %add3A_620 = arith.constant 32767 : i32
    %add3A_621 = vector.broadcast %add3A_620 : i32 to vector<16xi32>
    %add3A_622 = arith.addi %bitcast3A_619, %add3A_621 : vector<16xi32>
    %shift_right_logical3A_623 = arith.constant 16 : i32
    %shift_right_logical3A_624 = vector.broadcast %shift_right_logical3A_623 : i32 to vector<16xi32>
    %shift_right_logical3A_625 = arith.shrui %bitcast3A_619, %shift_right_logical3A_624 : vector<16xi32>
    %and3A_626 = arith.constant 1 : i32
    %and3A_627 = vector.broadcast %and3A_626 : i32 to vector<16xi32>
    %and3A_628 = arith.andi %shift_right_logical3A_625, %and3A_627 : vector<16xi32>
    %add3A_629 = arith.addi %add3A_622, %and3A_628 : vector<16xi32>
    %and3A_630 = arith.constant -65536 : i32
    %and3A_631 = vector.broadcast %and3A_630 : i32 to vector<16xi32>
    %and3A_632 = arith.andi %add3A_629, %and3A_631 : vector<16xi32>
    %bitcast3A_633 = vector.bitcast %and3A_632 : vector<16xi32> to vector<16xf32>
    %sub3A_634 = arith.subf %add3A_618, %bitcast3A_633 : vector<16xf32>
    %bitcast3A_635 = vector.bitcast %sub3A_634 : vector<16xf32> to vector<16xi32>
    %add3A_636 = arith.constant 32767 : i32
    %add3A_637 = vector.broadcast %add3A_636 : i32 to vector<16xi32>
    %add3A_638 = arith.addi %bitcast3A_635, %add3A_637 : vector<16xi32>
    %shift_right_logical3A_639 = arith.constant 16 : i32
    %shift_right_logical3A_640 = vector.broadcast %shift_right_logical3A_639 : i32 to vector<16xi32>
    %shift_right_logical3A_641 = arith.shrui %bitcast3A_635, %shift_right_logical3A_640 : vector<16xi32>
    %and3A_642 = arith.constant 1 : i32
    %and3A_643 = vector.broadcast %and3A_642 : i32 to vector<16xi32>
    %and3A_644 = arith.andi %shift_right_logical3A_641, %and3A_643 : vector<16xi32>
    %add3A_645 = arith.addi %add3A_638, %and3A_644 : vector<16xi32>
    %and3A_646 = arith.constant -65536 : i32
    %and3A_647 = vector.broadcast %and3A_646 : i32 to vector<16xi32>
    %and3A_648 = arith.andi %add3A_645, %and3A_647 : vector<16xi32>
    %bitcast3A_649 = vector.bitcast %and3A_648 : vector<16xi32> to vector<16xf32>
    %sub3A_650 = arith.subf %sub3A_634, %bitcast3A_649 : vector<16xf32>
    %bitcast3A_651 = vector.bitcast %sub3A_650 : vector<16xf32> to vector<16xi32>
    %add3A_652 = arith.constant 32767 : i32
    %add3A_653 = vector.broadcast %add3A_652 : i32 to vector<16xi32>
    %add3A_654 = arith.addi %bitcast3A_651, %add3A_653 : vector<16xi32>
    %shift_right_logical3A_655 = arith.constant 16 : i32
    %shift_right_logical3A_656 = vector.broadcast %shift_right_logical3A_655 : i32 to vector<16xi32>
    %shift_right_logical3A_657 = arith.shrui %bitcast3A_651, %shift_right_logical3A_656 : vector<16xi32>
    %and3A_658 = arith.constant 1 : i32
    %and3A_659 = vector.broadcast %and3A_658 : i32 to vector<16xi32>
    %and3A_660 = arith.andi %shift_right_logical3A_657, %and3A_659 : vector<16xi32>
    %add3A_661 = arith.addi %add3A_654, %and3A_660 : vector<16xi32>
    %and3A_662 = arith.constant -65536 : i32
    %and3A_663 = vector.broadcast %and3A_662 : i32 to vector<16xi32>
    %and3A_664 = arith.andi %add3A_661, %and3A_663 : vector<16xi32>
    %bitcast3A_665 = vector.bitcast %and3A_664 : vector<16xi32> to vector<16xf32>
    %swap3A_666 = arith.constant 3 : i32
    %swap3A_667 = arith.index_cast %swap3A_666 : i32 to index
    %swap3A_668 = arith.constant 32 : index
    %swap3A_669 = tpu.vector_load %arg8[%swap3A_667, %swap3A_668] {strides = array<i32>} : memref<8x256xf32, #tpu.memory_space<vmem>>, vector<16xf32>,
    tpu.vector_store %arg8[%swap3A_667, %swap3A_668], %bitcast3A_633 {strides = array<i32>} : memref<8x256xf32, #tpu.memory_space<vmem>>, vector<16xf32>,
    %swap3A_670 = arith.constant 4 : i32
    %swap3A_671 = arith.index_cast %swap3A_670 : i32 to index
    %swap3A_672 = arith.constant 32 : index
    %swap3A_673 = tpu.vector_load %arg8[%swap3A_671, %swap3A_672] {strides = array<i32>} : memref<8x256xf32, #tpu.memory_space<vmem>>, vector<16xf32>,
    tpu.vector_store %arg8[%swap3A_671, %swap3A_672], %bitcast3A_649 {strides = array<i32>} : memref<8x256xf32, #tpu.memory_space<vmem>>, vector<16xf32>,
    %swap3A_674 = arith.constant 5 : i32
    %swap3A_675 = arith.index_cast %swap3A_674 : i32 to index
    %swap3A_676 = arith.constant 32 : index
    %swap3A_677 = tpu.vector_load %arg8[%swap3A_675, %swap3A_676] {strides = array<i32>} : memref<8x256xf32, #tpu.memory_space<vmem>>, vector<16xf32>,
    tpu.vector_store %arg8[%swap3A_675, %swap3A_676], %bitcast3A_665 {strides = array<i32>} : memref<8x256xf32, #tpu.memory_space<vmem>>, vector<16xf32>,
    %add3A_678 = arith.constant 48 : i32
    %add3A_679 = vector.broadcast %add3A_678 : i32 to vector<16xi32>
    %add3A_680 = arith.addi %iota3A, %add3A_679 : vector<16xi32>
    %broadcast_in_dim3A_681 = arith.constant 0 : i32
    %broadcast_in_dim3A_682 = vector.broadcast %broadcast_in_dim3A_681 : i32 to vector<16xi32>
    %gather3A_683 = tpu.vector_load_idx %arg7[%add3A_680, %broadcast_in_dim3A_682] : memref<256x16xf32, #tpu.memory_space<vmem>>[vector<16xi32>, vector<16xi32>], vector<16xf32>,
    %broadcast_in_dim3A_684 = arith.constant 1 : i32
    %broadcast_in_dim3A_685 = vector.broadcast %broadcast_in_dim3A_684 : i32 to vector<16xi32>
    %gather3A_686 = tpu.vector_load_idx %arg7[%add3A_680, %broadcast_in_dim3A_685] : memref<256x16xf32, #tpu.memory_space<vmem>>[vector<16xi32>, vector<16xi32>], vector<16xf32>,
    %broadcast_in_dim3A_687 = arith.constant 2 : i32
    %broadcast_in_dim3A_688 = vector.broadcast %broadcast_in_dim3A_687 : i32 to vector<16xi32>
    %gather3A_689 = tpu.vector_load_idx %arg7[%add3A_680, %broadcast_in_dim3A_688] : memref<256x16xf32, #tpu.memory_space<vmem>>[vector<16xi32>, vector<16xi32>], vector<16xf32>,
    %mul3A_690 = arith.constant -2.000000e+00 : f32
    %mul3A_691 = vector.broadcast %mul3A_690 : f32 to vector<16xf32>
    %mul3A_692 = arith.mulf %mul3A_691, %gather3A_683 : vector<16xf32>
    %swap3A_693 = arith.constant 0 : i32
    %swap3A_694 = arith.index_cast %swap3A_693 : i32 to index
    %swap3A_695 = arith.constant 48 : index
    %swap3A_696 = tpu.vector_load %arg8[%swap3A_694, %swap3A_695] {strides = array<i32>} : memref<8x256xf32, #tpu.memory_space<vmem>>, vector<16xf32>,
    tpu.vector_store %arg8[%swap3A_694, %swap3A_695], %mul3A_692 {strides = array<i32>} : memref<8x256xf32, #tpu.memory_space<vmem>>, vector<16xf32>,
    %mul3A_697 = arith.constant -2.000000e+00 : f32
    %mul3A_698 = vector.broadcast %mul3A_697 : f32 to vector<16xf32>
    %mul3A_699 = arith.mulf %mul3A_698, %gather3A_686 : vector<16xf32>
    %swap3A_700 = arith.constant 1 : i32
    %swap3A_701 = arith.index_cast %swap3A_700 : i32 to index
    %swap3A_702 = arith.constant 48 : index
    %swap3A_703 = tpu.vector_load %arg8[%swap3A_701, %swap3A_702] {strides = array<i32>} : memref<8x256xf32, #tpu.memory_space<vmem>>, vector<16xf32>,
    tpu.vector_store %arg8[%swap3A_701, %swap3A_702], %mul3A_699 {strides = array<i32>} : memref<8x256xf32, #tpu.memory_space<vmem>>, vector<16xf32>,
    %mul3A_704 = arith.constant -2.000000e+00 : f32
    %mul3A_705 = vector.broadcast %mul3A_704 : f32 to vector<16xf32>
    %mul3A_706 = arith.mulf %mul3A_705, %gather3A_689 : vector<16xf32>
    %swap3A_707 = arith.constant 2 : i32
    %swap3A_708 = arith.index_cast %swap3A_707 : i32 to index
    %swap3A_709 = arith.constant 48 : index
    %swap3A_710 = tpu.vector_load %arg8[%swap3A_708, %swap3A_709] {strides = array<i32>} : memref<8x256xf32, #tpu.memory_space<vmem>>, vector<16xf32>,
    tpu.vector_store %arg8[%swap3A_708, %swap3A_709], %mul3A_706 {strides = array<i32>} : memref<8x256xf32, #tpu.memory_space<vmem>>, vector<16xf32>,
    %mul3A_711 = arith.mulf %gather3A_683, %gather3A_683 : vector<16xf32>
    %mul3A_712 = arith.mulf %gather3A_686, %gather3A_686 : vector<16xf32>
    %add3A_713 = arith.addf %mul3A_711, %mul3A_712 : vector<16xf32>
    %mul3A_714 = arith.mulf %gather3A_689, %gather3A_689 : vector<16xf32>
    %add3A_715 = arith.addf %add3A_713, %mul3A_714 : vector<16xf32>
    %bitcast3A_716 = vector.bitcast %add3A_715 : vector<16xf32> to vector<16xi32>
    %add3A_717 = arith.constant 32767 : i32
    %add3A_718 = vector.broadcast %add3A_717 : i32 to vector<16xi32>
    %add3A_719 = arith.addi %bitcast3A_716, %add3A_718 : vector<16xi32>
    %shift_right_logical3A_720 = arith.constant 16 : i32
    %shift_right_logical3A_721 = vector.broadcast %shift_right_logical3A_720 : i32 to vector<16xi32>
    %shift_right_logical3A_722 = arith.shrui %bitcast3A_716, %shift_right_logical3A_721 : vector<16xi32>
    %and3A_723 = arith.constant 1 : i32
    %and3A_724 = vector.broadcast %and3A_723 : i32 to vector<16xi32>
    %and3A_725 = arith.andi %shift_right_logical3A_722, %and3A_724 : vector<16xi32>
    %add3A_726 = arith.addi %add3A_719, %and3A_725 : vector<16xi32>
    %and3A_727 = arith.constant -65536 : i32
    %and3A_728 = vector.broadcast %and3A_727 : i32 to vector<16xi32>
    %and3A_729 = arith.andi %add3A_726, %and3A_728 : vector<16xi32>
    %bitcast3A_730 = vector.bitcast %and3A_729 : vector<16xi32> to vector<16xf32>
    %sub3A_731 = arith.subf %add3A_715, %bitcast3A_730 : vector<16xf32>
    %bitcast3A_732 = vector.bitcast %sub3A_731 : vector<16xf32> to vector<16xi32>
    %add3A_733 = arith.constant 32767 : i32
    %add3A_734 = vector.broadcast %add3A_733 : i32 to vector<16xi32>
    %add3A_735 = arith.addi %bitcast3A_732, %add3A_734 : vector<16xi32>
    %shift_right_logical3A_736 = arith.constant 16 : i32
    %shift_right_logical3A_737 = vector.broadcast %shift_right_logical3A_736 : i32 to vector<16xi32>
    %shift_right_logical3A_738 = arith.shrui %bitcast3A_732, %shift_right_logical3A_737 : vector<16xi32>
    %and3A_739 = arith.constant 1 : i32
    %and3A_740 = vector.broadcast %and3A_739 : i32 to vector<16xi32>
    %and3A_741 = arith.andi %shift_right_logical3A_738, %and3A_740 : vector<16xi32>
    %add3A_742 = arith.addi %add3A_735, %and3A_741 : vector<16xi32>
    %and3A_743 = arith.constant -65536 : i32
    %and3A_744 = vector.broadcast %and3A_743 : i32 to vector<16xi32>
    %and3A_745 = arith.andi %add3A_742, %and3A_744 : vector<16xi32>
    %bitcast3A_746 = vector.bitcast %and3A_745 : vector<16xi32> to vector<16xf32>
    %sub3A_747 = arith.subf %sub3A_731, %bitcast3A_746 : vector<16xf32>
    %bitcast3A_748 = vector.bitcast %sub3A_747 : vector<16xf32> to vector<16xi32>
    %add3A_749 = arith.constant 32767 : i32
    %add3A_750 = vector.broadcast %add3A_749 : i32 to vector<16xi32>
    %add3A_751 = arith.addi %bitcast3A_748, %add3A_750 : vector<16xi32>
    %shift_right_logical3A_752 = arith.constant 16 : i32
    %shift_right_logical3A_753 = vector.broadcast %shift_right_logical3A_752 : i32 to vector<16xi32>
    %shift_right_logical3A_754 = arith.shrui %bitcast3A_748, %shift_right_logical3A_753 : vector<16xi32>
    %and3A_755 = arith.constant 1 : i32
    %and3A_756 = vector.broadcast %and3A_755 : i32 to vector<16xi32>
    %and3A_757 = arith.andi %shift_right_logical3A_754, %and3A_756 : vector<16xi32>
    %add3A_758 = arith.addi %add3A_751, %and3A_757 : vector<16xi32>
    %and3A_759 = arith.constant -65536 : i32
    %and3A_760 = vector.broadcast %and3A_759 : i32 to vector<16xi32>
    %and3A_761 = arith.andi %add3A_758, %and3A_760 : vector<16xi32>
    %bitcast3A_762 = vector.bitcast %and3A_761 : vector<16xi32> to vector<16xf32>
    %swap3A_763 = arith.constant 3 : i32
    %swap3A_764 = arith.index_cast %swap3A_763 : i32 to index
    %swap3A_765 = arith.constant 48 : index
    %swap3A_766 = tpu.vector_load %arg8[%swap3A_764, %swap3A_765] {strides = array<i32>} : memref<8x256xf32, #tpu.memory_space<vmem>>, vector<16xf32>,
    tpu.vector_store %arg8[%swap3A_764, %swap3A_765], %bitcast3A_730 {strides = array<i32>} : memref<8x256xf32, #tpu.memory_space<vmem>>, vector<16xf32>,
    %swap3A_767 = arith.constant 4 : i32
    %swap3A_768 = arith.index_cast %swap3A_767 : i32 to index
    %swap3A_769 = arith.constant 48 : index
    %swap3A_770 = tpu.vector_load %arg8[%swap3A_768, %swap3A_769] {strides = array<i32>} : memref<8x256xf32, #tpu.memory_space<vmem>>, vector<16xf32>,
    tpu.vector_store %arg8[%swap3A_768, %swap3A_769], %bitcast3A_746 {strides = array<i32>} : memref<8x256xf32, #tpu.memory_space<vmem>>, vector<16xf32>,
    %swap3A_771 = arith.constant 5 : i32
    %swap3A_772 = arith.index_cast %swap3A_771 : i32 to index
    %swap3A_773 = arith.constant 48 : index
    %swap3A_774 = tpu.vector_load %arg8[%swap3A_772, %swap3A_773] {strides = array<i32>} : memref<8x256xf32, #tpu.memory_space<vmem>>, vector<16xf32>,
    tpu.vector_store %arg8[%swap3A_772, %swap3A_773], %bitcast3A_762 {strides = array<i32>} : memref<8x256xf32, #tpu.memory_space<vmem>>, vector<16xf32>,
    %add3A_775 = arith.constant 64 : i32
    %add3A_776 = vector.broadcast %add3A_775 : i32 to vector<16xi32>
    %add3A_777 = arith.addi %iota3A, %add3A_776 : vector<16xi32>
    %broadcast_in_dim3A_778 = arith.constant 0 : i32
    %broadcast_in_dim3A_779 = vector.broadcast %broadcast_in_dim3A_778 : i32 to vector<16xi32>
    %gather3A_780 = tpu.vector_load_idx %arg7[%add3A_777, %broadcast_in_dim3A_779] : memref<256x16xf32, #tpu.memory_space<vmem>>[vector<16xi32>, vector<16xi32>], vector<16xf32>,
    %broadcast_in_dim3A_781 = arith.constant 1 : i32
    %broadcast_in_dim3A_782 = vector.broadcast %broadcast_in_dim3A_781 : i32 to vector<16xi32>
    %gather3A_783 = tpu.vector_load_idx %arg7[%add3A_777, %broadcast_in_dim3A_782] : memref<256x16xf32, #tpu.memory_space<vmem>>[vector<16xi32>, vector<16xi32>], vector<16xf32>,
    %broadcast_in_dim3A_784 = arith.constant 2 : i32
    %broadcast_in_dim3A_785 = vector.broadcast %broadcast_in_dim3A_784 : i32 to vector<16xi32>
    %gather3A_786 = tpu.vector_load_idx %arg7[%add3A_777, %broadcast_in_dim3A_785] : memref<256x16xf32, #tpu.memory_space<vmem>>[vector<16xi32>, vector<16xi32>], vector<16xf32>,
    %mul3A_787 = arith.constant -2.000000e+00 : f32
    %mul3A_788 = vector.broadcast %mul3A_787 : f32 to vector<16xf32>
    %mul3A_789 = arith.mulf %mul3A_788, %gather3A_780 : vector<16xf32>
    %swap3A_790 = arith.constant 0 : i32
    %swap3A_791 = arith.index_cast %swap3A_790 : i32 to index
    %swap3A_792 = arith.constant 64 : index
    %swap3A_793 = tpu.vector_load %arg8[%swap3A_791, %swap3A_792] {strides = array<i32>} : memref<8x256xf32, #tpu.memory_space<vmem>>, vector<16xf32>,
    tpu.vector_store %arg8[%swap3A_791, %swap3A_792], %mul3A_789 {strides = array<i32>} : memref<8x256xf32, #tpu.memory_space<vmem>>, vector<16xf32>,
    %mul3A_794 = arith.constant -2.000000e+00 : f32
    %mul3A_795 = vector.broadcast %mul3A_794 : f32 to vector<16xf32>
    %mul3A_796 = arith.mulf %mul3A_795, %gather3A_783 : vector<16xf32>
    %swap3A_797 = arith.constant 1 : i32
    %swap3A_798 = arith.index_cast %swap3A_797 : i32 to index
    %swap3A_799 = arith.constant 64 : index
    %swap3A_800 = tpu.vector_load %arg8[%swap3A_798, %swap3A_799] {strides = array<i32>} : memref<8x256xf32, #tpu.memory_space<vmem>>, vector<16xf32>,
    tpu.vector_store %arg8[%swap3A_798, %swap3A_799], %mul3A_796 {strides = array<i32>} : memref<8x256xf32, #tpu.memory_space<vmem>>, vector<16xf32>,
    %mul3A_801 = arith.constant -2.000000e+00 : f32
    %mul3A_802 = vector.broadcast %mul3A_801 : f32 to vector<16xf32>
    %mul3A_803 = arith.mulf %mul3A_802, %gather3A_786 : vector<16xf32>
    %swap3A_804 = arith.constant 2 : i32
    %swap3A_805 = arith.index_cast %swap3A_804 : i32 to index
    %swap3A_806 = arith.constant 64 : index
    %swap3A_807 = tpu.vector_load %arg8[%swap3A_805, %swap3A_806] {strides = array<i32>} : memref<8x256xf32, #tpu.memory_space<vmem>>, vector<16xf32>,
    tpu.vector_store %arg8[%swap3A_805, %swap3A_806], %mul3A_803 {strides = array<i32>} : memref<8x256xf32, #tpu.memory_space<vmem>>, vector<16xf32>,
    %mul3A_808 = arith.mulf %gather3A_780, %gather3A_780 : vector<16xf32>
    %mul3A_809 = arith.mulf %gather3A_783, %gather3A_783 : vector<16xf32>
    %add3A_810 = arith.addf %mul3A_808, %mul3A_809 : vector<16xf32>
    %mul3A_811 = arith.mulf %gather3A_786, %gather3A_786 : vector<16xf32>
    %add3A_812 = arith.addf %add3A_810, %mul3A_811 : vector<16xf32>
    %bitcast3A_813 = vector.bitcast %add3A_812 : vector<16xf32> to vector<16xi32>
    %add3A_814 = arith.constant 32767 : i32
    %add3A_815 = vector.broadcast %add3A_814 : i32 to vector<16xi32>
    %add3A_816 = arith.addi %bitcast3A_813, %add3A_815 : vector<16xi32>
    %shift_right_logical3A_817 = arith.constant 16 : i32
    %shift_right_logical3A_818 = vector.broadcast %shift_right_logical3A_817 : i32 to vector<16xi32>
    %shift_right_logical3A_819 = arith.shrui %bitcast3A_813, %shift_right_logical3A_818 : vector<16xi32>
    %and3A_820 = arith.constant 1 : i32
    %and3A_821 = vector.broadcast %and3A_820 : i32 to vector<16xi32>
    %and3A_822 = arith.andi %shift_right_logical3A_819, %and3A_821 : vector<16xi32>
    %add3A_823 = arith.addi %add3A_816, %and3A_822 : vector<16xi32>
    %and3A_824 = arith.constant -65536 : i32
    %and3A_825 = vector.broadcast %and3A_824 : i32 to vector<16xi32>
    %and3A_826 = arith.andi %add3A_823, %and3A_825 : vector<16xi32>
    %bitcast3A_827 = vector.bitcast %and3A_826 : vector<16xi32> to vector<16xf32>
    %sub3A_828 = arith.subf %add3A_812, %bitcast3A_827 : vector<16xf32>
    %bitcast3A_829 = vector.bitcast %sub3A_828 : vector<16xf32> to vector<16xi32>
    %add3A_830 = arith.constant 32767 : i32
    %add3A_831 = vector.broadcast %add3A_830 : i32 to vector<16xi32>
    %add3A_832 = arith.addi %bitcast3A_829, %add3A_831 : vector<16xi32>
    %shift_right_logical3A_833 = arith.constant 16 : i32
    %shift_right_logical3A_834 = vector.broadcast %shift_right_logical3A_833 : i32 to vector<16xi32>
    %shift_right_logical3A_835 = arith.shrui %bitcast3A_829, %shift_right_logical3A_834 : vector<16xi32>
    %and3A_836 = arith.constant 1 : i32
    %and3A_837 = vector.broadcast %and3A_836 : i32 to vector<16xi32>
    %and3A_838 = arith.andi %shift_right_logical3A_835, %and3A_837 : vector<16xi32>
    %add3A_839 = arith.addi %add3A_832, %and3A_838 : vector<16xi32>
    %and3A_840 = arith.constant -65536 : i32
    %and3A_841 = vector.broadcast %and3A_840 : i32 to vector<16xi32>
    %and3A_842 = arith.andi %add3A_839, %and3A_841 : vector<16xi32>
    %bitcast3A_843 = vector.bitcast %and3A_842 : vector<16xi32> to vector<16xf32>
    %sub3A_844 = arith.subf %sub3A_828, %bitcast3A_843 : vector<16xf32>
    %bitcast3A_845 = vector.bitcast %sub3A_844 : vector<16xf32> to vector<16xi32>
    %add3A_846 = arith.constant 32767 : i32
    %add3A_847 = vector.broadcast %add3A_846 : i32 to vector<16xi32>
    %add3A_848 = arith.addi %bitcast3A_845, %add3A_847 : vector<16xi32>
    %shift_right_logical3A_849 = arith.constant 16 : i32
    %shift_right_logical3A_850 = vector.broadcast %shift_right_logical3A_849 : i32 to vector<16xi32>
    %shift_right_logical3A_851 = arith.shrui %bitcast3A_845, %shift_right_logical3A_850 : vector<16xi32>
    %and3A_852 = arith.constant 1 : i32
    %and3A_853 = vector.broadcast %and3A_852 : i32 to vector<16xi32>
    %and3A_854 = arith.andi %shift_right_logical3A_851, %and3A_853 : vector<16xi32>
    %add3A_855 = arith.addi %add3A_848, %and3A_854 : vector<16xi32>
    %and3A_856 = arith.constant -65536 : i32
    %and3A_857 = vector.broadcast %and3A_856 : i32 to vector<16xi32>
    %and3A_858 = arith.andi %add3A_855, %and3A_857 : vector<16xi32>
    %bitcast3A_859 = vector.bitcast %and3A_858 : vector<16xi32> to vector<16xf32>
    %swap3A_860 = arith.constant 3 : i32
    %swap3A_861 = arith.index_cast %swap3A_860 : i32 to index
    %swap3A_862 = arith.constant 64 : index
    %swap3A_863 = tpu.vector_load %arg8[%swap3A_861, %swap3A_862] {strides = array<i32>} : memref<8x256xf32, #tpu.memory_space<vmem>>, vector<16xf32>,
    tpu.vector_store %arg8[%swap3A_861, %swap3A_862], %bitcast3A_827 {strides = array<i32>} : memref<8x256xf32, #tpu.memory_space<vmem>>, vector<16xf32>,
    %swap3A_864 = arith.constant 4 : i32
    %swap3A_865 = arith.index_cast %swap3A_864 : i32 to index
    %swap3A_866 = arith.constant 64 : index
    %swap3A_867 = tpu.vector_load %arg8[%swap3A_865, %swap3A_866] {strides = array<i32>} : memref<8x256xf32, #tpu.memory_space<vmem>>, vector<16xf32>,
    tpu.vector_store %arg8[%swap3A_865, %swap3A_866], %bitcast3A_843 {strides = array<i32>} : memref<8x256xf32, #tpu.memory_space<vmem>>, vector<16xf32>,
    %swap3A_868 = arith.constant 5 : i32
    %swap3A_869 = arith.index_cast %swap3A_868 : i32 to index
    %swap3A_870 = arith.constant 64 : index
    %swap3A_871 = tpu.vector_load %arg8[%swap3A_869, %swap3A_870] {strides = array<i32>} : memref<8x256xf32, #tpu.memory_space<vmem>>, vector<16xf32>,
    tpu.vector_store %arg8[%swap3A_869, %swap3A_870], %bitcast3A_859 {strides = array<i32>} : memref<8x256xf32, #tpu.memory_space<vmem>>, vector<16xf32>,
    %add3A_872 = arith.constant 80 : i32
    %add3A_873 = vector.broadcast %add3A_872 : i32 to vector<16xi32>
    %add3A_874 = arith.addi %iota3A, %add3A_873 : vector<16xi32>
    %broadcast_in_dim3A_875 = arith.constant 0 : i32
    %broadcast_in_dim3A_876 = vector.broadcast %broadcast_in_dim3A_875 : i32 to vector<16xi32>
    %gather3A_877 = tpu.vector_load_idx %arg7[%add3A_874, %broadcast_in_dim3A_876] : memref<256x16xf32, #tpu.memory_space<vmem>>[vector<16xi32>, vector<16xi32>], vector<16xf32>,
    %broadcast_in_dim3A_878 = arith.constant 1 : i32
    %broadcast_in_dim3A_879 = vector.broadcast %broadcast_in_dim3A_878 : i32 to vector<16xi32>
    %gather3A_880 = tpu.vector_load_idx %arg7[%add3A_874, %broadcast_in_dim3A_879] : memref<256x16xf32, #tpu.memory_space<vmem>>[vector<16xi32>, vector<16xi32>], vector<16xf32>,
    %broadcast_in_dim3A_881 = arith.constant 2 : i32
    %broadcast_in_dim3A_882 = vector.broadcast %broadcast_in_dim3A_881 : i32 to vector<16xi32>
    %gather3A_883 = tpu.vector_load_idx %arg7[%add3A_874, %broadcast_in_dim3A_882] : memref<256x16xf32, #tpu.memory_space<vmem>>[vector<16xi32>, vector<16xi32>], vector<16xf32>,
    %mul3A_884 = arith.constant -2.000000e+00 : f32
    %mul3A_885 = vector.broadcast %mul3A_884 : f32 to vector<16xf32>
    %mul3A_886 = arith.mulf %mul3A_885, %gather3A_877 : vector<16xf32>
    %swap3A_887 = arith.constant 0 : i32
    %swap3A_888 = arith.index_cast %swap3A_887 : i32 to index
    %swap3A_889 = arith.constant 80 : index
    %swap3A_890 = tpu.vector_load %arg8[%swap3A_888, %swap3A_889] {strides = array<i32>} : memref<8x256xf32, #tpu.memory_space<vmem>>, vector<16xf32>,
    tpu.vector_store %arg8[%swap3A_888, %swap3A_889], %mul3A_886 {strides = array<i32>} : memref<8x256xf32, #tpu.memory_space<vmem>>, vector<16xf32>,
    %mul3A_891 = arith.constant -2.000000e+00 : f32
    %mul3A_892 = vector.broadcast %mul3A_891 : f32 to vector<16xf32>
    %mul3A_893 = arith.mulf %mul3A_892, %gather3A_880 : vector<16xf32>
    %swap3A_894 = arith.constant 1 : i32
    %swap3A_895 = arith.index_cast %swap3A_894 : i32 to index
    %swap3A_896 = arith.constant 80 : index
    %swap3A_897 = tpu.vector_load %arg8[%swap3A_895, %swap3A_896] {strides = array<i32>} : memref<8x256xf32, #tpu.memory_space<vmem>>, vector<16xf32>,
    tpu.vector_store %arg8[%swap3A_895, %swap3A_896], %mul3A_893 {strides = array<i32>} : memref<8x256xf32, #tpu.memory_space<vmem>>, vector<16xf32>,
    %mul3A_898 = arith.constant -2.000000e+00 : f32
    %mul3A_899 = vector.broadcast %mul3A_898 : f32 to vector<16xf32>
    %mul3A_900 = arith.mulf %mul3A_899, %gather3A_883 : vector<16xf32>
    %swap3A_901 = arith.constant 2 : i32
    %swap3A_902 = arith.index_cast %swap3A_901 : i32 to index
    %swap3A_903 = arith.constant 80 : index
    %swap3A_904 = tpu.vector_load %arg8[%swap3A_902, %swap3A_903] {strides = array<i32>} : memref<8x256xf32, #tpu.memory_space<vmem>>, vector<16xf32>,
    tpu.vector_store %arg8[%swap3A_902, %swap3A_903], %mul3A_900 {strides = array<i32>} : memref<8x256xf32, #tpu.memory_space<vmem>>, vector<16xf32>,
    %mul3A_905 = arith.mulf %gather3A_877, %gather3A_877 : vector<16xf32>
    %mul3A_906 = arith.mulf %gather3A_880, %gather3A_880 : vector<16xf32>
    %add3A_907 = arith.addf %mul3A_905, %mul3A_906 : vector<16xf32>
    %mul3A_908 = arith.mulf %gather3A_883, %gather3A_883 : vector<16xf32>
    %add3A_909 = arith.addf %add3A_907, %mul3A_908 : vector<16xf32>
    %bitcast3A_910 = vector.bitcast %add3A_909 : vector<16xf32> to vector<16xi32>
    %add3A_911 = arith.constant 32767 : i32
    %add3A_912 = vector.broadcast %add3A_911 : i32 to vector<16xi32>
    %add3A_913 = arith.addi %bitcast3A_910, %add3A_912 : vector<16xi32>
    %shift_right_logical3A_914 = arith.constant 16 : i32
    %shift_right_logical3A_915 = vector.broadcast %shift_right_logical3A_914 : i32 to vector<16xi32>
    %shift_right_logical3A_916 = arith.shrui %bitcast3A_910, %shift_right_logical3A_915 : vector<16xi32>
    %and3A_917 = arith.constant 1 : i32
    %and3A_918 = vector.broadcast %and3A_917 : i32 to vector<16xi32>
    %and3A_919 = arith.andi %shift_right_logical3A_916, %and3A_918 : vector<16xi32>
    %add3A_920 = arith.addi %add3A_913, %and3A_919 : vector<16xi32>
    %and3A_921 = arith.constant -65536 : i32
    %and3A_922 = vector.broadcast %and3A_921 : i32 to vector<16xi32>
    %and3A_923 = arith.andi %add3A_920, %and3A_922 : vector<16xi32>
    %bitcast3A_924 = vector.bitcast %and3A_923 : vector<16xi32> to vector<16xf32>
    %sub3A_925 = arith.subf %add3A_909, %bitcast3A_924 : vector<16xf32>
    %bitcast3A_926 = vector.bitcast %sub3A_925 : vector<16xf32> to vector<16xi32>
    %add3A_927 = arith.constant 32767 : i32
    %add3A_928 = vector.broadcast %add3A_927 : i32 to vector<16xi32>
    %add3A_929 = arith.addi %bitcast3A_926, %add3A_928 : vector<16xi32>
    %shift_right_logical3A_930 = arith.constant 16 : i32
    %shift_right_logical3A_931 = vector.broadcast %shift_right_logical3A_930 : i32 to vector<16xi32>
    %shift_right_logical3A_932 = arith.shrui %bitcast3A_926, %shift_right_logical3A_931 : vector<16xi32>
    %and3A_933 = arith.constant 1 : i32
    %and3A_934 = vector.broadcast %and3A_933 : i32 to vector<16xi32>
    %and3A_935 = arith.andi %shift_right_logical3A_932, %and3A_934 : vector<16xi32>
    %add3A_936 = arith.addi %add3A_929, %and3A_935 : vector<16xi32>
    %and3A_937 = arith.constant -65536 : i32
    %and3A_938 = vector.broadcast %and3A_937 : i32 to vector<16xi32>
    %and3A_939 = arith.andi %add3A_936, %and3A_938 : vector<16xi32>
    %bitcast3A_940 = vector.bitcast %and3A_939 : vector<16xi32> to vector<16xf32>
    %sub3A_941 = arith.subf %sub3A_925, %bitcast3A_940 : vector<16xf32>
    %bitcast3A_942 = vector.bitcast %sub3A_941 : vector<16xf32> to vector<16xi32>
    %add3A_943 = arith.constant 32767 : i32
    %add3A_944 = vector.broadcast %add3A_943 : i32 to vector<16xi32>
    %add3A_945 = arith.addi %bitcast3A_942, %add3A_944 : vector<16xi32>
    %shift_right_logical3A_946 = arith.constant 16 : i32
    %shift_right_logical3A_947 = vector.broadcast %shift_right_logical3A_946 : i32 to vector<16xi32>
    %shift_right_logical3A_948 = arith.shrui %bitcast3A_942, %shift_right_logical3A_947 : vector<16xi32>
    %and3A_949 = arith.constant 1 : i32
    %and3A_950 = vector.broadcast %and3A_949 : i32 to vector<16xi32>
    %and3A_951 = arith.andi %shift_right_logical3A_948, %and3A_950 : vector<16xi32>
    %add3A_952 = arith.addi %add3A_945, %and3A_951 : vector<16xi32>
    %and3A_953 = arith.constant -65536 : i32
    %and3A_954 = vector.broadcast %and3A_953 : i32 to vector<16xi32>
    %and3A_955 = arith.andi %add3A_952, %and3A_954 : vector<16xi32>
    %bitcast3A_956 = vector.bitcast %and3A_955 : vector<16xi32> to vector<16xf32>
    %swap3A_957 = arith.constant 3 : i32
    %swap3A_958 = arith.index_cast %swap3A_957 : i32 to index
    %swap3A_959 = arith.constant 80 : index
    %swap3A_960 = tpu.vector_load %arg8[%swap3A_958, %swap3A_959] {strides = array<i32>} : memref<8x256xf32, #tpu.memory_space<vmem>>, vector<16xf32>,
    tpu.vector_store %arg8[%swap3A_958, %swap3A_959], %bitcast3A_924 {strides = array<i32>} : memref<8x256xf32, #tpu.memory_space<vmem>>, vector<16xf32>,
    %swap3A_961 = arith.constant 4 : i32
    %swap3A_962 = arith.index_cast %swap3A_961 : i32 to index
    %swap3A_963 = arith.constant 80 : index
    %swap3A_964 = tpu.vector_load %arg8[%swap3A_962, %swap3A_963] {strides = array<i32>} : memref<8x256xf32, #tpu.memory_space<vmem>>, vector<16xf32>,
    tpu.vector_store %arg8[%swap3A_962, %swap3A_963], %bitcast3A_940 {strides = array<i32>} : memref<8x256xf32, #tpu.memory_space<vmem>>, vector<16xf32>,
    %swap3A_965 = arith.constant 5 : i32
    %swap3A_966 = arith.index_cast %swap3A_965 : i32 to index
    %swap3A_967 = arith.constant 80 : index
    %swap3A_968 = tpu.vector_load %arg8[%swap3A_966, %swap3A_967] {strides = array<i32>} : memref<8x256xf32, #tpu.memory_space<vmem>>, vector<16xf32>,
    tpu.vector_store %arg8[%swap3A_966, %swap3A_967], %bitcast3A_956 {strides = array<i32>} : memref<8x256xf32, #tpu.memory_space<vmem>>, vector<16xf32>,
    %add3A_969 = arith.constant 96 : i32
    %add3A_970 = vector.broadcast %add3A_969 : i32 to vector<16xi32>
    %add3A_971 = arith.addi %iota3A, %add3A_970 : vector<16xi32>
    %broadcast_in_dim3A_972 = arith.constant 0 : i32
    %broadcast_in_dim3A_973 = vector.broadcast %broadcast_in_dim3A_972 : i32 to vector<16xi32>
    %gather3A_974 = tpu.vector_load_idx %arg7[%add3A_971, %broadcast_in_dim3A_973] : memref<256x16xf32, #tpu.memory_space<vmem>>[vector<16xi32>, vector<16xi32>], vector<16xf32>,
    %broadcast_in_dim3A_975 = arith.constant 1 : i32
    %broadcast_in_dim3A_976 = vector.broadcast %broadcast_in_dim3A_975 : i32 to vector<16xi32>
    %gather3A_977 = tpu.vector_load_idx %arg7[%add3A_971, %broadcast_in_dim3A_976] : memref<256x16xf32, #tpu.memory_space<vmem>>[vector<16xi32>, vector<16xi32>], vector<16xf32>,
    %broadcast_in_dim3A_978 = arith.constant 2 : i32
    %broadcast_in_dim3A_979 = vector.broadcast %broadcast_in_dim3A_978 : i32 to vector<16xi32>
    %gather3A_980 = tpu.vector_load_idx %arg7[%add3A_971, %broadcast_in_dim3A_979] : memref<256x16xf32, #tpu.memory_space<vmem>>[vector<16xi32>, vector<16xi32>], vector<16xf32>,
    %mul3A_981 = arith.constant -2.000000e+00 : f32
    %mul3A_982 = vector.broadcast %mul3A_981 : f32 to vector<16xf32>
    %mul3A_983 = arith.mulf %mul3A_982, %gather3A_974 : vector<16xf32>
    %swap3A_984 = arith.constant 0 : i32
    %swap3A_985 = arith.index_cast %swap3A_984 : i32 to index
    %swap3A_986 = arith.constant 96 : index
    %swap3A_987 = tpu.vector_load %arg8[%swap3A_985, %swap3A_986] {strides = array<i32>} : memref<8x256xf32, #tpu.memory_space<vmem>>, vector<16xf32>,
    tpu.vector_store %arg8[%swap3A_985, %swap3A_986], %mul3A_983 {strides = array<i32>} : memref<8x256xf32, #tpu.memory_space<vmem>>, vector<16xf32>,
    %mul3A_988 = arith.constant -2.000000e+00 : f32
    %mul3A_989 = vector.broadcast %mul3A_988 : f32 to vector<16xf32>
    %mul3A_990 = arith.mulf %mul3A_989, %gather3A_977 : vector<16xf32>
    %swap3A_991 = arith.constant 1 : i32
    %swap3A_992 = arith.index_cast %swap3A_991 : i32 to index
    %swap3A_993 = arith.constant 96 : index
    %swap3A_994 = tpu.vector_load %arg8[%swap3A_992, %swap3A_993] {strides = array<i32>} : memref<8x256xf32, #tpu.memory_space<vmem>>, vector<16xf32>,
    tpu.vector_store %arg8[%swap3A_992, %swap3A_993], %mul3A_990 {strides = array<i32>} : memref<8x256xf32, #tpu.memory_space<vmem>>, vector<16xf32>,
    %mul3A_995 = arith.constant -2.000000e+00 : f32
    %mul3A_996 = vector.broadcast %mul3A_995 : f32 to vector<16xf32>
    %mul3A_997 = arith.mulf %mul3A_996, %gather3A_980 : vector<16xf32>
    %swap3A_998 = arith.constant 2 : i32
    %swap3A_999 = arith.index_cast %swap3A_998 : i32 to index
    %swap3A_1000 = arith.constant 96 : index
    %swap3A_1001 = tpu.vector_load %arg8[%swap3A_999, %swap3A_1000] {strides = array<i32>} : memref<8x256xf32, #tpu.memory_space<vmem>>, vector<16xf32>,
    tpu.vector_store %arg8[%swap3A_999, %swap3A_1000], %mul3A_997 {strides = array<i32>} : memref<8x256xf32, #tpu.memory_space<vmem>>, vector<16xf32>,
    %mul3A_1002 = arith.mulf %gather3A_974, %gather3A_974 : vector<16xf32>
    %mul3A_1003 = arith.mulf %gather3A_977, %gather3A_977 : vector<16xf32>
    %add3A_1004 = arith.addf %mul3A_1002, %mul3A_1003 : vector<16xf32>
    %mul3A_1005 = arith.mulf %gather3A_980, %gather3A_980 : vector<16xf32>
    %add3A_1006 = arith.addf %add3A_1004, %mul3A_1005 : vector<16xf32>
    %bitcast3A_1007 = vector.bitcast %add3A_1006 : vector<16xf32> to vector<16xi32>
    %add3A_1008 = arith.constant 32767 : i32
    %add3A_1009 = vector.broadcast %add3A_1008 : i32 to vector<16xi32>
    %add3A_1010 = arith.addi %bitcast3A_1007, %add3A_1009 : vector<16xi32>
    %shift_right_logical3A_1011 = arith.constant 16 : i32
    %shift_right_logical3A_1012 = vector.broadcast %shift_right_logical3A_1011 : i32 to vector<16xi32>
    %shift_right_logical3A_1013 = arith.shrui %bitcast3A_1007, %shift_right_logical3A_1012 : vector<16xi32>
    %and3A_1014 = arith.constant 1 : i32
    %and3A_1015 = vector.broadcast %and3A_1014 : i32 to vector<16xi32>
    %and3A_1016 = arith.andi %shift_right_logical3A_1013, %and3A_1015 : vector<16xi32>
    %add3A_1017 = arith.addi %add3A_1010, %and3A_1016 : vector<16xi32>
    %and3A_1018 = arith.constant -65536 : i32
    %and3A_1019 = vector.broadcast %and3A_1018 : i32 to vector<16xi32>
    %and3A_1020 = arith.andi %add3A_1017, %and3A_1019 : vector<16xi32>
    %bitcast3A_1021 = vector.bitcast %and3A_1020 : vector<16xi32> to vector<16xf32>
    %sub3A_1022 = arith.subf %add3A_1006, %bitcast3A_1021 : vector<16xf32>
    %bitcast3A_1023 = vector.bitcast %sub3A_1022 : vector<16xf32> to vector<16xi32>
    %add3A_1024 = arith.constant 32767 : i32
    %add3A_1025 = vector.broadcast %add3A_1024 : i32 to vector<16xi32>
    %add3A_1026 = arith.addi %bitcast3A_1023, %add3A_1025 : vector<16xi32>
    %shift_right_logical3A_1027 = arith.constant 16 : i32
    %shift_right_logical3A_1028 = vector.broadcast %shift_right_logical3A_1027 : i32 to vector<16xi32>
    %shift_right_logical3A_1029 = arith.shrui %bitcast3A_1023, %shift_right_logical3A_1028 : vector<16xi32>
    %and3A_1030 = arith.constant 1 : i32
    %and3A_1031 = vector.broadcast %and3A_1030 : i32 to vector<16xi32>
    %and3A_1032 = arith.andi %shift_right_logical3A_1029, %and3A_1031 : vector<16xi32>
    %add3A_1033 = arith.addi %add3A_1026, %and3A_1032 : vector<16xi32>
    %and3A_1034 = arith.constant -65536 : i32
    %and3A_1035 = vector.broadcast %and3A_1034 : i32 to vector<16xi32>
    %and3A_1036 = arith.andi %add3A_1033, %and3A_1035 : vector<16xi32>
    %bitcast3A_1037 = vector.bitcast %and3A_1036 : vector<16xi32> to vector<16xf32>
    %sub3A_1038 = arith.subf %sub3A_1022, %bitcast3A_1037 : vector<16xf32>
    %bitcast3A_1039 = vector.bitcast %sub3A_1038 : vector<16xf32> to vector<16xi32>
    %add3A_1040 = arith.constant 32767 : i32
    %add3A_1041 = vector.broadcast %add3A_1040 : i32 to vector<16xi32>
    %add3A_1042 = arith.addi %bitcast3A_1039, %add3A_1041 : vector<16xi32>
    %shift_right_logical3A_1043 = arith.constant 16 : i32
    %shift_right_logical3A_1044 = vector.broadcast %shift_right_logical3A_1043 : i32 to vector<16xi32>
    %shift_right_logical3A_1045 = arith.shrui %bitcast3A_1039, %shift_right_logical3A_1044 : vector<16xi32>
    %and3A_1046 = arith.constant 1 : i32
    %and3A_1047 = vector.broadcast %and3A_1046 : i32 to vector<16xi32>
    %and3A_1048 = arith.andi %shift_right_logical3A_1045, %and3A_1047 : vector<16xi32>
    %add3A_1049 = arith.addi %add3A_1042, %and3A_1048 : vector<16xi32>
    %and3A_1050 = arith.constant -65536 : i32
    %and3A_1051 = vector.broadcast %and3A_1050 : i32 to vector<16xi32>
    %and3A_1052 = arith.andi %add3A_1049, %and3A_1051 : vector<16xi32>
    %bitcast3A_1053 = vector.bitcast %and3A_1052 : vector<16xi32> to vector<16xf32>
    %swap3A_1054 = arith.constant 3 : i32
    %swap3A_1055 = arith.index_cast %swap3A_1054 : i32 to index
    %swap3A_1056 = arith.constant 96 : index
    %swap3A_1057 = tpu.vector_load %arg8[%swap3A_1055, %swap3A_1056] {strides = array<i32>} : memref<8x256xf32, #tpu.memory_space<vmem>>, vector<16xf32>,
    tpu.vector_store %arg8[%swap3A_1055, %swap3A_1056], %bitcast3A_1021 {strides = array<i32>} : memref<8x256xf32, #tpu.memory_space<vmem>>, vector<16xf32>,
    %swap3A_1058 = arith.constant 4 : i32
    %swap3A_1059 = arith.index_cast %swap3A_1058 : i32 to index
    %swap3A_1060 = arith.constant 96 : index
    %swap3A_1061 = tpu.vector_load %arg8[%swap3A_1059, %swap3A_1060] {strides = array<i32>} : memref<8x256xf32, #tpu.memory_space<vmem>>, vector<16xf32>,
    tpu.vector_store %arg8[%swap3A_1059, %swap3A_1060], %bitcast3A_1037 {strides = array<i32>} : memref<8x256xf32, #tpu.memory_space<vmem>>, vector<16xf32>,
    %swap3A_1062 = arith.constant 5 : i32
    %swap3A_1063 = arith.index_cast %swap3A_1062 : i32 to index
    %swap3A_1064 = arith.constant 96 : index
    %swap3A_1065 = tpu.vector_load %arg8[%swap3A_1063, %swap3A_1064] {strides = array<i32>} : memref<8x256xf32, #tpu.memory_space<vmem>>, vector<16xf32>,
    tpu.vector_store %arg8[%swap3A_1063, %swap3A_1064], %bitcast3A_1053 {strides = array<i32>} : memref<8x256xf32, #tpu.memory_space<vmem>>, vector<16xf32>,
    %add3A_1066 = arith.constant 112 : i32
    %add3A_1067 = vector.broadcast %add3A_1066 : i32 to vector<16xi32>
    %add3A_1068 = arith.addi %iota3A, %add3A_1067 : vector<16xi32>
    %broadcast_in_dim3A_1069 = arith.constant 0 : i32
    %broadcast_in_dim3A_1070 = vector.broadcast %broadcast_in_dim3A_1069 : i32 to vector<16xi32>
    %gather3A_1071 = tpu.vector_load_idx %arg7[%add3A_1068, %broadcast_in_dim3A_1070] : memref<256x16xf32, #tpu.memory_space<vmem>>[vector<16xi32>, vector<16xi32>], vector<16xf32>,
    %broadcast_in_dim3A_1072 = arith.constant 1 : i32
    %broadcast_in_dim3A_1073 = vector.broadcast %broadcast_in_dim3A_1072 : i32 to vector<16xi32>
    %gather3A_1074 = tpu.vector_load_idx %arg7[%add3A_1068, %broadcast_in_dim3A_1073] : memref<256x16xf32, #tpu.memory_space<vmem>>[vector<16xi32>, vector<16xi32>], vector<16xf32>,
    %broadcast_in_dim3A_1075 = arith.constant 2 : i32
    %broadcast_in_dim3A_1076 = vector.broadcast %broadcast_in_dim3A_1075 : i32 to vector<16xi32>
    %gather3A_1077 = tpu.vector_load_idx %arg7[%add3A_1068, %broadcast_in_dim3A_1076] : memref<256x16xf32, #tpu.memory_space<vmem>>[vector<16xi32>, vector<16xi32>], vector<16xf32>,
    %mul3A_1078 = arith.constant -2.000000e+00 : f32
    %mul3A_1079 = vector.broadcast %mul3A_1078 : f32 to vector<16xf32>
    %mul3A_1080 = arith.mulf %mul3A_1079, %gather3A_1071 : vector<16xf32>
    %swap3A_1081 = arith.constant 0 : i32
    %swap3A_1082 = arith.index_cast %swap3A_1081 : i32 to index
    %swap3A_1083 = arith.constant 112 : index
    %swap3A_1084 = tpu.vector_load %arg8[%swap3A_1082, %swap3A_1083] {strides = array<i32>} : memref<8x256xf32, #tpu.memory_space<vmem>>, vector<16xf32>,
    tpu.vector_store %arg8[%swap3A_1082, %swap3A_1083], %mul3A_1080 {strides = array<i32>} : memref<8x256xf32, #tpu.memory_space<vmem>>, vector<16xf32>,
    %mul3A_1085 = arith.constant -2.000000e+00 : f32
    %mul3A_1086 = vector.broadcast %mul3A_1085 : f32 to vector<16xf32>
    %mul3A_1087 = arith.mulf %mul3A_1086, %gather3A_1074 : vector<16xf32>
    %swap3A_1088 = arith.constant 1 : i32
    %swap3A_1089 = arith.index_cast %swap3A_1088 : i32 to index
    %swap3A_1090 = arith.constant 112 : index
    %swap3A_1091 = tpu.vector_load %arg8[%swap3A_1089, %swap3A_1090] {strides = array<i32>} : memref<8x256xf32, #tpu.memory_space<vmem>>, vector<16xf32>,
    tpu.vector_store %arg8[%swap3A_1089, %swap3A_1090], %mul3A_1087 {strides = array<i32>} : memref<8x256xf32, #tpu.memory_space<vmem>>, vector<16xf32>,
    %mul3A_1092 = arith.constant -2.000000e+00 : f32
    %mul3A_1093 = vector.broadcast %mul3A_1092 : f32 to vector<16xf32>
    %mul3A_1094 = arith.mulf %mul3A_1093, %gather3A_1077 : vector<16xf32>
    %swap3A_1095 = arith.constant 2 : i32
    %swap3A_1096 = arith.index_cast %swap3A_1095 : i32 to index
    %swap3A_1097 = arith.constant 112 : index
    %swap3A_1098 = tpu.vector_load %arg8[%swap3A_1096, %swap3A_1097] {strides = array<i32>} : memref<8x256xf32, #tpu.memory_space<vmem>>, vector<16xf32>,
    tpu.vector_store %arg8[%swap3A_1096, %swap3A_1097], %mul3A_1094 {strides = array<i32>} : memref<8x256xf32, #tpu.memory_space<vmem>>, vector<16xf32>,
    %mul3A_1099 = arith.mulf %gather3A_1071, %gather3A_1071 : vector<16xf32>
    %mul3A_1100 = arith.mulf %gather3A_1074, %gather3A_1074 : vector<16xf32>
    %add3A_1101 = arith.addf %mul3A_1099, %mul3A_1100 : vector<16xf32>
    %mul3A_1102 = arith.mulf %gather3A_1077, %gather3A_1077 : vector<16xf32>
    %add3A_1103 = arith.addf %add3A_1101, %mul3A_1102 : vector<16xf32>
    %bitcast3A_1104 = vector.bitcast %add3A_1103 : vector<16xf32> to vector<16xi32>
    %add3A_1105 = arith.constant 32767 : i32
    %add3A_1106 = vector.broadcast %add3A_1105 : i32 to vector<16xi32>
    %add3A_1107 = arith.addi %bitcast3A_1104, %add3A_1106 : vector<16xi32>
    %shift_right_logical3A_1108 = arith.constant 16 : i32
    %shift_right_logical3A_1109 = vector.broadcast %shift_right_logical3A_1108 : i32 to vector<16xi32>
    %shift_right_logical3A_1110 = arith.shrui %bitcast3A_1104, %shift_right_logical3A_1109 : vector<16xi32>
    %and3A_1111 = arith.constant 1 : i32
    %and3A_1112 = vector.broadcast %and3A_1111 : i32 to vector<16xi32>
    %and3A_1113 = arith.andi %shift_right_logical3A_1110, %and3A_1112 : vector<16xi32>
    %add3A_1114 = arith.addi %add3A_1107, %and3A_1113 : vector<16xi32>
    %and3A_1115 = arith.constant -65536 : i32
    %and3A_1116 = vector.broadcast %and3A_1115 : i32 to vector<16xi32>
    %and3A_1117 = arith.andi %add3A_1114, %and3A_1116 : vector<16xi32>
    %bitcast3A_1118 = vector.bitcast %and3A_1117 : vector<16xi32> to vector<16xf32>
    %sub3A_1119 = arith.subf %add3A_1103, %bitcast3A_1118 : vector<16xf32>
    %bitcast3A_1120 = vector.bitcast %sub3A_1119 : vector<16xf32> to vector<16xi32>
    %add3A_1121 = arith.constant 32767 : i32
    %add3A_1122 = vector.broadcast %add3A_1121 : i32 to vector<16xi32>
    %add3A_1123 = arith.addi %bitcast3A_1120, %add3A_1122 : vector<16xi32>
    %shift_right_logical3A_1124 = arith.constant 16 : i32
    %shift_right_logical3A_1125 = vector.broadcast %shift_right_logical3A_1124 : i32 to vector<16xi32>
    %shift_right_logical3A_1126 = arith.shrui %bitcast3A_1120, %shift_right_logical3A_1125 : vector<16xi32>
    %and3A_1127 = arith.constant 1 : i32
    %and3A_1128 = vector.broadcast %and3A_1127 : i32 to vector<16xi32>
    %and3A_1129 = arith.andi %shift_right_logical3A_1126, %and3A_1128 : vector<16xi32>
    %add3A_1130 = arith.addi %add3A_1123, %and3A_1129 : vector<16xi32>
    %and3A_1131 = arith.constant -65536 : i32
    %and3A_1132 = vector.broadcast %and3A_1131 : i32 to vector<16xi32>
    %and3A_1133 = arith.andi %add3A_1130, %and3A_1132 : vector<16xi32>
    %bitcast3A_1134 = vector.bitcast %and3A_1133 : vector<16xi32> to vector<16xf32>
    %sub3A_1135 = arith.subf %sub3A_1119, %bitcast3A_1134 : vector<16xf32>
    %bitcast3A_1136 = vector.bitcast %sub3A_1135 : vector<16xf32> to vector<16xi32>
    %add3A_1137 = arith.constant 32767 : i32
    %add3A_1138 = vector.broadcast %add3A_1137 : i32 to vector<16xi32>
    %add3A_1139 = arith.addi %bitcast3A_1136, %add3A_1138 : vector<16xi32>
    %shift_right_logical3A_1140 = arith.constant 16 : i32
    %shift_right_logical3A_1141 = vector.broadcast %shift_right_logical3A_1140 : i32 to vector<16xi32>
    %shift_right_logical3A_1142 = arith.shrui %bitcast3A_1136, %shift_right_logical3A_1141 : vector<16xi32>
    %and3A_1143 = arith.constant 1 : i32
    %and3A_1144 = vector.broadcast %and3A_1143 : i32 to vector<16xi32>
    %and3A_1145 = arith.andi %shift_right_logical3A_1142, %and3A_1144 : vector<16xi32>
    %add3A_1146 = arith.addi %add3A_1139, %and3A_1145 : vector<16xi32>
    %and3A_1147 = arith.constant -65536 : i32
    %and3A_1148 = vector.broadcast %and3A_1147 : i32 to vector<16xi32>
    %and3A_1149 = arith.andi %add3A_1146, %and3A_1148 : vector<16xi32>
    %bitcast3A_1150 = vector.bitcast %and3A_1149 : vector<16xi32> to vector<16xf32>
    %swap3A_1151 = arith.constant 3 : i32
    %swap3A_1152 = arith.index_cast %swap3A_1151 : i32 to index
    %swap3A_1153 = arith.constant 112 : index
    %swap3A_1154 = tpu.vector_load %arg8[%swap3A_1152, %swap3A_1153] {strides = array<i32>} : memref<8x256xf32, #tpu.memory_space<vmem>>, vector<16xf32>,
    tpu.vector_store %arg8[%swap3A_1152, %swap3A_1153], %bitcast3A_1118 {strides = array<i32>} : memref<8x256xf32, #tpu.memory_space<vmem>>, vector<16xf32>,
    %swap3A_1155 = arith.constant 4 : i32
    %swap3A_1156 = arith.index_cast %swap3A_1155 : i32 to index
    %swap3A_1157 = arith.constant 112 : index
    %swap3A_1158 = tpu.vector_load %arg8[%swap3A_1156, %swap3A_1157] {strides = array<i32>} : memref<8x256xf32, #tpu.memory_space<vmem>>, vector<16xf32>,
    tpu.vector_store %arg8[%swap3A_1156, %swap3A_1157], %bitcast3A_1134 {strides = array<i32>} : memref<8x256xf32, #tpu.memory_space<vmem>>, vector<16xf32>,
    %swap3A_1159 = arith.constant 5 : i32
    %swap3A_1160 = arith.index_cast %swap3A_1159 : i32 to index
    %swap3A_1161 = arith.constant 112 : index
    %swap3A_1162 = tpu.vector_load %arg8[%swap3A_1160, %swap3A_1161] {strides = array<i32>} : memref<8x256xf32, #tpu.memory_space<vmem>>, vector<16xf32>,
    tpu.vector_store %arg8[%swap3A_1160, %swap3A_1161], %bitcast3A_1150 {strides = array<i32>} : memref<8x256xf32, #tpu.memory_space<vmem>>, vector<16xf32>,
    %add3A_1163 = arith.constant 128 : i32
    %add3A_1164 = vector.broadcast %add3A_1163 : i32 to vector<16xi32>
    %add3A_1165 = arith.addi %iota3A, %add3A_1164 : vector<16xi32>
    %broadcast_in_dim3A_1166 = arith.constant 0 : i32
    %broadcast_in_dim3A_1167 = vector.broadcast %broadcast_in_dim3A_1166 : i32 to vector<16xi32>
    %gather3A_1168 = tpu.vector_load_idx %arg7[%add3A_1165, %broadcast_in_dim3A_1167] : memref<256x16xf32, #tpu.memory_space<vmem>>[vector<16xi32>, vector<16xi32>], vector<16xf32>,
    %broadcast_in_dim3A_1169 = arith.constant 1 : i32
    %broadcast_in_dim3A_1170 = vector.broadcast %broadcast_in_dim3A_1169 : i32 to vector<16xi32>
    %gather3A_1171 = tpu.vector_load_idx %arg7[%add3A_1165, %broadcast_in_dim3A_1170] : memref<256x16xf32, #tpu.memory_space<vmem>>[vector<16xi32>, vector<16xi32>], vector<16xf32>,
    %broadcast_in_dim3A_1172 = arith.constant 2 : i32
    %broadcast_in_dim3A_1173 = vector.broadcast %broadcast_in_dim3A_1172 : i32 to vector<16xi32>
    %gather3A_1174 = tpu.vector_load_idx %arg7[%add3A_1165, %broadcast_in_dim3A_1173] : memref<256x16xf32, #tpu.memory_space<vmem>>[vector<16xi32>, vector<16xi32>], vector<16xf32>,
    %mul3A_1175 = arith.constant -2.000000e+00 : f32
    %mul3A_1176 = vector.broadcast %mul3A_1175 : f32 to vector<16xf32>
    %mul3A_1177 = arith.mulf %mul3A_1176, %gather3A_1168 : vector<16xf32>
    %swap3A_1178 = arith.constant 0 : i32
    %swap3A_1179 = arith.index_cast %swap3A_1178 : i32 to index
    %swap3A_1180 = arith.constant 128 : index
    %swap3A_1181 = tpu.vector_load %arg8[%swap3A_1179, %swap3A_1180] {strides = array<i32>} : memref<8x256xf32, #tpu.memory_space<vmem>>, vector<16xf32>,
    tpu.vector_store %arg8[%swap3A_1179, %swap3A_1180], %mul3A_1177 {strides = array<i32>} : memref<8x256xf32, #tpu.memory_space<vmem>>, vector<16xf32>,
    %mul3A_1182 = arith.constant -2.000000e+00 : f32
    %mul3A_1183 = vector.broadcast %mul3A_1182 : f32 to vector<16xf32>
    %mul3A_1184 = arith.mulf %mul3A_1183, %gather3A_1171 : vector<16xf32>
    %swap3A_1185 = arith.constant 1 : i32
    %swap3A_1186 = arith.index_cast %swap3A_1185 : i32 to index
    %swap3A_1187 = arith.constant 128 : index
    %swap3A_1188 = tpu.vector_load %arg8[%swap3A_1186, %swap3A_1187] {strides = array<i32>} : memref<8x256xf32, #tpu.memory_space<vmem>>, vector<16xf32>,
    tpu.vector_store %arg8[%swap3A_1186, %swap3A_1187], %mul3A_1184 {strides = array<i32>} : memref<8x256xf32, #tpu.memory_space<vmem>>, vector<16xf32>,
    %mul3A_1189 = arith.constant -2.000000e+00 : f32
    %mul3A_1190 = vector.broadcast %mul3A_1189 : f32 to vector<16xf32>
    %mul3A_1191 = arith.mulf %mul3A_1190, %gather3A_1174 : vector<16xf32>
    %swap3A_1192 = arith.constant 2 : i32
    %swap3A_1193 = arith.index_cast %swap3A_1192 : i32 to index
    %swap3A_1194 = arith.constant 128 : index
    %swap3A_1195 = tpu.vector_load %arg8[%swap3A_1193, %swap3A_1194] {strides = array<i32>} : memref<8x256xf32, #tpu.memory_space<vmem>>, vector<16xf32>,
    tpu.vector_store %arg8[%swap3A_1193, %swap3A_1194], %mul3A_1191 {strides = array<i32>} : memref<8x256xf32, #tpu.memory_space<vmem>>, vector<16xf32>,
    %mul3A_1196 = arith.mulf %gather3A_1168, %gather3A_1168 : vector<16xf32>
    %mul3A_1197 = arith.mulf %gather3A_1171, %gather3A_1171 : vector<16xf32>
    %add3A_1198 = arith.addf %mul3A_1196, %mul3A_1197 : vector<16xf32>
    %mul3A_1199 = arith.mulf %gather3A_1174, %gather3A_1174 : vector<16xf32>
    %add3A_1200 = arith.addf %add3A_1198, %mul3A_1199 : vector<16xf32>
    %bitcast3A_1201 = vector.bitcast %add3A_1200 : vector<16xf32> to vector<16xi32>
    %add3A_1202 = arith.constant 32767 : i32
    %add3A_1203 = vector.broadcast %add3A_1202 : i32 to vector<16xi32>
    %add3A_1204 = arith.addi %bitcast3A_1201, %add3A_1203 : vector<16xi32>
    %shift_right_logical3A_1205 = arith.constant 16 : i32
    %shift_right_logical3A_1206 = vector.broadcast %shift_right_logical3A_1205 : i32 to vector<16xi32>
    %shift_right_logical3A_1207 = arith.shrui %bitcast3A_1201, %shift_right_logical3A_1206 : vector<16xi32>
    %and3A_1208 = arith.constant 1 : i32
    %and3A_1209 = vector.broadcast %and3A_1208 : i32 to vector<16xi32>
    %and3A_1210 = arith.andi %shift_right_logical3A_1207, %and3A_1209 : vector<16xi32>
    %add3A_1211 = arith.addi %add3A_1204, %and3A_1210 : vector<16xi32>
    %and3A_1212 = arith.constant -65536 : i32
    %and3A_1213 = vector.broadcast %and3A_1212 : i32 to vector<16xi32>
    %and3A_1214 = arith.andi %add3A_1211, %and3A_1213 : vector<16xi32>
    %bitcast3A_1215 = vector.bitcast %and3A_1214 : vector<16xi32> to vector<16xf32>
    %sub3A_1216 = arith.subf %add3A_1200, %bitcast3A_1215 : vector<16xf32>
    %bitcast3A_1217 = vector.bitcast %sub3A_1216 : vector<16xf32> to vector<16xi32>
    %add3A_1218 = arith.constant 32767 : i32
    %add3A_1219 = vector.broadcast %add3A_1218 : i32 to vector<16xi32>
    %add3A_1220 = arith.addi %bitcast3A_1217, %add3A_1219 : vector<16xi32>
    %shift_right_logical3A_1221 = arith.constant 16 : i32
    %shift_right_logical3A_1222 = vector.broadcast %shift_right_logical3A_1221 : i32 to vector<16xi32>
    %shift_right_logical3A_1223 = arith.shrui %bitcast3A_1217, %shift_right_logical3A_1222 : vector<16xi32>
    %and3A_1224 = arith.constant 1 : i32
    %and3A_1225 = vector.broadcast %and3A_1224 : i32 to vector<16xi32>
    %and3A_1226 = arith.andi %shift_right_logical3A_1223, %and3A_1225 : vector<16xi32>
    %add3A_1227 = arith.addi %add3A_1220, %and3A_1226 : vector<16xi32>
    %and3A_1228 = arith.constant -65536 : i32
    %and3A_1229 = vector.broadcast %and3A_1228 : i32 to vector<16xi32>
    %and3A_1230 = arith.andi %add3A_1227, %and3A_1229 : vector<16xi32>
    %bitcast3A_1231 = vector.bitcast %and3A_1230 : vector<16xi32> to vector<16xf32>
    %sub3A_1232 = arith.subf %sub3A_1216, %bitcast3A_1231 : vector<16xf32>
    %bitcast3A_1233 = vector.bitcast %sub3A_1232 : vector<16xf32> to vector<16xi32>
    %add3A_1234 = arith.constant 32767 : i32
    %add3A_1235 = vector.broadcast %add3A_1234 : i32 to vector<16xi32>
    %add3A_1236 = arith.addi %bitcast3A_1233, %add3A_1235 : vector<16xi32>
    %shift_right_logical3A_1237 = arith.constant 16 : i32
    %shift_right_logical3A_1238 = vector.broadcast %shift_right_logical3A_1237 : i32 to vector<16xi32>
    %shift_right_logical3A_1239 = arith.shrui %bitcast3A_1233, %shift_right_logical3A_1238 : vector<16xi32>
    %and3A_1240 = arith.constant 1 : i32
    %and3A_1241 = vector.broadcast %and3A_1240 : i32 to vector<16xi32>
    %and3A_1242 = arith.andi %shift_right_logical3A_1239, %and3A_1241 : vector<16xi32>
    %add3A_1243 = arith.addi %add3A_1236, %and3A_1242 : vector<16xi32>
    %and3A_1244 = arith.constant -65536 : i32
    %and3A_1245 = vector.broadcast %and3A_1244 : i32 to vector<16xi32>
    %and3A_1246 = arith.andi %add3A_1243, %and3A_1245 : vector<16xi32>
    %bitcast3A_1247 = vector.bitcast %and3A_1246 : vector<16xi32> to vector<16xf32>
    %swap3A_1248 = arith.constant 3 : i32
    %swap3A_1249 = arith.index_cast %swap3A_1248 : i32 to index
    %swap3A_1250 = arith.constant 128 : index
    %swap3A_1251 = tpu.vector_load %arg8[%swap3A_1249, %swap3A_1250] {strides = array<i32>} : memref<8x256xf32, #tpu.memory_space<vmem>>, vector<16xf32>,
    tpu.vector_store %arg8[%swap3A_1249, %swap3A_1250], %bitcast3A_1215 {strides = array<i32>} : memref<8x256xf32, #tpu.memory_space<vmem>>, vector<16xf32>,
    %swap3A_1252 = arith.constant 4 : i32
    %swap3A_1253 = arith.index_cast %swap3A_1252 : i32 to index
    %swap3A_1254 = arith.constant 128 : index
    %swap3A_1255 = tpu.vector_load %arg8[%swap3A_1253, %swap3A_1254] {strides = array<i32>} : memref<8x256xf32, #tpu.memory_space<vmem>>, vector<16xf32>,
    tpu.vector_store %arg8[%swap3A_1253, %swap3A_1254], %bitcast3A_1231 {strides = array<i32>} : memref<8x256xf32, #tpu.memory_space<vmem>>, vector<16xf32>,
    %swap3A_1256 = arith.constant 5 : i32
    %swap3A_1257 = arith.index_cast %swap3A_1256 : i32 to index
    %swap3A_1258 = arith.constant 128 : index
    %swap3A_1259 = tpu.vector_load %arg8[%swap3A_1257, %swap3A_1258] {strides = array<i32>} : memref<8x256xf32, #tpu.memory_space<vmem>>, vector<16xf32>,
    tpu.vector_store %arg8[%swap3A_1257, %swap3A_1258], %bitcast3A_1247 {strides = array<i32>} : memref<8x256xf32, #tpu.memory_space<vmem>>, vector<16xf32>,
    %add3A_1260 = arith.constant 144 : i32
    %add3A_1261 = vector.broadcast %add3A_1260 : i32 to vector<16xi32>
    %add3A_1262 = arith.addi %iota3A, %add3A_1261 : vector<16xi32>
    %broadcast_in_dim3A_1263 = arith.constant 0 : i32
    %broadcast_in_dim3A_1264 = vector.broadcast %broadcast_in_dim3A_1263 : i32 to vector<16xi32>
    %gather3A_1265 = tpu.vector_load_idx %arg7[%add3A_1262, %broadcast_in_dim3A_1264] : memref<256x16xf32, #tpu.memory_space<vmem>>[vector<16xi32>, vector<16xi32>], vector<16xf32>,
    %broadcast_in_dim3A_1266 = arith.constant 1 : i32
    %broadcast_in_dim3A_1267 = vector.broadcast %broadcast_in_dim3A_1266 : i32 to vector<16xi32>
    %gather3A_1268 = tpu.vector_load_idx %arg7[%add3A_1262, %broadcast_in_dim3A_1267] : memref<256x16xf32, #tpu.memory_space<vmem>>[vector<16xi32>, vector<16xi32>], vector<16xf32>,
    %broadcast_in_dim3A_1269 = arith.constant 2 : i32
    %broadcast_in_dim3A_1270 = vector.broadcast %broadcast_in_dim3A_1269 : i32 to vector<16xi32>
    %gather3A_1271 = tpu.vector_load_idx %arg7[%add3A_1262, %broadcast_in_dim3A_1270] : memref<256x16xf32, #tpu.memory_space<vmem>>[vector<16xi32>, vector<16xi32>], vector<16xf32>,
    %mul3A_1272 = arith.constant -2.000000e+00 : f32
    %mul3A_1273 = vector.broadcast %mul3A_1272 : f32 to vector<16xf32>
    %mul3A_1274 = arith.mulf %mul3A_1273, %gather3A_1265 : vector<16xf32>
    %swap3A_1275 = arith.constant 0 : i32
    %swap3A_1276 = arith.index_cast %swap3A_1275 : i32 to index
    %swap3A_1277 = arith.constant 144 : index
    %swap3A_1278 = tpu.vector_load %arg8[%swap3A_1276, %swap3A_1277] {strides = array<i32>} : memref<8x256xf32, #tpu.memory_space<vmem>>, vector<16xf32>,
    tpu.vector_store %arg8[%swap3A_1276, %swap3A_1277], %mul3A_1274 {strides = array<i32>} : memref<8x256xf32, #tpu.memory_space<vmem>>, vector<16xf32>,
    %mul3A_1279 = arith.constant -2.000000e+00 : f32
    %mul3A_1280 = vector.broadcast %mul3A_1279 : f32 to vector<16xf32>
    %mul3A_1281 = arith.mulf %mul3A_1280, %gather3A_1268 : vector<16xf32>
    %swap3A_1282 = arith.constant 1 : i32
    %swap3A_1283 = arith.index_cast %swap3A_1282 : i32 to index
    %swap3A_1284 = arith.constant 144 : index
    %swap3A_1285 = tpu.vector_load %arg8[%swap3A_1283, %swap3A_1284] {strides = array<i32>} : memref<8x256xf32, #tpu.memory_space<vmem>>, vector<16xf32>,
    tpu.vector_store %arg8[%swap3A_1283, %swap3A_1284], %mul3A_1281 {strides = array<i32>} : memref<8x256xf32, #tpu.memory_space<vmem>>, vector<16xf32>,
    %mul3A_1286 = arith.constant -2.000000e+00 : f32
    %mul3A_1287 = vector.broadcast %mul3A_1286 : f32 to vector<16xf32>
    %mul3A_1288 = arith.mulf %mul3A_1287, %gather3A_1271 : vector<16xf32>
    %swap3A_1289 = arith.constant 2 : i32
    %swap3A_1290 = arith.index_cast %swap3A_1289 : i32 to index
    %swap3A_1291 = arith.constant 144 : index
    %swap3A_1292 = tpu.vector_load %arg8[%swap3A_1290, %swap3A_1291] {strides = array<i32>} : memref<8x256xf32, #tpu.memory_space<vmem>>, vector<16xf32>,
    tpu.vector_store %arg8[%swap3A_1290, %swap3A_1291], %mul3A_1288 {strides = array<i32>} : memref<8x256xf32, #tpu.memory_space<vmem>>, vector<16xf32>,
    %mul3A_1293 = arith.mulf %gather3A_1265, %gather3A_1265 : vector<16xf32>
    %mul3A_1294 = arith.mulf %gather3A_1268, %gather3A_1268 : vector<16xf32>
    %add3A_1295 = arith.addf %mul3A_1293, %mul3A_1294 : vector<16xf32>
    %mul3A_1296 = arith.mulf %gather3A_1271, %gather3A_1271 : vector<16xf32>
    %add3A_1297 = arith.addf %add3A_1295, %mul3A_1296 : vector<16xf32>
    %bitcast3A_1298 = vector.bitcast %add3A_1297 : vector<16xf32> to vector<16xi32>
    %add3A_1299 = arith.constant 32767 : i32
    %add3A_1300 = vector.broadcast %add3A_1299 : i32 to vector<16xi32>
    %add3A_1301 = arith.addi %bitcast3A_1298, %add3A_1300 : vector<16xi32>
    %shift_right_logical3A_1302 = arith.constant 16 : i32
    %shift_right_logical3A_1303 = vector.broadcast %shift_right_logical3A_1302 : i32 to vector<16xi32>
    %shift_right_logical3A_1304 = arith.shrui %bitcast3A_1298, %shift_right_logical3A_1303 : vector<16xi32>
    %and3A_1305 = arith.constant 1 : i32
    %and3A_1306 = vector.broadcast %and3A_1305 : i32 to vector<16xi32>
    %and3A_1307 = arith.andi %shift_right_logical3A_1304, %and3A_1306 : vector<16xi32>
    %add3A_1308 = arith.addi %add3A_1301, %and3A_1307 : vector<16xi32>
    %and3A_1309 = arith.constant -65536 : i32
    %and3A_1310 = vector.broadcast %and3A_1309 : i32 to vector<16xi32>
    %and3A_1311 = arith.andi %add3A_1308, %and3A_1310 : vector<16xi32>
    %bitcast3A_1312 = vector.bitcast %and3A_1311 : vector<16xi32> to vector<16xf32>
    %sub3A_1313 = arith.subf %add3A_1297, %bitcast3A_1312 : vector<16xf32>
    %bitcast3A_1314 = vector.bitcast %sub3A_1313 : vector<16xf32> to vector<16xi32>
    %add3A_1315 = arith.constant 32767 : i32
    %add3A_1316 = vector.broadcast %add3A_1315 : i32 to vector<16xi32>
    %add3A_1317 = arith.addi %bitcast3A_1314, %add3A_1316 : vector<16xi32>
    %shift_right_logical3A_1318 = arith.constant 16 : i32
    %shift_right_logical3A_1319 = vector.broadcast %shift_right_logical3A_1318 : i32 to vector<16xi32>
    %shift_right_logical3A_1320 = arith.shrui %bitcast3A_1314, %shift_right_logical3A_1319 : vector<16xi32>
    %and3A_1321 = arith.constant 1 : i32
    %and3A_1322 = vector.broadcast %and3A_1321 : i32 to vector<16xi32>
    %and3A_1323 = arith.andi %shift_right_logical3A_1320, %and3A_1322 : vector<16xi32>
    %add3A_1324 = arith.addi %add3A_1317, %and3A_1323 : vector<16xi32>
    %and3A_1325 = arith.constant -65536 : i32
    %and3A_1326 = vector.broadcast %and3A_1325 : i32 to vector<16xi32>
    %and3A_1327 = arith.andi %add3A_1324, %and3A_1326 : vector<16xi32>
    %bitcast3A_1328 = vector.bitcast %and3A_1327 : vector<16xi32> to vector<16xf32>
    %sub3A_1329 = arith.subf %sub3A_1313, %bitcast3A_1328 : vector<16xf32>
    %bitcast3A_1330 = vector.bitcast %sub3A_1329 : vector<16xf32> to vector<16xi32>
    %add3A_1331 = arith.constant 32767 : i32
    %add3A_1332 = vector.broadcast %add3A_1331 : i32 to vector<16xi32>
    %add3A_1333 = arith.addi %bitcast3A_1330, %add3A_1332 : vector<16xi32>
    %shift_right_logical3A_1334 = arith.constant 16 : i32
    %shift_right_logical3A_1335 = vector.broadcast %shift_right_logical3A_1334 : i32 to vector<16xi32>
    %shift_right_logical3A_1336 = arith.shrui %bitcast3A_1330, %shift_right_logical3A_1335 : vector<16xi32>
    %and3A_1337 = arith.constant 1 : i32
    %and3A_1338 = vector.broadcast %and3A_1337 : i32 to vector<16xi32>
    %and3A_1339 = arith.andi %shift_right_logical3A_1336, %and3A_1338 : vector<16xi32>
    %add3A_1340 = arith.addi %add3A_1333, %and3A_1339 : vector<16xi32>
    %and3A_1341 = arith.constant -65536 : i32
    %and3A_1342 = vector.broadcast %and3A_1341 : i32 to vector<16xi32>
    %and3A_1343 = arith.andi %add3A_1340, %and3A_1342 : vector<16xi32>
    %bitcast3A_1344 = vector.bitcast %and3A_1343 : vector<16xi32> to vector<16xf32>
    %swap3A_1345 = arith.constant 3 : i32
    %swap3A_1346 = arith.index_cast %swap3A_1345 : i32 to index
    %swap3A_1347 = arith.constant 144 : index
    %swap3A_1348 = tpu.vector_load %arg8[%swap3A_1346, %swap3A_1347] {strides = array<i32>} : memref<8x256xf32, #tpu.memory_space<vmem>>, vector<16xf32>,
    tpu.vector_store %arg8[%swap3A_1346, %swap3A_1347], %bitcast3A_1312 {strides = array<i32>} : memref<8x256xf32, #tpu.memory_space<vmem>>, vector<16xf32>,
    %swap3A_1349 = arith.constant 4 : i32
    %swap3A_1350 = arith.index_cast %swap3A_1349 : i32 to index
    %swap3A_1351 = arith.constant 144 : index
    %swap3A_1352 = tpu.vector_load %arg8[%swap3A_1350, %swap3A_1351] {strides = array<i32>} : memref<8x256xf32, #tpu.memory_space<vmem>>, vector<16xf32>,
    tpu.vector_store %arg8[%swap3A_1350, %swap3A_1351], %bitcast3A_1328 {strides = array<i32>} : memref<8x256xf32, #tpu.memory_space<vmem>>, vector<16xf32>,
    %swap3A_1353 = arith.constant 5 : i32
    %swap3A_1354 = arith.index_cast %swap3A_1353 : i32 to index
    %swap3A_1355 = arith.constant 144 : index
    %swap3A_1356 = tpu.vector_load %arg8[%swap3A_1354, %swap3A_1355] {strides = array<i32>} : memref<8x256xf32, #tpu.memory_space<vmem>>, vector<16xf32>,
    tpu.vector_store %arg8[%swap3A_1354, %swap3A_1355], %bitcast3A_1344 {strides = array<i32>} : memref<8x256xf32, #tpu.memory_space<vmem>>, vector<16xf32>,
    %add3A_1357 = arith.constant 160 : i32
    %add3A_1358 = vector.broadcast %add3A_1357 : i32 to vector<16xi32>
    %add3A_1359 = arith.addi %iota3A, %add3A_1358 : vector<16xi32>
    %broadcast_in_dim3A_1360 = arith.constant 0 : i32
    %broadcast_in_dim3A_1361 = vector.broadcast %broadcast_in_dim3A_1360 : i32 to vector<16xi32>
    %gather3A_1362 = tpu.vector_load_idx %arg7[%add3A_1359, %broadcast_in_dim3A_1361] : memref<256x16xf32, #tpu.memory_space<vmem>>[vector<16xi32>, vector<16xi32>], vector<16xf32>,
    %broadcast_in_dim3A_1363 = arith.constant 1 : i32
    %broadcast_in_dim3A_1364 = vector.broadcast %broadcast_in_dim3A_1363 : i32 to vector<16xi32>
    %gather3A_1365 = tpu.vector_load_idx %arg7[%add3A_1359, %broadcast_in_dim3A_1364] : memref<256x16xf32, #tpu.memory_space<vmem>>[vector<16xi32>, vector<16xi32>], vector<16xf32>,
    %broadcast_in_dim3A_1366 = arith.constant 2 : i32
    %broadcast_in_dim3A_1367 = vector.broadcast %broadcast_in_dim3A_1366 : i32 to vector<16xi32>
    %gather3A_1368 = tpu.vector_load_idx %arg7[%add3A_1359, %broadcast_in_dim3A_1367] : memref<256x16xf32, #tpu.memory_space<vmem>>[vector<16xi32>, vector<16xi32>], vector<16xf32>,
    %mul3A_1369 = arith.constant -2.000000e+00 : f32
    %mul3A_1370 = vector.broadcast %mul3A_1369 : f32 to vector<16xf32>
    %mul3A_1371 = arith.mulf %mul3A_1370, %gather3A_1362 : vector<16xf32>
    %swap3A_1372 = arith.constant 0 : i32
    %swap3A_1373 = arith.index_cast %swap3A_1372 : i32 to index
    %swap3A_1374 = arith.constant 160 : index
    %swap3A_1375 = tpu.vector_load %arg8[%swap3A_1373, %swap3A_1374] {strides = array<i32>} : memref<8x256xf32, #tpu.memory_space<vmem>>, vector<16xf32>,
    tpu.vector_store %arg8[%swap3A_1373, %swap3A_1374], %mul3A_1371 {strides = array<i32>} : memref<8x256xf32, #tpu.memory_space<vmem>>, vector<16xf32>,
    %mul3A_1376 = arith.constant -2.000000e+00 : f32
    %mul3A_1377 = vector.broadcast %mul3A_1376 : f32 to vector<16xf32>
    %mul3A_1378 = arith.mulf %mul3A_1377, %gather3A_1365 : vector<16xf32>
    %swap3A_1379 = arith.constant 1 : i32
    %swap3A_1380 = arith.index_cast %swap3A_1379 : i32 to index
    %swap3A_1381 = arith.constant 160 : index
    %swap3A_1382 = tpu.vector_load %arg8[%swap3A_1380, %swap3A_1381] {strides = array<i32>} : memref<8x256xf32, #tpu.memory_space<vmem>>, vector<16xf32>,
    tpu.vector_store %arg8[%swap3A_1380, %swap3A_1381], %mul3A_1378 {strides = array<i32>} : memref<8x256xf32, #tpu.memory_space<vmem>>, vector<16xf32>,
    %mul3A_1383 = arith.constant -2.000000e+00 : f32
    %mul3A_1384 = vector.broadcast %mul3A_1383 : f32 to vector<16xf32>
    %mul3A_1385 = arith.mulf %mul3A_1384, %gather3A_1368 : vector<16xf32>
    %swap3A_1386 = arith.constant 2 : i32
    %swap3A_1387 = arith.index_cast %swap3A_1386 : i32 to index
    %swap3A_1388 = arith.constant 160 : index
    %swap3A_1389 = tpu.vector_load %arg8[%swap3A_1387, %swap3A_1388] {strides = array<i32>} : memref<8x256xf32, #tpu.memory_space<vmem>>, vector<16xf32>,
    tpu.vector_store %arg8[%swap3A_1387, %swap3A_1388], %mul3A_1385 {strides = array<i32>} : memref<8x256xf32, #tpu.memory_space<vmem>>, vector<16xf32>,
    %mul3A_1390 = arith.mulf %gather3A_1362, %gather3A_1362 : vector<16xf32>
    %mul3A_1391 = arith.mulf %gather3A_1365, %gather3A_1365 : vector<16xf32>
    %add3A_1392 = arith.addf %mul3A_1390, %mul3A_1391 : vector<16xf32>
    %mul3A_1393 = arith.mulf %gather3A_1368, %gather3A_1368 : vector<16xf32>
    %add3A_1394 = arith.addf %add3A_1392, %mul3A_1393 : vector<16xf32>
    %bitcast3A_1395 = vector.bitcast %add3A_1394 : vector<16xf32> to vector<16xi32>
    %add3A_1396 = arith.constant 32767 : i32
    %add3A_1397 = vector.broadcast %add3A_1396 : i32 to vector<16xi32>
    %add3A_1398 = arith.addi %bitcast3A_1395, %add3A_1397 : vector<16xi32>
    %shift_right_logical3A_1399 = arith.constant 16 : i32
    %shift_right_logical3A_1400 = vector.broadcast %shift_right_logical3A_1399 : i32 to vector<16xi32>
    %shift_right_logical3A_1401 = arith.shrui %bitcast3A_1395, %shift_right_logical3A_1400 : vector<16xi32>
    %and3A_1402 = arith.constant 1 : i32
    %and3A_1403 = vector.broadcast %and3A_1402 : i32 to vector<16xi32>
    %and3A_1404 = arith.andi %shift_right_logical3A_1401, %and3A_1403 : vector<16xi32>
    %add3A_1405 = arith.addi %add3A_1398, %and3A_1404 : vector<16xi32>
    %and3A_1406 = arith.constant -65536 : i32
    %and3A_1407 = vector.broadcast %and3A_1406 : i32 to vector<16xi32>
    %and3A_1408 = arith.andi %add3A_1405, %and3A_1407 : vector<16xi32>
    %bitcast3A_1409 = vector.bitcast %and3A_1408 : vector<16xi32> to vector<16xf32>
    %sub3A_1410 = arith.subf %add3A_1394, %bitcast3A_1409 : vector<16xf32>
    %bitcast3A_1411 = vector.bitcast %sub3A_1410 : vector<16xf32> to vector<16xi32>
    %add3A_1412 = arith.constant 32767 : i32
    %add3A_1413 = vector.broadcast %add3A_1412 : i32 to vector<16xi32>
    %add3A_1414 = arith.addi %bitcast3A_1411, %add3A_1413 : vector<16xi32>
    %shift_right_logical3A_1415 = arith.constant 16 : i32
    %shift_right_logical3A_1416 = vector.broadcast %shift_right_logical3A_1415 : i32 to vector<16xi32>
    %shift_right_logical3A_1417 = arith.shrui %bitcast3A_1411, %shift_right_logical3A_1416 : vector<16xi32>
    %and3A_1418 = arith.constant 1 : i32
    %and3A_1419 = vector.broadcast %and3A_1418 : i32 to vector<16xi32>
    %and3A_1420 = arith.andi %shift_right_logical3A_1417, %and3A_1419 : vector<16xi32>
    %add3A_1421 = arith.addi %add3A_1414, %and3A_1420 : vector<16xi32>
    %and3A_1422 = arith.constant -65536 : i32
    %and3A_1423 = vector.broadcast %and3A_1422 : i32 to vector<16xi32>
    %and3A_1424 = arith.andi %add3A_1421, %and3A_1423 : vector<16xi32>
    %bitcast3A_1425 = vector.bitcast %and3A_1424 : vector<16xi32> to vector<16xf32>
    %sub3A_1426 = arith.subf %sub3A_1410, %bitcast3A_1425 : vector<16xf32>
    %bitcast3A_1427 = vector.bitcast %sub3A_1426 : vector<16xf32> to vector<16xi32>
    %add3A_1428 = arith.constant 32767 : i32
    %add3A_1429 = vector.broadcast %add3A_1428 : i32 to vector<16xi32>
    %add3A_1430 = arith.addi %bitcast3A_1427, %add3A_1429 : vector<16xi32>
    %shift_right_logical3A_1431 = arith.constant 16 : i32
    %shift_right_logical3A_1432 = vector.broadcast %shift_right_logical3A_1431 : i32 to vector<16xi32>
    %shift_right_logical3A_1433 = arith.shrui %bitcast3A_1427, %shift_right_logical3A_1432 : vector<16xi32>
    %and3A_1434 = arith.constant 1 : i32
    %and3A_1435 = vector.broadcast %and3A_1434 : i32 to vector<16xi32>
    %and3A_1436 = arith.andi %shift_right_logical3A_1433, %and3A_1435 : vector<16xi32>
    %add3A_1437 = arith.addi %add3A_1430, %and3A_1436 : vector<16xi32>
    %and3A_1438 = arith.constant -65536 : i32
    %and3A_1439 = vector.broadcast %and3A_1438 : i32 to vector<16xi32>
    %and3A_1440 = arith.andi %add3A_1437, %and3A_1439 : vector<16xi32>
    %bitcast3A_1441 = vector.bitcast %and3A_1440 : vector<16xi32> to vector<16xf32>
    %swap3A_1442 = arith.constant 3 : i32
    %swap3A_1443 = arith.index_cast %swap3A_1442 : i32 to index
    %swap3A_1444 = arith.constant 160 : index
    %swap3A_1445 = tpu.vector_load %arg8[%swap3A_1443, %swap3A_1444] {strides = array<i32>} : memref<8x256xf32, #tpu.memory_space<vmem>>, vector<16xf32>,
    tpu.vector_store %arg8[%swap3A_1443, %swap3A_1444], %bitcast3A_1409 {strides = array<i32>} : memref<8x256xf32, #tpu.memory_space<vmem>>, vector<16xf32>,
    %swap3A_1446 = arith.constant 4 : i32
    %swap3A_1447 = arith.index_cast %swap3A_1446 : i32 to index
    %swap3A_1448 = arith.constant 160 : index
    %swap3A_1449 = tpu.vector_load %arg8[%swap3A_1447, %swap3A_1448] {strides = array<i32>} : memref<8x256xf32, #tpu.memory_space<vmem>>, vector<16xf32>,
    tpu.vector_store %arg8[%swap3A_1447, %swap3A_1448], %bitcast3A_1425 {strides = array<i32>} : memref<8x256xf32, #tpu.memory_space<vmem>>, vector<16xf32>,
    %swap3A_1450 = arith.constant 5 : i32
    %swap3A_1451 = arith.index_cast %swap3A_1450 : i32 to index
    %swap3A_1452 = arith.constant 160 : index
    %swap3A_1453 = tpu.vector_load %arg8[%swap3A_1451, %swap3A_1452] {strides = array<i32>} : memref<8x256xf32, #tpu.memory_space<vmem>>, vector<16xf32>,
    tpu.vector_store %arg8[%swap3A_1451, %swap3A_1452], %bitcast3A_1441 {strides = array<i32>} : memref<8x256xf32, #tpu.memory_space<vmem>>, vector<16xf32>,
    %add3A_1454 = arith.constant 176 : i32
    %add3A_1455 = vector.broadcast %add3A_1454 : i32 to vector<16xi32>
    %add3A_1456 = arith.addi %iota3A, %add3A_1455 : vector<16xi32>
    %broadcast_in_dim3A_1457 = arith.constant 0 : i32
    %broadcast_in_dim3A_1458 = vector.broadcast %broadcast_in_dim3A_1457 : i32 to vector<16xi32>
    %gather3A_1459 = tpu.vector_load_idx %arg7[%add3A_1456, %broadcast_in_dim3A_1458] : memref<256x16xf32, #tpu.memory_space<vmem>>[vector<16xi32>, vector<16xi32>], vector<16xf32>,
    %broadcast_in_dim3A_1460 = arith.constant 1 : i32
    %broadcast_in_dim3A_1461 = vector.broadcast %broadcast_in_dim3A_1460 : i32 to vector<16xi32>
    %gather3A_1462 = tpu.vector_load_idx %arg7[%add3A_1456, %broadcast_in_dim3A_1461] : memref<256x16xf32, #tpu.memory_space<vmem>>[vector<16xi32>, vector<16xi32>], vector<16xf32>,
    %broadcast_in_dim3A_1463 = arith.constant 2 : i32
    %broadcast_in_dim3A_1464 = vector.broadcast %broadcast_in_dim3A_1463 : i32 to vector<16xi32>
    %gather3A_1465 = tpu.vector_load_idx %arg7[%add3A_1456, %broadcast_in_dim3A_1464] : memref<256x16xf32, #tpu.memory_space<vmem>>[vector<16xi32>, vector<16xi32>], vector<16xf32>,
    %mul3A_1466 = arith.constant -2.000000e+00 : f32
    %mul3A_1467 = vector.broadcast %mul3A_1466 : f32 to vector<16xf32>
    %mul3A_1468 = arith.mulf %mul3A_1467, %gather3A_1459 : vector<16xf32>
    %swap3A_1469 = arith.constant 0 : i32
    %swap3A_1470 = arith.index_cast %swap3A_1469 : i32 to index
    %swap3A_1471 = arith.constant 176 : index
    %swap3A_1472 = tpu.vector_load %arg8[%swap3A_1470, %swap3A_1471] {strides = array<i32>} : memref<8x256xf32, #tpu.memory_space<vmem>>, vector<16xf32>,
    tpu.vector_store %arg8[%swap3A_1470, %swap3A_1471], %mul3A_1468 {strides = array<i32>} : memref<8x256xf32, #tpu.memory_space<vmem>>, vector<16xf32>,
    %mul3A_1473 = arith.constant -2.000000e+00 : f32
    %mul3A_1474 = vector.broadcast %mul3A_1473 : f32 to vector<16xf32>
    %mul3A_1475 = arith.mulf %mul3A_1474, %gather3A_1462 : vector<16xf32>
    %swap3A_1476 = arith.constant 1 : i32
    %swap3A_1477 = arith.index_cast %swap3A_1476 : i32 to index
    %swap3A_1478 = arith.constant 176 : index
    %swap3A_1479 = tpu.vector_load %arg8[%swap3A_1477, %swap3A_1478] {strides = array<i32>} : memref<8x256xf32, #tpu.memory_space<vmem>>, vector<16xf32>,
    tpu.vector_store %arg8[%swap3A_1477, %swap3A_1478], %mul3A_1475 {strides = array<i32>} : memref<8x256xf32, #tpu.memory_space<vmem>>, vector<16xf32>,
    %mul3A_1480 = arith.constant -2.000000e+00 : f32
    %mul3A_1481 = vector.broadcast %mul3A_1480 : f32 to vector<16xf32>
    %mul3A_1482 = arith.mulf %mul3A_1481, %gather3A_1465 : vector<16xf32>
    %swap3A_1483 = arith.constant 2 : i32
    %swap3A_1484 = arith.index_cast %swap3A_1483 : i32 to index
    %swap3A_1485 = arith.constant 176 : index
    %swap3A_1486 = tpu.vector_load %arg8[%swap3A_1484, %swap3A_1485] {strides = array<i32>} : memref<8x256xf32, #tpu.memory_space<vmem>>, vector<16xf32>,
    tpu.vector_store %arg8[%swap3A_1484, %swap3A_1485], %mul3A_1482 {strides = array<i32>} : memref<8x256xf32, #tpu.memory_space<vmem>>, vector<16xf32>,
    %mul3A_1487 = arith.mulf %gather3A_1459, %gather3A_1459 : vector<16xf32>
    %mul3A_1488 = arith.mulf %gather3A_1462, %gather3A_1462 : vector<16xf32>
    %add3A_1489 = arith.addf %mul3A_1487, %mul3A_1488 : vector<16xf32>
    %mul3A_1490 = arith.mulf %gather3A_1465, %gather3A_1465 : vector<16xf32>
    %add3A_1491 = arith.addf %add3A_1489, %mul3A_1490 : vector<16xf32>
    %bitcast3A_1492 = vector.bitcast %add3A_1491 : vector<16xf32> to vector<16xi32>
    %add3A_1493 = arith.constant 32767 : i32
    %add3A_1494 = vector.broadcast %add3A_1493 : i32 to vector<16xi32>
    %add3A_1495 = arith.addi %bitcast3A_1492, %add3A_1494 : vector<16xi32>
    %shift_right_logical3A_1496 = arith.constant 16 : i32
    %shift_right_logical3A_1497 = vector.broadcast %shift_right_logical3A_1496 : i32 to vector<16xi32>
    %shift_right_logical3A_1498 = arith.shrui %bitcast3A_1492, %shift_right_logical3A_1497 : vector<16xi32>
    %and3A_1499 = arith.constant 1 : i32
    %and3A_1500 = vector.broadcast %and3A_1499 : i32 to vector<16xi32>
    %and3A_1501 = arith.andi %shift_right_logical3A_1498, %and3A_1500 : vector<16xi32>
    %add3A_1502 = arith.addi %add3A_1495, %and3A_1501 : vector<16xi32>
    %and3A_1503 = arith.constant -65536 : i32
    %and3A_1504 = vector.broadcast %and3A_1503 : i32 to vector<16xi32>
    %and3A_1505 = arith.andi %add3A_1502, %and3A_1504 : vector<16xi32>
    %bitcast3A_1506 = vector.bitcast %and3A_1505 : vector<16xi32> to vector<16xf32>
    %sub3A_1507 = arith.subf %add3A_1491, %bitcast3A_1506 : vector<16xf32>
    %bitcast3A_1508 = vector.bitcast %sub3A_1507 : vector<16xf32> to vector<16xi32>
    %add3A_1509 = arith.constant 32767 : i32
    %add3A_1510 = vector.broadcast %add3A_1509 : i32 to vector<16xi32>
    %add3A_1511 = arith.addi %bitcast3A_1508, %add3A_1510 : vector<16xi32>
    %shift_right_logical3A_1512 = arith.constant 16 : i32
    %shift_right_logical3A_1513 = vector.broadcast %shift_right_logical3A_1512 : i32 to vector<16xi32>
    %shift_right_logical3A_1514 = arith.shrui %bitcast3A_1508, %shift_right_logical3A_1513 : vector<16xi32>
    %and3A_1515 = arith.constant 1 : i32
    %and3A_1516 = vector.broadcast %and3A_1515 : i32 to vector<16xi32>
    %and3A_1517 = arith.andi %shift_right_logical3A_1514, %and3A_1516 : vector<16xi32>
    %add3A_1518 = arith.addi %add3A_1511, %and3A_1517 : vector<16xi32>
    %and3A_1519 = arith.constant -65536 : i32
    %and3A_1520 = vector.broadcast %and3A_1519 : i32 to vector<16xi32>
    %and3A_1521 = arith.andi %add3A_1518, %and3A_1520 : vector<16xi32>
    %bitcast3A_1522 = vector.bitcast %and3A_1521 : vector<16xi32> to vector<16xf32>
    %sub3A_1523 = arith.subf %sub3A_1507, %bitcast3A_1522 : vector<16xf32>
    %bitcast3A_1524 = vector.bitcast %sub3A_1523 : vector<16xf32> to vector<16xi32>
    %add3A_1525 = arith.constant 32767 : i32
    %add3A_1526 = vector.broadcast %add3A_1525 : i32 to vector<16xi32>
    %add3A_1527 = arith.addi %bitcast3A_1524, %add3A_1526 : vector<16xi32>
    %shift_right_logical3A_1528 = arith.constant 16 : i32
    %shift_right_logical3A_1529 = vector.broadcast %shift_right_logical3A_1528 : i32 to vector<16xi32>
    %shift_right_logical3A_1530 = arith.shrui %bitcast3A_1524, %shift_right_logical3A_1529 : vector<16xi32>
    %and3A_1531 = arith.constant 1 : i32
    %and3A_1532 = vector.broadcast %and3A_1531 : i32 to vector<16xi32>
    %and3A_1533 = arith.andi %shift_right_logical3A_1530, %and3A_1532 : vector<16xi32>
    %add3A_1534 = arith.addi %add3A_1527, %and3A_1533 : vector<16xi32>
    %and3A_1535 = arith.constant -65536 : i32
    %and3A_1536 = vector.broadcast %and3A_1535 : i32 to vector<16xi32>
    %and3A_1537 = arith.andi %add3A_1534, %and3A_1536 : vector<16xi32>
    %bitcast3A_1538 = vector.bitcast %and3A_1537 : vector<16xi32> to vector<16xf32>
    %swap3A_1539 = arith.constant 3 : i32
    %swap3A_1540 = arith.index_cast %swap3A_1539 : i32 to index
    %swap3A_1541 = arith.constant 176 : index
    %swap3A_1542 = tpu.vector_load %arg8[%swap3A_1540, %swap3A_1541] {strides = array<i32>} : memref<8x256xf32, #tpu.memory_space<vmem>>, vector<16xf32>,
    tpu.vector_store %arg8[%swap3A_1540, %swap3A_1541], %bitcast3A_1506 {strides = array<i32>} : memref<8x256xf32, #tpu.memory_space<vmem>>, vector<16xf32>,
    %swap3A_1543 = arith.constant 4 : i32
    %swap3A_1544 = arith.index_cast %swap3A_1543 : i32 to index
    %swap3A_1545 = arith.constant 176 : index
    %swap3A_1546 = tpu.vector_load %arg8[%swap3A_1544, %swap3A_1545] {strides = array<i32>} : memref<8x256xf32, #tpu.memory_space<vmem>>, vector<16xf32>,
    tpu.vector_store %arg8[%swap3A_1544, %swap3A_1545], %bitcast3A_1522 {strides = array<i32>} : memref<8x256xf32, #tpu.memory_space<vmem>>, vector<16xf32>,
    %swap3A_1547 = arith.constant 5 : i32
    %swap3A_1548 = arith.index_cast %swap3A_1547 : i32 to index
    %swap3A_1549 = arith.constant 176 : index
    %swap3A_1550 = tpu.vector_load %arg8[%swap3A_1548, %swap3A_1549] {strides = array<i32>} : memref<8x256xf32, #tpu.memory_space<vmem>>, vector<16xf32>,
    tpu.vector_store %arg8[%swap3A_1548, %swap3A_1549], %bitcast3A_1538 {strides = array<i32>} : memref<8x256xf32, #tpu.memory_space<vmem>>, vector<16xf32>,
    %add3A_1551 = arith.constant 192 : i32
    %add3A_1552 = vector.broadcast %add3A_1551 : i32 to vector<16xi32>
    %add3A_1553 = arith.addi %iota3A, %add3A_1552 : vector<16xi32>
    %broadcast_in_dim3A_1554 = arith.constant 0 : i32
    %broadcast_in_dim3A_1555 = vector.broadcast %broadcast_in_dim3A_1554 : i32 to vector<16xi32>
    %gather3A_1556 = tpu.vector_load_idx %arg7[%add3A_1553, %broadcast_in_dim3A_1555] : memref<256x16xf32, #tpu.memory_space<vmem>>[vector<16xi32>, vector<16xi32>], vector<16xf32>,
    %broadcast_in_dim3A_1557 = arith.constant 1 : i32
    %broadcast_in_dim3A_1558 = vector.broadcast %broadcast_in_dim3A_1557 : i32 to vector<16xi32>
    %gather3A_1559 = tpu.vector_load_idx %arg7[%add3A_1553, %broadcast_in_dim3A_1558] : memref<256x16xf32, #tpu.memory_space<vmem>>[vector<16xi32>, vector<16xi32>], vector<16xf32>,
    %broadcast_in_dim3A_1560 = arith.constant 2 : i32
    %broadcast_in_dim3A_1561 = vector.broadcast %broadcast_in_dim3A_1560 : i32 to vector<16xi32>
    %gather3A_1562 = tpu.vector_load_idx %arg7[%add3A_1553, %broadcast_in_dim3A_1561] : memref<256x16xf32, #tpu.memory_space<vmem>>[vector<16xi32>, vector<16xi32>], vector<16xf32>,
    %mul3A_1563 = arith.constant -2.000000e+00 : f32
    %mul3A_1564 = vector.broadcast %mul3A_1563 : f32 to vector<16xf32>
    %mul3A_1565 = arith.mulf %mul3A_1564, %gather3A_1556 : vector<16xf32>
    %swap3A_1566 = arith.constant 0 : i32
    %swap3A_1567 = arith.index_cast %swap3A_1566 : i32 to index
    %swap3A_1568 = arith.constant 192 : index
    %swap3A_1569 = tpu.vector_load %arg8[%swap3A_1567, %swap3A_1568] {strides = array<i32>} : memref<8x256xf32, #tpu.memory_space<vmem>>, vector<16xf32>,
    tpu.vector_store %arg8[%swap3A_1567, %swap3A_1568], %mul3A_1565 {strides = array<i32>} : memref<8x256xf32, #tpu.memory_space<vmem>>, vector<16xf32>,
    %mul3A_1570 = arith.constant -2.000000e+00 : f32
    %mul3A_1571 = vector.broadcast %mul3A_1570 : f32 to vector<16xf32>
    %mul3A_1572 = arith.mulf %mul3A_1571, %gather3A_1559 : vector<16xf32>
    %swap3A_1573 = arith.constant 1 : i32
    %swap3A_1574 = arith.index_cast %swap3A_1573 : i32 to index
    %swap3A_1575 = arith.constant 192 : index
    %swap3A_1576 = tpu.vector_load %arg8[%swap3A_1574, %swap3A_1575] {strides = array<i32>} : memref<8x256xf32, #tpu.memory_space<vmem>>, vector<16xf32>,
    tpu.vector_store %arg8[%swap3A_1574, %swap3A_1575], %mul3A_1572 {strides = array<i32>} : memref<8x256xf32, #tpu.memory_space<vmem>>, vector<16xf32>,
    %mul3A_1577 = arith.constant -2.000000e+00 : f32
    %mul3A_1578 = vector.broadcast %mul3A_1577 : f32 to vector<16xf32>
    %mul3A_1579 = arith.mulf %mul3A_1578, %gather3A_1562 : vector<16xf32>
    %swap3A_1580 = arith.constant 2 : i32
    %swap3A_1581 = arith.index_cast %swap3A_1580 : i32 to index
    %swap3A_1582 = arith.constant 192 : index
    %swap3A_1583 = tpu.vector_load %arg8[%swap3A_1581, %swap3A_1582] {strides = array<i32>} : memref<8x256xf32, #tpu.memory_space<vmem>>, vector<16xf32>,
    tpu.vector_store %arg8[%swap3A_1581, %swap3A_1582], %mul3A_1579 {strides = array<i32>} : memref<8x256xf32, #tpu.memory_space<vmem>>, vector<16xf32>,
    %mul3A_1584 = arith.mulf %gather3A_1556, %gather3A_1556 : vector<16xf32>
    %mul3A_1585 = arith.mulf %gather3A_1559, %gather3A_1559 : vector<16xf32>
    %add3A_1586 = arith.addf %mul3A_1584, %mul3A_1585 : vector<16xf32>
    %mul3A_1587 = arith.mulf %gather3A_1562, %gather3A_1562 : vector<16xf32>
    %add3A_1588 = arith.addf %add3A_1586, %mul3A_1587 : vector<16xf32>
    %bitcast3A_1589 = vector.bitcast %add3A_1588 : vector<16xf32> to vector<16xi32>
    %add3A_1590 = arith.constant 32767 : i32
    %add3A_1591 = vector.broadcast %add3A_1590 : i32 to vector<16xi32>
    %add3A_1592 = arith.addi %bitcast3A_1589, %add3A_1591 : vector<16xi32>
    %shift_right_logical3A_1593 = arith.constant 16 : i32
    %shift_right_logical3A_1594 = vector.broadcast %shift_right_logical3A_1593 : i32 to vector<16xi32>
    %shift_right_logical3A_1595 = arith.shrui %bitcast3A_1589, %shift_right_logical3A_1594 : vector<16xi32>
    %and3A_1596 = arith.constant 1 : i32
    %and3A_1597 = vector.broadcast %and3A_1596 : i32 to vector<16xi32>
    %and3A_1598 = arith.andi %shift_right_logical3A_1595, %and3A_1597 : vector<16xi32>
    %add3A_1599 = arith.addi %add3A_1592, %and3A_1598 : vector<16xi32>
    %and3A_1600 = arith.constant -65536 : i32
    %and3A_1601 = vector.broadcast %and3A_1600 : i32 to vector<16xi32>
    %and3A_1602 = arith.andi %add3A_1599, %and3A_1601 : vector<16xi32>
    %bitcast3A_1603 = vector.bitcast %and3A_1602 : vector<16xi32> to vector<16xf32>
    %sub3A_1604 = arith.subf %add3A_1588, %bitcast3A_1603 : vector<16xf32>
    %bitcast3A_1605 = vector.bitcast %sub3A_1604 : vector<16xf32> to vector<16xi32>
    %add3A_1606 = arith.constant 32767 : i32
    %add3A_1607 = vector.broadcast %add3A_1606 : i32 to vector<16xi32>
    %add3A_1608 = arith.addi %bitcast3A_1605, %add3A_1607 : vector<16xi32>
    %shift_right_logical3A_1609 = arith.constant 16 : i32
    %shift_right_logical3A_1610 = vector.broadcast %shift_right_logical3A_1609 : i32 to vector<16xi32>
    %shift_right_logical3A_1611 = arith.shrui %bitcast3A_1605, %shift_right_logical3A_1610 : vector<16xi32>
    %and3A_1612 = arith.constant 1 : i32
    %and3A_1613 = vector.broadcast %and3A_1612 : i32 to vector<16xi32>
    %and3A_1614 = arith.andi %shift_right_logical3A_1611, %and3A_1613 : vector<16xi32>
    %add3A_1615 = arith.addi %add3A_1608, %and3A_1614 : vector<16xi32>
    %and3A_1616 = arith.constant -65536 : i32
    %and3A_1617 = vector.broadcast %and3A_1616 : i32 to vector<16xi32>
    %and3A_1618 = arith.andi %add3A_1615, %and3A_1617 : vector<16xi32>
    %bitcast3A_1619 = vector.bitcast %and3A_1618 : vector<16xi32> to vector<16xf32>
    %sub3A_1620 = arith.subf %sub3A_1604, %bitcast3A_1619 : vector<16xf32>
    %bitcast3A_1621 = vector.bitcast %sub3A_1620 : vector<16xf32> to vector<16xi32>
    %add3A_1622 = arith.constant 32767 : i32
    %add3A_1623 = vector.broadcast %add3A_1622 : i32 to vector<16xi32>
    %add3A_1624 = arith.addi %bitcast3A_1621, %add3A_1623 : vector<16xi32>
    %shift_right_logical3A_1625 = arith.constant 16 : i32
    %shift_right_logical3A_1626 = vector.broadcast %shift_right_logical3A_1625 : i32 to vector<16xi32>
    %shift_right_logical3A_1627 = arith.shrui %bitcast3A_1621, %shift_right_logical3A_1626 : vector<16xi32>
    %and3A_1628 = arith.constant 1 : i32
    %and3A_1629 = vector.broadcast %and3A_1628 : i32 to vector<16xi32>
    %and3A_1630 = arith.andi %shift_right_logical3A_1627, %and3A_1629 : vector<16xi32>
    %add3A_1631 = arith.addi %add3A_1624, %and3A_1630 : vector<16xi32>
    %and3A_1632 = arith.constant -65536 : i32
    %and3A_1633 = vector.broadcast %and3A_1632 : i32 to vector<16xi32>
    %and3A_1634 = arith.andi %add3A_1631, %and3A_1633 : vector<16xi32>
    %bitcast3A_1635 = vector.bitcast %and3A_1634 : vector<16xi32> to vector<16xf32>
    %swap3A_1636 = arith.constant 3 : i32
    %swap3A_1637 = arith.index_cast %swap3A_1636 : i32 to index
    %swap3A_1638 = arith.constant 192 : index
    %swap3A_1639 = tpu.vector_load %arg8[%swap3A_1637, %swap3A_1638] {strides = array<i32>} : memref<8x256xf32, #tpu.memory_space<vmem>>, vector<16xf32>,
    tpu.vector_store %arg8[%swap3A_1637, %swap3A_1638], %bitcast3A_1603 {strides = array<i32>} : memref<8x256xf32, #tpu.memory_space<vmem>>, vector<16xf32>,
    %swap3A_1640 = arith.constant 4 : i32
    %swap3A_1641 = arith.index_cast %swap3A_1640 : i32 to index
    %swap3A_1642 = arith.constant 192 : index
    %swap3A_1643 = tpu.vector_load %arg8[%swap3A_1641, %swap3A_1642] {strides = array<i32>} : memref<8x256xf32, #tpu.memory_space<vmem>>, vector<16xf32>,
    tpu.vector_store %arg8[%swap3A_1641, %swap3A_1642], %bitcast3A_1619 {strides = array<i32>} : memref<8x256xf32, #tpu.memory_space<vmem>>, vector<16xf32>,
    %swap3A_1644 = arith.constant 5 : i32
    %swap3A_1645 = arith.index_cast %swap3A_1644 : i32 to index
    %swap3A_1646 = arith.constant 192 : index
    %swap3A_1647 = tpu.vector_load %arg8[%swap3A_1645, %swap3A_1646] {strides = array<i32>} : memref<8x256xf32, #tpu.memory_space<vmem>>, vector<16xf32>,
    tpu.vector_store %arg8[%swap3A_1645, %swap3A_1646], %bitcast3A_1635 {strides = array<i32>} : memref<8x256xf32, #tpu.memory_space<vmem>>, vector<16xf32>,
    %add3A_1648 = arith.constant 208 : i32
    %add3A_1649 = vector.broadcast %add3A_1648 : i32 to vector<16xi32>
    %add3A_1650 = arith.addi %iota3A, %add3A_1649 : vector<16xi32>
    %broadcast_in_dim3A_1651 = arith.constant 0 : i32
    %broadcast_in_dim3A_1652 = vector.broadcast %broadcast_in_dim3A_1651 : i32 to vector<16xi32>
    %gather3A_1653 = tpu.vector_load_idx %arg7[%add3A_1650, %broadcast_in_dim3A_1652] : memref<256x16xf32, #tpu.memory_space<vmem>>[vector<16xi32>, vector<16xi32>], vector<16xf32>,
    %broadcast_in_dim3A_1654 = arith.constant 1 : i32
    %broadcast_in_dim3A_1655 = vector.broadcast %broadcast_in_dim3A_1654 : i32 to vector<16xi32>
    %gather3A_1656 = tpu.vector_load_idx %arg7[%add3A_1650, %broadcast_in_dim3A_1655] : memref<256x16xf32, #tpu.memory_space<vmem>>[vector<16xi32>, vector<16xi32>], vector<16xf32>,
    %broadcast_in_dim3A_1657 = arith.constant 2 : i32
    %broadcast_in_dim3A_1658 = vector.broadcast %broadcast_in_dim3A_1657 : i32 to vector<16xi32>
    %gather3A_1659 = tpu.vector_load_idx %arg7[%add3A_1650, %broadcast_in_dim3A_1658] : memref<256x16xf32, #tpu.memory_space<vmem>>[vector<16xi32>, vector<16xi32>], vector<16xf32>,
    %mul3A_1660 = arith.constant -2.000000e+00 : f32
    %mul3A_1661 = vector.broadcast %mul3A_1660 : f32 to vector<16xf32>
    %mul3A_1662 = arith.mulf %mul3A_1661, %gather3A_1653 : vector<16xf32>
    %swap3A_1663 = arith.constant 0 : i32
    %swap3A_1664 = arith.index_cast %swap3A_1663 : i32 to index
    %swap3A_1665 = arith.constant 208 : index
    %swap3A_1666 = tpu.vector_load %arg8[%swap3A_1664, %swap3A_1665] {strides = array<i32>} : memref<8x256xf32, #tpu.memory_space<vmem>>, vector<16xf32>,
    tpu.vector_store %arg8[%swap3A_1664, %swap3A_1665], %mul3A_1662 {strides = array<i32>} : memref<8x256xf32, #tpu.memory_space<vmem>>, vector<16xf32>,
    %mul3A_1667 = arith.constant -2.000000e+00 : f32
    %mul3A_1668 = vector.broadcast %mul3A_1667 : f32 to vector<16xf32>
    %mul3A_1669 = arith.mulf %mul3A_1668, %gather3A_1656 : vector<16xf32>
    %swap3A_1670 = arith.constant 1 : i32
    %swap3A_1671 = arith.index_cast %swap3A_1670 : i32 to index
    %swap3A_1672 = arith.constant 208 : index
    %swap3A_1673 = tpu.vector_load %arg8[%swap3A_1671, %swap3A_1672] {strides = array<i32>} : memref<8x256xf32, #tpu.memory_space<vmem>>, vector<16xf32>,
    tpu.vector_store %arg8[%swap3A_1671, %swap3A_1672], %mul3A_1669 {strides = array<i32>} : memref<8x256xf32, #tpu.memory_space<vmem>>, vector<16xf32>,
    %mul3A_1674 = arith.constant -2.000000e+00 : f32
    %mul3A_1675 = vector.broadcast %mul3A_1674 : f32 to vector<16xf32>
    %mul3A_1676 = arith.mulf %mul3A_1675, %gather3A_1659 : vector<16xf32>
    %swap3A_1677 = arith.constant 2 : i32
    %swap3A_1678 = arith.index_cast %swap3A_1677 : i32 to index
    %swap3A_1679 = arith.constant 208 : index
    %swap3A_1680 = tpu.vector_load %arg8[%swap3A_1678, %swap3A_1679] {strides = array<i32>} : memref<8x256xf32, #tpu.memory_space<vmem>>, vector<16xf32>,
    tpu.vector_store %arg8[%swap3A_1678, %swap3A_1679], %mul3A_1676 {strides = array<i32>} : memref<8x256xf32, #tpu.memory_space<vmem>>, vector<16xf32>,
    %mul3A_1681 = arith.mulf %gather3A_1653, %gather3A_1653 : vector<16xf32>
    %mul3A_1682 = arith.mulf %gather3A_1656, %gather3A_1656 : vector<16xf32>
    %add3A_1683 = arith.addf %mul3A_1681, %mul3A_1682 : vector<16xf32>
    %mul3A_1684 = arith.mulf %gather3A_1659, %gather3A_1659 : vector<16xf32>
    %add3A_1685 = arith.addf %add3A_1683, %mul3A_1684 : vector<16xf32>
    %bitcast3A_1686 = vector.bitcast %add3A_1685 : vector<16xf32> to vector<16xi32>
    %add3A_1687 = arith.constant 32767 : i32
    %add3A_1688 = vector.broadcast %add3A_1687 : i32 to vector<16xi32>
    %add3A_1689 = arith.addi %bitcast3A_1686, %add3A_1688 : vector<16xi32>
    %shift_right_logical3A_1690 = arith.constant 16 : i32
    %shift_right_logical3A_1691 = vector.broadcast %shift_right_logical3A_1690 : i32 to vector<16xi32>
    %shift_right_logical3A_1692 = arith.shrui %bitcast3A_1686, %shift_right_logical3A_1691 : vector<16xi32>
    %and3A_1693 = arith.constant 1 : i32
    %and3A_1694 = vector.broadcast %and3A_1693 : i32 to vector<16xi32>
    %and3A_1695 = arith.andi %shift_right_logical3A_1692, %and3A_1694 : vector<16xi32>
    %add3A_1696 = arith.addi %add3A_1689, %and3A_1695 : vector<16xi32>
    %and3A_1697 = arith.constant -65536 : i32
    %and3A_1698 = vector.broadcast %and3A_1697 : i32 to vector<16xi32>
    %and3A_1699 = arith.andi %add3A_1696, %and3A_1698 : vector<16xi32>
    %bitcast3A_1700 = vector.bitcast %and3A_1699 : vector<16xi32> to vector<16xf32>
    %sub3A_1701 = arith.subf %add3A_1685, %bitcast3A_1700 : vector<16xf32>
    %bitcast3A_1702 = vector.bitcast %sub3A_1701 : vector<16xf32> to vector<16xi32>
    %add3A_1703 = arith.constant 32767 : i32
    %add3A_1704 = vector.broadcast %add3A_1703 : i32 to vector<16xi32>
    %add3A_1705 = arith.addi %bitcast3A_1702, %add3A_1704 : vector<16xi32>
    %shift_right_logical3A_1706 = arith.constant 16 : i32
    %shift_right_logical3A_1707 = vector.broadcast %shift_right_logical3A_1706 : i32 to vector<16xi32>
    %shift_right_logical3A_1708 = arith.shrui %bitcast3A_1702, %shift_right_logical3A_1707 : vector<16xi32>
    %and3A_1709 = arith.constant 1 : i32
    %and3A_1710 = vector.broadcast %and3A_1709 : i32 to vector<16xi32>
    %and3A_1711 = arith.andi %shift_right_logical3A_1708, %and3A_1710 : vector<16xi32>
    %add3A_1712 = arith.addi %add3A_1705, %and3A_1711 : vector<16xi32>
    %and3A_1713 = arith.constant -65536 : i32
    %and3A_1714 = vector.broadcast %and3A_1713 : i32 to vector<16xi32>
    %and3A_1715 = arith.andi %add3A_1712, %and3A_1714 : vector<16xi32>
    %bitcast3A_1716 = vector.bitcast %and3A_1715 : vector<16xi32> to vector<16xf32>
    %sub3A_1717 = arith.subf %sub3A_1701, %bitcast3A_1716 : vector<16xf32>
    %bitcast3A_1718 = vector.bitcast %sub3A_1717 : vector<16xf32> to vector<16xi32>
    %add3A_1719 = arith.constant 32767 : i32
    %add3A_1720 = vector.broadcast %add3A_1719 : i32 to vector<16xi32>
    %add3A_1721 = arith.addi %bitcast3A_1718, %add3A_1720 : vector<16xi32>
    %shift_right_logical3A_1722 = arith.constant 16 : i32
    %shift_right_logical3A_1723 = vector.broadcast %shift_right_logical3A_1722 : i32 to vector<16xi32>
    %shift_right_logical3A_1724 = arith.shrui %bitcast3A_1718, %shift_right_logical3A_1723 : vector<16xi32>
    %and3A_1725 = arith.constant 1 : i32
    %and3A_1726 = vector.broadcast %and3A_1725 : i32 to vector<16xi32>
    %and3A_1727 = arith.andi %shift_right_logical3A_1724, %and3A_1726 : vector<16xi32>
    %add3A_1728 = arith.addi %add3A_1721, %and3A_1727 : vector<16xi32>
    %and3A_1729 = arith.constant -65536 : i32
    %and3A_1730 = vector.broadcast %and3A_1729 : i32 to vector<16xi32>
    %and3A_1731 = arith.andi %add3A_1728, %and3A_1730 : vector<16xi32>
    %bitcast3A_1732 = vector.bitcast %and3A_1731 : vector<16xi32> to vector<16xf32>
    %swap3A_1733 = arith.constant 3 : i32
    %swap3A_1734 = arith.index_cast %swap3A_1733 : i32 to index
    %swap3A_1735 = arith.constant 208 : index
    %swap3A_1736 = tpu.vector_load %arg8[%swap3A_1734, %swap3A_1735] {strides = array<i32>} : memref<8x256xf32, #tpu.memory_space<vmem>>, vector<16xf32>,
    tpu.vector_store %arg8[%swap3A_1734, %swap3A_1735], %bitcast3A_1700 {strides = array<i32>} : memref<8x256xf32, #tpu.memory_space<vmem>>, vector<16xf32>,
    %swap3A_1737 = arith.constant 4 : i32
    %swap3A_1738 = arith.index_cast %swap3A_1737 : i32 to index
    %swap3A_1739 = arith.constant 208 : index
    %swap3A_1740 = tpu.vector_load %arg8[%swap3A_1738, %swap3A_1739] {strides = array<i32>} : memref<8x256xf32, #tpu.memory_space<vmem>>, vector<16xf32>,
    tpu.vector_store %arg8[%swap3A_1738, %swap3A_1739], %bitcast3A_1716 {strides = array<i32>} : memref<8x256xf32, #tpu.memory_space<vmem>>, vector<16xf32>,
    %swap3A_1741 = arith.constant 5 : i32
    %swap3A_1742 = arith.index_cast %swap3A_1741 : i32 to index
    %swap3A_1743 = arith.constant 208 : index
    %swap3A_1744 = tpu.vector_load %arg8[%swap3A_1742, %swap3A_1743] {strides = array<i32>} : memref<8x256xf32, #tpu.memory_space<vmem>>, vector<16xf32>,
    tpu.vector_store %arg8[%swap3A_1742, %swap3A_1743], %bitcast3A_1732 {strides = array<i32>} : memref<8x256xf32, #tpu.memory_space<vmem>>, vector<16xf32>,
    %add3A_1745 = arith.constant 224 : i32
    %add3A_1746 = vector.broadcast %add3A_1745 : i32 to vector<16xi32>
    %add3A_1747 = arith.addi %iota3A, %add3A_1746 : vector<16xi32>
    %broadcast_in_dim3A_1748 = arith.constant 0 : i32
    %broadcast_in_dim3A_1749 = vector.broadcast %broadcast_in_dim3A_1748 : i32 to vector<16xi32>
    %gather3A_1750 = tpu.vector_load_idx %arg7[%add3A_1747, %broadcast_in_dim3A_1749] : memref<256x16xf32, #tpu.memory_space<vmem>>[vector<16xi32>, vector<16xi32>], vector<16xf32>,
    %broadcast_in_dim3A_1751 = arith.constant 1 : i32
    %broadcast_in_dim3A_1752 = vector.broadcast %broadcast_in_dim3A_1751 : i32 to vector<16xi32>
    %gather3A_1753 = tpu.vector_load_idx %arg7[%add3A_1747, %broadcast_in_dim3A_1752] : memref<256x16xf32, #tpu.memory_space<vmem>>[vector<16xi32>, vector<16xi32>], vector<16xf32>,
    %broadcast_in_dim3A_1754 = arith.constant 2 : i32
    %broadcast_in_dim3A_1755 = vector.broadcast %broadcast_in_dim3A_1754 : i32 to vector<16xi32>
    %gather3A_1756 = tpu.vector_load_idx %arg7[%add3A_1747, %broadcast_in_dim3A_1755] : memref<256x16xf32, #tpu.memory_space<vmem>>[vector<16xi32>, vector<16xi32>], vector<16xf32>,
    %mul3A_1757 = arith.constant -2.000000e+00 : f32
    %mul3A_1758 = vector.broadcast %mul3A_1757 : f32 to vector<16xf32>
    %mul3A_1759 = arith.mulf %mul3A_1758, %gather3A_1750 : vector<16xf32>
    %swap3A_1760 = arith.constant 0 : i32
    %swap3A_1761 = arith.index_cast %swap3A_1760 : i32 to index
    %swap3A_1762 = arith.constant 224 : index
    %swap3A_1763 = tpu.vector_load %arg8[%swap3A_1761, %swap3A_1762] {strides = array<i32>} : memref<8x256xf32, #tpu.memory_space<vmem>>, vector<16xf32>,
    tpu.vector_store %arg8[%swap3A_1761, %swap3A_1762], %mul3A_1759 {strides = array<i32>} : memref<8x256xf32, #tpu.memory_space<vmem>>, vector<16xf32>,
    %mul3A_1764 = arith.constant -2.000000e+00 : f32
    %mul3A_1765 = vector.broadcast %mul3A_1764 : f32 to vector<16xf32>
    %mul3A_1766 = arith.mulf %mul3A_1765, %gather3A_1753 : vector<16xf32>
    %swap3A_1767 = arith.constant 1 : i32
    %swap3A_1768 = arith.index_cast %swap3A_1767 : i32 to index
    %swap3A_1769 = arith.constant 224 : index
    %swap3A_1770 = tpu.vector_load %arg8[%swap3A_1768, %swap3A_1769] {strides = array<i32>} : memref<8x256xf32, #tpu.memory_space<vmem>>, vector<16xf32>,
    tpu.vector_store %arg8[%swap3A_1768, %swap3A_1769], %mul3A_1766 {strides = array<i32>} : memref<8x256xf32, #tpu.memory_space<vmem>>, vector<16xf32>,
    %mul3A_1771 = arith.constant -2.000000e+00 : f32
    %mul3A_1772 = vector.broadcast %mul3A_1771 : f32 to vector<16xf32>
    %mul3A_1773 = arith.mulf %mul3A_1772, %gather3A_1756 : vector<16xf32>
    %swap3A_1774 = arith.constant 2 : i32
    %swap3A_1775 = arith.index_cast %swap3A_1774 : i32 to index
    %swap3A_1776 = arith.constant 224 : index
    %swap3A_1777 = tpu.vector_load %arg8[%swap3A_1775, %swap3A_1776] {strides = array<i32>} : memref<8x256xf32, #tpu.memory_space<vmem>>, vector<16xf32>,
    tpu.vector_store %arg8[%swap3A_1775, %swap3A_1776], %mul3A_1773 {strides = array<i32>} : memref<8x256xf32, #tpu.memory_space<vmem>>, vector<16xf32>,
    %mul3A_1778 = arith.mulf %gather3A_1750, %gather3A_1750 : vector<16xf32>
    %mul3A_1779 = arith.mulf %gather3A_1753, %gather3A_1753 : vector<16xf32>
    %add3A_1780 = arith.addf %mul3A_1778, %mul3A_1779 : vector<16xf32>
    %mul3A_1781 = arith.mulf %gather3A_1756, %gather3A_1756 : vector<16xf32>
    %add3A_1782 = arith.addf %add3A_1780, %mul3A_1781 : vector<16xf32>
    %bitcast3A_1783 = vector.bitcast %add3A_1782 : vector<16xf32> to vector<16xi32>
    %add3A_1784 = arith.constant 32767 : i32
    %add3A_1785 = vector.broadcast %add3A_1784 : i32 to vector<16xi32>
    %add3A_1786 = arith.addi %bitcast3A_1783, %add3A_1785 : vector<16xi32>
    %shift_right_logical3A_1787 = arith.constant 16 : i32
    %shift_right_logical3A_1788 = vector.broadcast %shift_right_logical3A_1787 : i32 to vector<16xi32>
    %shift_right_logical3A_1789 = arith.shrui %bitcast3A_1783, %shift_right_logical3A_1788 : vector<16xi32>
    %and3A_1790 = arith.constant 1 : i32
    %and3A_1791 = vector.broadcast %and3A_1790 : i32 to vector<16xi32>
    %and3A_1792 = arith.andi %shift_right_logical3A_1789, %and3A_1791 : vector<16xi32>
    %add3A_1793 = arith.addi %add3A_1786, %and3A_1792 : vector<16xi32>
    %and3A_1794 = arith.constant -65536 : i32
    %and3A_1795 = vector.broadcast %and3A_1794 : i32 to vector<16xi32>
    %and3A_1796 = arith.andi %add3A_1793, %and3A_1795 : vector<16xi32>
    %bitcast3A_1797 = vector.bitcast %and3A_1796 : vector<16xi32> to vector<16xf32>
    %sub3A_1798 = arith.subf %add3A_1782, %bitcast3A_1797 : vector<16xf32>
    %bitcast3A_1799 = vector.bitcast %sub3A_1798 : vector<16xf32> to vector<16xi32>
    %add3A_1800 = arith.constant 32767 : i32
    %add3A_1801 = vector.broadcast %add3A_1800 : i32 to vector<16xi32>
    %add3A_1802 = arith.addi %bitcast3A_1799, %add3A_1801 : vector<16xi32>
    %shift_right_logical3A_1803 = arith.constant 16 : i32
    %shift_right_logical3A_1804 = vector.broadcast %shift_right_logical3A_1803 : i32 to vector<16xi32>
    %shift_right_logical3A_1805 = arith.shrui %bitcast3A_1799, %shift_right_logical3A_1804 : vector<16xi32>
    %and3A_1806 = arith.constant 1 : i32
    %and3A_1807 = vector.broadcast %and3A_1806 : i32 to vector<16xi32>
    %and3A_1808 = arith.andi %shift_right_logical3A_1805, %and3A_1807 : vector<16xi32>
    %add3A_1809 = arith.addi %add3A_1802, %and3A_1808 : vector<16xi32>
    %and3A_1810 = arith.constant -65536 : i32
    %and3A_1811 = vector.broadcast %and3A_1810 : i32 to vector<16xi32>
    %and3A_1812 = arith.andi %add3A_1809, %and3A_1811 : vector<16xi32>
    %bitcast3A_1813 = vector.bitcast %and3A_1812 : vector<16xi32> to vector<16xf32>
    %sub3A_1814 = arith.subf %sub3A_1798, %bitcast3A_1813 : vector<16xf32>
    %bitcast3A_1815 = vector.bitcast %sub3A_1814 : vector<16xf32> to vector<16xi32>
    %add3A_1816 = arith.constant 32767 : i32
    %add3A_1817 = vector.broadcast %add3A_1816 : i32 to vector<16xi32>
    %add3A_1818 = arith.addi %bitcast3A_1815, %add3A_1817 : vector<16xi32>
    %shift_right_logical3A_1819 = arith.constant 16 : i32
    %shift_right_logical3A_1820 = vector.broadcast %shift_right_logical3A_1819 : i32 to vector<16xi32>
    %shift_right_logical3A_1821 = arith.shrui %bitcast3A_1815, %shift_right_logical3A_1820 : vector<16xi32>
    %and3A_1822 = arith.constant 1 : i32
    %and3A_1823 = vector.broadcast %and3A_1822 : i32 to vector<16xi32>
    %and3A_1824 = arith.andi %shift_right_logical3A_1821, %and3A_1823 : vector<16xi32>
    %add3A_1825 = arith.addi %add3A_1818, %and3A_1824 : vector<16xi32>
    %and3A_1826 = arith.constant -65536 : i32
    %and3A_1827 = vector.broadcast %and3A_1826 : i32 to vector<16xi32>
    %and3A_1828 = arith.andi %add3A_1825, %and3A_1827 : vector<16xi32>
    %bitcast3A_1829 = vector.bitcast %and3A_1828 : vector<16xi32> to vector<16xf32>
    %swap3A_1830 = arith.constant 3 : i32
    %swap3A_1831 = arith.index_cast %swap3A_1830 : i32 to index
    %swap3A_1832 = arith.constant 224 : index
    %swap3A_1833 = tpu.vector_load %arg8[%swap3A_1831, %swap3A_1832] {strides = array<i32>} : memref<8x256xf32, #tpu.memory_space<vmem>>, vector<16xf32>,
    tpu.vector_store %arg8[%swap3A_1831, %swap3A_1832], %bitcast3A_1797 {strides = array<i32>} : memref<8x256xf32, #tpu.memory_space<vmem>>, vector<16xf32>,
    %swap3A_1834 = arith.constant 4 : i32
    %swap3A_1835 = arith.index_cast %swap3A_1834 : i32 to index
    %swap3A_1836 = arith.constant 224 : index
    %swap3A_1837 = tpu.vector_load %arg8[%swap3A_1835, %swap3A_1836] {strides = array<i32>} : memref<8x256xf32, #tpu.memory_space<vmem>>, vector<16xf32>,
    tpu.vector_store %arg8[%swap3A_1835, %swap3A_1836], %bitcast3A_1813 {strides = array<i32>} : memref<8x256xf32, #tpu.memory_space<vmem>>, vector<16xf32>,
    %swap3A_1838 = arith.constant 5 : i32
    %swap3A_1839 = arith.index_cast %swap3A_1838 : i32 to index
    %swap3A_1840 = arith.constant 224 : index
    %swap3A_1841 = tpu.vector_load %arg8[%swap3A_1839, %swap3A_1840] {strides = array<i32>} : memref<8x256xf32, #tpu.memory_space<vmem>>, vector<16xf32>,
    tpu.vector_store %arg8[%swap3A_1839, %swap3A_1840], %bitcast3A_1829 {strides = array<i32>} : memref<8x256xf32, #tpu.memory_space<vmem>>, vector<16xf32>,
    %add3A_1842 = arith.constant 240 : i32
    %add3A_1843 = vector.broadcast %add3A_1842 : i32 to vector<16xi32>
    %add3A_1844 = arith.addi %iota3A, %add3A_1843 : vector<16xi32>
    %broadcast_in_dim3A_1845 = arith.constant 0 : i32
    %broadcast_in_dim3A_1846 = vector.broadcast %broadcast_in_dim3A_1845 : i32 to vector<16xi32>
    %gather3A_1847 = tpu.vector_load_idx %arg7[%add3A_1844, %broadcast_in_dim3A_1846] : memref<256x16xf32, #tpu.memory_space<vmem>>[vector<16xi32>, vector<16xi32>], vector<16xf32>,
    %broadcast_in_dim3A_1848 = arith.constant 1 : i32
    %broadcast_in_dim3A_1849 = vector.broadcast %broadcast_in_dim3A_1848 : i32 to vector<16xi32>
    %gather3A_1850 = tpu.vector_load_idx %arg7[%add3A_1844, %broadcast_in_dim3A_1849] : memref<256x16xf32, #tpu.memory_space<vmem>>[vector<16xi32>, vector<16xi32>], vector<16xf32>,
    %broadcast_in_dim3A_1851 = arith.constant 2 : i32
    %broadcast_in_dim3A_1852 = vector.broadcast %broadcast_in_dim3A_1851 : i32 to vector<16xi32>
    %gather3A_1853 = tpu.vector_load_idx %arg7[%add3A_1844, %broadcast_in_dim3A_1852] : memref<256x16xf32, #tpu.memory_space<vmem>>[vector<16xi32>, vector<16xi32>], vector<16xf32>,
    %mul3A_1854 = arith.constant -2.000000e+00 : f32
    %mul3A_1855 = vector.broadcast %mul3A_1854 : f32 to vector<16xf32>
    %mul3A_1856 = arith.mulf %mul3A_1855, %gather3A_1847 : vector<16xf32>
    %swap3A_1857 = arith.constant 0 : i32
    %swap3A_1858 = arith.index_cast %swap3A_1857 : i32 to index
    %swap3A_1859 = arith.constant 240 : index
    %swap3A_1860 = tpu.vector_load %arg8[%swap3A_1858, %swap3A_1859] {strides = array<i32>} : memref<8x256xf32, #tpu.memory_space<vmem>>, vector<16xf32>,
    tpu.vector_store %arg8[%swap3A_1858, %swap3A_1859], %mul3A_1856 {strides = array<i32>} : memref<8x256xf32, #tpu.memory_space<vmem>>, vector<16xf32>,
    %mul3A_1861 = arith.constant -2.000000e+00 : f32
    %mul3A_1862 = vector.broadcast %mul3A_1861 : f32 to vector<16xf32>
    %mul3A_1863 = arith.mulf %mul3A_1862, %gather3A_1850 : vector<16xf32>
    %swap3A_1864 = arith.constant 1 : i32
    %swap3A_1865 = arith.index_cast %swap3A_1864 : i32 to index
    %swap3A_1866 = arith.constant 240 : index
    %swap3A_1867 = tpu.vector_load %arg8[%swap3A_1865, %swap3A_1866] {strides = array<i32>} : memref<8x256xf32, #tpu.memory_space<vmem>>, vector<16xf32>,
    tpu.vector_store %arg8[%swap3A_1865, %swap3A_1866], %mul3A_1863 {strides = array<i32>} : memref<8x256xf32, #tpu.memory_space<vmem>>, vector<16xf32>,
    %mul3A_1868 = arith.constant -2.000000e+00 : f32
    %mul3A_1869 = vector.broadcast %mul3A_1868 : f32 to vector<16xf32>
    %mul3A_1870 = arith.mulf %mul3A_1869, %gather3A_1853 : vector<16xf32>
    %swap3A_1871 = arith.constant 2 : i32
    %swap3A_1872 = arith.index_cast %swap3A_1871 : i32 to index
    %swap3A_1873 = arith.constant 240 : index
    %swap3A_1874 = tpu.vector_load %arg8[%swap3A_1872, %swap3A_1873] {strides = array<i32>} : memref<8x256xf32, #tpu.memory_space<vmem>>, vector<16xf32>,
    tpu.vector_store %arg8[%swap3A_1872, %swap3A_1873], %mul3A_1870 {strides = array<i32>} : memref<8x256xf32, #tpu.memory_space<vmem>>, vector<16xf32>,
    %mul3A_1875 = arith.mulf %gather3A_1847, %gather3A_1847 : vector<16xf32>
    %mul3A_1876 = arith.mulf %gather3A_1850, %gather3A_1850 : vector<16xf32>
    %add3A_1877 = arith.addf %mul3A_1875, %mul3A_1876 : vector<16xf32>
    %mul3A_1878 = arith.mulf %gather3A_1853, %gather3A_1853 : vector<16xf32>
    %add3A_1879 = arith.addf %add3A_1877, %mul3A_1878 : vector<16xf32>
    %bitcast3A_1880 = vector.bitcast %add3A_1879 : vector<16xf32> to vector<16xi32>
    %add3A_1881 = arith.constant 32767 : i32
    %add3A_1882 = vector.broadcast %add3A_1881 : i32 to vector<16xi32>
    %add3A_1883 = arith.addi %bitcast3A_1880, %add3A_1882 : vector<16xi32>
    %shift_right_logical3A_1884 = arith.constant 16 : i32
    %shift_right_logical3A_1885 = vector.broadcast %shift_right_logical3A_1884 : i32 to vector<16xi32>
    %shift_right_logical3A_1886 = arith.shrui %bitcast3A_1880, %shift_right_logical3A_1885 : vector<16xi32>
    %and3A_1887 = arith.constant 1 : i32
    %and3A_1888 = vector.broadcast %and3A_1887 : i32 to vector<16xi32>
    %and3A_1889 = arith.andi %shift_right_logical3A_1886, %and3A_1888 : vector<16xi32>
    %add3A_1890 = arith.addi %add3A_1883, %and3A_1889 : vector<16xi32>
    %and3A_1891 = arith.constant -65536 : i32
    %and3A_1892 = vector.broadcast %and3A_1891 : i32 to vector<16xi32>
    %and3A_1893 = arith.andi %add3A_1890, %and3A_1892 : vector<16xi32>
    %bitcast3A_1894 = vector.bitcast %and3A_1893 : vector<16xi32> to vector<16xf32>
    %sub3A_1895 = arith.subf %add3A_1879, %bitcast3A_1894 : vector<16xf32>
    %bitcast3A_1896 = vector.bitcast %sub3A_1895 : vector<16xf32> to vector<16xi32>
    %add3A_1897 = arith.constant 32767 : i32
    %add3A_1898 = vector.broadcast %add3A_1897 : i32 to vector<16xi32>
    %add3A_1899 = arith.addi %bitcast3A_1896, %add3A_1898 : vector<16xi32>
    %shift_right_logical3A_1900 = arith.constant 16 : i32
    %shift_right_logical3A_1901 = vector.broadcast %shift_right_logical3A_1900 : i32 to vector<16xi32>
    %shift_right_logical3A_1902 = arith.shrui %bitcast3A_1896, %shift_right_logical3A_1901 : vector<16xi32>
    %and3A_1903 = arith.constant 1 : i32
    %and3A_1904 = vector.broadcast %and3A_1903 : i32 to vector<16xi32>
    %and3A_1905 = arith.andi %shift_right_logical3A_1902, %and3A_1904 : vector<16xi32>
    %add3A_1906 = arith.addi %add3A_1899, %and3A_1905 : vector<16xi32>
    %and3A_1907 = arith.constant -65536 : i32
    %and3A_1908 = vector.broadcast %and3A_1907 : i32 to vector<16xi32>
    %and3A_1909 = arith.andi %add3A_1906, %and3A_1908 : vector<16xi32>
    %bitcast3A_1910 = vector.bitcast %and3A_1909 : vector<16xi32> to vector<16xf32>
    %sub3A_1911 = arith.subf %sub3A_1895, %bitcast3A_1910 : vector<16xf32>
    %bitcast3A_1912 = vector.bitcast %sub3A_1911 : vector<16xf32> to vector<16xi32>
    %add3A_1913 = arith.constant 32767 : i32
    %add3A_1914 = vector.broadcast %add3A_1913 : i32 to vector<16xi32>
    %add3A_1915 = arith.addi %bitcast3A_1912, %add3A_1914 : vector<16xi32>
    %shift_right_logical3A_1916 = arith.constant 16 : i32
    %shift_right_logical3A_1917 = vector.broadcast %shift_right_logical3A_1916 : i32 to vector<16xi32>
    %shift_right_logical3A_1918 = arith.shrui %bitcast3A_1912, %shift_right_logical3A_1917 : vector<16xi32>
    %and3A_1919 = arith.constant 1 : i32
    %and3A_1920 = vector.broadcast %and3A_1919 : i32 to vector<16xi32>
    %and3A_1921 = arith.andi %shift_right_logical3A_1918, %and3A_1920 : vector<16xi32>
    %add3A_1922 = arith.addi %add3A_1915, %and3A_1921 : vector<16xi32>
    %and3A_1923 = arith.constant -65536 : i32
    %and3A_1924 = vector.broadcast %and3A_1923 : i32 to vector<16xi32>
    %and3A_1925 = arith.andi %add3A_1922, %and3A_1924 : vector<16xi32>
    %bitcast3A_1926 = vector.bitcast %and3A_1925 : vector<16xi32> to vector<16xf32>
    %swap3A_1927 = arith.constant 3 : i32
    %swap3A_1928 = arith.index_cast %swap3A_1927 : i32 to index
    %swap3A_1929 = arith.constant 240 : index
    %swap3A_1930 = tpu.vector_load %arg8[%swap3A_1928, %swap3A_1929] {strides = array<i32>} : memref<8x256xf32, #tpu.memory_space<vmem>>, vector<16xf32>,
    tpu.vector_store %arg8[%swap3A_1928, %swap3A_1929], %bitcast3A_1894 {strides = array<i32>} : memref<8x256xf32, #tpu.memory_space<vmem>>, vector<16xf32>,
    %swap3A_1931 = arith.constant 4 : i32
    %swap3A_1932 = arith.index_cast %swap3A_1931 : i32 to index
    %swap3A_1933 = arith.constant 240 : index
    %swap3A_1934 = tpu.vector_load %arg8[%swap3A_1932, %swap3A_1933] {strides = array<i32>} : memref<8x256xf32, #tpu.memory_space<vmem>>, vector<16xf32>,
    tpu.vector_store %arg8[%swap3A_1932, %swap3A_1933], %bitcast3A_1910 {strides = array<i32>} : memref<8x256xf32, #tpu.memory_space<vmem>>, vector<16xf32>,
    %swap3A_1935 = arith.constant 5 : i32
    %swap3A_1936 = arith.index_cast %swap3A_1935 : i32 to index
    %swap3A_1937 = arith.constant 240 : index
    %swap3A_1938 = tpu.vector_load %arg8[%swap3A_1936, %swap3A_1937] {strides = array<i32>} : memref<8x256xf32, #tpu.memory_space<vmem>>, vector<16xf32>,
    tpu.vector_store %arg8[%swap3A_1936, %swap3A_1937], %bitcast3A_1926 {strides = array<i32>} : memref<8x256xf32, #tpu.memory_space<vmem>>, vector<16xf32>,
    "tpu.region"() ({
      %run_scoped3A = tpu.sem_alloc : memref<!tpu.dma_semaphore, #tpu.memory_space<semaphore_mem>>
      %dma_start3A_1939 = arith.constant 0 : i32
      %dma_start3A_1940 = tpu.memref_slice %arg4[%select_n3A_9, %dma_start3A_1939, %mul3A_32] : memref<4x8x2048xf32, #tpu.memory_space<hbm>> -> memref<1x8x256xf32, #tpu.memory_space<hbm>>
      %dma_start3A_1941 = tpu.memref_squeeze %dma_start3A_1940 : memref<1x8x256xf32, #tpu.memory_space<hbm>> -> memref<8x256xf32, #tpu.memory_space<hbm>>
      %dma_start3A_1942 = arith.constant 0 : i32
      %dma_start3A_1943 = tpu.memref_slice %arg4[%select_n3A_9, %dma_start3A_1942, %mul3A_32] : memref<4x8x2048xf32, #tpu.memory_space<hbm>> -> memref<1x8x256xf32, #tpu.memory_space<hbm>>
      %dma_start3A_1944 = tpu.memref_squeeze %dma_start3A_1943 : memref<1x8x256xf32, #tpu.memory_space<hbm>> -> memref<8x256xf32, #tpu.memory_space<hbm>>
      tpu.enqueue_dma source(%arg8 : memref<8x256xf32, #tpu.memory_space<vmem>>) target(%dma_start3A_1944 : memref<8x256xf32, #tpu.memory_space<hbm>>) target_semaphore(%run_scoped3A : memref<!tpu.dma_semaphore, #tpu.memory_space<semaphore_mem>>)
      %dma_wait3A_1945 = arith.constant 0 : i32
      %dma_wait3A_1946 = tpu.memref_slice %arg4[%select_n3A_9, %dma_wait3A_1945, %mul3A_32] : memref<4x8x2048xf32, #tpu.memory_space<hbm>> -> memref<1x8x256xf32, #tpu.memory_space<hbm>>
      %dma_wait3A_1947 = tpu.memref_squeeze %dma_wait3A_1946 : memref<1x8x256xf32, #tpu.memory_space<hbm>> -> memref<8x256xf32, #tpu.memory_space<hbm>>
      %dma_wait3A_1948 = arith.constant 0 : i32
      %dma_wait3A_1949 = tpu.memref_slice %arg4[%select_n3A_9, %dma_wait3A_1948, %mul3A_32] : memref<4x8x2048xf32, #tpu.memory_space<hbm>> -> memref<1x8x256xf32, #tpu.memory_space<hbm>>
      %dma_wait3A_1950 = tpu.memref_squeeze %dma_wait3A_1949 : memref<1x8x256xf32, #tpu.memory_space<hbm>> -> memref<8x256xf32, #tpu.memory_space<hbm>>
      tpu.wait_dma2 semaphore(%run_scoped3A : memref<!tpu.dma_semaphore, #tpu.memory_space<semaphore_mem>>) src(%arg8 : memref<8x256xf32, #tpu.memory_space<vmem>>) dst(%dma_wait3A_1950 : memref<8x256xf32, #tpu.memory_space<hbm>>)
      tpu.yield
    }) : () -> ()
    return
  }
}

#map = affine_map<(d0, d1) -> (0, 0)>
#map1 = affine_map<(d0, d1) -> (0)>
#map2 = affine_map<(d0, d1) -> (0, 0, 0)>
module attributes {stable_mosaic.version = 14 : i64} {
  func.func @sc_kernel(%arg0: i32, %arg1: i32, %arg2: memref<32768x16xf32, #tpu.memory_space<hbm>>, %arg3: memref<2048xi32, #tpu.memory_space<hbm>>, %arg4: memref<4x8x2048xf32, #tpu.memory_space<hbm>>, %arg5: memref<256xi32, #tpu.memory_space<vmem>>, %arg6: memref<2x128xi32, #tpu.memory_space<vmem>>, %arg7: memref<256x16xf32, #tpu.memory_space<vmem>>, %arg8: memref<8x256xf32, #tpu.memory_space<vmem>>, %arg9: memref<!tpu.dma_semaphore, #tpu.memory_space<semaphore_mem>>) attributes {dimension_semantics = [#tpu.dimension_semantics<core_parallel>, #tpu.dimension_semantics<subcore_parallel>], iteration_bounds = array<i64: 2, 16>, scalar_prefetch = 0 : i64, scratch_operands = 5 : i64, tpu.core_type = #tpu.core_type<sc_vector_subcore>, window_params = [{transform_indices = #map}, {transform_indices = #map1}, {transform_indices = #map2}]} {
    %mul3A = arith.constant 2 : i32
    %mul3A_0 = arith.muli %arg1, %mul3A : i32
    %add3A = arith.addi %mul3A_0, %arg0 : i32
    %jit3A = arith.constant 4 : i32
    %eq3A = arith.constant 0 : i32
    %eq3A_1 = arith.cmpi eq, %jit3A, %eq3A : i32
    %jit3A_2 = arith.constant 1 : i32
    %select_n3A = arith.select %eq3A_1, %jit3A_2, %jit3A : i32
    %rem3A = arith.remsi %add3A, %select_n3A : i32
    %ne3A = arith.constant 0 : i32
    %ne3A_3 = arith.cmpi ne, %rem3A, %ne3A : i32
    %lt3A = arith.constant 0 : i32
    %lt3A_4 = arith.cmpi slt, %rem3A, %lt3A : i32
    %lt3A_5 = arith.constant 0 : i32
    %lt3A_6 = arith.cmpi slt, %select_n3A, %lt3A_5 : i32
    %ne3A_7 = arith.xori %lt3A_4, %lt3A_6 : i1
    %and3A = arith.andi %ne3A_7, %ne3A_3 : i1
    %add3A_8 = arith.addi %rem3A, %select_n3A : i32
    %select_n3A_9 = arith.select %and3A, %add3A_8, %rem3A : i32
    %jit3A_10 = arith.constant 4 : i32
    %div3A = arith.divsi %add3A, %jit3A_10 : i32
    %sign3A = arith.constant 0 : i32
    %sign3A_11 = arith.cmpi sgt, %add3A, %sign3A : i32
    %sign3A_12 = arith.extui %sign3A_11 : i1 to i32
    %sign3A_13 = arith.constant 0 : i32
    %sign3A_14 = arith.cmpi slt, %add3A, %sign3A_13 : i32
    %sign3A_15 = arith.extui %sign3A_14 : i1 to i32
    %sign3A_16 = arith.subi %sign3A_12, %sign3A_15 : i32
    %sign3A_17 = arith.constant 0 : i32
    %sign3A_18 = arith.cmpi sgt, %jit3A_10, %sign3A_17 : i32
    %sign3A_19 = arith.extui %sign3A_18 : i1 to i32
    %sign3A_20 = arith.constant 0 : i32
    %sign3A_21 = arith.cmpi slt, %jit3A_10, %sign3A_20 : i32
    %sign3A_22 = arith.extui %sign3A_21 : i1 to i32
    %sign3A_23 = arith.subi %sign3A_19, %sign3A_22 : i32
    %ne3A_24 = arith.cmpi ne, %sign3A_16, %sign3A_23 : i32
    %rem3A_25 = arith.remsi %add3A, %jit3A_10 : i32
    %ne3A_26 = arith.constant 0 : i32
    %ne3A_27 = arith.cmpi ne, %rem3A_25, %ne3A_26 : i32
    %and3A_28 = arith.andi %ne3A_24, %ne3A_27 : i1
    %sub3A = arith.constant 1 : i32
    %sub3A_29 = arith.subi %div3A, %sub3A : i32
    %select_n3A_30 = arith.select %and3A_28, %sub3A_29, %div3A : i32
    %mul3A_31 = arith.constant 256 : i32
    %mul3A_32 = arith.muli %select_n3A_30, %mul3A_31 : i32
    "tpu.region"() ({
      %run_scoped3A = tpu.sem_alloc : memref<!tpu.dma_semaphore, #tpu.memory_space<semaphore_mem>>
      %dma_start3A_1939 = tpu.memref_slice %arg3[%mul3A_32] : memref<2048xi32, #tpu.memory_space<hbm>> -> memref<256xi32, #tpu.memory_space<hbm>>
      %dma_start3A_1940 = tpu.memref_slice %arg3[%mul3A_32] : memref<2048xi32, #tpu.memory_space<hbm>> -> memref<256xi32, #tpu.memory_space<hbm>>
      tpu.enqueue_dma source(%dma_start3A_1940 : memref<256xi32, #tpu.memory_space<hbm>>) target(%arg5 : memref<256xi32, #tpu.memory_space<vmem>>) target_semaphore(%run_scoped3A : memref<!tpu.dma_semaphore, #tpu.memory_space<semaphore_mem>>)
      %dma_wait3A_1941 = tpu.memref_slice %arg3[%mul3A_32] : memref<2048xi32, #tpu.memory_space<hbm>> -> memref<256xi32, #tpu.memory_space<hbm>>
      %dma_wait3A_1942 = tpu.memref_slice %arg3[%mul3A_32] : memref<2048xi32, #tpu.memory_space<hbm>> -> memref<256xi32, #tpu.memory_space<hbm>>
      tpu.wait_dma2 semaphore(%run_scoped3A : memref<!tpu.dma_semaphore, #tpu.memory_space<semaphore_mem>>) src(%dma_wait3A_1942 : memref<256xi32, #tpu.memory_space<hbm>>) dst(%arg5 : memref<256xi32, #tpu.memory_space<vmem>>)
      tpu.yield
    }) : () -> ()
    %iota3A = tpu.iota {dimensions = array<i32: 0>} : vector<16xi32>
    %broadcast_in_dim3A = arith.constant 0.000000e+00 : f32
    %broadcast_in_dim3A_33 = vector.broadcast %broadcast_in_dim3A : f32 to vector<16xf32>
    %get3A = arith.constant 0 : index
    %get3A_34 = tpu.vector_load %arg5[%get3A] {strides = array<i32>} : memref<256xi32, #tpu.memory_space<vmem>>, vector<16xi32>,
    %add3A_35 = arith.constant 4 : i32
    %add3A_36 = arith.addi %select_n3A_9, %add3A_35 : i32
    %mul3A_37 = arith.constant 4096 : i32
    %mul3A_38 = arith.muli %add3A_36, %mul3A_37 : i32
    %add3A_39 = vector.broadcast %mul3A_38 : i32 to vector<16xi32>
    %add3A_40 = arith.addi %get3A_34, %add3A_39 : vector<16xi32>
    %swap3A = arith.constant 0 : i32
    %swap3A_41 = arith.index_cast %swap3A : i32 to index
    %swap3A_42 = arith.constant 0 : index
    %swap3A_43 = tpu.vector_load %arg6[%swap3A_41, %swap3A_42] {strides = array<i32>} : memref<2x128xi32, #tpu.memory_space<vmem>>, vector<16xi32>,
    tpu.vector_store %arg6[%swap3A_41, %swap3A_42], %add3A_40 {strides = array<i32>} : memref<2x128xi32, #tpu.memory_space<vmem>>, vector<16xi32>,
    %get3A_44 = arith.constant 16 : index
    %get3A_45 = tpu.vector_load %arg5[%get3A_44] {strides = array<i32>} : memref<256xi32, #tpu.memory_space<vmem>>, vector<16xi32>,
    %add3A_46 = arith.constant 4 : i32
    %add3A_47 = arith.addi %select_n3A_9, %add3A_46 : i32
    %mul3A_48 = arith.constant 4096 : i32
    %mul3A_49 = arith.muli %add3A_47, %mul3A_48 : i32
    %add3A_50 = vector.broadcast %mul3A_49 : i32 to vector<16xi32>
    %add3A_51 = arith.addi %get3A_45, %add3A_50 : vector<16xi32>
    %swap3A_52 = arith.constant 0 : i32
    %swap3A_53 = arith.index_cast %swap3A_52 : i32 to index
    %swap3A_54 = arith.constant 16 : index
    %swap3A_55 = tpu.vector_load %arg6[%swap3A_53, %swap3A_54] {strides = array<i32>} : memref<2x128xi32, #tpu.memory_space<vmem>>, vector<16xi32>,
    tpu.vector_store %arg6[%swap3A_53, %swap3A_54], %add3A_51 {strides = array<i32>} : memref<2x128xi32, #tpu.memory_space<vmem>>, vector<16xi32>,
    %get3A_56 = arith.constant 32 : index
    %get3A_57 = tpu.vector_load %arg5[%get3A_56] {strides = array<i32>} : memref<256xi32, #tpu.memory_space<vmem>>, vector<16xi32>,
    %add3A_58 = arith.constant 4 : i32
    %add3A_59 = arith.addi %select_n3A_9, %add3A_58 : i32
    %mul3A_60 = arith.constant 4096 : i32
    %mul3A_61 = arith.muli %add3A_59, %mul3A_60 : i32
    %add3A_62 = vector.broadcast %mul3A_61 : i32 to vector<16xi32>
    %add3A_63 = arith.addi %get3A_57, %add3A_62 : vector<16xi32>
    %swap3A_64 = arith.constant 0 : i32
    %swap3A_65 = arith.index_cast %swap3A_64 : i32 to index
    %swap3A_66 = arith.constant 32 : index
    %swap3A_67 = tpu.vector_load %arg6[%swap3A_65, %swap3A_66] {strides = array<i32>} : memref<2x128xi32, #tpu.memory_space<vmem>>, vector<16xi32>,
    tpu.vector_store %arg6[%swap3A_65, %swap3A_66], %add3A_63 {strides = array<i32>} : memref<2x128xi32, #tpu.memory_space<vmem>>, vector<16xi32>,
    %get3A_68 = arith.constant 48 : index
    %get3A_69 = tpu.vector_load %arg5[%get3A_68] {strides = array<i32>} : memref<256xi32, #tpu.memory_space<vmem>>, vector<16xi32>,
    %add3A_70 = arith.constant 4 : i32
    %add3A_71 = arith.addi %select_n3A_9, %add3A_70 : i32
    %mul3A_72 = arith.constant 4096 : i32
    %mul3A_73 = arith.muli %add3A_71, %mul3A_72 : i32
    %add3A_74 = vector.broadcast %mul3A_73 : i32 to vector<16xi32>
    %add3A_75 = arith.addi %get3A_69, %add3A_74 : vector<16xi32>
    %swap3A_76 = arith.constant 0 : i32
    %swap3A_77 = arith.index_cast %swap3A_76 : i32 to index
    %swap3A_78 = arith.constant 48 : index
    %swap3A_79 = tpu.vector_load %arg6[%swap3A_77, %swap3A_78] {strides = array<i32>} : memref<2x128xi32, #tpu.memory_space<vmem>>, vector<16xi32>,
    tpu.vector_store %arg6[%swap3A_77, %swap3A_78], %add3A_75 {strides = array<i32>} : memref<2x128xi32, #tpu.memory_space<vmem>>, vector<16xi32>,
    %get3A_80 = arith.constant 64 : index
    %get3A_81 = tpu.vector_load %arg5[%get3A_80] {strides = array<i32>} : memref<256xi32, #tpu.memory_space<vmem>>, vector<16xi32>,
    %add3A_82 = arith.constant 4 : i32
    %add3A_83 = arith.addi %select_n3A_9, %add3A_82 : i32
    %mul3A_84 = arith.constant 4096 : i32
    %mul3A_85 = arith.muli %add3A_83, %mul3A_84 : i32
    %add3A_86 = vector.broadcast %mul3A_85 : i32 to vector<16xi32>
    %add3A_87 = arith.addi %get3A_81, %add3A_86 : vector<16xi32>
    %swap3A_88 = arith.constant 0 : i32
    %swap3A_89 = arith.index_cast %swap3A_88 : i32 to index
    %swap3A_90 = arith.constant 64 : index
    %swap3A_91 = tpu.vector_load %arg6[%swap3A_89, %swap3A_90] {strides = array<i32>} : memref<2x128xi32, #tpu.memory_space<vmem>>, vector<16xi32>,
    tpu.vector_store %arg6[%swap3A_89, %swap3A_90], %add3A_87 {strides = array<i32>} : memref<2x128xi32, #tpu.memory_space<vmem>>, vector<16xi32>,
    %get3A_92 = arith.constant 80 : index
    %get3A_93 = tpu.vector_load %arg5[%get3A_92] {strides = array<i32>} : memref<256xi32, #tpu.memory_space<vmem>>, vector<16xi32>,
    %add3A_94 = arith.constant 4 : i32
    %add3A_95 = arith.addi %select_n3A_9, %add3A_94 : i32
    %mul3A_96 = arith.constant 4096 : i32
    %mul3A_97 = arith.muli %add3A_95, %mul3A_96 : i32
    %add3A_98 = vector.broadcast %mul3A_97 : i32 to vector<16xi32>
    %add3A_99 = arith.addi %get3A_93, %add3A_98 : vector<16xi32>
    %swap3A_100 = arith.constant 0 : i32
    %swap3A_101 = arith.index_cast %swap3A_100 : i32 to index
    %swap3A_102 = arith.constant 80 : index
    %swap3A_103 = tpu.vector_load %arg6[%swap3A_101, %swap3A_102] {strides = array<i32>} : memref<2x128xi32, #tpu.memory_space<vmem>>, vector<16xi32>,
    tpu.vector_store %arg6[%swap3A_101, %swap3A_102], %add3A_99 {strides = array<i32>} : memref<2x128xi32, #tpu.memory_space<vmem>>, vector<16xi32>,
    %get3A_104 = arith.constant 96 : index
    %get3A_105 = tpu.vector_load %arg5[%get3A_104] {strides = array<i32>} : memref<256xi32, #tpu.memory_space<vmem>>, vector<16xi32>,
    %add3A_106 = arith.constant 4 : i32
    %add3A_107 = arith.addi %select_n3A_9, %add3A_106 : i32
    %mul3A_108 = arith.constant 4096 : i32
    %mul3A_109 = arith.muli %add3A_107, %mul3A_108 : i32
    %add3A_110 = vector.broadcast %mul3A_109 : i32 to vector<16xi32>
    %add3A_111 = arith.addi %get3A_105, %add3A_110 : vector<16xi32>
    %swap3A_112 = arith.constant 0 : i32
    %swap3A_113 = arith.index_cast %swap3A_112 : i32 to index
    %swap3A_114 = arith.constant 96 : index
    %swap3A_115 = tpu.vector_load %arg6[%swap3A_113, %swap3A_114] {strides = array<i32>} : memref<2x128xi32, #tpu.memory_space<vmem>>, vector<16xi32>,
    tpu.vector_store %arg6[%swap3A_113, %swap3A_114], %add3A_111 {strides = array<i32>} : memref<2x128xi32, #tpu.memory_space<vmem>>, vector<16xi32>,
    %get3A_116 = arith.constant 112 : index
    %get3A_117 = tpu.vector_load %arg5[%get3A_116] {strides = array<i32>} : memref<256xi32, #tpu.memory_space<vmem>>, vector<16xi32>,
    %add3A_118 = arith.constant 4 : i32
    %add3A_119 = arith.addi %select_n3A_9, %add3A_118 : i32
    %mul3A_120 = arith.constant 4096 : i32
    %mul3A_121 = arith.muli %add3A_119, %mul3A_120 : i32
    %add3A_122 = vector.broadcast %mul3A_121 : i32 to vector<16xi32>
    %add3A_123 = arith.addi %get3A_117, %add3A_122 : vector<16xi32>
    %swap3A_124 = arith.constant 0 : i32
    %swap3A_125 = arith.index_cast %swap3A_124 : i32 to index
    %swap3A_126 = arith.constant 112 : index
    %swap3A_127 = tpu.vector_load %arg6[%swap3A_125, %swap3A_126] {strides = array<i32>} : memref<2x128xi32, #tpu.memory_space<vmem>>, vector<16xi32>,
    tpu.vector_store %arg6[%swap3A_125, %swap3A_126], %add3A_123 {strides = array<i32>} : memref<2x128xi32, #tpu.memory_space<vmem>>, vector<16xi32>,
    %get3A_128 = arith.constant 128 : index
    %get3A_129 = tpu.vector_load %arg5[%get3A_128] {strides = array<i32>} : memref<256xi32, #tpu.memory_space<vmem>>, vector<16xi32>,
    %add3A_130 = arith.constant 4 : i32
    %add3A_131 = arith.addi %select_n3A_9, %add3A_130 : i32
    %mul3A_132 = arith.constant 4096 : i32
    %mul3A_133 = arith.muli %add3A_131, %mul3A_132 : i32
    %add3A_134 = vector.broadcast %mul3A_133 : i32 to vector<16xi32>
    %add3A_135 = arith.addi %get3A_129, %add3A_134 : vector<16xi32>
    %swap3A_136 = arith.constant 1 : i32
    %swap3A_137 = arith.index_cast %swap3A_136 : i32 to index
    %swap3A_138 = arith.constant 0 : index
    %swap3A_139 = tpu.vector_load %arg6[%swap3A_137, %swap3A_138] {strides = array<i32>} : memref<2x128xi32, #tpu.memory_space<vmem>>, vector<16xi32>,
    tpu.vector_store %arg6[%swap3A_137, %swap3A_138], %add3A_135 {strides = array<i32>} : memref<2x128xi32, #tpu.memory_space<vmem>>, vector<16xi32>,
    %get3A_140 = arith.constant 144 : index
    %get3A_141 = tpu.vector_load %arg5[%get3A_140] {strides = array<i32>} : memref<256xi32, #tpu.memory_space<vmem>>, vector<16xi32>,
    %add3A_142 = arith.constant 4 : i32
    %add3A_143 = arith.addi %select_n3A_9, %add3A_142 : i32
    %mul3A_144 = arith.constant 4096 : i32
    %mul3A_145 = arith.muli %add3A_143, %mul3A_144 : i32
    %add3A_146 = vector.broadcast %mul3A_145 : i32 to vector<16xi32>
    %add3A_147 = arith.addi %get3A_141, %add3A_146 : vector<16xi32>
    %swap3A_148 = arith.constant 1 : i32
    %swap3A_149 = arith.index_cast %swap3A_148 : i32 to index
    %swap3A_150 = arith.constant 16 : index
    %swap3A_151 = tpu.vector_load %arg6[%swap3A_149, %swap3A_150] {strides = array<i32>} : memref<2x128xi32, #tpu.memory_space<vmem>>, vector<16xi32>,
    tpu.vector_store %arg6[%swap3A_149, %swap3A_150], %add3A_147 {strides = array<i32>} : memref<2x128xi32, #tpu.memory_space<vmem>>, vector<16xi32>,
    %get3A_152 = arith.constant 160 : index
    %get3A_153 = tpu.vector_load %arg5[%get3A_152] {strides = array<i32>} : memref<256xi32, #tpu.memory_space<vmem>>, vector<16xi32>,
    %add3A_154 = arith.constant 4 : i32
    %add3A_155 = arith.addi %select_n3A_9, %add3A_154 : i32
    %mul3A_156 = arith.constant 4096 : i32
    %mul3A_157 = arith.muli %add3A_155, %mul3A_156 : i32
    %add3A_158 = vector.broadcast %mul3A_157 : i32 to vector<16xi32>
    %add3A_159 = arith.addi %get3A_153, %add3A_158 : vector<16xi32>
    %swap3A_160 = arith.constant 1 : i32
    %swap3A_161 = arith.index_cast %swap3A_160 : i32 to index
    %swap3A_162 = arith.constant 32 : index
    %swap3A_163 = tpu.vector_load %arg6[%swap3A_161, %swap3A_162] {strides = array<i32>} : memref<2x128xi32, #tpu.memory_space<vmem>>, vector<16xi32>,
    tpu.vector_store %arg6[%swap3A_161, %swap3A_162], %add3A_159 {strides = array<i32>} : memref<2x128xi32, #tpu.memory_space<vmem>>, vector<16xi32>,
    %get3A_164 = arith.constant 176 : index
    %get3A_165 = tpu.vector_load %arg5[%get3A_164] {strides = array<i32>} : memref<256xi32, #tpu.memory_space<vmem>>, vector<16xi32>,
    %add3A_166 = arith.constant 4 : i32
    %add3A_167 = arith.addi %select_n3A_9, %add3A_166 : i32
    %mul3A_168 = arith.constant 4096 : i32
    %mul3A_169 = arith.muli %add3A_167, %mul3A_168 : i32
    %add3A_170 = vector.broadcast %mul3A_169 : i32 to vector<16xi32>
    %add3A_171 = arith.addi %get3A_165, %add3A_170 : vector<16xi32>
    %swap3A_172 = arith.constant 1 : i32
    %swap3A_173 = arith.index_cast %swap3A_172 : i32 to index
    %swap3A_174 = arith.constant 48 : index
    %swap3A_175 = tpu.vector_load %arg6[%swap3A_173, %swap3A_174] {strides = array<i32>} : memref<2x128xi32, #tpu.memory_space<vmem>>, vector<16xi32>,
    tpu.vector_store %arg6[%swap3A_173, %swap3A_174], %add3A_171 {strides = array<i32>} : memref<2x128xi32, #tpu.memory_space<vmem>>, vector<16xi32>,
    %get3A_176 = arith.constant 192 : index
    %get3A_177 = tpu.vector_load %arg5[%get3A_176] {strides = array<i32>} : memref<256xi32, #tpu.memory_space<vmem>>, vector<16xi32>,
    %add3A_178 = arith.constant 4 : i32
    %add3A_179 = arith.addi %select_n3A_9, %add3A_178 : i32
    %mul3A_180 = arith.constant 4096 : i32
    %mul3A_181 = arith.muli %add3A_179, %mul3A_180 : i32
    %add3A_182 = vector.broadcast %mul3A_181 : i32 to vector<16xi32>
    %add3A_183 = arith.addi %get3A_177, %add3A_182 : vector<16xi32>
    %swap3A_184 = arith.constant 1 : i32
    %swap3A_185 = arith.index_cast %swap3A_184 : i32 to index
    %swap3A_186 = arith.constant 64 : index
    %swap3A_187 = tpu.vector_load %arg6[%swap3A_185, %swap3A_186] {strides = array<i32>} : memref<2x128xi32, #tpu.memory_space<vmem>>, vector<16xi32>,
    tpu.vector_store %arg6[%swap3A_185, %swap3A_186], %add3A_183 {strides = array<i32>} : memref<2x128xi32, #tpu.memory_space<vmem>>, vector<16xi32>,
    %get3A_188 = arith.constant 208 : index
    %get3A_189 = tpu.vector_load %arg5[%get3A_188] {strides = array<i32>} : memref<256xi32, #tpu.memory_space<vmem>>, vector<16xi32>,
    %add3A_190 = arith.constant 4 : i32
    %add3A_191 = arith.addi %select_n3A_9, %add3A_190 : i32
    %mul3A_192 = arith.constant 4096 : i32
    %mul3A_193 = arith.muli %add3A_191, %mul3A_192 : i32
    %add3A_194 = vector.broadcast %mul3A_193 : i32 to vector<16xi32>
    %add3A_195 = arith.addi %get3A_189, %add3A_194 : vector<16xi32>
    %swap3A_196 = arith.constant 1 : i32
    %swap3A_197 = arith.index_cast %swap3A_196 : i32 to index
    %swap3A_198 = arith.constant 80 : index
    %swap3A_199 = tpu.vector_load %arg6[%swap3A_197, %swap3A_198] {strides = array<i32>} : memref<2x128xi32, #tpu.memory_space<vmem>>, vector<16xi32>,
    tpu.vector_store %arg6[%swap3A_197, %swap3A_198], %add3A_195 {strides = array<i32>} : memref<2x128xi32, #tpu.memory_space<vmem>>, vector<16xi32>,
    %get3A_200 = arith.constant 224 : index
    %get3A_201 = tpu.vector_load %arg5[%get3A_200] {strides = array<i32>} : memref<256xi32, #tpu.memory_space<vmem>>, vector<16xi32>,
    %add3A_202 = arith.constant 4 : i32
    %add3A_203 = arith.addi %select_n3A_9, %add3A_202 : i32
    %mul3A_204 = arith.constant 4096 : i32
    %mul3A_205 = arith.muli %add3A_203, %mul3A_204 : i32
    %add3A_206 = vector.broadcast %mul3A_205 : i32 to vector<16xi32>
    %add3A_207 = arith.addi %get3A_201, %add3A_206 : vector<16xi32>
    %swap3A_208 = arith.constant 1 : i32
    %swap3A_209 = arith.index_cast %swap3A_208 : i32 to index
    %swap3A_210 = arith.constant 96 : index
    %swap3A_211 = tpu.vector_load %arg6[%swap3A_209, %swap3A_210] {strides = array<i32>} : memref<2x128xi32, #tpu.memory_space<vmem>>, vector<16xi32>,
    tpu.vector_store %arg6[%swap3A_209, %swap3A_210], %add3A_207 {strides = array<i32>} : memref<2x128xi32, #tpu.memory_space<vmem>>, vector<16xi32>,
    %get3A_212 = arith.constant 240 : index
    %get3A_213 = tpu.vector_load %arg5[%get3A_212] {strides = array<i32>} : memref<256xi32, #tpu.memory_space<vmem>>, vector<16xi32>,
    %add3A_214 = arith.constant 4 : i32
    %add3A_215 = arith.addi %select_n3A_9, %add3A_214 : i32
    %mul3A_216 = arith.constant 4096 : i32
    %mul3A_217 = arith.muli %add3A_215, %mul3A_216 : i32
    %add3A_218 = vector.broadcast %mul3A_217 : i32 to vector<16xi32>
    %add3A_219 = arith.addi %get3A_213, %add3A_218 : vector<16xi32>
    %swap3A_220 = arith.constant 1 : i32
    %swap3A_221 = arith.index_cast %swap3A_220 : i32 to index
    %swap3A_222 = arith.constant 112 : index
    %swap3A_223 = tpu.vector_load %arg6[%swap3A_221, %swap3A_222] {strides = array<i32>} : memref<2x128xi32, #tpu.memory_space<vmem>>, vector<16xi32>,
    tpu.vector_store %arg6[%swap3A_221, %swap3A_222], %add3A_219 {strides = array<i32>} : memref<2x128xi32, #tpu.memory_space<vmem>>, vector<16xi32>,
    %dma_start3A = arith.constant 0 : i32
    %dma_start3A_224 = arith.constant 0 : i32
    %dma_start3A_225 = arith.constant 0 : i32
    %dma_start3A_226 = tpu.memref_slice %arg7[%dma_start3A_224, %dma_start3A_225] : memref<256x16xf32, #tpu.memory_space<vmem>> -> memref<128x16xf32, #tpu.memory_space<vmem>>
    %dma_start3A_227 = arith.constant 0 : i32
    %dma_start3A_228 = tpu.memref_slice %arg6[%dma_start3A, %dma_start3A_227] : memref<2x128xi32, #tpu.memory_space<vmem>> -> memref<1x128xi32, #tpu.memory_space<vmem>>
    %dma_start3A_229 = tpu.memref_squeeze %dma_start3A_228 : memref<1x128xi32, #tpu.memory_space<vmem>> -> memref<128xi32, #tpu.memory_space<vmem>>
    %dma_start3A_230 = arith.constant 0 : i32
    %dma_start3A_231 = arith.constant 0 : i32
    %dma_start3A_232 = tpu.memref_slice %arg2[%dma_start3A_230, %dma_start3A_231] : memref<32768x16xf32, #tpu.memory_space<hbm>> -> memref<32768x16xf32, #tpu.memory_space<hbm>>
    tpu.enqueue_indirect_dma source(%dma_start3A_232 : memref<32768x16xf32, #tpu.memory_space<hbm>>) target(%dma_start3A_226 : memref<128x16xf32, #tpu.memory_space<vmem>>) offsets(%dma_start3A_229 : memref<128xi32, #tpu.memory_space<vmem>>) semaphore(%arg9 : memref<!tpu.dma_semaphore, #tpu.memory_space<semaphore_mem>>)
    %dma_start3A_233 = arith.constant 1 : i32
    %dma_start3A_234 = arith.constant 128 : i32
    %dma_start3A_235 = arith.constant 0 : i32
    %dma_start3A_236 = tpu.memref_slice %arg7[%dma_start3A_234, %dma_start3A_235] : memref<256x16xf32, #tpu.memory_space<vmem>> -> memref<128x16xf32, #tpu.memory_space<vmem>>
    %dma_start3A_237 = arith.constant 0 : i32
    %dma_start3A_238 = tpu.memref_slice %arg6[%dma_start3A_233, %dma_start3A_237] : memref<2x128xi32, #tpu.memory_space<vmem>> -> memref<1x128xi32, #tpu.memory_space<vmem>>
    %dma_start3A_239 = tpu.memref_squeeze %dma_start3A_238 : memref<1x128xi32, #tpu.memory_space<vmem>> -> memref<128xi32, #tpu.memory_space<vmem>>
    %dma_start3A_240 = arith.constant 0 : i32
    %dma_start3A_241 = arith.constant 0 : i32
    %dma_start3A_242 = tpu.memref_slice %arg2[%dma_start3A_240, %dma_start3A_241] : memref<32768x16xf32, #tpu.memory_space<hbm>> -> memref<32768x16xf32, #tpu.memory_space<hbm>>
    tpu.enqueue_indirect_dma source(%dma_start3A_242 : memref<32768x16xf32, #tpu.memory_space<hbm>>) target(%dma_start3A_236 : memref<128x16xf32, #tpu.memory_space<vmem>>) offsets(%dma_start3A_239 : memref<128xi32, #tpu.memory_space<vmem>>) semaphore(%arg9 : memref<!tpu.dma_semaphore, #tpu.memory_space<semaphore_mem>>)
    %swap3A_243 = arith.constant 6 : i32
    %swap3A_244 = arith.index_cast %swap3A_243 : i32 to index
    %swap3A_245 = arith.constant 0 : index
    %swap3A_246 = tpu.vector_load %arg8[%swap3A_244, %swap3A_245] {strides = array<i32>} : memref<8x256xf32, #tpu.memory_space<vmem>>, vector<16xf32>,
    tpu.vector_store %arg8[%swap3A_244, %swap3A_245], %broadcast_in_dim3A_33 {strides = array<i32>} : memref<8x256xf32, #tpu.memory_space<vmem>>, vector<16xf32>,
    %swap3A_247 = arith.constant 6 : i32
    %swap3A_248 = arith.index_cast %swap3A_247 : i32 to index
    %swap3A_249 = arith.constant 16 : index
    %swap3A_250 = tpu.vector_load %arg8[%swap3A_248, %swap3A_249] {strides = array<i32>} : memref<8x256xf32, #tpu.memory_space<vmem>>, vector<16xf32>,
    tpu.vector_store %arg8[%swap3A_248, %swap3A_249], %broadcast_in_dim3A_33 {strides = array<i32>} : memref<8x256xf32, #tpu.memory_space<vmem>>, vector<16xf32>,
    %swap3A_251 = arith.constant 6 : i32
    %swap3A_252 = arith.index_cast %swap3A_251 : i32 to index
    %swap3A_253 = arith.constant 32 : index
    %swap3A_254 = tpu.vector_load %arg8[%swap3A_252, %swap3A_253] {strides = array<i32>} : memref<8x256xf32, #tpu.memory_space<vmem>>, vector<16xf32>,
    tpu.vector_store %arg8[%swap3A_252, %swap3A_253], %broadcast_in_dim3A_33 {strides = array<i32>} : memref<8x256xf32, #tpu.memory_space<vmem>>, vector<16xf32>,
    %swap3A_255 = arith.constant 6 : i32
    %swap3A_256 = arith.index_cast %swap3A_255 : i32 to index
    %swap3A_257 = arith.constant 48 : index
    %swap3A_258 = tpu.vector_load %arg8[%swap3A_256, %swap3A_257] {strides = array<i32>} : memref<8x256xf32, #tpu.memory_space<vmem>>, vector<16xf32>,
    tpu.vector_store %arg8[%swap3A_256, %swap3A_257], %broadcast_in_dim3A_33 {strides = array<i32>} : memref<8x256xf32, #tpu.memory_space<vmem>>, vector<16xf32>,
    %swap3A_259 = arith.constant 6 : i32
    %swap3A_260 = arith.index_cast %swap3A_259 : i32 to index
    %swap3A_261 = arith.constant 64 : index
    %swap3A_262 = tpu.vector_load %arg8[%swap3A_260, %swap3A_261] {strides = array<i32>} : memref<8x256xf32, #tpu.memory_space<vmem>>, vector<16xf32>,
    tpu.vector_store %arg8[%swap3A_260, %swap3A_261], %broadcast_in_dim3A_33 {strides = array<i32>} : memref<8x256xf32, #tpu.memory_space<vmem>>, vector<16xf32>,
    %swap3A_263 = arith.constant 6 : i32
    %swap3A_264 = arith.index_cast %swap3A_263 : i32 to index
    %swap3A_265 = arith.constant 80 : index
    %swap3A_266 = tpu.vector_load %arg8[%swap3A_264, %swap3A_265] {strides = array<i32>} : memref<8x256xf32, #tpu.memory_space<vmem>>, vector<16xf32>,
    tpu.vector_store %arg8[%swap3A_264, %swap3A_265], %broadcast_in_dim3A_33 {strides = array<i32>} : memref<8x256xf32, #tpu.memory_space<vmem>>, vector<16xf32>,
    %swap3A_267 = arith.constant 6 : i32
    %swap3A_268 = arith.index_cast %swap3A_267 : i32 to index
    %swap3A_269 = arith.constant 96 : index
    %swap3A_270 = tpu.vector_load %arg8[%swap3A_268, %swap3A_269] {strides = array<i32>} : memref<8x256xf32, #tpu.memory_space<vmem>>, vector<16xf32>,
    tpu.vector_store %arg8[%swap3A_268, %swap3A_269], %broadcast_in_dim3A_33 {strides = array<i32>} : memref<8x256xf32, #tpu.memory_space<vmem>>, vector<16xf32>,
    %swap3A_271 = arith.constant 6 : i32
    %swap3A_272 = arith.index_cast %swap3A_271 : i32 to index
    %swap3A_273 = arith.constant 112 : index
    %swap3A_274 = tpu.vector_load %arg8[%swap3A_272, %swap3A_273] {strides = array<i32>} : memref<8x256xf32, #tpu.memory_space<vmem>>, vector<16xf32>,
    tpu.vector_store %arg8[%swap3A_272, %swap3A_273], %broadcast_in_dim3A_33 {strides = array<i32>} : memref<8x256xf32, #tpu.memory_space<vmem>>, vector<16xf32>,
    %swap3A_275 = arith.constant 6 : i32
    %swap3A_276 = arith.index_cast %swap3A_275 : i32 to index
    %swap3A_277 = arith.constant 128 : index
    %swap3A_278 = tpu.vector_load %arg8[%swap3A_276, %swap3A_277] {strides = array<i32>} : memref<8x256xf32, #tpu.memory_space<vmem>>, vector<16xf32>,
    tpu.vector_store %arg8[%swap3A_276, %swap3A_277], %broadcast_in_dim3A_33 {strides = array<i32>} : memref<8x256xf32, #tpu.memory_space<vmem>>, vector<16xf32>,
    %swap3A_279 = arith.constant 6 : i32
    %swap3A_280 = arith.index_cast %swap3A_279 : i32 to index
    %swap3A_281 = arith.constant 144 : index
    %swap3A_282 = tpu.vector_load %arg8[%swap3A_280, %swap3A_281] {strides = array<i32>} : memref<8x256xf32, #tpu.memory_space<vmem>>, vector<16xf32>,
    tpu.vector_store %arg8[%swap3A_280, %swap3A_281], %broadcast_in_dim3A_33 {strides = array<i32>} : memref<8x256xf32, #tpu.memory_space<vmem>>, vector<16xf32>,
    %swap3A_283 = arith.constant 6 : i32
    %swap3A_284 = arith.index_cast %swap3A_283 : i32 to index
    %swap3A_285 = arith.constant 160 : index
    %swap3A_286 = tpu.vector_load %arg8[%swap3A_284, %swap3A_285] {strides = array<i32>} : memref<8x256xf32, #tpu.memory_space<vmem>>, vector<16xf32>,
    tpu.vector_store %arg8[%swap3A_284, %swap3A_285], %broadcast_in_dim3A_33 {strides = array<i32>} : memref<8x256xf32, #tpu.memory_space<vmem>>, vector<16xf32>,
    %swap3A_287 = arith.constant 6 : i32
    %swap3A_288 = arith.index_cast %swap3A_287 : i32 to index
    %swap3A_289 = arith.constant 176 : index
    %swap3A_290 = tpu.vector_load %arg8[%swap3A_288, %swap3A_289] {strides = array<i32>} : memref<8x256xf32, #tpu.memory_space<vmem>>, vector<16xf32>,
    tpu.vector_store %arg8[%swap3A_288, %swap3A_289], %broadcast_in_dim3A_33 {strides = array<i32>} : memref<8x256xf32, #tpu.memory_space<vmem>>, vector<16xf32>,
    %swap3A_291 = arith.constant 6 : i32
    %swap3A_292 = arith.index_cast %swap3A_291 : i32 to index
    %swap3A_293 = arith.constant 192 : index
    %swap3A_294 = tpu.vector_load %arg8[%swap3A_292, %swap3A_293] {strides = array<i32>} : memref<8x256xf32, #tpu.memory_space<vmem>>, vector<16xf32>,
    tpu.vector_store %arg8[%swap3A_292, %swap3A_293], %broadcast_in_dim3A_33 {strides = array<i32>} : memref<8x256xf32, #tpu.memory_space<vmem>>, vector<16xf32>,
    %swap3A_295 = arith.constant 6 : i32
    %swap3A_296 = arith.index_cast %swap3A_295 : i32 to index
    %swap3A_297 = arith.constant 208 : index
    %swap3A_298 = tpu.vector_load %arg8[%swap3A_296, %swap3A_297] {strides = array<i32>} : memref<8x256xf32, #tpu.memory_space<vmem>>, vector<16xf32>,
    tpu.vector_store %arg8[%swap3A_296, %swap3A_297], %broadcast_in_dim3A_33 {strides = array<i32>} : memref<8x256xf32, #tpu.memory_space<vmem>>, vector<16xf32>,
    %swap3A_299 = arith.constant 6 : i32
    %swap3A_300 = arith.index_cast %swap3A_299 : i32 to index
    %swap3A_301 = arith.constant 224 : index
    %swap3A_302 = tpu.vector_load %arg8[%swap3A_300, %swap3A_301] {strides = array<i32>} : memref<8x256xf32, #tpu.memory_space<vmem>>, vector<16xf32>,
    tpu.vector_store %arg8[%swap3A_300, %swap3A_301], %broadcast_in_dim3A_33 {strides = array<i32>} : memref<8x256xf32, #tpu.memory_space<vmem>>, vector<16xf32>,
    %swap3A_303 = arith.constant 6 : i32
    %swap3A_304 = arith.index_cast %swap3A_303 : i32 to index
    %swap3A_305 = arith.constant 240 : index
    %swap3A_306 = tpu.vector_load %arg8[%swap3A_304, %swap3A_305] {strides = array<i32>} : memref<8x256xf32, #tpu.memory_space<vmem>>, vector<16xf32>,
    tpu.vector_store %arg8[%swap3A_304, %swap3A_305], %broadcast_in_dim3A_33 {strides = array<i32>} : memref<8x256xf32, #tpu.memory_space<vmem>>, vector<16xf32>,
    %swap3A_307 = arith.constant 7 : i32
    %swap3A_308 = arith.index_cast %swap3A_307 : i32 to index
    %swap3A_309 = arith.constant 0 : index
    %swap3A_310 = tpu.vector_load %arg8[%swap3A_308, %swap3A_309] {strides = array<i32>} : memref<8x256xf32, #tpu.memory_space<vmem>>, vector<16xf32>,
    tpu.vector_store %arg8[%swap3A_308, %swap3A_309], %broadcast_in_dim3A_33 {strides = array<i32>} : memref<8x256xf32, #tpu.memory_space<vmem>>, vector<16xf32>,
    %swap3A_311 = arith.constant 7 : i32
    %swap3A_312 = arith.index_cast %swap3A_311 : i32 to index
    %swap3A_313 = arith.constant 16 : index
    %swap3A_314 = tpu.vector_load %arg8[%swap3A_312, %swap3A_313] {strides = array<i32>} : memref<8x256xf32, #tpu.memory_space<vmem>>, vector<16xf32>,
    tpu.vector_store %arg8[%swap3A_312, %swap3A_313], %broadcast_in_dim3A_33 {strides = array<i32>} : memref<8x256xf32, #tpu.memory_space<vmem>>, vector<16xf32>,
    %swap3A_315 = arith.constant 7 : i32
    %swap3A_316 = arith.index_cast %swap3A_315 : i32 to index
    %swap3A_317 = arith.constant 32 : index
    %swap3A_318 = tpu.vector_load %arg8[%swap3A_316, %swap3A_317] {strides = array<i32>} : memref<8x256xf32, #tpu.memory_space<vmem>>, vector<16xf32>,
    tpu.vector_store %arg8[%swap3A_316, %swap3A_317], %broadcast_in_dim3A_33 {strides = array<i32>} : memref<8x256xf32, #tpu.memory_space<vmem>>, vector<16xf32>,
    %swap3A_319 = arith.constant 7 : i32
    %swap3A_320 = arith.index_cast %swap3A_319 : i32 to index
    %swap3A_321 = arith.constant 48 : index
    %swap3A_322 = tpu.vector_load %arg8[%swap3A_320, %swap3A_321] {strides = array<i32>} : memref<8x256xf32, #tpu.memory_space<vmem>>, vector<16xf32>,
    tpu.vector_store %arg8[%swap3A_320, %swap3A_321], %broadcast_in_dim3A_33 {strides = array<i32>} : memref<8x256xf32, #tpu.memory_space<vmem>>, vector<16xf32>,
    %swap3A_323 = arith.constant 7 : i32
    %swap3A_324 = arith.index_cast %swap3A_323 : i32 to index
    %swap3A_325 = arith.constant 64 : index
    %swap3A_326 = tpu.vector_load %arg8[%swap3A_324, %swap3A_325] {strides = array<i32>} : memref<8x256xf32, #tpu.memory_space<vmem>>, vector<16xf32>,
    tpu.vector_store %arg8[%swap3A_324, %swap3A_325], %broadcast_in_dim3A_33 {strides = array<i32>} : memref<8x256xf32, #tpu.memory_space<vmem>>, vector<16xf32>,
    %swap3A_327 = arith.constant 7 : i32
    %swap3A_328 = arith.index_cast %swap3A_327 : i32 to index
    %swap3A_329 = arith.constant 80 : index
    %swap3A_330 = tpu.vector_load %arg8[%swap3A_328, %swap3A_329] {strides = array<i32>} : memref<8x256xf32, #tpu.memory_space<vmem>>, vector<16xf32>,
    tpu.vector_store %arg8[%swap3A_328, %swap3A_329], %broadcast_in_dim3A_33 {strides = array<i32>} : memref<8x256xf32, #tpu.memory_space<vmem>>, vector<16xf32>,
    %swap3A_331 = arith.constant 7 : i32
    %swap3A_332 = arith.index_cast %swap3A_331 : i32 to index
    %swap3A_333 = arith.constant 96 : index
    %swap3A_334 = tpu.vector_load %arg8[%swap3A_332, %swap3A_333] {strides = array<i32>} : memref<8x256xf32, #tpu.memory_space<vmem>>, vector<16xf32>,
    tpu.vector_store %arg8[%swap3A_332, %swap3A_333], %broadcast_in_dim3A_33 {strides = array<i32>} : memref<8x256xf32, #tpu.memory_space<vmem>>, vector<16xf32>,
    %swap3A_335 = arith.constant 7 : i32
    %swap3A_336 = arith.index_cast %swap3A_335 : i32 to index
    %swap3A_337 = arith.constant 112 : index
    %swap3A_338 = tpu.vector_load %arg8[%swap3A_336, %swap3A_337] {strides = array<i32>} : memref<8x256xf32, #tpu.memory_space<vmem>>, vector<16xf32>,
    tpu.vector_store %arg8[%swap3A_336, %swap3A_337], %broadcast_in_dim3A_33 {strides = array<i32>} : memref<8x256xf32, #tpu.memory_space<vmem>>, vector<16xf32>,
    %swap3A_339 = arith.constant 7 : i32
    %swap3A_340 = arith.index_cast %swap3A_339 : i32 to index
    %swap3A_341 = arith.constant 128 : index
    %swap3A_342 = tpu.vector_load %arg8[%swap3A_340, %swap3A_341] {strides = array<i32>} : memref<8x256xf32, #tpu.memory_space<vmem>>, vector<16xf32>,
    tpu.vector_store %arg8[%swap3A_340, %swap3A_341], %broadcast_in_dim3A_33 {strides = array<i32>} : memref<8x256xf32, #tpu.memory_space<vmem>>, vector<16xf32>,
    %swap3A_343 = arith.constant 7 : i32
    %swap3A_344 = arith.index_cast %swap3A_343 : i32 to index
    %swap3A_345 = arith.constant 144 : index
    %swap3A_346 = tpu.vector_load %arg8[%swap3A_344, %swap3A_345] {strides = array<i32>} : memref<8x256xf32, #tpu.memory_space<vmem>>, vector<16xf32>,
    tpu.vector_store %arg8[%swap3A_344, %swap3A_345], %broadcast_in_dim3A_33 {strides = array<i32>} : memref<8x256xf32, #tpu.memory_space<vmem>>, vector<16xf32>,
    %swap3A_347 = arith.constant 7 : i32
    %swap3A_348 = arith.index_cast %swap3A_347 : i32 to index
    %swap3A_349 = arith.constant 160 : index
    %swap3A_350 = tpu.vector_load %arg8[%swap3A_348, %swap3A_349] {strides = array<i32>} : memref<8x256xf32, #tpu.memory_space<vmem>>, vector<16xf32>,
    tpu.vector_store %arg8[%swap3A_348, %swap3A_349], %broadcast_in_dim3A_33 {strides = array<i32>} : memref<8x256xf32, #tpu.memory_space<vmem>>, vector<16xf32>,
    %swap3A_351 = arith.constant 7 : i32
    %swap3A_352 = arith.index_cast %swap3A_351 : i32 to index
    %swap3A_353 = arith.constant 176 : index
    %swap3A_354 = tpu.vector_load %arg8[%swap3A_352, %swap3A_353] {strides = array<i32>} : memref<8x256xf32, #tpu.memory_space<vmem>>, vector<16xf32>,
    tpu.vector_store %arg8[%swap3A_352, %swap3A_353], %broadcast_in_dim3A_33 {strides = array<i32>} : memref<8x256xf32, #tpu.memory_space<vmem>>, vector<16xf32>,
    %swap3A_355 = arith.constant 7 : i32
    %swap3A_356 = arith.index_cast %swap3A_355 : i32 to index
    %swap3A_357 = arith.constant 192 : index
    %swap3A_358 = tpu.vector_load %arg8[%swap3A_356, %swap3A_357] {strides = array<i32>} : memref<8x256xf32, #tpu.memory_space<vmem>>, vector<16xf32>,
    tpu.vector_store %arg8[%swap3A_356, %swap3A_357], %broadcast_in_dim3A_33 {strides = array<i32>} : memref<8x256xf32, #tpu.memory_space<vmem>>, vector<16xf32>,
    %swap3A_359 = arith.constant 7 : i32
    %swap3A_360 = arith.index_cast %swap3A_359 : i32 to index
    %swap3A_361 = arith.constant 208 : index
    %swap3A_362 = tpu.vector_load %arg8[%swap3A_360, %swap3A_361] {strides = array<i32>} : memref<8x256xf32, #tpu.memory_space<vmem>>, vector<16xf32>,
    tpu.vector_store %arg8[%swap3A_360, %swap3A_361], %broadcast_in_dim3A_33 {strides = array<i32>} : memref<8x256xf32, #tpu.memory_space<vmem>>, vector<16xf32>,
    %swap3A_363 = arith.constant 7 : i32
    %swap3A_364 = arith.index_cast %swap3A_363 : i32 to index
    %swap3A_365 = arith.constant 224 : index
    %swap3A_366 = tpu.vector_load %arg8[%swap3A_364, %swap3A_365] {strides = array<i32>} : memref<8x256xf32, #tpu.memory_space<vmem>>, vector<16xf32>,
    tpu.vector_store %arg8[%swap3A_364, %swap3A_365], %broadcast_in_dim3A_33 {strides = array<i32>} : memref<8x256xf32, #tpu.memory_space<vmem>>, vector<16xf32>,
    %swap3A_367 = arith.constant 7 : i32
    %swap3A_368 = arith.index_cast %swap3A_367 : i32 to index
    %swap3A_369 = arith.constant 240 : index
    %swap3A_370 = tpu.vector_load %arg8[%swap3A_368, %swap3A_369] {strides = array<i32>} : memref<8x256xf32, #tpu.memory_space<vmem>>, vector<16xf32>,
    tpu.vector_store %arg8[%swap3A_368, %swap3A_369], %broadcast_in_dim3A_33 {strides = array<i32>} : memref<8x256xf32, #tpu.memory_space<vmem>>, vector<16xf32>,
    %dma_wait3A = arith.constant 0 : i32
    %dma_wait3A_371 = arith.constant 0 : i32
    %dma_wait3A_372 = arith.constant 0 : i32
    %dma_wait3A_373 = tpu.memref_slice %arg7[%dma_wait3A_371, %dma_wait3A_372] : memref<256x16xf32, #tpu.memory_space<vmem>> -> memref<128x16xf32, #tpu.memory_space<vmem>>
    %dma_wait3A_374 = arith.constant 0 : i32
    %dma_wait3A_375 = tpu.memref_slice %arg6[%dma_wait3A, %dma_wait3A_374] : memref<2x128xi32, #tpu.memory_space<vmem>> -> memref<1x128xi32, #tpu.memory_space<vmem>>
    %dma_wait3A_376 = tpu.memref_squeeze %dma_wait3A_375 : memref<1x128xi32, #tpu.memory_space<vmem>> -> memref<128xi32, #tpu.memory_space<vmem>>
    %dma_wait3A_377 = arith.constant 0 : i32
    %dma_wait3A_378 = arith.constant 0 : i32
    %dma_wait3A_379 = tpu.memref_slice %arg2[%dma_wait3A_377, %dma_wait3A_378] : memref<32768x16xf32, #tpu.memory_space<hbm>> -> memref<32768x16xf32, #tpu.memory_space<hbm>>
    tpu.wait_indirect_dma semaphore(%arg9 : memref<!tpu.dma_semaphore, #tpu.memory_space<semaphore_mem>>) src(%dma_wait3A_379 : memref<32768x16xf32, #tpu.memory_space<hbm>>) dst(%dma_wait3A_373 : memref<128x16xf32, #tpu.memory_space<vmem>>)
    %dma_wait3A_380 = arith.constant 1 : i32
    %dma_wait3A_381 = arith.constant 128 : i32
    %dma_wait3A_382 = arith.constant 0 : i32
    %dma_wait3A_383 = tpu.memref_slice %arg7[%dma_wait3A_381, %dma_wait3A_382] : memref<256x16xf32, #tpu.memory_space<vmem>> -> memref<128x16xf32, #tpu.memory_space<vmem>>
    %dma_wait3A_384 = arith.constant 0 : i32
    %dma_wait3A_385 = tpu.memref_slice %arg6[%dma_wait3A_380, %dma_wait3A_384] : memref<2x128xi32, #tpu.memory_space<vmem>> -> memref<1x128xi32, #tpu.memory_space<vmem>>
    %dma_wait3A_386 = tpu.memref_squeeze %dma_wait3A_385 : memref<1x128xi32, #tpu.memory_space<vmem>> -> memref<128xi32, #tpu.memory_space<vmem>>
    %dma_wait3A_387 = arith.constant 0 : i32
    %dma_wait3A_388 = arith.constant 0 : i32
    %dma_wait3A_389 = tpu.memref_slice %arg2[%dma_wait3A_387, %dma_wait3A_388] : memref<32768x16xf32, #tpu.memory_space<hbm>> -> memref<32768x16xf32, #tpu.memory_space<hbm>>
    tpu.wait_indirect_dma semaphore(%arg9 : memref<!tpu.dma_semaphore, #tpu.memory_space<semaphore_mem>>) src(%dma_wait3A_389 : memref<32768x16xf32, #tpu.memory_space<hbm>>) dst(%dma_wait3A_383 : memref<128x16xf32, #tpu.memory_space<vmem>>)
    %add3A_390 = arith.constant 0 : i32
    %add3A_391 = vector.broadcast %add3A_390 : i32 to vector<16xi32>
    %add3A_392 = arith.addi %iota3A, %add3A_391 : vector<16xi32>
    %broadcast_in_dim3A_393 = arith.constant 0 : i32
    %broadcast_in_dim3A_394 = vector.broadcast %broadcast_in_dim3A_393 : i32 to vector<16xi32>
    %gather3A = tpu.vector_load_idx %arg7[%add3A_392, %broadcast_in_dim3A_394] : memref<256x16xf32, #tpu.memory_space<vmem>>[vector<16xi32>, vector<16xi32>], vector<16xf32>,
    %broadcast_in_dim3A_395 = arith.constant 1 : i32
    %broadcast_in_dim3A_396 = vector.broadcast %broadcast_in_dim3A_395 : i32 to vector<16xi32>
    %gather3A_397 = tpu.vector_load_idx %arg7[%add3A_392, %broadcast_in_dim3A_396] : memref<256x16xf32, #tpu.memory_space<vmem>>[vector<16xi32>, vector<16xi32>], vector<16xf32>,
    %broadcast_in_dim3A_398 = arith.constant 2 : i32
    %broadcast_in_dim3A_399 = vector.broadcast %broadcast_in_dim3A_398 : i32 to vector<16xi32>
    %gather3A_400 = tpu.vector_load_idx %arg7[%add3A_392, %broadcast_in_dim3A_399] : memref<256x16xf32, #tpu.memory_space<vmem>>[vector<16xi32>, vector<16xi32>], vector<16xf32>,
    %mul3A_401 = arith.constant -2.000000e+00 : f32
    %mul3A_402 = vector.broadcast %mul3A_401 : f32 to vector<16xf32>
    %mul3A_403 = arith.mulf %mul3A_402, %gather3A : vector<16xf32>
    %swap3A_404 = arith.constant 0 : i32
    %swap3A_405 = arith.index_cast %swap3A_404 : i32 to index
    %swap3A_406 = arith.constant 0 : index
    %swap3A_407 = tpu.vector_load %arg8[%swap3A_405, %swap3A_406] {strides = array<i32>} : memref<8x256xf32, #tpu.memory_space<vmem>>, vector<16xf32>,
    tpu.vector_store %arg8[%swap3A_405, %swap3A_406], %mul3A_403 {strides = array<i32>} : memref<8x256xf32, #tpu.memory_space<vmem>>, vector<16xf32>,
    %mul3A_408 = arith.constant -2.000000e+00 : f32
    %mul3A_409 = vector.broadcast %mul3A_408 : f32 to vector<16xf32>
    %mul3A_410 = arith.mulf %mul3A_409, %gather3A_397 : vector<16xf32>
    %swap3A_411 = arith.constant 1 : i32
    %swap3A_412 = arith.index_cast %swap3A_411 : i32 to index
    %swap3A_413 = arith.constant 0 : index
    %swap3A_414 = tpu.vector_load %arg8[%swap3A_412, %swap3A_413] {strides = array<i32>} : memref<8x256xf32, #tpu.memory_space<vmem>>, vector<16xf32>,
    tpu.vector_store %arg8[%swap3A_412, %swap3A_413], %mul3A_410 {strides = array<i32>} : memref<8x256xf32, #tpu.memory_space<vmem>>, vector<16xf32>,
    %mul3A_415 = arith.constant -2.000000e+00 : f32
    %mul3A_416 = vector.broadcast %mul3A_415 : f32 to vector<16xf32>
    %mul3A_417 = arith.mulf %mul3A_416, %gather3A_400 : vector<16xf32>
    %swap3A_418 = arith.constant 2 : i32
    %swap3A_419 = arith.index_cast %swap3A_418 : i32 to index
    %swap3A_420 = arith.constant 0 : index
    %swap3A_421 = tpu.vector_load %arg8[%swap3A_419, %swap3A_420] {strides = array<i32>} : memref<8x256xf32, #tpu.memory_space<vmem>>, vector<16xf32>,
    tpu.vector_store %arg8[%swap3A_419, %swap3A_420], %mul3A_417 {strides = array<i32>} : memref<8x256xf32, #tpu.memory_space<vmem>>, vector<16xf32>,
    %mul3A_422 = arith.mulf %gather3A, %gather3A : vector<16xf32>
    %mul3A_423 = arith.mulf %gather3A_397, %gather3A_397 : vector<16xf32>
    %add3A_424 = arith.addf %mul3A_422, %mul3A_423 : vector<16xf32>
    %mul3A_425 = arith.mulf %gather3A_400, %gather3A_400 : vector<16xf32>
    %add3A_426 = arith.addf %add3A_424, %mul3A_425 : vector<16xf32>
    %bitcast3A = vector.bitcast %add3A_426 : vector<16xf32> to vector<16xi32>
    %add3A_427 = arith.constant 32767 : i32
    %add3A_428 = vector.broadcast %add3A_427 : i32 to vector<16xi32>
    %add3A_429 = arith.addi %bitcast3A, %add3A_428 : vector<16xi32>
    %shift_right_logical3A = arith.constant 16 : i32
    %shift_right_logical3A_430 = vector.broadcast %shift_right_logical3A : i32 to vector<16xi32>
    %shift_right_logical3A_431 = arith.shrui %bitcast3A, %shift_right_logical3A_430 : vector<16xi32>
    %and3A_432 = arith.constant 1 : i32
    %and3A_433 = vector.broadcast %and3A_432 : i32 to vector<16xi32>
    %and3A_434 = arith.andi %shift_right_logical3A_431, %and3A_433 : vector<16xi32>
    %add3A_435 = arith.addi %add3A_429, %and3A_434 : vector<16xi32>
    %and3A_436 = arith.constant -65536 : i32
    %and3A_437 = vector.broadcast %and3A_436 : i32 to vector<16xi32>
    %and3A_438 = arith.andi %add3A_435, %and3A_437 : vector<16xi32>
    %bitcast3A_439 = vector.bitcast %and3A_438 : vector<16xi32> to vector<16xf32>
    %sub3A_440 = arith.subf %add3A_426, %bitcast3A_439 : vector<16xf32>
    %bitcast3A_441 = vector.bitcast %sub3A_440 : vector<16xf32> to vector<16xi32>
    %add3A_442 = arith.constant 32767 : i32
    %add3A_443 = vector.broadcast %add3A_442 : i32 to vector<16xi32>
    %add3A_444 = arith.addi %bitcast3A_441, %add3A_443 : vector<16xi32>
    %shift_right_logical3A_445 = arith.constant 16 : i32
    %shift_right_logical3A_446 = vector.broadcast %shift_right_logical3A_445 : i32 to vector<16xi32>
    %shift_right_logical3A_447 = arith.shrui %bitcast3A_441, %shift_right_logical3A_446 : vector<16xi32>
    %and3A_448 = arith.constant 1 : i32
    %and3A_449 = vector.broadcast %and3A_448 : i32 to vector<16xi32>
    %and3A_450 = arith.andi %shift_right_logical3A_447, %and3A_449 : vector<16xi32>
    %add3A_451 = arith.addi %add3A_444, %and3A_450 : vector<16xi32>
    %and3A_452 = arith.constant -65536 : i32
    %and3A_453 = vector.broadcast %and3A_452 : i32 to vector<16xi32>
    %and3A_454 = arith.andi %add3A_451, %and3A_453 : vector<16xi32>
    %bitcast3A_455 = vector.bitcast %and3A_454 : vector<16xi32> to vector<16xf32>
    %sub3A_456 = arith.subf %sub3A_440, %bitcast3A_455 : vector<16xf32>
    %bitcast3A_457 = vector.bitcast %sub3A_456 : vector<16xf32> to vector<16xi32>
    %add3A_458 = arith.constant 32767 : i32
    %add3A_459 = vector.broadcast %add3A_458 : i32 to vector<16xi32>
    %add3A_460 = arith.addi %bitcast3A_457, %add3A_459 : vector<16xi32>
    %shift_right_logical3A_461 = arith.constant 16 : i32
    %shift_right_logical3A_462 = vector.broadcast %shift_right_logical3A_461 : i32 to vector<16xi32>
    %shift_right_logical3A_463 = arith.shrui %bitcast3A_457, %shift_right_logical3A_462 : vector<16xi32>
    %and3A_464 = arith.constant 1 : i32
    %and3A_465 = vector.broadcast %and3A_464 : i32 to vector<16xi32>
    %and3A_466 = arith.andi %shift_right_logical3A_463, %and3A_465 : vector<16xi32>
    %add3A_467 = arith.addi %add3A_460, %and3A_466 : vector<16xi32>
    %and3A_468 = arith.constant -65536 : i32
    %and3A_469 = vector.broadcast %and3A_468 : i32 to vector<16xi32>
    %and3A_470 = arith.andi %add3A_467, %and3A_469 : vector<16xi32>
    %bitcast3A_471 = vector.bitcast %and3A_470 : vector<16xi32> to vector<16xf32>
    %swap3A_472 = arith.constant 3 : i32
    %swap3A_473 = arith.index_cast %swap3A_472 : i32 to index
    %swap3A_474 = arith.constant 0 : index
    %swap3A_475 = tpu.vector_load %arg8[%swap3A_473, %swap3A_474] {strides = array<i32>} : memref<8x256xf32, #tpu.memory_space<vmem>>, vector<16xf32>,
    tpu.vector_store %arg8[%swap3A_473, %swap3A_474], %bitcast3A_439 {strides = array<i32>} : memref<8x256xf32, #tpu.memory_space<vmem>>, vector<16xf32>,
    %swap3A_476 = arith.constant 4 : i32
    %swap3A_477 = arith.index_cast %swap3A_476 : i32 to index
    %swap3A_478 = arith.constant 0 : index
    %swap3A_479 = tpu.vector_load %arg8[%swap3A_477, %swap3A_478] {strides = array<i32>} : memref<8x256xf32, #tpu.memory_space<vmem>>, vector<16xf32>,
    tpu.vector_store %arg8[%swap3A_477, %swap3A_478], %bitcast3A_455 {strides = array<i32>} : memref<8x256xf32, #tpu.memory_space<vmem>>, vector<16xf32>,
    %swap3A_480 = arith.constant 5 : i32
    %swap3A_481 = arith.index_cast %swap3A_480 : i32 to index
    %swap3A_482 = arith.constant 0 : index
    %swap3A_483 = tpu.vector_load %arg8[%swap3A_481, %swap3A_482] {strides = array<i32>} : memref<8x256xf32, #tpu.memory_space<vmem>>, vector<16xf32>,
    tpu.vector_store %arg8[%swap3A_481, %swap3A_482], %bitcast3A_471 {strides = array<i32>} : memref<8x256xf32, #tpu.memory_space<vmem>>, vector<16xf32>,
    %add3A_484 = arith.constant 16 : i32
    %add3A_485 = vector.broadcast %add3A_484 : i32 to vector<16xi32>
    %add3A_486 = arith.addi %iota3A, %add3A_485 : vector<16xi32>
    %broadcast_in_dim3A_487 = arith.constant 0 : i32
    %broadcast_in_dim3A_488 = vector.broadcast %broadcast_in_dim3A_487 : i32 to vector<16xi32>
    %gather3A_489 = tpu.vector_load_idx %arg7[%add3A_486, %broadcast_in_dim3A_488] : memref<256x16xf32, #tpu.memory_space<vmem>>[vector<16xi32>, vector<16xi32>], vector<16xf32>,
    %broadcast_in_dim3A_490 = arith.constant 1 : i32
    %broadcast_in_dim3A_491 = vector.broadcast %broadcast_in_dim3A_490 : i32 to vector<16xi32>
    %gather3A_492 = tpu.vector_load_idx %arg7[%add3A_486, %broadcast_in_dim3A_491] : memref<256x16xf32, #tpu.memory_space<vmem>>[vector<16xi32>, vector<16xi32>], vector<16xf32>,
    %broadcast_in_dim3A_493 = arith.constant 2 : i32
    %broadcast_in_dim3A_494 = vector.broadcast %broadcast_in_dim3A_493 : i32 to vector<16xi32>
    %gather3A_495 = tpu.vector_load_idx %arg7[%add3A_486, %broadcast_in_dim3A_494] : memref<256x16xf32, #tpu.memory_space<vmem>>[vector<16xi32>, vector<16xi32>], vector<16xf32>,
    %mul3A_496 = arith.constant -2.000000e+00 : f32
    %mul3A_497 = vector.broadcast %mul3A_496 : f32 to vector<16xf32>
    %mul3A_498 = arith.mulf %mul3A_497, %gather3A_489 : vector<16xf32>
    %swap3A_499 = arith.constant 0 : i32
    %swap3A_500 = arith.index_cast %swap3A_499 : i32 to index
    %swap3A_501 = arith.constant 16 : index
    %swap3A_502 = tpu.vector_load %arg8[%swap3A_500, %swap3A_501] {strides = array<i32>} : memref<8x256xf32, #tpu.memory_space<vmem>>, vector<16xf32>,
    tpu.vector_store %arg8[%swap3A_500, %swap3A_501], %mul3A_498 {strides = array<i32>} : memref<8x256xf32, #tpu.memory_space<vmem>>, vector<16xf32>,
    %mul3A_503 = arith.constant -2.000000e+00 : f32
    %mul3A_504 = vector.broadcast %mul3A_503 : f32 to vector<16xf32>
    %mul3A_505 = arith.mulf %mul3A_504, %gather3A_492 : vector<16xf32>
    %swap3A_506 = arith.constant 1 : i32
    %swap3A_507 = arith.index_cast %swap3A_506 : i32 to index
    %swap3A_508 = arith.constant 16 : index
    %swap3A_509 = tpu.vector_load %arg8[%swap3A_507, %swap3A_508] {strides = array<i32>} : memref<8x256xf32, #tpu.memory_space<vmem>>, vector<16xf32>,
    tpu.vector_store %arg8[%swap3A_507, %swap3A_508], %mul3A_505 {strides = array<i32>} : memref<8x256xf32, #tpu.memory_space<vmem>>, vector<16xf32>,
    %mul3A_510 = arith.constant -2.000000e+00 : f32
    %mul3A_511 = vector.broadcast %mul3A_510 : f32 to vector<16xf32>
    %mul3A_512 = arith.mulf %mul3A_511, %gather3A_495 : vector<16xf32>
    %swap3A_513 = arith.constant 2 : i32
    %swap3A_514 = arith.index_cast %swap3A_513 : i32 to index
    %swap3A_515 = arith.constant 16 : index
    %swap3A_516 = tpu.vector_load %arg8[%swap3A_514, %swap3A_515] {strides = array<i32>} : memref<8x256xf32, #tpu.memory_space<vmem>>, vector<16xf32>,
    tpu.vector_store %arg8[%swap3A_514, %swap3A_515], %mul3A_512 {strides = array<i32>} : memref<8x256xf32, #tpu.memory_space<vmem>>, vector<16xf32>,
    %mul3A_517 = arith.mulf %gather3A_489, %gather3A_489 : vector<16xf32>
    %mul3A_518 = arith.mulf %gather3A_492, %gather3A_492 : vector<16xf32>
    %add3A_519 = arith.addf %mul3A_517, %mul3A_518 : vector<16xf32>
    %mul3A_520 = arith.mulf %gather3A_495, %gather3A_495 : vector<16xf32>
    %add3A_521 = arith.addf %add3A_519, %mul3A_520 : vector<16xf32>
    %bitcast3A_522 = vector.bitcast %add3A_521 : vector<16xf32> to vector<16xi32>
    %add3A_523 = arith.constant 32767 : i32
    %add3A_524 = vector.broadcast %add3A_523 : i32 to vector<16xi32>
    %add3A_525 = arith.addi %bitcast3A_522, %add3A_524 : vector<16xi32>
    %shift_right_logical3A_526 = arith.constant 16 : i32
    %shift_right_logical3A_527 = vector.broadcast %shift_right_logical3A_526 : i32 to vector<16xi32>
    %shift_right_logical3A_528 = arith.shrui %bitcast3A_522, %shift_right_logical3A_527 : vector<16xi32>
    %and3A_529 = arith.constant 1 : i32
    %and3A_530 = vector.broadcast %and3A_529 : i32 to vector<16xi32>
    %and3A_531 = arith.andi %shift_right_logical3A_528, %and3A_530 : vector<16xi32>
    %add3A_532 = arith.addi %add3A_525, %and3A_531 : vector<16xi32>
    %and3A_533 = arith.constant -65536 : i32
    %and3A_534 = vector.broadcast %and3A_533 : i32 to vector<16xi32>
    %and3A_535 = arith.andi %add3A_532, %and3A_534 : vector<16xi32>
    %bitcast3A_536 = vector.bitcast %and3A_535 : vector<16xi32> to vector<16xf32>
    %sub3A_537 = arith.subf %add3A_521, %bitcast3A_536 : vector<16xf32>
    %bitcast3A_538 = vector.bitcast %sub3A_537 : vector<16xf32> to vector<16xi32>
    %add3A_539 = arith.constant 32767 : i32
    %add3A_540 = vector.broadcast %add3A_539 : i32 to vector<16xi32>
    %add3A_541 = arith.addi %bitcast3A_538, %add3A_540 : vector<16xi32>
    %shift_right_logical3A_542 = arith.constant 16 : i32
    %shift_right_logical3A_543 = vector.broadcast %shift_right_logical3A_542 : i32 to vector<16xi32>
    %shift_right_logical3A_544 = arith.shrui %bitcast3A_538, %shift_right_logical3A_543 : vector<16xi32>
    %and3A_545 = arith.constant 1 : i32
    %and3A_546 = vector.broadcast %and3A_545 : i32 to vector<16xi32>
    %and3A_547 = arith.andi %shift_right_logical3A_544, %and3A_546 : vector<16xi32>
    %add3A_548 = arith.addi %add3A_541, %and3A_547 : vector<16xi32>
    %and3A_549 = arith.constant -65536 : i32
    %and3A_550 = vector.broadcast %and3A_549 : i32 to vector<16xi32>
    %and3A_551 = arith.andi %add3A_548, %and3A_550 : vector<16xi32>
    %bitcast3A_552 = vector.bitcast %and3A_551 : vector<16xi32> to vector<16xf32>
    %sub3A_553 = arith.subf %sub3A_537, %bitcast3A_552 : vector<16xf32>
    %bitcast3A_554 = vector.bitcast %sub3A_553 : vector<16xf32> to vector<16xi32>
    %add3A_555 = arith.constant 32767 : i32
    %add3A_556 = vector.broadcast %add3A_555 : i32 to vector<16xi32>
    %add3A_557 = arith.addi %bitcast3A_554, %add3A_556 : vector<16xi32>
    %shift_right_logical3A_558 = arith.constant 16 : i32
    %shift_right_logical3A_559 = vector.broadcast %shift_right_logical3A_558 : i32 to vector<16xi32>
    %shift_right_logical3A_560 = arith.shrui %bitcast3A_554, %shift_right_logical3A_559 : vector<16xi32>
    %and3A_561 = arith.constant 1 : i32
    %and3A_562 = vector.broadcast %and3A_561 : i32 to vector<16xi32>
    %and3A_563 = arith.andi %shift_right_logical3A_560, %and3A_562 : vector<16xi32>
    %add3A_564 = arith.addi %add3A_557, %and3A_563 : vector<16xi32>
    %and3A_565 = arith.constant -65536 : i32
    %and3A_566 = vector.broadcast %and3A_565 : i32 to vector<16xi32>
    %and3A_567 = arith.andi %add3A_564, %and3A_566 : vector<16xi32>
    %bitcast3A_568 = vector.bitcast %and3A_567 : vector<16xi32> to vector<16xf32>
    %swap3A_569 = arith.constant 3 : i32
    %swap3A_570 = arith.index_cast %swap3A_569 : i32 to index
    %swap3A_571 = arith.constant 16 : index
    %swap3A_572 = tpu.vector_load %arg8[%swap3A_570, %swap3A_571] {strides = array<i32>} : memref<8x256xf32, #tpu.memory_space<vmem>>, vector<16xf32>,
    tpu.vector_store %arg8[%swap3A_570, %swap3A_571], %bitcast3A_536 {strides = array<i32>} : memref<8x256xf32, #tpu.memory_space<vmem>>, vector<16xf32>,
    %swap3A_573 = arith.constant 4 : i32
    %swap3A_574 = arith.index_cast %swap3A_573 : i32 to index
    %swap3A_575 = arith.constant 16 : index
    %swap3A_576 = tpu.vector_load %arg8[%swap3A_574, %swap3A_575] {strides = array<i32>} : memref<8x256xf32, #tpu.memory_space<vmem>>, vector<16xf32>,
    tpu.vector_store %arg8[%swap3A_574, %swap3A_575], %bitcast3A_552 {strides = array<i32>} : memref<8x256xf32, #tpu.memory_space<vmem>>, vector<16xf32>,
    %swap3A_577 = arith.constant 5 : i32
    %swap3A_578 = arith.index_cast %swap3A_577 : i32 to index
    %swap3A_579 = arith.constant 16 : index
    %swap3A_580 = tpu.vector_load %arg8[%swap3A_578, %swap3A_579] {strides = array<i32>} : memref<8x256xf32, #tpu.memory_space<vmem>>, vector<16xf32>,
    tpu.vector_store %arg8[%swap3A_578, %swap3A_579], %bitcast3A_568 {strides = array<i32>} : memref<8x256xf32, #tpu.memory_space<vmem>>, vector<16xf32>,
    %add3A_581 = arith.constant 32 : i32
    %add3A_582 = vector.broadcast %add3A_581 : i32 to vector<16xi32>
    %add3A_583 = arith.addi %iota3A, %add3A_582 : vector<16xi32>
    %broadcast_in_dim3A_584 = arith.constant 0 : i32
    %broadcast_in_dim3A_585 = vector.broadcast %broadcast_in_dim3A_584 : i32 to vector<16xi32>
    %gather3A_586 = tpu.vector_load_idx %arg7[%add3A_583, %broadcast_in_dim3A_585] : memref<256x16xf32, #tpu.memory_space<vmem>>[vector<16xi32>, vector<16xi32>], vector<16xf32>,
    %broadcast_in_dim3A_587 = arith.constant 1 : i32
    %broadcast_in_dim3A_588 = vector.broadcast %broadcast_in_dim3A_587 : i32 to vector<16xi32>
    %gather3A_589 = tpu.vector_load_idx %arg7[%add3A_583, %broadcast_in_dim3A_588] : memref<256x16xf32, #tpu.memory_space<vmem>>[vector<16xi32>, vector<16xi32>], vector<16xf32>,
    %broadcast_in_dim3A_590 = arith.constant 2 : i32
    %broadcast_in_dim3A_591 = vector.broadcast %broadcast_in_dim3A_590 : i32 to vector<16xi32>
    %gather3A_592 = tpu.vector_load_idx %arg7[%add3A_583, %broadcast_in_dim3A_591] : memref<256x16xf32, #tpu.memory_space<vmem>>[vector<16xi32>, vector<16xi32>], vector<16xf32>,
    %mul3A_593 = arith.constant -2.000000e+00 : f32
    %mul3A_594 = vector.broadcast %mul3A_593 : f32 to vector<16xf32>
    %mul3A_595 = arith.mulf %mul3A_594, %gather3A_586 : vector<16xf32>
    %swap3A_596 = arith.constant 0 : i32
    %swap3A_597 = arith.index_cast %swap3A_596 : i32 to index
    %swap3A_598 = arith.constant 32 : index
    %swap3A_599 = tpu.vector_load %arg8[%swap3A_597, %swap3A_598] {strides = array<i32>} : memref<8x256xf32, #tpu.memory_space<vmem>>, vector<16xf32>,
    tpu.vector_store %arg8[%swap3A_597, %swap3A_598], %mul3A_595 {strides = array<i32>} : memref<8x256xf32, #tpu.memory_space<vmem>>, vector<16xf32>,
    %mul3A_600 = arith.constant -2.000000e+00 : f32
    %mul3A_601 = vector.broadcast %mul3A_600 : f32 to vector<16xf32>
    %mul3A_602 = arith.mulf %mul3A_601, %gather3A_589 : vector<16xf32>
    %swap3A_603 = arith.constant 1 : i32
    %swap3A_604 = arith.index_cast %swap3A_603 : i32 to index
    %swap3A_605 = arith.constant 32 : index
    %swap3A_606 = tpu.vector_load %arg8[%swap3A_604, %swap3A_605] {strides = array<i32>} : memref<8x256xf32, #tpu.memory_space<vmem>>, vector<16xf32>,
    tpu.vector_store %arg8[%swap3A_604, %swap3A_605], %mul3A_602 {strides = array<i32>} : memref<8x256xf32, #tpu.memory_space<vmem>>, vector<16xf32>,
    %mul3A_607 = arith.constant -2.000000e+00 : f32
    %mul3A_608 = vector.broadcast %mul3A_607 : f32 to vector<16xf32>
    %mul3A_609 = arith.mulf %mul3A_608, %gather3A_592 : vector<16xf32>
    %swap3A_610 = arith.constant 2 : i32
    %swap3A_611 = arith.index_cast %swap3A_610 : i32 to index
    %swap3A_612 = arith.constant 32 : index
    %swap3A_613 = tpu.vector_load %arg8[%swap3A_611, %swap3A_612] {strides = array<i32>} : memref<8x256xf32, #tpu.memory_space<vmem>>, vector<16xf32>,
    tpu.vector_store %arg8[%swap3A_611, %swap3A_612], %mul3A_609 {strides = array<i32>} : memref<8x256xf32, #tpu.memory_space<vmem>>, vector<16xf32>,
    %mul3A_614 = arith.mulf %gather3A_586, %gather3A_586 : vector<16xf32>
    %mul3A_615 = arith.mulf %gather3A_589, %gather3A_589 : vector<16xf32>
    %add3A_616 = arith.addf %mul3A_614, %mul3A_615 : vector<16xf32>
    %mul3A_617 = arith.mulf %gather3A_592, %gather3A_592 : vector<16xf32>
    %add3A_618 = arith.addf %add3A_616, %mul3A_617 : vector<16xf32>
    %bitcast3A_619 = vector.bitcast %add3A_618 : vector<16xf32> to vector<16xi32>
    %add3A_620 = arith.constant 32767 : i32
    %add3A_621 = vector.broadcast %add3A_620 : i32 to vector<16xi32>
    %add3A_622 = arith.addi %bitcast3A_619, %add3A_621 : vector<16xi32>
    %shift_right_logical3A_623 = arith.constant 16 : i32
    %shift_right_logical3A_624 = vector.broadcast %shift_right_logical3A_623 : i32 to vector<16xi32>
    %shift_right_logical3A_625 = arith.shrui %bitcast3A_619, %shift_right_logical3A_624 : vector<16xi32>
    %and3A_626 = arith.constant 1 : i32
    %and3A_627 = vector.broadcast %and3A_626 : i32 to vector<16xi32>
    %and3A_628 = arith.andi %shift_right_logical3A_625, %and3A_627 : vector<16xi32>
    %add3A_629 = arith.addi %add3A_622, %and3A_628 : vector<16xi32>
    %and3A_630 = arith.constant -65536 : i32
    %and3A_631 = vector.broadcast %and3A_630 : i32 to vector<16xi32>
    %and3A_632 = arith.andi %add3A_629, %and3A_631 : vector<16xi32>
    %bitcast3A_633 = vector.bitcast %and3A_632 : vector<16xi32> to vector<16xf32>
    %sub3A_634 = arith.subf %add3A_618, %bitcast3A_633 : vector<16xf32>
    %bitcast3A_635 = vector.bitcast %sub3A_634 : vector<16xf32> to vector<16xi32>
    %add3A_636 = arith.constant 32767 : i32
    %add3A_637 = vector.broadcast %add3A_636 : i32 to vector<16xi32>
    %add3A_638 = arith.addi %bitcast3A_635, %add3A_637 : vector<16xi32>
    %shift_right_logical3A_639 = arith.constant 16 : i32
    %shift_right_logical3A_640 = vector.broadcast %shift_right_logical3A_639 : i32 to vector<16xi32>
    %shift_right_logical3A_641 = arith.shrui %bitcast3A_635, %shift_right_logical3A_640 : vector<16xi32>
    %and3A_642 = arith.constant 1 : i32
    %and3A_643 = vector.broadcast %and3A_642 : i32 to vector<16xi32>
    %and3A_644 = arith.andi %shift_right_logical3A_641, %and3A_643 : vector<16xi32>
    %add3A_645 = arith.addi %add3A_638, %and3A_644 : vector<16xi32>
    %and3A_646 = arith.constant -65536 : i32
    %and3A_647 = vector.broadcast %and3A_646 : i32 to vector<16xi32>
    %and3A_648 = arith.andi %add3A_645, %and3A_647 : vector<16xi32>
    %bitcast3A_649 = vector.bitcast %and3A_648 : vector<16xi32> to vector<16xf32>
    %sub3A_650 = arith.subf %sub3A_634, %bitcast3A_649 : vector<16xf32>
    %bitcast3A_651 = vector.bitcast %sub3A_650 : vector<16xf32> to vector<16xi32>
    %add3A_652 = arith.constant 32767 : i32
    %add3A_653 = vector.broadcast %add3A_652 : i32 to vector<16xi32>
    %add3A_654 = arith.addi %bitcast3A_651, %add3A_653 : vector<16xi32>
    %shift_right_logical3A_655 = arith.constant 16 : i32
    %shift_right_logical3A_656 = vector.broadcast %shift_right_logical3A_655 : i32 to vector<16xi32>
    %shift_right_logical3A_657 = arith.shrui %bitcast3A_651, %shift_right_logical3A_656 : vector<16xi32>
    %and3A_658 = arith.constant 1 : i32
    %and3A_659 = vector.broadcast %and3A_658 : i32 to vector<16xi32>
    %and3A_660 = arith.andi %shift_right_logical3A_657, %and3A_659 : vector<16xi32>
    %add3A_661 = arith.addi %add3A_654, %and3A_660 : vector<16xi32>
    %and3A_662 = arith.constant -65536 : i32
    %and3A_663 = vector.broadcast %and3A_662 : i32 to vector<16xi32>
    %and3A_664 = arith.andi %add3A_661, %and3A_663 : vector<16xi32>
    %bitcast3A_665 = vector.bitcast %and3A_664 : vector<16xi32> to vector<16xf32>
    %swap3A_666 = arith.constant 3 : i32
    %swap3A_667 = arith.index_cast %swap3A_666 : i32 to index
    %swap3A_668 = arith.constant 32 : index
    %swap3A_669 = tpu.vector_load %arg8[%swap3A_667, %swap3A_668] {strides = array<i32>} : memref<8x256xf32, #tpu.memory_space<vmem>>, vector<16xf32>,
    tpu.vector_store %arg8[%swap3A_667, %swap3A_668], %bitcast3A_633 {strides = array<i32>} : memref<8x256xf32, #tpu.memory_space<vmem>>, vector<16xf32>,
    %swap3A_670 = arith.constant 4 : i32
    %swap3A_671 = arith.index_cast %swap3A_670 : i32 to index
    %swap3A_672 = arith.constant 32 : index
    %swap3A_673 = tpu.vector_load %arg8[%swap3A_671, %swap3A_672] {strides = array<i32>} : memref<8x256xf32, #tpu.memory_space<vmem>>, vector<16xf32>,
    tpu.vector_store %arg8[%swap3A_671, %swap3A_672], %bitcast3A_649 {strides = array<i32>} : memref<8x256xf32, #tpu.memory_space<vmem>>, vector<16xf32>,
    %swap3A_674 = arith.constant 5 : i32
    %swap3A_675 = arith.index_cast %swap3A_674 : i32 to index
    %swap3A_676 = arith.constant 32 : index
    %swap3A_677 = tpu.vector_load %arg8[%swap3A_675, %swap3A_676] {strides = array<i32>} : memref<8x256xf32, #tpu.memory_space<vmem>>, vector<16xf32>,
    tpu.vector_store %arg8[%swap3A_675, %swap3A_676], %bitcast3A_665 {strides = array<i32>} : memref<8x256xf32, #tpu.memory_space<vmem>>, vector<16xf32>,
    %add3A_678 = arith.constant 48 : i32
    %add3A_679 = vector.broadcast %add3A_678 : i32 to vector<16xi32>
    %add3A_680 = arith.addi %iota3A, %add3A_679 : vector<16xi32>
    %broadcast_in_dim3A_681 = arith.constant 0 : i32
    %broadcast_in_dim3A_682 = vector.broadcast %broadcast_in_dim3A_681 : i32 to vector<16xi32>
    %gather3A_683 = tpu.vector_load_idx %arg7[%add3A_680, %broadcast_in_dim3A_682] : memref<256x16xf32, #tpu.memory_space<vmem>>[vector<16xi32>, vector<16xi32>], vector<16xf32>,
    %broadcast_in_dim3A_684 = arith.constant 1 : i32
    %broadcast_in_dim3A_685 = vector.broadcast %broadcast_in_dim3A_684 : i32 to vector<16xi32>
    %gather3A_686 = tpu.vector_load_idx %arg7[%add3A_680, %broadcast_in_dim3A_685] : memref<256x16xf32, #tpu.memory_space<vmem>>[vector<16xi32>, vector<16xi32>], vector<16xf32>,
    %broadcast_in_dim3A_687 = arith.constant 2 : i32
    %broadcast_in_dim3A_688 = vector.broadcast %broadcast_in_dim3A_687 : i32 to vector<16xi32>
    %gather3A_689 = tpu.vector_load_idx %arg7[%add3A_680, %broadcast_in_dim3A_688] : memref<256x16xf32, #tpu.memory_space<vmem>>[vector<16xi32>, vector<16xi32>], vector<16xf32>,
    %mul3A_690 = arith.constant -2.000000e+00 : f32
    %mul3A_691 = vector.broadcast %mul3A_690 : f32 to vector<16xf32>
    %mul3A_692 = arith.mulf %mul3A_691, %gather3A_683 : vector<16xf32>
    %swap3A_693 = arith.constant 0 : i32
    %swap3A_694 = arith.index_cast %swap3A_693 : i32 to index
    %swap3A_695 = arith.constant 48 : index
    %swap3A_696 = tpu.vector_load %arg8[%swap3A_694, %swap3A_695] {strides = array<i32>} : memref<8x256xf32, #tpu.memory_space<vmem>>, vector<16xf32>,
    tpu.vector_store %arg8[%swap3A_694, %swap3A_695], %mul3A_692 {strides = array<i32>} : memref<8x256xf32, #tpu.memory_space<vmem>>, vector<16xf32>,
    %mul3A_697 = arith.constant -2.000000e+00 : f32
    %mul3A_698 = vector.broadcast %mul3A_697 : f32 to vector<16xf32>
    %mul3A_699 = arith.mulf %mul3A_698, %gather3A_686 : vector<16xf32>
    %swap3A_700 = arith.constant 1 : i32
    %swap3A_701 = arith.index_cast %swap3A_700 : i32 to index
    %swap3A_702 = arith.constant 48 : index
    %swap3A_703 = tpu.vector_load %arg8[%swap3A_701, %swap3A_702] {strides = array<i32>} : memref<8x256xf32, #tpu.memory_space<vmem>>, vector<16xf32>,
    tpu.vector_store %arg8[%swap3A_701, %swap3A_702], %mul3A_699 {strides = array<i32>} : memref<8x256xf32, #tpu.memory_space<vmem>>, vector<16xf32>,
    %mul3A_704 = arith.constant -2.000000e+00 : f32
    %mul3A_705 = vector.broadcast %mul3A_704 : f32 to vector<16xf32>
    %mul3A_706 = arith.mulf %mul3A_705, %gather3A_689 : vector<16xf32>
    %swap3A_707 = arith.constant 2 : i32
    %swap3A_708 = arith.index_cast %swap3A_707 : i32 to index
    %swap3A_709 = arith.constant 48 : index
    %swap3A_710 = tpu.vector_load %arg8[%swap3A_708, %swap3A_709] {strides = array<i32>} : memref<8x256xf32, #tpu.memory_space<vmem>>, vector<16xf32>,
    tpu.vector_store %arg8[%swap3A_708, %swap3A_709], %mul3A_706 {strides = array<i32>} : memref<8x256xf32, #tpu.memory_space<vmem>>, vector<16xf32>,
    %mul3A_711 = arith.mulf %gather3A_683, %gather3A_683 : vector<16xf32>
    %mul3A_712 = arith.mulf %gather3A_686, %gather3A_686 : vector<16xf32>
    %add3A_713 = arith.addf %mul3A_711, %mul3A_712 : vector<16xf32>
    %mul3A_714 = arith.mulf %gather3A_689, %gather3A_689 : vector<16xf32>
    %add3A_715 = arith.addf %add3A_713, %mul3A_714 : vector<16xf32>
    %bitcast3A_716 = vector.bitcast %add3A_715 : vector<16xf32> to vector<16xi32>
    %add3A_717 = arith.constant 32767 : i32
    %add3A_718 = vector.broadcast %add3A_717 : i32 to vector<16xi32>
    %add3A_719 = arith.addi %bitcast3A_716, %add3A_718 : vector<16xi32>
    %shift_right_logical3A_720 = arith.constant 16 : i32
    %shift_right_logical3A_721 = vector.broadcast %shift_right_logical3A_720 : i32 to vector<16xi32>
    %shift_right_logical3A_722 = arith.shrui %bitcast3A_716, %shift_right_logical3A_721 : vector<16xi32>
    %and3A_723 = arith.constant 1 : i32
    %and3A_724 = vector.broadcast %and3A_723 : i32 to vector<16xi32>
    %and3A_725 = arith.andi %shift_right_logical3A_722, %and3A_724 : vector<16xi32>
    %add3A_726 = arith.addi %add3A_719, %and3A_725 : vector<16xi32>
    %and3A_727 = arith.constant -65536 : i32
    %and3A_728 = vector.broadcast %and3A_727 : i32 to vector<16xi32>
    %and3A_729 = arith.andi %add3A_726, %and3A_728 : vector<16xi32>
    %bitcast3A_730 = vector.bitcast %and3A_729 : vector<16xi32> to vector<16xf32>
    %sub3A_731 = arith.subf %add3A_715, %bitcast3A_730 : vector<16xf32>
    %bitcast3A_732 = vector.bitcast %sub3A_731 : vector<16xf32> to vector<16xi32>
    %add3A_733 = arith.constant 32767 : i32
    %add3A_734 = vector.broadcast %add3A_733 : i32 to vector<16xi32>
    %add3A_735 = arith.addi %bitcast3A_732, %add3A_734 : vector<16xi32>
    %shift_right_logical3A_736 = arith.constant 16 : i32
    %shift_right_logical3A_737 = vector.broadcast %shift_right_logical3A_736 : i32 to vector<16xi32>
    %shift_right_logical3A_738 = arith.shrui %bitcast3A_732, %shift_right_logical3A_737 : vector<16xi32>
    %and3A_739 = arith.constant 1 : i32
    %and3A_740 = vector.broadcast %and3A_739 : i32 to vector<16xi32>
    %and3A_741 = arith.andi %shift_right_logical3A_738, %and3A_740 : vector<16xi32>
    %add3A_742 = arith.addi %add3A_735, %and3A_741 : vector<16xi32>
    %and3A_743 = arith.constant -65536 : i32
    %and3A_744 = vector.broadcast %and3A_743 : i32 to vector<16xi32>
    %and3A_745 = arith.andi %add3A_742, %and3A_744 : vector<16xi32>
    %bitcast3A_746 = vector.bitcast %and3A_745 : vector<16xi32> to vector<16xf32>
    %sub3A_747 = arith.subf %sub3A_731, %bitcast3A_746 : vector<16xf32>
    %bitcast3A_748 = vector.bitcast %sub3A_747 : vector<16xf32> to vector<16xi32>
    %add3A_749 = arith.constant 32767 : i32
    %add3A_750 = vector.broadcast %add3A_749 : i32 to vector<16xi32>
    %add3A_751 = arith.addi %bitcast3A_748, %add3A_750 : vector<16xi32>
    %shift_right_logical3A_752 = arith.constant 16 : i32
    %shift_right_logical3A_753 = vector.broadcast %shift_right_logical3A_752 : i32 to vector<16xi32>
    %shift_right_logical3A_754 = arith.shrui %bitcast3A_748, %shift_right_logical3A_753 : vector<16xi32>
    %and3A_755 = arith.constant 1 : i32
    %and3A_756 = vector.broadcast %and3A_755 : i32 to vector<16xi32>
    %and3A_757 = arith.andi %shift_right_logical3A_754, %and3A_756 : vector<16xi32>
    %add3A_758 = arith.addi %add3A_751, %and3A_757 : vector<16xi32>
    %and3A_759 = arith.constant -65536 : i32
    %and3A_760 = vector.broadcast %and3A_759 : i32 to vector<16xi32>
    %and3A_761 = arith.andi %add3A_758, %and3A_760 : vector<16xi32>
    %bitcast3A_762 = vector.bitcast %and3A_761 : vector<16xi32> to vector<16xf32>
    %swap3A_763 = arith.constant 3 : i32
    %swap3A_764 = arith.index_cast %swap3A_763 : i32 to index
    %swap3A_765 = arith.constant 48 : index
    %swap3A_766 = tpu.vector_load %arg8[%swap3A_764, %swap3A_765] {strides = array<i32>} : memref<8x256xf32, #tpu.memory_space<vmem>>, vector<16xf32>,
    tpu.vector_store %arg8[%swap3A_764, %swap3A_765], %bitcast3A_730 {strides = array<i32>} : memref<8x256xf32, #tpu.memory_space<vmem>>, vector<16xf32>,
    %swap3A_767 = arith.constant 4 : i32
    %swap3A_768 = arith.index_cast %swap3A_767 : i32 to index
    %swap3A_769 = arith.constant 48 : index
    %swap3A_770 = tpu.vector_load %arg8[%swap3A_768, %swap3A_769] {strides = array<i32>} : memref<8x256xf32, #tpu.memory_space<vmem>>, vector<16xf32>,
    tpu.vector_store %arg8[%swap3A_768, %swap3A_769], %bitcast3A_746 {strides = array<i32>} : memref<8x256xf32, #tpu.memory_space<vmem>>, vector<16xf32>,
    %swap3A_771 = arith.constant 5 : i32
    %swap3A_772 = arith.index_cast %swap3A_771 : i32 to index
    %swap3A_773 = arith.constant 48 : index
    %swap3A_774 = tpu.vector_load %arg8[%swap3A_772, %swap3A_773] {strides = array<i32>} : memref<8x256xf32, #tpu.memory_space<vmem>>, vector<16xf32>,
    tpu.vector_store %arg8[%swap3A_772, %swap3A_773], %bitcast3A_762 {strides = array<i32>} : memref<8x256xf32, #tpu.memory_space<vmem>>, vector<16xf32>,
    %add3A_775 = arith.constant 64 : i32
    %add3A_776 = vector.broadcast %add3A_775 : i32 to vector<16xi32>
    %add3A_777 = arith.addi %iota3A, %add3A_776 : vector<16xi32>
    %broadcast_in_dim3A_778 = arith.constant 0 : i32
    %broadcast_in_dim3A_779 = vector.broadcast %broadcast_in_dim3A_778 : i32 to vector<16xi32>
    %gather3A_780 = tpu.vector_load_idx %arg7[%add3A_777, %broadcast_in_dim3A_779] : memref<256x16xf32, #tpu.memory_space<vmem>>[vector<16xi32>, vector<16xi32>], vector<16xf32>,
    %broadcast_in_dim3A_781 = arith.constant 1 : i32
    %broadcast_in_dim3A_782 = vector.broadcast %broadcast_in_dim3A_781 : i32 to vector<16xi32>
    %gather3A_783 = tpu.vector_load_idx %arg7[%add3A_777, %broadcast_in_dim3A_782] : memref<256x16xf32, #tpu.memory_space<vmem>>[vector<16xi32>, vector<16xi32>], vector<16xf32>,
    %broadcast_in_dim3A_784 = arith.constant 2 : i32
    %broadcast_in_dim3A_785 = vector.broadcast %broadcast_in_dim3A_784 : i32 to vector<16xi32>
    %gather3A_786 = tpu.vector_load_idx %arg7[%add3A_777, %broadcast_in_dim3A_785] : memref<256x16xf32, #tpu.memory_space<vmem>>[vector<16xi32>, vector<16xi32>], vector<16xf32>,
    %mul3A_787 = arith.constant -2.000000e+00 : f32
    %mul3A_788 = vector.broadcast %mul3A_787 : f32 to vector<16xf32>
    %mul3A_789 = arith.mulf %mul3A_788, %gather3A_780 : vector<16xf32>
    %swap3A_790 = arith.constant 0 : i32
    %swap3A_791 = arith.index_cast %swap3A_790 : i32 to index
    %swap3A_792 = arith.constant 64 : index
    %swap3A_793 = tpu.vector_load %arg8[%swap3A_791, %swap3A_792] {strides = array<i32>} : memref<8x256xf32, #tpu.memory_space<vmem>>, vector<16xf32>,
    tpu.vector_store %arg8[%swap3A_791, %swap3A_792], %mul3A_789 {strides = array<i32>} : memref<8x256xf32, #tpu.memory_space<vmem>>, vector<16xf32>,
    %mul3A_794 = arith.constant -2.000000e+00 : f32
    %mul3A_795 = vector.broadcast %mul3A_794 : f32 to vector<16xf32>
    %mul3A_796 = arith.mulf %mul3A_795, %gather3A_783 : vector<16xf32>
    %swap3A_797 = arith.constant 1 : i32
    %swap3A_798 = arith.index_cast %swap3A_797 : i32 to index
    %swap3A_799 = arith.constant 64 : index
    %swap3A_800 = tpu.vector_load %arg8[%swap3A_798, %swap3A_799] {strides = array<i32>} : memref<8x256xf32, #tpu.memory_space<vmem>>, vector<16xf32>,
    tpu.vector_store %arg8[%swap3A_798, %swap3A_799], %mul3A_796 {strides = array<i32>} : memref<8x256xf32, #tpu.memory_space<vmem>>, vector<16xf32>,
    %mul3A_801 = arith.constant -2.000000e+00 : f32
    %mul3A_802 = vector.broadcast %mul3A_801 : f32 to vector<16xf32>
    %mul3A_803 = arith.mulf %mul3A_802, %gather3A_786 : vector<16xf32>
    %swap3A_804 = arith.constant 2 : i32
    %swap3A_805 = arith.index_cast %swap3A_804 : i32 to index
    %swap3A_806 = arith.constant 64 : index
    %swap3A_807 = tpu.vector_load %arg8[%swap3A_805, %swap3A_806] {strides = array<i32>} : memref<8x256xf32, #tpu.memory_space<vmem>>, vector<16xf32>,
    tpu.vector_store %arg8[%swap3A_805, %swap3A_806], %mul3A_803 {strides = array<i32>} : memref<8x256xf32, #tpu.memory_space<vmem>>, vector<16xf32>,
    %mul3A_808 = arith.mulf %gather3A_780, %gather3A_780 : vector<16xf32>
    %mul3A_809 = arith.mulf %gather3A_783, %gather3A_783 : vector<16xf32>
    %add3A_810 = arith.addf %mul3A_808, %mul3A_809 : vector<16xf32>
    %mul3A_811 = arith.mulf %gather3A_786, %gather3A_786 : vector<16xf32>
    %add3A_812 = arith.addf %add3A_810, %mul3A_811 : vector<16xf32>
    %bitcast3A_813 = vector.bitcast %add3A_812 : vector<16xf32> to vector<16xi32>
    %add3A_814 = arith.constant 32767 : i32
    %add3A_815 = vector.broadcast %add3A_814 : i32 to vector<16xi32>
    %add3A_816 = arith.addi %bitcast3A_813, %add3A_815 : vector<16xi32>
    %shift_right_logical3A_817 = arith.constant 16 : i32
    %shift_right_logical3A_818 = vector.broadcast %shift_right_logical3A_817 : i32 to vector<16xi32>
    %shift_right_logical3A_819 = arith.shrui %bitcast3A_813, %shift_right_logical3A_818 : vector<16xi32>
    %and3A_820 = arith.constant 1 : i32
    %and3A_821 = vector.broadcast %and3A_820 : i32 to vector<16xi32>
    %and3A_822 = arith.andi %shift_right_logical3A_819, %and3A_821 : vector<16xi32>
    %add3A_823 = arith.addi %add3A_816, %and3A_822 : vector<16xi32>
    %and3A_824 = arith.constant -65536 : i32
    %and3A_825 = vector.broadcast %and3A_824 : i32 to vector<16xi32>
    %and3A_826 = arith.andi %add3A_823, %and3A_825 : vector<16xi32>
    %bitcast3A_827 = vector.bitcast %and3A_826 : vector<16xi32> to vector<16xf32>
    %sub3A_828 = arith.subf %add3A_812, %bitcast3A_827 : vector<16xf32>
    %bitcast3A_829 = vector.bitcast %sub3A_828 : vector<16xf32> to vector<16xi32>
    %add3A_830 = arith.constant 32767 : i32
    %add3A_831 = vector.broadcast %add3A_830 : i32 to vector<16xi32>
    %add3A_832 = arith.addi %bitcast3A_829, %add3A_831 : vector<16xi32>
    %shift_right_logical3A_833 = arith.constant 16 : i32
    %shift_right_logical3A_834 = vector.broadcast %shift_right_logical3A_833 : i32 to vector<16xi32>
    %shift_right_logical3A_835 = arith.shrui %bitcast3A_829, %shift_right_logical3A_834 : vector<16xi32>
    %and3A_836 = arith.constant 1 : i32
    %and3A_837 = vector.broadcast %and3A_836 : i32 to vector<16xi32>
    %and3A_838 = arith.andi %shift_right_logical3A_835, %and3A_837 : vector<16xi32>
    %add3A_839 = arith.addi %add3A_832, %and3A_838 : vector<16xi32>
    %and3A_840 = arith.constant -65536 : i32
    %and3A_841 = vector.broadcast %and3A_840 : i32 to vector<16xi32>
    %and3A_842 = arith.andi %add3A_839, %and3A_841 : vector<16xi32>
    %bitcast3A_843 = vector.bitcast %and3A_842 : vector<16xi32> to vector<16xf32>
    %sub3A_844 = arith.subf %sub3A_828, %bitcast3A_843 : vector<16xf32>
    %bitcast3A_845 = vector.bitcast %sub3A_844 : vector<16xf32> to vector<16xi32>
    %add3A_846 = arith.constant 32767 : i32
    %add3A_847 = vector.broadcast %add3A_846 : i32 to vector<16xi32>
    %add3A_848 = arith.addi %bitcast3A_845, %add3A_847 : vector<16xi32>
    %shift_right_logical3A_849 = arith.constant 16 : i32
    %shift_right_logical3A_850 = vector.broadcast %shift_right_logical3A_849 : i32 to vector<16xi32>
    %shift_right_logical3A_851 = arith.shrui %bitcast3A_845, %shift_right_logical3A_850 : vector<16xi32>
    %and3A_852 = arith.constant 1 : i32
    %and3A_853 = vector.broadcast %and3A_852 : i32 to vector<16xi32>
    %and3A_854 = arith.andi %shift_right_logical3A_851, %and3A_853 : vector<16xi32>
    %add3A_855 = arith.addi %add3A_848, %and3A_854 : vector<16xi32>
    %and3A_856 = arith.constant -65536 : i32
    %and3A_857 = vector.broadcast %and3A_856 : i32 to vector<16xi32>
    %and3A_858 = arith.andi %add3A_855, %and3A_857 : vector<16xi32>
    %bitcast3A_859 = vector.bitcast %and3A_858 : vector<16xi32> to vector<16xf32>
    %swap3A_860 = arith.constant 3 : i32
    %swap3A_861 = arith.index_cast %swap3A_860 : i32 to index
    %swap3A_862 = arith.constant 64 : index
    %swap3A_863 = tpu.vector_load %arg8[%swap3A_861, %swap3A_862] {strides = array<i32>} : memref<8x256xf32, #tpu.memory_space<vmem>>, vector<16xf32>,
    tpu.vector_store %arg8[%swap3A_861, %swap3A_862], %bitcast3A_827 {strides = array<i32>} : memref<8x256xf32, #tpu.memory_space<vmem>>, vector<16xf32>,
    %swap3A_864 = arith.constant 4 : i32
    %swap3A_865 = arith.index_cast %swap3A_864 : i32 to index
    %swap3A_866 = arith.constant 64 : index
    %swap3A_867 = tpu.vector_load %arg8[%swap3A_865, %swap3A_866] {strides = array<i32>} : memref<8x256xf32, #tpu.memory_space<vmem>>, vector<16xf32>,
    tpu.vector_store %arg8[%swap3A_865, %swap3A_866], %bitcast3A_843 {strides = array<i32>} : memref<8x256xf32, #tpu.memory_space<vmem>>, vector<16xf32>,
    %swap3A_868 = arith.constant 5 : i32
    %swap3A_869 = arith.index_cast %swap3A_868 : i32 to index
    %swap3A_870 = arith.constant 64 : index
    %swap3A_871 = tpu.vector_load %arg8[%swap3A_869, %swap3A_870] {strides = array<i32>} : memref<8x256xf32, #tpu.memory_space<vmem>>, vector<16xf32>,
    tpu.vector_store %arg8[%swap3A_869, %swap3A_870], %bitcast3A_859 {strides = array<i32>} : memref<8x256xf32, #tpu.memory_space<vmem>>, vector<16xf32>,
    %add3A_872 = arith.constant 80 : i32
    %add3A_873 = vector.broadcast %add3A_872 : i32 to vector<16xi32>
    %add3A_874 = arith.addi %iota3A, %add3A_873 : vector<16xi32>
    %broadcast_in_dim3A_875 = arith.constant 0 : i32
    %broadcast_in_dim3A_876 = vector.broadcast %broadcast_in_dim3A_875 : i32 to vector<16xi32>
    %gather3A_877 = tpu.vector_load_idx %arg7[%add3A_874, %broadcast_in_dim3A_876] : memref<256x16xf32, #tpu.memory_space<vmem>>[vector<16xi32>, vector<16xi32>], vector<16xf32>,
    %broadcast_in_dim3A_878 = arith.constant 1 : i32
    %broadcast_in_dim3A_879 = vector.broadcast %broadcast_in_dim3A_878 : i32 to vector<16xi32>
    %gather3A_880 = tpu.vector_load_idx %arg7[%add3A_874, %broadcast_in_dim3A_879] : memref<256x16xf32, #tpu.memory_space<vmem>>[vector<16xi32>, vector<16xi32>], vector<16xf32>,
    %broadcast_in_dim3A_881 = arith.constant 2 : i32
    %broadcast_in_dim3A_882 = vector.broadcast %broadcast_in_dim3A_881 : i32 to vector<16xi32>
    %gather3A_883 = tpu.vector_load_idx %arg7[%add3A_874, %broadcast_in_dim3A_882] : memref<256x16xf32, #tpu.memory_space<vmem>>[vector<16xi32>, vector<16xi32>], vector<16xf32>,
    %mul3A_884 = arith.constant -2.000000e+00 : f32
    %mul3A_885 = vector.broadcast %mul3A_884 : f32 to vector<16xf32>
    %mul3A_886 = arith.mulf %mul3A_885, %gather3A_877 : vector<16xf32>
    %swap3A_887 = arith.constant 0 : i32
    %swap3A_888 = arith.index_cast %swap3A_887 : i32 to index
    %swap3A_889 = arith.constant 80 : index
    %swap3A_890 = tpu.vector_load %arg8[%swap3A_888, %swap3A_889] {strides = array<i32>} : memref<8x256xf32, #tpu.memory_space<vmem>>, vector<16xf32>,
    tpu.vector_store %arg8[%swap3A_888, %swap3A_889], %mul3A_886 {strides = array<i32>} : memref<8x256xf32, #tpu.memory_space<vmem>>, vector<16xf32>,
    %mul3A_891 = arith.constant -2.000000e+00 : f32
    %mul3A_892 = vector.broadcast %mul3A_891 : f32 to vector<16xf32>
    %mul3A_893 = arith.mulf %mul3A_892, %gather3A_880 : vector<16xf32>
    %swap3A_894 = arith.constant 1 : i32
    %swap3A_895 = arith.index_cast %swap3A_894 : i32 to index
    %swap3A_896 = arith.constant 80 : index
    %swap3A_897 = tpu.vector_load %arg8[%swap3A_895, %swap3A_896] {strides = array<i32>} : memref<8x256xf32, #tpu.memory_space<vmem>>, vector<16xf32>,
    tpu.vector_store %arg8[%swap3A_895, %swap3A_896], %mul3A_893 {strides = array<i32>} : memref<8x256xf32, #tpu.memory_space<vmem>>, vector<16xf32>,
    %mul3A_898 = arith.constant -2.000000e+00 : f32
    %mul3A_899 = vector.broadcast %mul3A_898 : f32 to vector<16xf32>
    %mul3A_900 = arith.mulf %mul3A_899, %gather3A_883 : vector<16xf32>
    %swap3A_901 = arith.constant 2 : i32
    %swap3A_902 = arith.index_cast %swap3A_901 : i32 to index
    %swap3A_903 = arith.constant 80 : index
    %swap3A_904 = tpu.vector_load %arg8[%swap3A_902, %swap3A_903] {strides = array<i32>} : memref<8x256xf32, #tpu.memory_space<vmem>>, vector<16xf32>,
    tpu.vector_store %arg8[%swap3A_902, %swap3A_903], %mul3A_900 {strides = array<i32>} : memref<8x256xf32, #tpu.memory_space<vmem>>, vector<16xf32>,
    %mul3A_905 = arith.mulf %gather3A_877, %gather3A_877 : vector<16xf32>
    %mul3A_906 = arith.mulf %gather3A_880, %gather3A_880 : vector<16xf32>
    %add3A_907 = arith.addf %mul3A_905, %mul3A_906 : vector<16xf32>
    %mul3A_908 = arith.mulf %gather3A_883, %gather3A_883 : vector<16xf32>
    %add3A_909 = arith.addf %add3A_907, %mul3A_908 : vector<16xf32>
    %bitcast3A_910 = vector.bitcast %add3A_909 : vector<16xf32> to vector<16xi32>
    %add3A_911 = arith.constant 32767 : i32
    %add3A_912 = vector.broadcast %add3A_911 : i32 to vector<16xi32>
    %add3A_913 = arith.addi %bitcast3A_910, %add3A_912 : vector<16xi32>
    %shift_right_logical3A_914 = arith.constant 16 : i32
    %shift_right_logical3A_915 = vector.broadcast %shift_right_logical3A_914 : i32 to vector<16xi32>
    %shift_right_logical3A_916 = arith.shrui %bitcast3A_910, %shift_right_logical3A_915 : vector<16xi32>
    %and3A_917 = arith.constant 1 : i32
    %and3A_918 = vector.broadcast %and3A_917 : i32 to vector<16xi32>
    %and3A_919 = arith.andi %shift_right_logical3A_916, %and3A_918 : vector<16xi32>
    %add3A_920 = arith.addi %add3A_913, %and3A_919 : vector<16xi32>
    %and3A_921 = arith.constant -65536 : i32
    %and3A_922 = vector.broadcast %and3A_921 : i32 to vector<16xi32>
    %and3A_923 = arith.andi %add3A_920, %and3A_922 : vector<16xi32>
    %bitcast3A_924 = vector.bitcast %and3A_923 : vector<16xi32> to vector<16xf32>
    %sub3A_925 = arith.subf %add3A_909, %bitcast3A_924 : vector<16xf32>
    %bitcast3A_926 = vector.bitcast %sub3A_925 : vector<16xf32> to vector<16xi32>
    %add3A_927 = arith.constant 32767 : i32
    %add3A_928 = vector.broadcast %add3A_927 : i32 to vector<16xi32>
    %add3A_929 = arith.addi %bitcast3A_926, %add3A_928 : vector<16xi32>
    %shift_right_logical3A_930 = arith.constant 16 : i32
    %shift_right_logical3A_931 = vector.broadcast %shift_right_logical3A_930 : i32 to vector<16xi32>
    %shift_right_logical3A_932 = arith.shrui %bitcast3A_926, %shift_right_logical3A_931 : vector<16xi32>
    %and3A_933 = arith.constant 1 : i32
    %and3A_934 = vector.broadcast %and3A_933 : i32 to vector<16xi32>
    %and3A_935 = arith.andi %shift_right_logical3A_932, %and3A_934 : vector<16xi32>
    %add3A_936 = arith.addi %add3A_929, %and3A_935 : vector<16xi32>
    %and3A_937 = arith.constant -65536 : i32
    %and3A_938 = vector.broadcast %and3A_937 : i32 to vector<16xi32>
    %and3A_939 = arith.andi %add3A_936, %and3A_938 : vector<16xi32>
    %bitcast3A_940 = vector.bitcast %and3A_939 : vector<16xi32> to vector<16xf32>
    %sub3A_941 = arith.subf %sub3A_925, %bitcast3A_940 : vector<16xf32>
    %bitcast3A_942 = vector.bitcast %sub3A_941 : vector<16xf32> to vector<16xi32>
    %add3A_943 = arith.constant 32767 : i32
    %add3A_944 = vector.broadcast %add3A_943 : i32 to vector<16xi32>
    %add3A_945 = arith.addi %bitcast3A_942, %add3A_944 : vector<16xi32>
    %shift_right_logical3A_946 = arith.constant 16 : i32
    %shift_right_logical3A_947 = vector.broadcast %shift_right_logical3A_946 : i32 to vector<16xi32>
    %shift_right_logical3A_948 = arith.shrui %bitcast3A_942, %shift_right_logical3A_947 : vector<16xi32>
    %and3A_949 = arith.constant 1 : i32
    %and3A_950 = vector.broadcast %and3A_949 : i32 to vector<16xi32>
    %and3A_951 = arith.andi %shift_right_logical3A_948, %and3A_950 : vector<16xi32>
    %add3A_952 = arith.addi %add3A_945, %and3A_951 : vector<16xi32>
    %and3A_953 = arith.constant -65536 : i32
    %and3A_954 = vector.broadcast %and3A_953 : i32 to vector<16xi32>
    %and3A_955 = arith.andi %add3A_952, %and3A_954 : vector<16xi32>
    %bitcast3A_956 = vector.bitcast %and3A_955 : vector<16xi32> to vector<16xf32>
    %swap3A_957 = arith.constant 3 : i32
    %swap3A_958 = arith.index_cast %swap3A_957 : i32 to index
    %swap3A_959 = arith.constant 80 : index
    %swap3A_960 = tpu.vector_load %arg8[%swap3A_958, %swap3A_959] {strides = array<i32>} : memref<8x256xf32, #tpu.memory_space<vmem>>, vector<16xf32>,
    tpu.vector_store %arg8[%swap3A_958, %swap3A_959], %bitcast3A_924 {strides = array<i32>} : memref<8x256xf32, #tpu.memory_space<vmem>>, vector<16xf32>,
    %swap3A_961 = arith.constant 4 : i32
    %swap3A_962 = arith.index_cast %swap3A_961 : i32 to index
    %swap3A_963 = arith.constant 80 : index
    %swap3A_964 = tpu.vector_load %arg8[%swap3A_962, %swap3A_963] {strides = array<i32>} : memref<8x256xf32, #tpu.memory_space<vmem>>, vector<16xf32>,
    tpu.vector_store %arg8[%swap3A_962, %swap3A_963], %bitcast3A_940 {strides = array<i32>} : memref<8x256xf32, #tpu.memory_space<vmem>>, vector<16xf32>,
    %swap3A_965 = arith.constant 5 : i32
    %swap3A_966 = arith.index_cast %swap3A_965 : i32 to index
    %swap3A_967 = arith.constant 80 : index
    %swap3A_968 = tpu.vector_load %arg8[%swap3A_966, %swap3A_967] {strides = array<i32>} : memref<8x256xf32, #tpu.memory_space<vmem>>, vector<16xf32>,
    tpu.vector_store %arg8[%swap3A_966, %swap3A_967], %bitcast3A_956 {strides = array<i32>} : memref<8x256xf32, #tpu.memory_space<vmem>>, vector<16xf32>,
    %add3A_969 = arith.constant 96 : i32
    %add3A_970 = vector.broadcast %add3A_969 : i32 to vector<16xi32>
    %add3A_971 = arith.addi %iota3A, %add3A_970 : vector<16xi32>
    %broadcast_in_dim3A_972 = arith.constant 0 : i32
    %broadcast_in_dim3A_973 = vector.broadcast %broadcast_in_dim3A_972 : i32 to vector<16xi32>
    %gather3A_974 = tpu.vector_load_idx %arg7[%add3A_971, %broadcast_in_dim3A_973] : memref<256x16xf32, #tpu.memory_space<vmem>>[vector<16xi32>, vector<16xi32>], vector<16xf32>,
    %broadcast_in_dim3A_975 = arith.constant 1 : i32
    %broadcast_in_dim3A_976 = vector.broadcast %broadcast_in_dim3A_975 : i32 to vector<16xi32>
    %gather3A_977 = tpu.vector_load_idx %arg7[%add3A_971, %broadcast_in_dim3A_976] : memref<256x16xf32, #tpu.memory_space<vmem>>[vector<16xi32>, vector<16xi32>], vector<16xf32>,
    %broadcast_in_dim3A_978 = arith.constant 2 : i32
    %broadcast_in_dim3A_979 = vector.broadcast %broadcast_in_dim3A_978 : i32 to vector<16xi32>
    %gather3A_980 = tpu.vector_load_idx %arg7[%add3A_971, %broadcast_in_dim3A_979] : memref<256x16xf32, #tpu.memory_space<vmem>>[vector<16xi32>, vector<16xi32>], vector<16xf32>,
    %mul3A_981 = arith.constant -2.000000e+00 : f32
    %mul3A_982 = vector.broadcast %mul3A_981 : f32 to vector<16xf32>
    %mul3A_983 = arith.mulf %mul3A_982, %gather3A_974 : vector<16xf32>
    %swap3A_984 = arith.constant 0 : i32
    %swap3A_985 = arith.index_cast %swap3A_984 : i32 to index
    %swap3A_986 = arith.constant 96 : index
    %swap3A_987 = tpu.vector_load %arg8[%swap3A_985, %swap3A_986] {strides = array<i32>} : memref<8x256xf32, #tpu.memory_space<vmem>>, vector<16xf32>,
    tpu.vector_store %arg8[%swap3A_985, %swap3A_986], %mul3A_983 {strides = array<i32>} : memref<8x256xf32, #tpu.memory_space<vmem>>, vector<16xf32>,
    %mul3A_988 = arith.constant -2.000000e+00 : f32
    %mul3A_989 = vector.broadcast %mul3A_988 : f32 to vector<16xf32>
    %mul3A_990 = arith.mulf %mul3A_989, %gather3A_977 : vector<16xf32>
    %swap3A_991 = arith.constant 1 : i32
    %swap3A_992 = arith.index_cast %swap3A_991 : i32 to index
    %swap3A_993 = arith.constant 96 : index
    %swap3A_994 = tpu.vector_load %arg8[%swap3A_992, %swap3A_993] {strides = array<i32>} : memref<8x256xf32, #tpu.memory_space<vmem>>, vector<16xf32>,
    tpu.vector_store %arg8[%swap3A_992, %swap3A_993], %mul3A_990 {strides = array<i32>} : memref<8x256xf32, #tpu.memory_space<vmem>>, vector<16xf32>,
    %mul3A_995 = arith.constant -2.000000e+00 : f32
    %mul3A_996 = vector.broadcast %mul3A_995 : f32 to vector<16xf32>
    %mul3A_997 = arith.mulf %mul3A_996, %gather3A_980 : vector<16xf32>
    %swap3A_998 = arith.constant 2 : i32
    %swap3A_999 = arith.index_cast %swap3A_998 : i32 to index
    %swap3A_1000 = arith.constant 96 : index
    %swap3A_1001 = tpu.vector_load %arg8[%swap3A_999, %swap3A_1000] {strides = array<i32>} : memref<8x256xf32, #tpu.memory_space<vmem>>, vector<16xf32>,
    tpu.vector_store %arg8[%swap3A_999, %swap3A_1000], %mul3A_997 {strides = array<i32>} : memref<8x256xf32, #tpu.memory_space<vmem>>, vector<16xf32>,
    %mul3A_1002 = arith.mulf %gather3A_974, %gather3A_974 : vector<16xf32>
    %mul3A_1003 = arith.mulf %gather3A_977, %gather3A_977 : vector<16xf32>
    %add3A_1004 = arith.addf %mul3A_1002, %mul3A_1003 : vector<16xf32>
    %mul3A_1005 = arith.mulf %gather3A_980, %gather3A_980 : vector<16xf32>
    %add3A_1006 = arith.addf %add3A_1004, %mul3A_1005 : vector<16xf32>
    %bitcast3A_1007 = vector.bitcast %add3A_1006 : vector<16xf32> to vector<16xi32>
    %add3A_1008 = arith.constant 32767 : i32
    %add3A_1009 = vector.broadcast %add3A_1008 : i32 to vector<16xi32>
    %add3A_1010 = arith.addi %bitcast3A_1007, %add3A_1009 : vector<16xi32>
    %shift_right_logical3A_1011 = arith.constant 16 : i32
    %shift_right_logical3A_1012 = vector.broadcast %shift_right_logical3A_1011 : i32 to vector<16xi32>
    %shift_right_logical3A_1013 = arith.shrui %bitcast3A_1007, %shift_right_logical3A_1012 : vector<16xi32>
    %and3A_1014 = arith.constant 1 : i32
    %and3A_1015 = vector.broadcast %and3A_1014 : i32 to vector<16xi32>
    %and3A_1016 = arith.andi %shift_right_logical3A_1013, %and3A_1015 : vector<16xi32>
    %add3A_1017 = arith.addi %add3A_1010, %and3A_1016 : vector<16xi32>
    %and3A_1018 = arith.constant -65536 : i32
    %and3A_1019 = vector.broadcast %and3A_1018 : i32 to vector<16xi32>
    %and3A_1020 = arith.andi %add3A_1017, %and3A_1019 : vector<16xi32>
    %bitcast3A_1021 = vector.bitcast %and3A_1020 : vector<16xi32> to vector<16xf32>
    %sub3A_1022 = arith.subf %add3A_1006, %bitcast3A_1021 : vector<16xf32>
    %bitcast3A_1023 = vector.bitcast %sub3A_1022 : vector<16xf32> to vector<16xi32>
    %add3A_1024 = arith.constant 32767 : i32
    %add3A_1025 = vector.broadcast %add3A_1024 : i32 to vector<16xi32>
    %add3A_1026 = arith.addi %bitcast3A_1023, %add3A_1025 : vector<16xi32>
    %shift_right_logical3A_1027 = arith.constant 16 : i32
    %shift_right_logical3A_1028 = vector.broadcast %shift_right_logical3A_1027 : i32 to vector<16xi32>
    %shift_right_logical3A_1029 = arith.shrui %bitcast3A_1023, %shift_right_logical3A_1028 : vector<16xi32>
    %and3A_1030 = arith.constant 1 : i32
    %and3A_1031 = vector.broadcast %and3A_1030 : i32 to vector<16xi32>
    %and3A_1032 = arith.andi %shift_right_logical3A_1029, %and3A_1031 : vector<16xi32>
    %add3A_1033 = arith.addi %add3A_1026, %and3A_1032 : vector<16xi32>
    %and3A_1034 = arith.constant -65536 : i32
    %and3A_1035 = vector.broadcast %and3A_1034 : i32 to vector<16xi32>
    %and3A_1036 = arith.andi %add3A_1033, %and3A_1035 : vector<16xi32>
    %bitcast3A_1037 = vector.bitcast %and3A_1036 : vector<16xi32> to vector<16xf32>
    %sub3A_1038 = arith.subf %sub3A_1022, %bitcast3A_1037 : vector<16xf32>
    %bitcast3A_1039 = vector.bitcast %sub3A_1038 : vector<16xf32> to vector<16xi32>
    %add3A_1040 = arith.constant 32767 : i32
    %add3A_1041 = vector.broadcast %add3A_1040 : i32 to vector<16xi32>
    %add3A_1042 = arith.addi %bitcast3A_1039, %add3A_1041 : vector<16xi32>
    %shift_right_logical3A_1043 = arith.constant 16 : i32
    %shift_right_logical3A_1044 = vector.broadcast %shift_right_logical3A_1043 : i32 to vector<16xi32>
    %shift_right_logical3A_1045 = arith.shrui %bitcast3A_1039, %shift_right_logical3A_1044 : vector<16xi32>
    %and3A_1046 = arith.constant 1 : i32
    %and3A_1047 = vector.broadcast %and3A_1046 : i32 to vector<16xi32>
    %and3A_1048 = arith.andi %shift_right_logical3A_1045, %and3A_1047 : vector<16xi32>
    %add3A_1049 = arith.addi %add3A_1042, %and3A_1048 : vector<16xi32>
    %and3A_1050 = arith.constant -65536 : i32
    %and3A_1051 = vector.broadcast %and3A_1050 : i32 to vector<16xi32>
    %and3A_1052 = arith.andi %add3A_1049, %and3A_1051 : vector<16xi32>
    %bitcast3A_1053 = vector.bitcast %and3A_1052 : vector<16xi32> to vector<16xf32>
    %swap3A_1054 = arith.constant 3 : i32
    %swap3A_1055 = arith.index_cast %swap3A_1054 : i32 to index
    %swap3A_1056 = arith.constant 96 : index
    %swap3A_1057 = tpu.vector_load %arg8[%swap3A_1055, %swap3A_1056] {strides = array<i32>} : memref<8x256xf32, #tpu.memory_space<vmem>>, vector<16xf32>,
    tpu.vector_store %arg8[%swap3A_1055, %swap3A_1056], %bitcast3A_1021 {strides = array<i32>} : memref<8x256xf32, #tpu.memory_space<vmem>>, vector<16xf32>,
    %swap3A_1058 = arith.constant 4 : i32
    %swap3A_1059 = arith.index_cast %swap3A_1058 : i32 to index
    %swap3A_1060 = arith.constant 96 : index
    %swap3A_1061 = tpu.vector_load %arg8[%swap3A_1059, %swap3A_1060] {strides = array<i32>} : memref<8x256xf32, #tpu.memory_space<vmem>>, vector<16xf32>,
    tpu.vector_store %arg8[%swap3A_1059, %swap3A_1060], %bitcast3A_1037 {strides = array<i32>} : memref<8x256xf32, #tpu.memory_space<vmem>>, vector<16xf32>,
    %swap3A_1062 = arith.constant 5 : i32
    %swap3A_1063 = arith.index_cast %swap3A_1062 : i32 to index
    %swap3A_1064 = arith.constant 96 : index
    %swap3A_1065 = tpu.vector_load %arg8[%swap3A_1063, %swap3A_1064] {strides = array<i32>} : memref<8x256xf32, #tpu.memory_space<vmem>>, vector<16xf32>,
    tpu.vector_store %arg8[%swap3A_1063, %swap3A_1064], %bitcast3A_1053 {strides = array<i32>} : memref<8x256xf32, #tpu.memory_space<vmem>>, vector<16xf32>,
    %add3A_1066 = arith.constant 112 : i32
    %add3A_1067 = vector.broadcast %add3A_1066 : i32 to vector<16xi32>
    %add3A_1068 = arith.addi %iota3A, %add3A_1067 : vector<16xi32>
    %broadcast_in_dim3A_1069 = arith.constant 0 : i32
    %broadcast_in_dim3A_1070 = vector.broadcast %broadcast_in_dim3A_1069 : i32 to vector<16xi32>
    %gather3A_1071 = tpu.vector_load_idx %arg7[%add3A_1068, %broadcast_in_dim3A_1070] : memref<256x16xf32, #tpu.memory_space<vmem>>[vector<16xi32>, vector<16xi32>], vector<16xf32>,
    %broadcast_in_dim3A_1072 = arith.constant 1 : i32
    %broadcast_in_dim3A_1073 = vector.broadcast %broadcast_in_dim3A_1072 : i32 to vector<16xi32>
    %gather3A_1074 = tpu.vector_load_idx %arg7[%add3A_1068, %broadcast_in_dim3A_1073] : memref<256x16xf32, #tpu.memory_space<vmem>>[vector<16xi32>, vector<16xi32>], vector<16xf32>,
    %broadcast_in_dim3A_1075 = arith.constant 2 : i32
    %broadcast_in_dim3A_1076 = vector.broadcast %broadcast_in_dim3A_1075 : i32 to vector<16xi32>
    %gather3A_1077 = tpu.vector_load_idx %arg7[%add3A_1068, %broadcast_in_dim3A_1076] : memref<256x16xf32, #tpu.memory_space<vmem>>[vector<16xi32>, vector<16xi32>], vector<16xf32>,
    %mul3A_1078 = arith.constant -2.000000e+00 : f32
    %mul3A_1079 = vector.broadcast %mul3A_1078 : f32 to vector<16xf32>
    %mul3A_1080 = arith.mulf %mul3A_1079, %gather3A_1071 : vector<16xf32>
    %swap3A_1081 = arith.constant 0 : i32
    %swap3A_1082 = arith.index_cast %swap3A_1081 : i32 to index
    %swap3A_1083 = arith.constant 112 : index
    %swap3A_1084 = tpu.vector_load %arg8[%swap3A_1082, %swap3A_1083] {strides = array<i32>} : memref<8x256xf32, #tpu.memory_space<vmem>>, vector<16xf32>,
    tpu.vector_store %arg8[%swap3A_1082, %swap3A_1083], %mul3A_1080 {strides = array<i32>} : memref<8x256xf32, #tpu.memory_space<vmem>>, vector<16xf32>,
    %mul3A_1085 = arith.constant -2.000000e+00 : f32
    %mul3A_1086 = vector.broadcast %mul3A_1085 : f32 to vector<16xf32>
    %mul3A_1087 = arith.mulf %mul3A_1086, %gather3A_1074 : vector<16xf32>
    %swap3A_1088 = arith.constant 1 : i32
    %swap3A_1089 = arith.index_cast %swap3A_1088 : i32 to index
    %swap3A_1090 = arith.constant 112 : index
    %swap3A_1091 = tpu.vector_load %arg8[%swap3A_1089, %swap3A_1090] {strides = array<i32>} : memref<8x256xf32, #tpu.memory_space<vmem>>, vector<16xf32>,
    tpu.vector_store %arg8[%swap3A_1089, %swap3A_1090], %mul3A_1087 {strides = array<i32>} : memref<8x256xf32, #tpu.memory_space<vmem>>, vector<16xf32>,
    %mul3A_1092 = arith.constant -2.000000e+00 : f32
    %mul3A_1093 = vector.broadcast %mul3A_1092 : f32 to vector<16xf32>
    %mul3A_1094 = arith.mulf %mul3A_1093, %gather3A_1077 : vector<16xf32>
    %swap3A_1095 = arith.constant 2 : i32
    %swap3A_1096 = arith.index_cast %swap3A_1095 : i32 to index
    %swap3A_1097 = arith.constant 112 : index
    %swap3A_1098 = tpu.vector_load %arg8[%swap3A_1096, %swap3A_1097] {strides = array<i32>} : memref<8x256xf32, #tpu.memory_space<vmem>>, vector<16xf32>,
    tpu.vector_store %arg8[%swap3A_1096, %swap3A_1097], %mul3A_1094 {strides = array<i32>} : memref<8x256xf32, #tpu.memory_space<vmem>>, vector<16xf32>,
    %mul3A_1099 = arith.mulf %gather3A_1071, %gather3A_1071 : vector<16xf32>
    %mul3A_1100 = arith.mulf %gather3A_1074, %gather3A_1074 : vector<16xf32>
    %add3A_1101 = arith.addf %mul3A_1099, %mul3A_1100 : vector<16xf32>
    %mul3A_1102 = arith.mulf %gather3A_1077, %gather3A_1077 : vector<16xf32>
    %add3A_1103 = arith.addf %add3A_1101, %mul3A_1102 : vector<16xf32>
    %bitcast3A_1104 = vector.bitcast %add3A_1103 : vector<16xf32> to vector<16xi32>
    %add3A_1105 = arith.constant 32767 : i32
    %add3A_1106 = vector.broadcast %add3A_1105 : i32 to vector<16xi32>
    %add3A_1107 = arith.addi %bitcast3A_1104, %add3A_1106 : vector<16xi32>
    %shift_right_logical3A_1108 = arith.constant 16 : i32
    %shift_right_logical3A_1109 = vector.broadcast %shift_right_logical3A_1108 : i32 to vector<16xi32>
    %shift_right_logical3A_1110 = arith.shrui %bitcast3A_1104, %shift_right_logical3A_1109 : vector<16xi32>
    %and3A_1111 = arith.constant 1 : i32
    %and3A_1112 = vector.broadcast %and3A_1111 : i32 to vector<16xi32>
    %and3A_1113 = arith.andi %shift_right_logical3A_1110, %and3A_1112 : vector<16xi32>
    %add3A_1114 = arith.addi %add3A_1107, %and3A_1113 : vector<16xi32>
    %and3A_1115 = arith.constant -65536 : i32
    %and3A_1116 = vector.broadcast %and3A_1115 : i32 to vector<16xi32>
    %and3A_1117 = arith.andi %add3A_1114, %and3A_1116 : vector<16xi32>
    %bitcast3A_1118 = vector.bitcast %and3A_1117 : vector<16xi32> to vector<16xf32>
    %sub3A_1119 = arith.subf %add3A_1103, %bitcast3A_1118 : vector<16xf32>
    %bitcast3A_1120 = vector.bitcast %sub3A_1119 : vector<16xf32> to vector<16xi32>
    %add3A_1121 = arith.constant 32767 : i32
    %add3A_1122 = vector.broadcast %add3A_1121 : i32 to vector<16xi32>
    %add3A_1123 = arith.addi %bitcast3A_1120, %add3A_1122 : vector<16xi32>
    %shift_right_logical3A_1124 = arith.constant 16 : i32
    %shift_right_logical3A_1125 = vector.broadcast %shift_right_logical3A_1124 : i32 to vector<16xi32>
    %shift_right_logical3A_1126 = arith.shrui %bitcast3A_1120, %shift_right_logical3A_1125 : vector<16xi32>
    %and3A_1127 = arith.constant 1 : i32
    %and3A_1128 = vector.broadcast %and3A_1127 : i32 to vector<16xi32>
    %and3A_1129 = arith.andi %shift_right_logical3A_1126, %and3A_1128 : vector<16xi32>
    %add3A_1130 = arith.addi %add3A_1123, %and3A_1129 : vector<16xi32>
    %and3A_1131 = arith.constant -65536 : i32
    %and3A_1132 = vector.broadcast %and3A_1131 : i32 to vector<16xi32>
    %and3A_1133 = arith.andi %add3A_1130, %and3A_1132 : vector<16xi32>
    %bitcast3A_1134 = vector.bitcast %and3A_1133 : vector<16xi32> to vector<16xf32>
    %sub3A_1135 = arith.subf %sub3A_1119, %bitcast3A_1134 : vector<16xf32>
    %bitcast3A_1136 = vector.bitcast %sub3A_1135 : vector<16xf32> to vector<16xi32>
    %add3A_1137 = arith.constant 32767 : i32
    %add3A_1138 = vector.broadcast %add3A_1137 : i32 to vector<16xi32>
    %add3A_1139 = arith.addi %bitcast3A_1136, %add3A_1138 : vector<16xi32>
    %shift_right_logical3A_1140 = arith.constant 16 : i32
    %shift_right_logical3A_1141 = vector.broadcast %shift_right_logical3A_1140 : i32 to vector<16xi32>
    %shift_right_logical3A_1142 = arith.shrui %bitcast3A_1136, %shift_right_logical3A_1141 : vector<16xi32>
    %and3A_1143 = arith.constant 1 : i32
    %and3A_1144 = vector.broadcast %and3A_1143 : i32 to vector<16xi32>
    %and3A_1145 = arith.andi %shift_right_logical3A_1142, %and3A_1144 : vector<16xi32>
    %add3A_1146 = arith.addi %add3A_1139, %and3A_1145 : vector<16xi32>
    %and3A_1147 = arith.constant -65536 : i32
    %and3A_1148 = vector.broadcast %and3A_1147 : i32 to vector<16xi32>
    %and3A_1149 = arith.andi %add3A_1146, %and3A_1148 : vector<16xi32>
    %bitcast3A_1150 = vector.bitcast %and3A_1149 : vector<16xi32> to vector<16xf32>
    %swap3A_1151 = arith.constant 3 : i32
    %swap3A_1152 = arith.index_cast %swap3A_1151 : i32 to index
    %swap3A_1153 = arith.constant 112 : index
    %swap3A_1154 = tpu.vector_load %arg8[%swap3A_1152, %swap3A_1153] {strides = array<i32>} : memref<8x256xf32, #tpu.memory_space<vmem>>, vector<16xf32>,
    tpu.vector_store %arg8[%swap3A_1152, %swap3A_1153], %bitcast3A_1118 {strides = array<i32>} : memref<8x256xf32, #tpu.memory_space<vmem>>, vector<16xf32>,
    %swap3A_1155 = arith.constant 4 : i32
    %swap3A_1156 = arith.index_cast %swap3A_1155 : i32 to index
    %swap3A_1157 = arith.constant 112 : index
    %swap3A_1158 = tpu.vector_load %arg8[%swap3A_1156, %swap3A_1157] {strides = array<i32>} : memref<8x256xf32, #tpu.memory_space<vmem>>, vector<16xf32>,
    tpu.vector_store %arg8[%swap3A_1156, %swap3A_1157], %bitcast3A_1134 {strides = array<i32>} : memref<8x256xf32, #tpu.memory_space<vmem>>, vector<16xf32>,
    %swap3A_1159 = arith.constant 5 : i32
    %swap3A_1160 = arith.index_cast %swap3A_1159 : i32 to index
    %swap3A_1161 = arith.constant 112 : index
    %swap3A_1162 = tpu.vector_load %arg8[%swap3A_1160, %swap3A_1161] {strides = array<i32>} : memref<8x256xf32, #tpu.memory_space<vmem>>, vector<16xf32>,
    tpu.vector_store %arg8[%swap3A_1160, %swap3A_1161], %bitcast3A_1150 {strides = array<i32>} : memref<8x256xf32, #tpu.memory_space<vmem>>, vector<16xf32>,
    %add3A_1163 = arith.constant 128 : i32
    %add3A_1164 = vector.broadcast %add3A_1163 : i32 to vector<16xi32>
    %add3A_1165 = arith.addi %iota3A, %add3A_1164 : vector<16xi32>
    %broadcast_in_dim3A_1166 = arith.constant 0 : i32
    %broadcast_in_dim3A_1167 = vector.broadcast %broadcast_in_dim3A_1166 : i32 to vector<16xi32>
    %gather3A_1168 = tpu.vector_load_idx %arg7[%add3A_1165, %broadcast_in_dim3A_1167] : memref<256x16xf32, #tpu.memory_space<vmem>>[vector<16xi32>, vector<16xi32>], vector<16xf32>,
    %broadcast_in_dim3A_1169 = arith.constant 1 : i32
    %broadcast_in_dim3A_1170 = vector.broadcast %broadcast_in_dim3A_1169 : i32 to vector<16xi32>
    %gather3A_1171 = tpu.vector_load_idx %arg7[%add3A_1165, %broadcast_in_dim3A_1170] : memref<256x16xf32, #tpu.memory_space<vmem>>[vector<16xi32>, vector<16xi32>], vector<16xf32>,
    %broadcast_in_dim3A_1172 = arith.constant 2 : i32
    %broadcast_in_dim3A_1173 = vector.broadcast %broadcast_in_dim3A_1172 : i32 to vector<16xi32>
    %gather3A_1174 = tpu.vector_load_idx %arg7[%add3A_1165, %broadcast_in_dim3A_1173] : memref<256x16xf32, #tpu.memory_space<vmem>>[vector<16xi32>, vector<16xi32>], vector<16xf32>,
    %mul3A_1175 = arith.constant -2.000000e+00 : f32
    %mul3A_1176 = vector.broadcast %mul3A_1175 : f32 to vector<16xf32>
    %mul3A_1177 = arith.mulf %mul3A_1176, %gather3A_1168 : vector<16xf32>
    %swap3A_1178 = arith.constant 0 : i32
    %swap3A_1179 = arith.index_cast %swap3A_1178 : i32 to index
    %swap3A_1180 = arith.constant 128 : index
    %swap3A_1181 = tpu.vector_load %arg8[%swap3A_1179, %swap3A_1180] {strides = array<i32>} : memref<8x256xf32, #tpu.memory_space<vmem>>, vector<16xf32>,
    tpu.vector_store %arg8[%swap3A_1179, %swap3A_1180], %mul3A_1177 {strides = array<i32>} : memref<8x256xf32, #tpu.memory_space<vmem>>, vector<16xf32>,
    %mul3A_1182 = arith.constant -2.000000e+00 : f32
    %mul3A_1183 = vector.broadcast %mul3A_1182 : f32 to vector<16xf32>
    %mul3A_1184 = arith.mulf %mul3A_1183, %gather3A_1171 : vector<16xf32>
    %swap3A_1185 = arith.constant 1 : i32
    %swap3A_1186 = arith.index_cast %swap3A_1185 : i32 to index
    %swap3A_1187 = arith.constant 128 : index
    %swap3A_1188 = tpu.vector_load %arg8[%swap3A_1186, %swap3A_1187] {strides = array<i32>} : memref<8x256xf32, #tpu.memory_space<vmem>>, vector<16xf32>,
    tpu.vector_store %arg8[%swap3A_1186, %swap3A_1187], %mul3A_1184 {strides = array<i32>} : memref<8x256xf32, #tpu.memory_space<vmem>>, vector<16xf32>,
    %mul3A_1189 = arith.constant -2.000000e+00 : f32
    %mul3A_1190 = vector.broadcast %mul3A_1189 : f32 to vector<16xf32>
    %mul3A_1191 = arith.mulf %mul3A_1190, %gather3A_1174 : vector<16xf32>
    %swap3A_1192 = arith.constant 2 : i32
    %swap3A_1193 = arith.index_cast %swap3A_1192 : i32 to index
    %swap3A_1194 = arith.constant 128 : index
    %swap3A_1195 = tpu.vector_load %arg8[%swap3A_1193, %swap3A_1194] {strides = array<i32>} : memref<8x256xf32, #tpu.memory_space<vmem>>, vector<16xf32>,
    tpu.vector_store %arg8[%swap3A_1193, %swap3A_1194], %mul3A_1191 {strides = array<i32>} : memref<8x256xf32, #tpu.memory_space<vmem>>, vector<16xf32>,
    %mul3A_1196 = arith.mulf %gather3A_1168, %gather3A_1168 : vector<16xf32>
    %mul3A_1197 = arith.mulf %gather3A_1171, %gather3A_1171 : vector<16xf32>
    %add3A_1198 = arith.addf %mul3A_1196, %mul3A_1197 : vector<16xf32>
    %mul3A_1199 = arith.mulf %gather3A_1174, %gather3A_1174 : vector<16xf32>
    %add3A_1200 = arith.addf %add3A_1198, %mul3A_1199 : vector<16xf32>
    %bitcast3A_1201 = vector.bitcast %add3A_1200 : vector<16xf32> to vector<16xi32>
    %add3A_1202 = arith.constant 32767 : i32
    %add3A_1203 = vector.broadcast %add3A_1202 : i32 to vector<16xi32>
    %add3A_1204 = arith.addi %bitcast3A_1201, %add3A_1203 : vector<16xi32>
    %shift_right_logical3A_1205 = arith.constant 16 : i32
    %shift_right_logical3A_1206 = vector.broadcast %shift_right_logical3A_1205 : i32 to vector<16xi32>
    %shift_right_logical3A_1207 = arith.shrui %bitcast3A_1201, %shift_right_logical3A_1206 : vector<16xi32>
    %and3A_1208 = arith.constant 1 : i32
    %and3A_1209 = vector.broadcast %and3A_1208 : i32 to vector<16xi32>
    %and3A_1210 = arith.andi %shift_right_logical3A_1207, %and3A_1209 : vector<16xi32>
    %add3A_1211 = arith.addi %add3A_1204, %and3A_1210 : vector<16xi32>
    %and3A_1212 = arith.constant -65536 : i32
    %and3A_1213 = vector.broadcast %and3A_1212 : i32 to vector<16xi32>
    %and3A_1214 = arith.andi %add3A_1211, %and3A_1213 : vector<16xi32>
    %bitcast3A_1215 = vector.bitcast %and3A_1214 : vector<16xi32> to vector<16xf32>
    %sub3A_1216 = arith.subf %add3A_1200, %bitcast3A_1215 : vector<16xf32>
    %bitcast3A_1217 = vector.bitcast %sub3A_1216 : vector<16xf32> to vector<16xi32>
    %add3A_1218 = arith.constant 32767 : i32
    %add3A_1219 = vector.broadcast %add3A_1218 : i32 to vector<16xi32>
    %add3A_1220 = arith.addi %bitcast3A_1217, %add3A_1219 : vector<16xi32>
    %shift_right_logical3A_1221 = arith.constant 16 : i32
    %shift_right_logical3A_1222 = vector.broadcast %shift_right_logical3A_1221 : i32 to vector<16xi32>
    %shift_right_logical3A_1223 = arith.shrui %bitcast3A_1217, %shift_right_logical3A_1222 : vector<16xi32>
    %and3A_1224 = arith.constant 1 : i32
    %and3A_1225 = vector.broadcast %and3A_1224 : i32 to vector<16xi32>
    %and3A_1226 = arith.andi %shift_right_logical3A_1223, %and3A_1225 : vector<16xi32>
    %add3A_1227 = arith.addi %add3A_1220, %and3A_1226 : vector<16xi32>
    %and3A_1228 = arith.constant -65536 : i32
    %and3A_1229 = vector.broadcast %and3A_1228 : i32 to vector<16xi32>
    %and3A_1230 = arith.andi %add3A_1227, %and3A_1229 : vector<16xi32>
    %bitcast3A_1231 = vector.bitcast %and3A_1230 : vector<16xi32> to vector<16xf32>
    %sub3A_1232 = arith.subf %sub3A_1216, %bitcast3A_1231 : vector<16xf32>
    %bitcast3A_1233 = vector.bitcast %sub3A_1232 : vector<16xf32> to vector<16xi32>
    %add3A_1234 = arith.constant 32767 : i32
    %add3A_1235 = vector.broadcast %add3A_1234 : i32 to vector<16xi32>
    %add3A_1236 = arith.addi %bitcast3A_1233, %add3A_1235 : vector<16xi32>
    %shift_right_logical3A_1237 = arith.constant 16 : i32
    %shift_right_logical3A_1238 = vector.broadcast %shift_right_logical3A_1237 : i32 to vector<16xi32>
    %shift_right_logical3A_1239 = arith.shrui %bitcast3A_1233, %shift_right_logical3A_1238 : vector<16xi32>
    %and3A_1240 = arith.constant 1 : i32
    %and3A_1241 = vector.broadcast %and3A_1240 : i32 to vector<16xi32>
    %and3A_1242 = arith.andi %shift_right_logical3A_1239, %and3A_1241 : vector<16xi32>
    %add3A_1243 = arith.addi %add3A_1236, %and3A_1242 : vector<16xi32>
    %and3A_1244 = arith.constant -65536 : i32
    %and3A_1245 = vector.broadcast %and3A_1244 : i32 to vector<16xi32>
    %and3A_1246 = arith.andi %add3A_1243, %and3A_1245 : vector<16xi32>
    %bitcast3A_1247 = vector.bitcast %and3A_1246 : vector<16xi32> to vector<16xf32>
    %swap3A_1248 = arith.constant 3 : i32
    %swap3A_1249 = arith.index_cast %swap3A_1248 : i32 to index
    %swap3A_1250 = arith.constant 128 : index
    %swap3A_1251 = tpu.vector_load %arg8[%swap3A_1249, %swap3A_1250] {strides = array<i32>} : memref<8x256xf32, #tpu.memory_space<vmem>>, vector<16xf32>,
    tpu.vector_store %arg8[%swap3A_1249, %swap3A_1250], %bitcast3A_1215 {strides = array<i32>} : memref<8x256xf32, #tpu.memory_space<vmem>>, vector<16xf32>,
    %swap3A_1252 = arith.constant 4 : i32
    %swap3A_1253 = arith.index_cast %swap3A_1252 : i32 to index
    %swap3A_1254 = arith.constant 128 : index
    %swap3A_1255 = tpu.vector_load %arg8[%swap3A_1253, %swap3A_1254] {strides = array<i32>} : memref<8x256xf32, #tpu.memory_space<vmem>>, vector<16xf32>,
    tpu.vector_store %arg8[%swap3A_1253, %swap3A_1254], %bitcast3A_1231 {strides = array<i32>} : memref<8x256xf32, #tpu.memory_space<vmem>>, vector<16xf32>,
    %swap3A_1256 = arith.constant 5 : i32
    %swap3A_1257 = arith.index_cast %swap3A_1256 : i32 to index
    %swap3A_1258 = arith.constant 128 : index
    %swap3A_1259 = tpu.vector_load %arg8[%swap3A_1257, %swap3A_1258] {strides = array<i32>} : memref<8x256xf32, #tpu.memory_space<vmem>>, vector<16xf32>,
    tpu.vector_store %arg8[%swap3A_1257, %swap3A_1258], %bitcast3A_1247 {strides = array<i32>} : memref<8x256xf32, #tpu.memory_space<vmem>>, vector<16xf32>,
    %add3A_1260 = arith.constant 144 : i32
    %add3A_1261 = vector.broadcast %add3A_1260 : i32 to vector<16xi32>
    %add3A_1262 = arith.addi %iota3A, %add3A_1261 : vector<16xi32>
    %broadcast_in_dim3A_1263 = arith.constant 0 : i32
    %broadcast_in_dim3A_1264 = vector.broadcast %broadcast_in_dim3A_1263 : i32 to vector<16xi32>
    %gather3A_1265 = tpu.vector_load_idx %arg7[%add3A_1262, %broadcast_in_dim3A_1264] : memref<256x16xf32, #tpu.memory_space<vmem>>[vector<16xi32>, vector<16xi32>], vector<16xf32>,
    %broadcast_in_dim3A_1266 = arith.constant 1 : i32
    %broadcast_in_dim3A_1267 = vector.broadcast %broadcast_in_dim3A_1266 : i32 to vector<16xi32>
    %gather3A_1268 = tpu.vector_load_idx %arg7[%add3A_1262, %broadcast_in_dim3A_1267] : memref<256x16xf32, #tpu.memory_space<vmem>>[vector<16xi32>, vector<16xi32>], vector<16xf32>,
    %broadcast_in_dim3A_1269 = arith.constant 2 : i32
    %broadcast_in_dim3A_1270 = vector.broadcast %broadcast_in_dim3A_1269 : i32 to vector<16xi32>
    %gather3A_1271 = tpu.vector_load_idx %arg7[%add3A_1262, %broadcast_in_dim3A_1270] : memref<256x16xf32, #tpu.memory_space<vmem>>[vector<16xi32>, vector<16xi32>], vector<16xf32>,
    %mul3A_1272 = arith.constant -2.000000e+00 : f32
    %mul3A_1273 = vector.broadcast %mul3A_1272 : f32 to vector<16xf32>
    %mul3A_1274 = arith.mulf %mul3A_1273, %gather3A_1265 : vector<16xf32>
    %swap3A_1275 = arith.constant 0 : i32
    %swap3A_1276 = arith.index_cast %swap3A_1275 : i32 to index
    %swap3A_1277 = arith.constant 144 : index
    %swap3A_1278 = tpu.vector_load %arg8[%swap3A_1276, %swap3A_1277] {strides = array<i32>} : memref<8x256xf32, #tpu.memory_space<vmem>>, vector<16xf32>,
    tpu.vector_store %arg8[%swap3A_1276, %swap3A_1277], %mul3A_1274 {strides = array<i32>} : memref<8x256xf32, #tpu.memory_space<vmem>>, vector<16xf32>,
    %mul3A_1279 = arith.constant -2.000000e+00 : f32
    %mul3A_1280 = vector.broadcast %mul3A_1279 : f32 to vector<16xf32>
    %mul3A_1281 = arith.mulf %mul3A_1280, %gather3A_1268 : vector<16xf32>
    %swap3A_1282 = arith.constant 1 : i32
    %swap3A_1283 = arith.index_cast %swap3A_1282 : i32 to index
    %swap3A_1284 = arith.constant 144 : index
    %swap3A_1285 = tpu.vector_load %arg8[%swap3A_1283, %swap3A_1284] {strides = array<i32>} : memref<8x256xf32, #tpu.memory_space<vmem>>, vector<16xf32>,
    tpu.vector_store %arg8[%swap3A_1283, %swap3A_1284], %mul3A_1281 {strides = array<i32>} : memref<8x256xf32, #tpu.memory_space<vmem>>, vector<16xf32>,
    %mul3A_1286 = arith.constant -2.000000e+00 : f32
    %mul3A_1287 = vector.broadcast %mul3A_1286 : f32 to vector<16xf32>
    %mul3A_1288 = arith.mulf %mul3A_1287, %gather3A_1271 : vector<16xf32>
    %swap3A_1289 = arith.constant 2 : i32
    %swap3A_1290 = arith.index_cast %swap3A_1289 : i32 to index
    %swap3A_1291 = arith.constant 144 : index
    %swap3A_1292 = tpu.vector_load %arg8[%swap3A_1290, %swap3A_1291] {strides = array<i32>} : memref<8x256xf32, #tpu.memory_space<vmem>>, vector<16xf32>,
    tpu.vector_store %arg8[%swap3A_1290, %swap3A_1291], %mul3A_1288 {strides = array<i32>} : memref<8x256xf32, #tpu.memory_space<vmem>>, vector<16xf32>,
    %mul3A_1293 = arith.mulf %gather3A_1265, %gather3A_1265 : vector<16xf32>
    %mul3A_1294 = arith.mulf %gather3A_1268, %gather3A_1268 : vector<16xf32>
    %add3A_1295 = arith.addf %mul3A_1293, %mul3A_1294 : vector<16xf32>
    %mul3A_1296 = arith.mulf %gather3A_1271, %gather3A_1271 : vector<16xf32>
    %add3A_1297 = arith.addf %add3A_1295, %mul3A_1296 : vector<16xf32>
    %bitcast3A_1298 = vector.bitcast %add3A_1297 : vector<16xf32> to vector<16xi32>
    %add3A_1299 = arith.constant 32767 : i32
    %add3A_1300 = vector.broadcast %add3A_1299 : i32 to vector<16xi32>
    %add3A_1301 = arith.addi %bitcast3A_1298, %add3A_1300 : vector<16xi32>
    %shift_right_logical3A_1302 = arith.constant 16 : i32
    %shift_right_logical3A_1303 = vector.broadcast %shift_right_logical3A_1302 : i32 to vector<16xi32>
    %shift_right_logical3A_1304 = arith.shrui %bitcast3A_1298, %shift_right_logical3A_1303 : vector<16xi32>
    %and3A_1305 = arith.constant 1 : i32
    %and3A_1306 = vector.broadcast %and3A_1305 : i32 to vector<16xi32>
    %and3A_1307 = arith.andi %shift_right_logical3A_1304, %and3A_1306 : vector<16xi32>
    %add3A_1308 = arith.addi %add3A_1301, %and3A_1307 : vector<16xi32>
    %and3A_1309 = arith.constant -65536 : i32
    %and3A_1310 = vector.broadcast %and3A_1309 : i32 to vector<16xi32>
    %and3A_1311 = arith.andi %add3A_1308, %and3A_1310 : vector<16xi32>
    %bitcast3A_1312 = vector.bitcast %and3A_1311 : vector<16xi32> to vector<16xf32>
    %sub3A_1313 = arith.subf %add3A_1297, %bitcast3A_1312 : vector<16xf32>
    %bitcast3A_1314 = vector.bitcast %sub3A_1313 : vector<16xf32> to vector<16xi32>
    %add3A_1315 = arith.constant 32767 : i32
    %add3A_1316 = vector.broadcast %add3A_1315 : i32 to vector<16xi32>
    %add3A_1317 = arith.addi %bitcast3A_1314, %add3A_1316 : vector<16xi32>
    %shift_right_logical3A_1318 = arith.constant 16 : i32
    %shift_right_logical3A_1319 = vector.broadcast %shift_right_logical3A_1318 : i32 to vector<16xi32>
    %shift_right_logical3A_1320 = arith.shrui %bitcast3A_1314, %shift_right_logical3A_1319 : vector<16xi32>
    %and3A_1321 = arith.constant 1 : i32
    %and3A_1322 = vector.broadcast %and3A_1321 : i32 to vector<16xi32>
    %and3A_1323 = arith.andi %shift_right_logical3A_1320, %and3A_1322 : vector<16xi32>
    %add3A_1324 = arith.addi %add3A_1317, %and3A_1323 : vector<16xi32>
    %and3A_1325 = arith.constant -65536 : i32
    %and3A_1326 = vector.broadcast %and3A_1325 : i32 to vector<16xi32>
    %and3A_1327 = arith.andi %add3A_1324, %and3A_1326 : vector<16xi32>
    %bitcast3A_1328 = vector.bitcast %and3A_1327 : vector<16xi32> to vector<16xf32>
    %sub3A_1329 = arith.subf %sub3A_1313, %bitcast3A_1328 : vector<16xf32>
    %bitcast3A_1330 = vector.bitcast %sub3A_1329 : vector<16xf32> to vector<16xi32>
    %add3A_1331 = arith.constant 32767 : i32
    %add3A_1332 = vector.broadcast %add3A_1331 : i32 to vector<16xi32>
    %add3A_1333 = arith.addi %bitcast3A_1330, %add3A_1332 : vector<16xi32>
    %shift_right_logical3A_1334 = arith.constant 16 : i32
    %shift_right_logical3A_1335 = vector.broadcast %shift_right_logical3A_1334 : i32 to vector<16xi32>
    %shift_right_logical3A_1336 = arith.shrui %bitcast3A_1330, %shift_right_logical3A_1335 : vector<16xi32>
    %and3A_1337 = arith.constant 1 : i32
    %and3A_1338 = vector.broadcast %and3A_1337 : i32 to vector<16xi32>
    %and3A_1339 = arith.andi %shift_right_logical3A_1336, %and3A_1338 : vector<16xi32>
    %add3A_1340 = arith.addi %add3A_1333, %and3A_1339 : vector<16xi32>
    %and3A_1341 = arith.constant -65536 : i32
    %and3A_1342 = vector.broadcast %and3A_1341 : i32 to vector<16xi32>
    %and3A_1343 = arith.andi %add3A_1340, %and3A_1342 : vector<16xi32>
    %bitcast3A_1344 = vector.bitcast %and3A_1343 : vector<16xi32> to vector<16xf32>
    %swap3A_1345 = arith.constant 3 : i32
    %swap3A_1346 = arith.index_cast %swap3A_1345 : i32 to index
    %swap3A_1347 = arith.constant 144 : index
    %swap3A_1348 = tpu.vector_load %arg8[%swap3A_1346, %swap3A_1347] {strides = array<i32>} : memref<8x256xf32, #tpu.memory_space<vmem>>, vector<16xf32>,
    tpu.vector_store %arg8[%swap3A_1346, %swap3A_1347], %bitcast3A_1312 {strides = array<i32>} : memref<8x256xf32, #tpu.memory_space<vmem>>, vector<16xf32>,
    %swap3A_1349 = arith.constant 4 : i32
    %swap3A_1350 = arith.index_cast %swap3A_1349 : i32 to index
    %swap3A_1351 = arith.constant 144 : index
    %swap3A_1352 = tpu.vector_load %arg8[%swap3A_1350, %swap3A_1351] {strides = array<i32>} : memref<8x256xf32, #tpu.memory_space<vmem>>, vector<16xf32>,
    tpu.vector_store %arg8[%swap3A_1350, %swap3A_1351], %bitcast3A_1328 {strides = array<i32>} : memref<8x256xf32, #tpu.memory_space<vmem>>, vector<16xf32>,
    %swap3A_1353 = arith.constant 5 : i32
    %swap3A_1354 = arith.index_cast %swap3A_1353 : i32 to index
    %swap3A_1355 = arith.constant 144 : index
    %swap3A_1356 = tpu.vector_load %arg8[%swap3A_1354, %swap3A_1355] {strides = array<i32>} : memref<8x256xf32, #tpu.memory_space<vmem>>, vector<16xf32>,
    tpu.vector_store %arg8[%swap3A_1354, %swap3A_1355], %bitcast3A_1344 {strides = array<i32>} : memref<8x256xf32, #tpu.memory_space<vmem>>, vector<16xf32>,
    %add3A_1357 = arith.constant 160 : i32
    %add3A_1358 = vector.broadcast %add3A_1357 : i32 to vector<16xi32>
    %add3A_1359 = arith.addi %iota3A, %add3A_1358 : vector<16xi32>
    %broadcast_in_dim3A_1360 = arith.constant 0 : i32
    %broadcast_in_dim3A_1361 = vector.broadcast %broadcast_in_dim3A_1360 : i32 to vector<16xi32>
    %gather3A_1362 = tpu.vector_load_idx %arg7[%add3A_1359, %broadcast_in_dim3A_1361] : memref<256x16xf32, #tpu.memory_space<vmem>>[vector<16xi32>, vector<16xi32>], vector<16xf32>,
    %broadcast_in_dim3A_1363 = arith.constant 1 : i32
    %broadcast_in_dim3A_1364 = vector.broadcast %broadcast_in_dim3A_1363 : i32 to vector<16xi32>
    %gather3A_1365 = tpu.vector_load_idx %arg7[%add3A_1359, %broadcast_in_dim3A_1364] : memref<256x16xf32, #tpu.memory_space<vmem>>[vector<16xi32>, vector<16xi32>], vector<16xf32>,
    %broadcast_in_dim3A_1366 = arith.constant 2 : i32
    %broadcast_in_dim3A_1367 = vector.broadcast %broadcast_in_dim3A_1366 : i32 to vector<16xi32>
    %gather3A_1368 = tpu.vector_load_idx %arg7[%add3A_1359, %broadcast_in_dim3A_1367] : memref<256x16xf32, #tpu.memory_space<vmem>>[vector<16xi32>, vector<16xi32>], vector<16xf32>,
    %mul3A_1369 = arith.constant -2.000000e+00 : f32
    %mul3A_1370 = vector.broadcast %mul3A_1369 : f32 to vector<16xf32>
    %mul3A_1371 = arith.mulf %mul3A_1370, %gather3A_1362 : vector<16xf32>
    %swap3A_1372 = arith.constant 0 : i32
    %swap3A_1373 = arith.index_cast %swap3A_1372 : i32 to index
    %swap3A_1374 = arith.constant 160 : index
    %swap3A_1375 = tpu.vector_load %arg8[%swap3A_1373, %swap3A_1374] {strides = array<i32>} : memref<8x256xf32, #tpu.memory_space<vmem>>, vector<16xf32>,
    tpu.vector_store %arg8[%swap3A_1373, %swap3A_1374], %mul3A_1371 {strides = array<i32>} : memref<8x256xf32, #tpu.memory_space<vmem>>, vector<16xf32>,
    %mul3A_1376 = arith.constant -2.000000e+00 : f32
    %mul3A_1377 = vector.broadcast %mul3A_1376 : f32 to vector<16xf32>
    %mul3A_1378 = arith.mulf %mul3A_1377, %gather3A_1365 : vector<16xf32>
    %swap3A_1379 = arith.constant 1 : i32
    %swap3A_1380 = arith.index_cast %swap3A_1379 : i32 to index
    %swap3A_1381 = arith.constant 160 : index
    %swap3A_1382 = tpu.vector_load %arg8[%swap3A_1380, %swap3A_1381] {strides = array<i32>} : memref<8x256xf32, #tpu.memory_space<vmem>>, vector<16xf32>,
    tpu.vector_store %arg8[%swap3A_1380, %swap3A_1381], %mul3A_1378 {strides = array<i32>} : memref<8x256xf32, #tpu.memory_space<vmem>>, vector<16xf32>,
    %mul3A_1383 = arith.constant -2.000000e+00 : f32
    %mul3A_1384 = vector.broadcast %mul3A_1383 : f32 to vector<16xf32>
    %mul3A_1385 = arith.mulf %mul3A_1384, %gather3A_1368 : vector<16xf32>
    %swap3A_1386 = arith.constant 2 : i32
    %swap3A_1387 = arith.index_cast %swap3A_1386 : i32 to index
    %swap3A_1388 = arith.constant 160 : index
    %swap3A_1389 = tpu.vector_load %arg8[%swap3A_1387, %swap3A_1388] {strides = array<i32>} : memref<8x256xf32, #tpu.memory_space<vmem>>, vector<16xf32>,
    tpu.vector_store %arg8[%swap3A_1387, %swap3A_1388], %mul3A_1385 {strides = array<i32>} : memref<8x256xf32, #tpu.memory_space<vmem>>, vector<16xf32>,
    %mul3A_1390 = arith.mulf %gather3A_1362, %gather3A_1362 : vector<16xf32>
    %mul3A_1391 = arith.mulf %gather3A_1365, %gather3A_1365 : vector<16xf32>
    %add3A_1392 = arith.addf %mul3A_1390, %mul3A_1391 : vector<16xf32>
    %mul3A_1393 = arith.mulf %gather3A_1368, %gather3A_1368 : vector<16xf32>
    %add3A_1394 = arith.addf %add3A_1392, %mul3A_1393 : vector<16xf32>
    %bitcast3A_1395 = vector.bitcast %add3A_1394 : vector<16xf32> to vector<16xi32>
    %add3A_1396 = arith.constant 32767 : i32
    %add3A_1397 = vector.broadcast %add3A_1396 : i32 to vector<16xi32>
    %add3A_1398 = arith.addi %bitcast3A_1395, %add3A_1397 : vector<16xi32>
    %shift_right_logical3A_1399 = arith.constant 16 : i32
    %shift_right_logical3A_1400 = vector.broadcast %shift_right_logical3A_1399 : i32 to vector<16xi32>
    %shift_right_logical3A_1401 = arith.shrui %bitcast3A_1395, %shift_right_logical3A_1400 : vector<16xi32>
    %and3A_1402 = arith.constant 1 : i32
    %and3A_1403 = vector.broadcast %and3A_1402 : i32 to vector<16xi32>
    %and3A_1404 = arith.andi %shift_right_logical3A_1401, %and3A_1403 : vector<16xi32>
    %add3A_1405 = arith.addi %add3A_1398, %and3A_1404 : vector<16xi32>
    %and3A_1406 = arith.constant -65536 : i32
    %and3A_1407 = vector.broadcast %and3A_1406 : i32 to vector<16xi32>
    %and3A_1408 = arith.andi %add3A_1405, %and3A_1407 : vector<16xi32>
    %bitcast3A_1409 = vector.bitcast %and3A_1408 : vector<16xi32> to vector<16xf32>
    %sub3A_1410 = arith.subf %add3A_1394, %bitcast3A_1409 : vector<16xf32>
    %bitcast3A_1411 = vector.bitcast %sub3A_1410 : vector<16xf32> to vector<16xi32>
    %add3A_1412 = arith.constant 32767 : i32
    %add3A_1413 = vector.broadcast %add3A_1412 : i32 to vector<16xi32>
    %add3A_1414 = arith.addi %bitcast3A_1411, %add3A_1413 : vector<16xi32>
    %shift_right_logical3A_1415 = arith.constant 16 : i32
    %shift_right_logical3A_1416 = vector.broadcast %shift_right_logical3A_1415 : i32 to vector<16xi32>
    %shift_right_logical3A_1417 = arith.shrui %bitcast3A_1411, %shift_right_logical3A_1416 : vector<16xi32>
    %and3A_1418 = arith.constant 1 : i32
    %and3A_1419 = vector.broadcast %and3A_1418 : i32 to vector<16xi32>
    %and3A_1420 = arith.andi %shift_right_logical3A_1417, %and3A_1419 : vector<16xi32>
    %add3A_1421 = arith.addi %add3A_1414, %and3A_1420 : vector<16xi32>
    %and3A_1422 = arith.constant -65536 : i32
    %and3A_1423 = vector.broadcast %and3A_1422 : i32 to vector<16xi32>
    %and3A_1424 = arith.andi %add3A_1421, %and3A_1423 : vector<16xi32>
    %bitcast3A_1425 = vector.bitcast %and3A_1424 : vector<16xi32> to vector<16xf32>
    %sub3A_1426 = arith.subf %sub3A_1410, %bitcast3A_1425 : vector<16xf32>
    %bitcast3A_1427 = vector.bitcast %sub3A_1426 : vector<16xf32> to vector<16xi32>
    %add3A_1428 = arith.constant 32767 : i32
    %add3A_1429 = vector.broadcast %add3A_1428 : i32 to vector<16xi32>
    %add3A_1430 = arith.addi %bitcast3A_1427, %add3A_1429 : vector<16xi32>
    %shift_right_logical3A_1431 = arith.constant 16 : i32
    %shift_right_logical3A_1432 = vector.broadcast %shift_right_logical3A_1431 : i32 to vector<16xi32>
    %shift_right_logical3A_1433 = arith.shrui %bitcast3A_1427, %shift_right_logical3A_1432 : vector<16xi32>
    %and3A_1434 = arith.constant 1 : i32
    %and3A_1435 = vector.broadcast %and3A_1434 : i32 to vector<16xi32>
    %and3A_1436 = arith.andi %shift_right_logical3A_1433, %and3A_1435 : vector<16xi32>
    %add3A_1437 = arith.addi %add3A_1430, %and3A_1436 : vector<16xi32>
    %and3A_1438 = arith.constant -65536 : i32
    %and3A_1439 = vector.broadcast %and3A_1438 : i32 to vector<16xi32>
    %and3A_1440 = arith.andi %add3A_1437, %and3A_1439 : vector<16xi32>
    %bitcast3A_1441 = vector.bitcast %and3A_1440 : vector<16xi32> to vector<16xf32>
    %swap3A_1442 = arith.constant 3 : i32
    %swap3A_1443 = arith.index_cast %swap3A_1442 : i32 to index
    %swap3A_1444 = arith.constant 160 : index
    %swap3A_1445 = tpu.vector_load %arg8[%swap3A_1443, %swap3A_1444] {strides = array<i32>} : memref<8x256xf32, #tpu.memory_space<vmem>>, vector<16xf32>,
    tpu.vector_store %arg8[%swap3A_1443, %swap3A_1444], %bitcast3A_1409 {strides = array<i32>} : memref<8x256xf32, #tpu.memory_space<vmem>>, vector<16xf32>,
    %swap3A_1446 = arith.constant 4 : i32
    %swap3A_1447 = arith.index_cast %swap3A_1446 : i32 to index
    %swap3A_1448 = arith.constant 160 : index
    %swap3A_1449 = tpu.vector_load %arg8[%swap3A_1447, %swap3A_1448] {strides = array<i32>} : memref<8x256xf32, #tpu.memory_space<vmem>>, vector<16xf32>,
    tpu.vector_store %arg8[%swap3A_1447, %swap3A_1448], %bitcast3A_1425 {strides = array<i32>} : memref<8x256xf32, #tpu.memory_space<vmem>>, vector<16xf32>,
    %swap3A_1450 = arith.constant 5 : i32
    %swap3A_1451 = arith.index_cast %swap3A_1450 : i32 to index
    %swap3A_1452 = arith.constant 160 : index
    %swap3A_1453 = tpu.vector_load %arg8[%swap3A_1451, %swap3A_1452] {strides = array<i32>} : memref<8x256xf32, #tpu.memory_space<vmem>>, vector<16xf32>,
    tpu.vector_store %arg8[%swap3A_1451, %swap3A_1452], %bitcast3A_1441 {strides = array<i32>} : memref<8x256xf32, #tpu.memory_space<vmem>>, vector<16xf32>,
    %add3A_1454 = arith.constant 176 : i32
    %add3A_1455 = vector.broadcast %add3A_1454 : i32 to vector<16xi32>
    %add3A_1456 = arith.addi %iota3A, %add3A_1455 : vector<16xi32>
    %broadcast_in_dim3A_1457 = arith.constant 0 : i32
    %broadcast_in_dim3A_1458 = vector.broadcast %broadcast_in_dim3A_1457 : i32 to vector<16xi32>
    %gather3A_1459 = tpu.vector_load_idx %arg7[%add3A_1456, %broadcast_in_dim3A_1458] : memref<256x16xf32, #tpu.memory_space<vmem>>[vector<16xi32>, vector<16xi32>], vector<16xf32>,
    %broadcast_in_dim3A_1460 = arith.constant 1 : i32
    %broadcast_in_dim3A_1461 = vector.broadcast %broadcast_in_dim3A_1460 : i32 to vector<16xi32>
    %gather3A_1462 = tpu.vector_load_idx %arg7[%add3A_1456, %broadcast_in_dim3A_1461] : memref<256x16xf32, #tpu.memory_space<vmem>>[vector<16xi32>, vector<16xi32>], vector<16xf32>,
    %broadcast_in_dim3A_1463 = arith.constant 2 : i32
    %broadcast_in_dim3A_1464 = vector.broadcast %broadcast_in_dim3A_1463 : i32 to vector<16xi32>
    %gather3A_1465 = tpu.vector_load_idx %arg7[%add3A_1456, %broadcast_in_dim3A_1464] : memref<256x16xf32, #tpu.memory_space<vmem>>[vector<16xi32>, vector<16xi32>], vector<16xf32>,
    %mul3A_1466 = arith.constant -2.000000e+00 : f32
    %mul3A_1467 = vector.broadcast %mul3A_1466 : f32 to vector<16xf32>
    %mul3A_1468 = arith.mulf %mul3A_1467, %gather3A_1459 : vector<16xf32>
    %swap3A_1469 = arith.constant 0 : i32
    %swap3A_1470 = arith.index_cast %swap3A_1469 : i32 to index
    %swap3A_1471 = arith.constant 176 : index
    %swap3A_1472 = tpu.vector_load %arg8[%swap3A_1470, %swap3A_1471] {strides = array<i32>} : memref<8x256xf32, #tpu.memory_space<vmem>>, vector<16xf32>,
    tpu.vector_store %arg8[%swap3A_1470, %swap3A_1471], %mul3A_1468 {strides = array<i32>} : memref<8x256xf32, #tpu.memory_space<vmem>>, vector<16xf32>,
    %mul3A_1473 = arith.constant -2.000000e+00 : f32
    %mul3A_1474 = vector.broadcast %mul3A_1473 : f32 to vector<16xf32>
    %mul3A_1475 = arith.mulf %mul3A_1474, %gather3A_1462 : vector<16xf32>
    %swap3A_1476 = arith.constant 1 : i32
    %swap3A_1477 = arith.index_cast %swap3A_1476 : i32 to index
    %swap3A_1478 = arith.constant 176 : index
    %swap3A_1479 = tpu.vector_load %arg8[%swap3A_1477, %swap3A_1478] {strides = array<i32>} : memref<8x256xf32, #tpu.memory_space<vmem>>, vector<16xf32>,
    tpu.vector_store %arg8[%swap3A_1477, %swap3A_1478], %mul3A_1475 {strides = array<i32>} : memref<8x256xf32, #tpu.memory_space<vmem>>, vector<16xf32>,
    %mul3A_1480 = arith.constant -2.000000e+00 : f32
    %mul3A_1481 = vector.broadcast %mul3A_1480 : f32 to vector<16xf32>
    %mul3A_1482 = arith.mulf %mul3A_1481, %gather3A_1465 : vector<16xf32>
    %swap3A_1483 = arith.constant 2 : i32
    %swap3A_1484 = arith.index_cast %swap3A_1483 : i32 to index
    %swap3A_1485 = arith.constant 176 : index
    %swap3A_1486 = tpu.vector_load %arg8[%swap3A_1484, %swap3A_1485] {strides = array<i32>} : memref<8x256xf32, #tpu.memory_space<vmem>>, vector<16xf32>,
    tpu.vector_store %arg8[%swap3A_1484, %swap3A_1485], %mul3A_1482 {strides = array<i32>} : memref<8x256xf32, #tpu.memory_space<vmem>>, vector<16xf32>,
    %mul3A_1487 = arith.mulf %gather3A_1459, %gather3A_1459 : vector<16xf32>
    %mul3A_1488 = arith.mulf %gather3A_1462, %gather3A_1462 : vector<16xf32>
    %add3A_1489 = arith.addf %mul3A_1487, %mul3A_1488 : vector<16xf32>
    %mul3A_1490 = arith.mulf %gather3A_1465, %gather3A_1465 : vector<16xf32>
    %add3A_1491 = arith.addf %add3A_1489, %mul3A_1490 : vector<16xf32>
    %bitcast3A_1492 = vector.bitcast %add3A_1491 : vector<16xf32> to vector<16xi32>
    %add3A_1493 = arith.constant 32767 : i32
    %add3A_1494 = vector.broadcast %add3A_1493 : i32 to vector<16xi32>
    %add3A_1495 = arith.addi %bitcast3A_1492, %add3A_1494 : vector<16xi32>
    %shift_right_logical3A_1496 = arith.constant 16 : i32
    %shift_right_logical3A_1497 = vector.broadcast %shift_right_logical3A_1496 : i32 to vector<16xi32>
    %shift_right_logical3A_1498 = arith.shrui %bitcast3A_1492, %shift_right_logical3A_1497 : vector<16xi32>
    %and3A_1499 = arith.constant 1 : i32
    %and3A_1500 = vector.broadcast %and3A_1499 : i32 to vector<16xi32>
    %and3A_1501 = arith.andi %shift_right_logical3A_1498, %and3A_1500 : vector<16xi32>
    %add3A_1502 = arith.addi %add3A_1495, %and3A_1501 : vector<16xi32>
    %and3A_1503 = arith.constant -65536 : i32
    %and3A_1504 = vector.broadcast %and3A_1503 : i32 to vector<16xi32>
    %and3A_1505 = arith.andi %add3A_1502, %and3A_1504 : vector<16xi32>
    %bitcast3A_1506 = vector.bitcast %and3A_1505 : vector<16xi32> to vector<16xf32>
    %sub3A_1507 = arith.subf %add3A_1491, %bitcast3A_1506 : vector<16xf32>
    %bitcast3A_1508 = vector.bitcast %sub3A_1507 : vector<16xf32> to vector<16xi32>
    %add3A_1509 = arith.constant 32767 : i32
    %add3A_1510 = vector.broadcast %add3A_1509 : i32 to vector<16xi32>
    %add3A_1511 = arith.addi %bitcast3A_1508, %add3A_1510 : vector<16xi32>
    %shift_right_logical3A_1512 = arith.constant 16 : i32
    %shift_right_logical3A_1513 = vector.broadcast %shift_right_logical3A_1512 : i32 to vector<16xi32>
    %shift_right_logical3A_1514 = arith.shrui %bitcast3A_1508, %shift_right_logical3A_1513 : vector<16xi32>
    %and3A_1515 = arith.constant 1 : i32
    %and3A_1516 = vector.broadcast %and3A_1515 : i32 to vector<16xi32>
    %and3A_1517 = arith.andi %shift_right_logical3A_1514, %and3A_1516 : vector<16xi32>
    %add3A_1518 = arith.addi %add3A_1511, %and3A_1517 : vector<16xi32>
    %and3A_1519 = arith.constant -65536 : i32
    %and3A_1520 = vector.broadcast %and3A_1519 : i32 to vector<16xi32>
    %and3A_1521 = arith.andi %add3A_1518, %and3A_1520 : vector<16xi32>
    %bitcast3A_1522 = vector.bitcast %and3A_1521 : vector<16xi32> to vector<16xf32>
    %sub3A_1523 = arith.subf %sub3A_1507, %bitcast3A_1522 : vector<16xf32>
    %bitcast3A_1524 = vector.bitcast %sub3A_1523 : vector<16xf32> to vector<16xi32>
    %add3A_1525 = arith.constant 32767 : i32
    %add3A_1526 = vector.broadcast %add3A_1525 : i32 to vector<16xi32>
    %add3A_1527 = arith.addi %bitcast3A_1524, %add3A_1526 : vector<16xi32>
    %shift_right_logical3A_1528 = arith.constant 16 : i32
    %shift_right_logical3A_1529 = vector.broadcast %shift_right_logical3A_1528 : i32 to vector<16xi32>
    %shift_right_logical3A_1530 = arith.shrui %bitcast3A_1524, %shift_right_logical3A_1529 : vector<16xi32>
    %and3A_1531 = arith.constant 1 : i32
    %and3A_1532 = vector.broadcast %and3A_1531 : i32 to vector<16xi32>
    %and3A_1533 = arith.andi %shift_right_logical3A_1530, %and3A_1532 : vector<16xi32>
    %add3A_1534 = arith.addi %add3A_1527, %and3A_1533 : vector<16xi32>
    %and3A_1535 = arith.constant -65536 : i32
    %and3A_1536 = vector.broadcast %and3A_1535 : i32 to vector<16xi32>
    %and3A_1537 = arith.andi %add3A_1534, %and3A_1536 : vector<16xi32>
    %bitcast3A_1538 = vector.bitcast %and3A_1537 : vector<16xi32> to vector<16xf32>
    %swap3A_1539 = arith.constant 3 : i32
    %swap3A_1540 = arith.index_cast %swap3A_1539 : i32 to index
    %swap3A_1541 = arith.constant 176 : index
    %swap3A_1542 = tpu.vector_load %arg8[%swap3A_1540, %swap3A_1541] {strides = array<i32>} : memref<8x256xf32, #tpu.memory_space<vmem>>, vector<16xf32>,
    tpu.vector_store %arg8[%swap3A_1540, %swap3A_1541], %bitcast3A_1506 {strides = array<i32>} : memref<8x256xf32, #tpu.memory_space<vmem>>, vector<16xf32>,
    %swap3A_1543 = arith.constant 4 : i32
    %swap3A_1544 = arith.index_cast %swap3A_1543 : i32 to index
    %swap3A_1545 = arith.constant 176 : index
    %swap3A_1546 = tpu.vector_load %arg8[%swap3A_1544, %swap3A_1545] {strides = array<i32>} : memref<8x256xf32, #tpu.memory_space<vmem>>, vector<16xf32>,
    tpu.vector_store %arg8[%swap3A_1544, %swap3A_1545], %bitcast3A_1522 {strides = array<i32>} : memref<8x256xf32, #tpu.memory_space<vmem>>, vector<16xf32>,
    %swap3A_1547 = arith.constant 5 : i32
    %swap3A_1548 = arith.index_cast %swap3A_1547 : i32 to index
    %swap3A_1549 = arith.constant 176 : index
    %swap3A_1550 = tpu.vector_load %arg8[%swap3A_1548, %swap3A_1549] {strides = array<i32>} : memref<8x256xf32, #tpu.memory_space<vmem>>, vector<16xf32>,
    tpu.vector_store %arg8[%swap3A_1548, %swap3A_1549], %bitcast3A_1538 {strides = array<i32>} : memref<8x256xf32, #tpu.memory_space<vmem>>, vector<16xf32>,
    %add3A_1551 = arith.constant 192 : i32
    %add3A_1552 = vector.broadcast %add3A_1551 : i32 to vector<16xi32>
    %add3A_1553 = arith.addi %iota3A, %add3A_1552 : vector<16xi32>
    %broadcast_in_dim3A_1554 = arith.constant 0 : i32
    %broadcast_in_dim3A_1555 = vector.broadcast %broadcast_in_dim3A_1554 : i32 to vector<16xi32>
    %gather3A_1556 = tpu.vector_load_idx %arg7[%add3A_1553, %broadcast_in_dim3A_1555] : memref<256x16xf32, #tpu.memory_space<vmem>>[vector<16xi32>, vector<16xi32>], vector<16xf32>,
    %broadcast_in_dim3A_1557 = arith.constant 1 : i32
    %broadcast_in_dim3A_1558 = vector.broadcast %broadcast_in_dim3A_1557 : i32 to vector<16xi32>
    %gather3A_1559 = tpu.vector_load_idx %arg7[%add3A_1553, %broadcast_in_dim3A_1558] : memref<256x16xf32, #tpu.memory_space<vmem>>[vector<16xi32>, vector<16xi32>], vector<16xf32>,
    %broadcast_in_dim3A_1560 = arith.constant 2 : i32
    %broadcast_in_dim3A_1561 = vector.broadcast %broadcast_in_dim3A_1560 : i32 to vector<16xi32>
    %gather3A_1562 = tpu.vector_load_idx %arg7[%add3A_1553, %broadcast_in_dim3A_1561] : memref<256x16xf32, #tpu.memory_space<vmem>>[vector<16xi32>, vector<16xi32>], vector<16xf32>,
    %mul3A_1563 = arith.constant -2.000000e+00 : f32
    %mul3A_1564 = vector.broadcast %mul3A_1563 : f32 to vector<16xf32>
    %mul3A_1565 = arith.mulf %mul3A_1564, %gather3A_1556 : vector<16xf32>
    %swap3A_1566 = arith.constant 0 : i32
    %swap3A_1567 = arith.index_cast %swap3A_1566 : i32 to index
    %swap3A_1568 = arith.constant 192 : index
    %swap3A_1569 = tpu.vector_load %arg8[%swap3A_1567, %swap3A_1568] {strides = array<i32>} : memref<8x256xf32, #tpu.memory_space<vmem>>, vector<16xf32>,
    tpu.vector_store %arg8[%swap3A_1567, %swap3A_1568], %mul3A_1565 {strides = array<i32>} : memref<8x256xf32, #tpu.memory_space<vmem>>, vector<16xf32>,
    %mul3A_1570 = arith.constant -2.000000e+00 : f32
    %mul3A_1571 = vector.broadcast %mul3A_1570 : f32 to vector<16xf32>
    %mul3A_1572 = arith.mulf %mul3A_1571, %gather3A_1559 : vector<16xf32>
    %swap3A_1573 = arith.constant 1 : i32
    %swap3A_1574 = arith.index_cast %swap3A_1573 : i32 to index
    %swap3A_1575 = arith.constant 192 : index
    %swap3A_1576 = tpu.vector_load %arg8[%swap3A_1574, %swap3A_1575] {strides = array<i32>} : memref<8x256xf32, #tpu.memory_space<vmem>>, vector<16xf32>,
    tpu.vector_store %arg8[%swap3A_1574, %swap3A_1575], %mul3A_1572 {strides = array<i32>} : memref<8x256xf32, #tpu.memory_space<vmem>>, vector<16xf32>,
    %mul3A_1577 = arith.constant -2.000000e+00 : f32
    %mul3A_1578 = vector.broadcast %mul3A_1577 : f32 to vector<16xf32>
    %mul3A_1579 = arith.mulf %mul3A_1578, %gather3A_1562 : vector<16xf32>
    %swap3A_1580 = arith.constant 2 : i32
    %swap3A_1581 = arith.index_cast %swap3A_1580 : i32 to index
    %swap3A_1582 = arith.constant 192 : index
    %swap3A_1583 = tpu.vector_load %arg8[%swap3A_1581, %swap3A_1582] {strides = array<i32>} : memref<8x256xf32, #tpu.memory_space<vmem>>, vector<16xf32>,
    tpu.vector_store %arg8[%swap3A_1581, %swap3A_1582], %mul3A_1579 {strides = array<i32>} : memref<8x256xf32, #tpu.memory_space<vmem>>, vector<16xf32>,
    %mul3A_1584 = arith.mulf %gather3A_1556, %gather3A_1556 : vector<16xf32>
    %mul3A_1585 = arith.mulf %gather3A_1559, %gather3A_1559 : vector<16xf32>
    %add3A_1586 = arith.addf %mul3A_1584, %mul3A_1585 : vector<16xf32>
    %mul3A_1587 = arith.mulf %gather3A_1562, %gather3A_1562 : vector<16xf32>
    %add3A_1588 = arith.addf %add3A_1586, %mul3A_1587 : vector<16xf32>
    %bitcast3A_1589 = vector.bitcast %add3A_1588 : vector<16xf32> to vector<16xi32>
    %add3A_1590 = arith.constant 32767 : i32
    %add3A_1591 = vector.broadcast %add3A_1590 : i32 to vector<16xi32>
    %add3A_1592 = arith.addi %bitcast3A_1589, %add3A_1591 : vector<16xi32>
    %shift_right_logical3A_1593 = arith.constant 16 : i32
    %shift_right_logical3A_1594 = vector.broadcast %shift_right_logical3A_1593 : i32 to vector<16xi32>
    %shift_right_logical3A_1595 = arith.shrui %bitcast3A_1589, %shift_right_logical3A_1594 : vector<16xi32>
    %and3A_1596 = arith.constant 1 : i32
    %and3A_1597 = vector.broadcast %and3A_1596 : i32 to vector<16xi32>
    %and3A_1598 = arith.andi %shift_right_logical3A_1595, %and3A_1597 : vector<16xi32>
    %add3A_1599 = arith.addi %add3A_1592, %and3A_1598 : vector<16xi32>
    %and3A_1600 = arith.constant -65536 : i32
    %and3A_1601 = vector.broadcast %and3A_1600 : i32 to vector<16xi32>
    %and3A_1602 = arith.andi %add3A_1599, %and3A_1601 : vector<16xi32>
    %bitcast3A_1603 = vector.bitcast %and3A_1602 : vector<16xi32> to vector<16xf32>
    %sub3A_1604 = arith.subf %add3A_1588, %bitcast3A_1603 : vector<16xf32>
    %bitcast3A_1605 = vector.bitcast %sub3A_1604 : vector<16xf32> to vector<16xi32>
    %add3A_1606 = arith.constant 32767 : i32
    %add3A_1607 = vector.broadcast %add3A_1606 : i32 to vector<16xi32>
    %add3A_1608 = arith.addi %bitcast3A_1605, %add3A_1607 : vector<16xi32>
    %shift_right_logical3A_1609 = arith.constant 16 : i32
    %shift_right_logical3A_1610 = vector.broadcast %shift_right_logical3A_1609 : i32 to vector<16xi32>
    %shift_right_logical3A_1611 = arith.shrui %bitcast3A_1605, %shift_right_logical3A_1610 : vector<16xi32>
    %and3A_1612 = arith.constant 1 : i32
    %and3A_1613 = vector.broadcast %and3A_1612 : i32 to vector<16xi32>
    %and3A_1614 = arith.andi %shift_right_logical3A_1611, %and3A_1613 : vector<16xi32>
    %add3A_1615 = arith.addi %add3A_1608, %and3A_1614 : vector<16xi32>
    %and3A_1616 = arith.constant -65536 : i32
    %and3A_1617 = vector.broadcast %and3A_1616 : i32 to vector<16xi32>
    %and3A_1618 = arith.andi %add3A_1615, %and3A_1617 : vector<16xi32>
    %bitcast3A_1619 = vector.bitcast %and3A_1618 : vector<16xi32> to vector<16xf32>
    %sub3A_1620 = arith.subf %sub3A_1604, %bitcast3A_1619 : vector<16xf32>
    %bitcast3A_1621 = vector.bitcast %sub3A_1620 : vector<16xf32> to vector<16xi32>
    %add3A_1622 = arith.constant 32767 : i32
    %add3A_1623 = vector.broadcast %add3A_1622 : i32 to vector<16xi32>
    %add3A_1624 = arith.addi %bitcast3A_1621, %add3A_1623 : vector<16xi32>
    %shift_right_logical3A_1625 = arith.constant 16 : i32
    %shift_right_logical3A_1626 = vector.broadcast %shift_right_logical3A_1625 : i32 to vector<16xi32>
    %shift_right_logical3A_1627 = arith.shrui %bitcast3A_1621, %shift_right_logical3A_1626 : vector<16xi32>
    %and3A_1628 = arith.constant 1 : i32
    %and3A_1629 = vector.broadcast %and3A_1628 : i32 to vector<16xi32>
    %and3A_1630 = arith.andi %shift_right_logical3A_1627, %and3A_1629 : vector<16xi32>
    %add3A_1631 = arith.addi %add3A_1624, %and3A_1630 : vector<16xi32>
    %and3A_1632 = arith.constant -65536 : i32
    %and3A_1633 = vector.broadcast %and3A_1632 : i32 to vector<16xi32>
    %and3A_1634 = arith.andi %add3A_1631, %and3A_1633 : vector<16xi32>
    %bitcast3A_1635 = vector.bitcast %and3A_1634 : vector<16xi32> to vector<16xf32>
    %swap3A_1636 = arith.constant 3 : i32
    %swap3A_1637 = arith.index_cast %swap3A_1636 : i32 to index
    %swap3A_1638 = arith.constant 192 : index
    %swap3A_1639 = tpu.vector_load %arg8[%swap3A_1637, %swap3A_1638] {strides = array<i32>} : memref<8x256xf32, #tpu.memory_space<vmem>>, vector<16xf32>,
    tpu.vector_store %arg8[%swap3A_1637, %swap3A_1638], %bitcast3A_1603 {strides = array<i32>} : memref<8x256xf32, #tpu.memory_space<vmem>>, vector<16xf32>,
    %swap3A_1640 = arith.constant 4 : i32
    %swap3A_1641 = arith.index_cast %swap3A_1640 : i32 to index
    %swap3A_1642 = arith.constant 192 : index
    %swap3A_1643 = tpu.vector_load %arg8[%swap3A_1641, %swap3A_1642] {strides = array<i32>} : memref<8x256xf32, #tpu.memory_space<vmem>>, vector<16xf32>,
    tpu.vector_store %arg8[%swap3A_1641, %swap3A_1642], %bitcast3A_1619 {strides = array<i32>} : memref<8x256xf32, #tpu.memory_space<vmem>>, vector<16xf32>,
    %swap3A_1644 = arith.constant 5 : i32
    %swap3A_1645 = arith.index_cast %swap3A_1644 : i32 to index
    %swap3A_1646 = arith.constant 192 : index
    %swap3A_1647 = tpu.vector_load %arg8[%swap3A_1645, %swap3A_1646] {strides = array<i32>} : memref<8x256xf32, #tpu.memory_space<vmem>>, vector<16xf32>,
    tpu.vector_store %arg8[%swap3A_1645, %swap3A_1646], %bitcast3A_1635 {strides = array<i32>} : memref<8x256xf32, #tpu.memory_space<vmem>>, vector<16xf32>,
    %add3A_1648 = arith.constant 208 : i32
    %add3A_1649 = vector.broadcast %add3A_1648 : i32 to vector<16xi32>
    %add3A_1650 = arith.addi %iota3A, %add3A_1649 : vector<16xi32>
    %broadcast_in_dim3A_1651 = arith.constant 0 : i32
    %broadcast_in_dim3A_1652 = vector.broadcast %broadcast_in_dim3A_1651 : i32 to vector<16xi32>
    %gather3A_1653 = tpu.vector_load_idx %arg7[%add3A_1650, %broadcast_in_dim3A_1652] : memref<256x16xf32, #tpu.memory_space<vmem>>[vector<16xi32>, vector<16xi32>], vector<16xf32>,
    %broadcast_in_dim3A_1654 = arith.constant 1 : i32
    %broadcast_in_dim3A_1655 = vector.broadcast %broadcast_in_dim3A_1654 : i32 to vector<16xi32>
    %gather3A_1656 = tpu.vector_load_idx %arg7[%add3A_1650, %broadcast_in_dim3A_1655] : memref<256x16xf32, #tpu.memory_space<vmem>>[vector<16xi32>, vector<16xi32>], vector<16xf32>,
    %broadcast_in_dim3A_1657 = arith.constant 2 : i32
    %broadcast_in_dim3A_1658 = vector.broadcast %broadcast_in_dim3A_1657 : i32 to vector<16xi32>
    %gather3A_1659 = tpu.vector_load_idx %arg7[%add3A_1650, %broadcast_in_dim3A_1658] : memref<256x16xf32, #tpu.memory_space<vmem>>[vector<16xi32>, vector<16xi32>], vector<16xf32>,
    %mul3A_1660 = arith.constant -2.000000e+00 : f32
    %mul3A_1661 = vector.broadcast %mul3A_1660 : f32 to vector<16xf32>
    %mul3A_1662 = arith.mulf %mul3A_1661, %gather3A_1653 : vector<16xf32>
    %swap3A_1663 = arith.constant 0 : i32
    %swap3A_1664 = arith.index_cast %swap3A_1663 : i32 to index
    %swap3A_1665 = arith.constant 208 : index
    %swap3A_1666 = tpu.vector_load %arg8[%swap3A_1664, %swap3A_1665] {strides = array<i32>} : memref<8x256xf32, #tpu.memory_space<vmem>>, vector<16xf32>,
    tpu.vector_store %arg8[%swap3A_1664, %swap3A_1665], %mul3A_1662 {strides = array<i32>} : memref<8x256xf32, #tpu.memory_space<vmem>>, vector<16xf32>,
    %mul3A_1667 = arith.constant -2.000000e+00 : f32
    %mul3A_1668 = vector.broadcast %mul3A_1667 : f32 to vector<16xf32>
    %mul3A_1669 = arith.mulf %mul3A_1668, %gather3A_1656 : vector<16xf32>
    %swap3A_1670 = arith.constant 1 : i32
    %swap3A_1671 = arith.index_cast %swap3A_1670 : i32 to index
    %swap3A_1672 = arith.constant 208 : index
    %swap3A_1673 = tpu.vector_load %arg8[%swap3A_1671, %swap3A_1672] {strides = array<i32>} : memref<8x256xf32, #tpu.memory_space<vmem>>, vector<16xf32>,
    tpu.vector_store %arg8[%swap3A_1671, %swap3A_1672], %mul3A_1669 {strides = array<i32>} : memref<8x256xf32, #tpu.memory_space<vmem>>, vector<16xf32>,
    %mul3A_1674 = arith.constant -2.000000e+00 : f32
    %mul3A_1675 = vector.broadcast %mul3A_1674 : f32 to vector<16xf32>
    %mul3A_1676 = arith.mulf %mul3A_1675, %gather3A_1659 : vector<16xf32>
    %swap3A_1677 = arith.constant 2 : i32
    %swap3A_1678 = arith.index_cast %swap3A_1677 : i32 to index
    %swap3A_1679 = arith.constant 208 : index
    %swap3A_1680 = tpu.vector_load %arg8[%swap3A_1678, %swap3A_1679] {strides = array<i32>} : memref<8x256xf32, #tpu.memory_space<vmem>>, vector<16xf32>,
    tpu.vector_store %arg8[%swap3A_1678, %swap3A_1679], %mul3A_1676 {strides = array<i32>} : memref<8x256xf32, #tpu.memory_space<vmem>>, vector<16xf32>,
    %mul3A_1681 = arith.mulf %gather3A_1653, %gather3A_1653 : vector<16xf32>
    %mul3A_1682 = arith.mulf %gather3A_1656, %gather3A_1656 : vector<16xf32>
    %add3A_1683 = arith.addf %mul3A_1681, %mul3A_1682 : vector<16xf32>
    %mul3A_1684 = arith.mulf %gather3A_1659, %gather3A_1659 : vector<16xf32>
    %add3A_1685 = arith.addf %add3A_1683, %mul3A_1684 : vector<16xf32>
    %bitcast3A_1686 = vector.bitcast %add3A_1685 : vector<16xf32> to vector<16xi32>
    %add3A_1687 = arith.constant 32767 : i32
    %add3A_1688 = vector.broadcast %add3A_1687 : i32 to vector<16xi32>
    %add3A_1689 = arith.addi %bitcast3A_1686, %add3A_1688 : vector<16xi32>
    %shift_right_logical3A_1690 = arith.constant 16 : i32
    %shift_right_logical3A_1691 = vector.broadcast %shift_right_logical3A_1690 : i32 to vector<16xi32>
    %shift_right_logical3A_1692 = arith.shrui %bitcast3A_1686, %shift_right_logical3A_1691 : vector<16xi32>
    %and3A_1693 = arith.constant 1 : i32
    %and3A_1694 = vector.broadcast %and3A_1693 : i32 to vector<16xi32>
    %and3A_1695 = arith.andi %shift_right_logical3A_1692, %and3A_1694 : vector<16xi32>
    %add3A_1696 = arith.addi %add3A_1689, %and3A_1695 : vector<16xi32>
    %and3A_1697 = arith.constant -65536 : i32
    %and3A_1698 = vector.broadcast %and3A_1697 : i32 to vector<16xi32>
    %and3A_1699 = arith.andi %add3A_1696, %and3A_1698 : vector<16xi32>
    %bitcast3A_1700 = vector.bitcast %and3A_1699 : vector<16xi32> to vector<16xf32>
    %sub3A_1701 = arith.subf %add3A_1685, %bitcast3A_1700 : vector<16xf32>
    %bitcast3A_1702 = vector.bitcast %sub3A_1701 : vector<16xf32> to vector<16xi32>
    %add3A_1703 = arith.constant 32767 : i32
    %add3A_1704 = vector.broadcast %add3A_1703 : i32 to vector<16xi32>
    %add3A_1705 = arith.addi %bitcast3A_1702, %add3A_1704 : vector<16xi32>
    %shift_right_logical3A_1706 = arith.constant 16 : i32
    %shift_right_logical3A_1707 = vector.broadcast %shift_right_logical3A_1706 : i32 to vector<16xi32>
    %shift_right_logical3A_1708 = arith.shrui %bitcast3A_1702, %shift_right_logical3A_1707 : vector<16xi32>
    %and3A_1709 = arith.constant 1 : i32
    %and3A_1710 = vector.broadcast %and3A_1709 : i32 to vector<16xi32>
    %and3A_1711 = arith.andi %shift_right_logical3A_1708, %and3A_1710 : vector<16xi32>
    %add3A_1712 = arith.addi %add3A_1705, %and3A_1711 : vector<16xi32>
    %and3A_1713 = arith.constant -65536 : i32
    %and3A_1714 = vector.broadcast %and3A_1713 : i32 to vector<16xi32>
    %and3A_1715 = arith.andi %add3A_1712, %and3A_1714 : vector<16xi32>
    %bitcast3A_1716 = vector.bitcast %and3A_1715 : vector<16xi32> to vector<16xf32>
    %sub3A_1717 = arith.subf %sub3A_1701, %bitcast3A_1716 : vector<16xf32>
    %bitcast3A_1718 = vector.bitcast %sub3A_1717 : vector<16xf32> to vector<16xi32>
    %add3A_1719 = arith.constant 32767 : i32
    %add3A_1720 = vector.broadcast %add3A_1719 : i32 to vector<16xi32>
    %add3A_1721 = arith.addi %bitcast3A_1718, %add3A_1720 : vector<16xi32>
    %shift_right_logical3A_1722 = arith.constant 16 : i32
    %shift_right_logical3A_1723 = vector.broadcast %shift_right_logical3A_1722 : i32 to vector<16xi32>
    %shift_right_logical3A_1724 = arith.shrui %bitcast3A_1718, %shift_right_logical3A_1723 : vector<16xi32>
    %and3A_1725 = arith.constant 1 : i32
    %and3A_1726 = vector.broadcast %and3A_1725 : i32 to vector<16xi32>
    %and3A_1727 = arith.andi %shift_right_logical3A_1724, %and3A_1726 : vector<16xi32>
    %add3A_1728 = arith.addi %add3A_1721, %and3A_1727 : vector<16xi32>
    %and3A_1729 = arith.constant -65536 : i32
    %and3A_1730 = vector.broadcast %and3A_1729 : i32 to vector<16xi32>
    %and3A_1731 = arith.andi %add3A_1728, %and3A_1730 : vector<16xi32>
    %bitcast3A_1732 = vector.bitcast %and3A_1731 : vector<16xi32> to vector<16xf32>
    %swap3A_1733 = arith.constant 3 : i32
    %swap3A_1734 = arith.index_cast %swap3A_1733 : i32 to index
    %swap3A_1735 = arith.constant 208 : index
    %swap3A_1736 = tpu.vector_load %arg8[%swap3A_1734, %swap3A_1735] {strides = array<i32>} : memref<8x256xf32, #tpu.memory_space<vmem>>, vector<16xf32>,
    tpu.vector_store %arg8[%swap3A_1734, %swap3A_1735], %bitcast3A_1700 {strides = array<i32>} : memref<8x256xf32, #tpu.memory_space<vmem>>, vector<16xf32>,
    %swap3A_1737 = arith.constant 4 : i32
    %swap3A_1738 = arith.index_cast %swap3A_1737 : i32 to index
    %swap3A_1739 = arith.constant 208 : index
    %swap3A_1740 = tpu.vector_load %arg8[%swap3A_1738, %swap3A_1739] {strides = array<i32>} : memref<8x256xf32, #tpu.memory_space<vmem>>, vector<16xf32>,
    tpu.vector_store %arg8[%swap3A_1738, %swap3A_1739], %bitcast3A_1716 {strides = array<i32>} : memref<8x256xf32, #tpu.memory_space<vmem>>, vector<16xf32>,
    %swap3A_1741 = arith.constant 5 : i32
    %swap3A_1742 = arith.index_cast %swap3A_1741 : i32 to index
    %swap3A_1743 = arith.constant 208 : index
    %swap3A_1744 = tpu.vector_load %arg8[%swap3A_1742, %swap3A_1743] {strides = array<i32>} : memref<8x256xf32, #tpu.memory_space<vmem>>, vector<16xf32>,
    tpu.vector_store %arg8[%swap3A_1742, %swap3A_1743], %bitcast3A_1732 {strides = array<i32>} : memref<8x256xf32, #tpu.memory_space<vmem>>, vector<16xf32>,
    %add3A_1745 = arith.constant 224 : i32
    %add3A_1746 = vector.broadcast %add3A_1745 : i32 to vector<16xi32>
    %add3A_1747 = arith.addi %iota3A, %add3A_1746 : vector<16xi32>
    %broadcast_in_dim3A_1748 = arith.constant 0 : i32
    %broadcast_in_dim3A_1749 = vector.broadcast %broadcast_in_dim3A_1748 : i32 to vector<16xi32>
    %gather3A_1750 = tpu.vector_load_idx %arg7[%add3A_1747, %broadcast_in_dim3A_1749] : memref<256x16xf32, #tpu.memory_space<vmem>>[vector<16xi32>, vector<16xi32>], vector<16xf32>,
    %broadcast_in_dim3A_1751 = arith.constant 1 : i32
    %broadcast_in_dim3A_1752 = vector.broadcast %broadcast_in_dim3A_1751 : i32 to vector<16xi32>
    %gather3A_1753 = tpu.vector_load_idx %arg7[%add3A_1747, %broadcast_in_dim3A_1752] : memref<256x16xf32, #tpu.memory_space<vmem>>[vector<16xi32>, vector<16xi32>], vector<16xf32>,
    %broadcast_in_dim3A_1754 = arith.constant 2 : i32
    %broadcast_in_dim3A_1755 = vector.broadcast %broadcast_in_dim3A_1754 : i32 to vector<16xi32>
    %gather3A_1756 = tpu.vector_load_idx %arg7[%add3A_1747, %broadcast_in_dim3A_1755] : memref<256x16xf32, #tpu.memory_space<vmem>>[vector<16xi32>, vector<16xi32>], vector<16xf32>,
    %mul3A_1757 = arith.constant -2.000000e+00 : f32
    %mul3A_1758 = vector.broadcast %mul3A_1757 : f32 to vector<16xf32>
    %mul3A_1759 = arith.mulf %mul3A_1758, %gather3A_1750 : vector<16xf32>
    %swap3A_1760 = arith.constant 0 : i32
    %swap3A_1761 = arith.index_cast %swap3A_1760 : i32 to index
    %swap3A_1762 = arith.constant 224 : index
    %swap3A_1763 = tpu.vector_load %arg8[%swap3A_1761, %swap3A_1762] {strides = array<i32>} : memref<8x256xf32, #tpu.memory_space<vmem>>, vector<16xf32>,
    tpu.vector_store %arg8[%swap3A_1761, %swap3A_1762], %mul3A_1759 {strides = array<i32>} : memref<8x256xf32, #tpu.memory_space<vmem>>, vector<16xf32>,
    %mul3A_1764 = arith.constant -2.000000e+00 : f32
    %mul3A_1765 = vector.broadcast %mul3A_1764 : f32 to vector<16xf32>
    %mul3A_1766 = arith.mulf %mul3A_1765, %gather3A_1753 : vector<16xf32>
    %swap3A_1767 = arith.constant 1 : i32
    %swap3A_1768 = arith.index_cast %swap3A_1767 : i32 to index
    %swap3A_1769 = arith.constant 224 : index
    %swap3A_1770 = tpu.vector_load %arg8[%swap3A_1768, %swap3A_1769] {strides = array<i32>} : memref<8x256xf32, #tpu.memory_space<vmem>>, vector<16xf32>,
    tpu.vector_store %arg8[%swap3A_1768, %swap3A_1769], %mul3A_1766 {strides = array<i32>} : memref<8x256xf32, #tpu.memory_space<vmem>>, vector<16xf32>,
    %mul3A_1771 = arith.constant -2.000000e+00 : f32
    %mul3A_1772 = vector.broadcast %mul3A_1771 : f32 to vector<16xf32>
    %mul3A_1773 = arith.mulf %mul3A_1772, %gather3A_1756 : vector<16xf32>
    %swap3A_1774 = arith.constant 2 : i32
    %swap3A_1775 = arith.index_cast %swap3A_1774 : i32 to index
    %swap3A_1776 = arith.constant 224 : index
    %swap3A_1777 = tpu.vector_load %arg8[%swap3A_1775, %swap3A_1776] {strides = array<i32>} : memref<8x256xf32, #tpu.memory_space<vmem>>, vector<16xf32>,
    tpu.vector_store %arg8[%swap3A_1775, %swap3A_1776], %mul3A_1773 {strides = array<i32>} : memref<8x256xf32, #tpu.memory_space<vmem>>, vector<16xf32>,
    %mul3A_1778 = arith.mulf %gather3A_1750, %gather3A_1750 : vector<16xf32>
    %mul3A_1779 = arith.mulf %gather3A_1753, %gather3A_1753 : vector<16xf32>
    %add3A_1780 = arith.addf %mul3A_1778, %mul3A_1779 : vector<16xf32>
    %mul3A_1781 = arith.mulf %gather3A_1756, %gather3A_1756 : vector<16xf32>
    %add3A_1782 = arith.addf %add3A_1780, %mul3A_1781 : vector<16xf32>
    %bitcast3A_1783 = vector.bitcast %add3A_1782 : vector<16xf32> to vector<16xi32>
    %add3A_1784 = arith.constant 32767 : i32
    %add3A_1785 = vector.broadcast %add3A_1784 : i32 to vector<16xi32>
    %add3A_1786 = arith.addi %bitcast3A_1783, %add3A_1785 : vector<16xi32>
    %shift_right_logical3A_1787 = arith.constant 16 : i32
    %shift_right_logical3A_1788 = vector.broadcast %shift_right_logical3A_1787 : i32 to vector<16xi32>
    %shift_right_logical3A_1789 = arith.shrui %bitcast3A_1783, %shift_right_logical3A_1788 : vector<16xi32>
    %and3A_1790 = arith.constant 1 : i32
    %and3A_1791 = vector.broadcast %and3A_1790 : i32 to vector<16xi32>
    %and3A_1792 = arith.andi %shift_right_logical3A_1789, %and3A_1791 : vector<16xi32>
    %add3A_1793 = arith.addi %add3A_1786, %and3A_1792 : vector<16xi32>
    %and3A_1794 = arith.constant -65536 : i32
    %and3A_1795 = vector.broadcast %and3A_1794 : i32 to vector<16xi32>
    %and3A_1796 = arith.andi %add3A_1793, %and3A_1795 : vector<16xi32>
    %bitcast3A_1797 = vector.bitcast %and3A_1796 : vector<16xi32> to vector<16xf32>
    %sub3A_1798 = arith.subf %add3A_1782, %bitcast3A_1797 : vector<16xf32>
    %bitcast3A_1799 = vector.bitcast %sub3A_1798 : vector<16xf32> to vector<16xi32>
    %add3A_1800 = arith.constant 32767 : i32
    %add3A_1801 = vector.broadcast %add3A_1800 : i32 to vector<16xi32>
    %add3A_1802 = arith.addi %bitcast3A_1799, %add3A_1801 : vector<16xi32>
    %shift_right_logical3A_1803 = arith.constant 16 : i32
    %shift_right_logical3A_1804 = vector.broadcast %shift_right_logical3A_1803 : i32 to vector<16xi32>
    %shift_right_logical3A_1805 = arith.shrui %bitcast3A_1799, %shift_right_logical3A_1804 : vector<16xi32>
    %and3A_1806 = arith.constant 1 : i32
    %and3A_1807 = vector.broadcast %and3A_1806 : i32 to vector<16xi32>
    %and3A_1808 = arith.andi %shift_right_logical3A_1805, %and3A_1807 : vector<16xi32>
    %add3A_1809 = arith.addi %add3A_1802, %and3A_1808 : vector<16xi32>
    %and3A_1810 = arith.constant -65536 : i32
    %and3A_1811 = vector.broadcast %and3A_1810 : i32 to vector<16xi32>
    %and3A_1812 = arith.andi %add3A_1809, %and3A_1811 : vector<16xi32>
    %bitcast3A_1813 = vector.bitcast %and3A_1812 : vector<16xi32> to vector<16xf32>
    %sub3A_1814 = arith.subf %sub3A_1798, %bitcast3A_1813 : vector<16xf32>
    %bitcast3A_1815 = vector.bitcast %sub3A_1814 : vector<16xf32> to vector<16xi32>
    %add3A_1816 = arith.constant 32767 : i32
    %add3A_1817 = vector.broadcast %add3A_1816 : i32 to vector<16xi32>
    %add3A_1818 = arith.addi %bitcast3A_1815, %add3A_1817 : vector<16xi32>
    %shift_right_logical3A_1819 = arith.constant 16 : i32
    %shift_right_logical3A_1820 = vector.broadcast %shift_right_logical3A_1819 : i32 to vector<16xi32>
    %shift_right_logical3A_1821 = arith.shrui %bitcast3A_1815, %shift_right_logical3A_1820 : vector<16xi32>
    %and3A_1822 = arith.constant 1 : i32
    %and3A_1823 = vector.broadcast %and3A_1822 : i32 to vector<16xi32>
    %and3A_1824 = arith.andi %shift_right_logical3A_1821, %and3A_1823 : vector<16xi32>
    %add3A_1825 = arith.addi %add3A_1818, %and3A_1824 : vector<16xi32>
    %and3A_1826 = arith.constant -65536 : i32
    %and3A_1827 = vector.broadcast %and3A_1826 : i32 to vector<16xi32>
    %and3A_1828 = arith.andi %add3A_1825, %and3A_1827 : vector<16xi32>
    %bitcast3A_1829 = vector.bitcast %and3A_1828 : vector<16xi32> to vector<16xf32>
    %swap3A_1830 = arith.constant 3 : i32
    %swap3A_1831 = arith.index_cast %swap3A_1830 : i32 to index
    %swap3A_1832 = arith.constant 224 : index
    %swap3A_1833 = tpu.vector_load %arg8[%swap3A_1831, %swap3A_1832] {strides = array<i32>} : memref<8x256xf32, #tpu.memory_space<vmem>>, vector<16xf32>,
    tpu.vector_store %arg8[%swap3A_1831, %swap3A_1832], %bitcast3A_1797 {strides = array<i32>} : memref<8x256xf32, #tpu.memory_space<vmem>>, vector<16xf32>,
    %swap3A_1834 = arith.constant 4 : i32
    %swap3A_1835 = arith.index_cast %swap3A_1834 : i32 to index
    %swap3A_1836 = arith.constant 224 : index
    %swap3A_1837 = tpu.vector_load %arg8[%swap3A_1835, %swap3A_1836] {strides = array<i32>} : memref<8x256xf32, #tpu.memory_space<vmem>>, vector<16xf32>,
    tpu.vector_store %arg8[%swap3A_1835, %swap3A_1836], %bitcast3A_1813 {strides = array<i32>} : memref<8x256xf32, #tpu.memory_space<vmem>>, vector<16xf32>,
    %swap3A_1838 = arith.constant 5 : i32
    %swap3A_1839 = arith.index_cast %swap3A_1838 : i32 to index
    %swap3A_1840 = arith.constant 224 : index
    %swap3A_1841 = tpu.vector_load %arg8[%swap3A_1839, %swap3A_1840] {strides = array<i32>} : memref<8x256xf32, #tpu.memory_space<vmem>>, vector<16xf32>,
    tpu.vector_store %arg8[%swap3A_1839, %swap3A_1840], %bitcast3A_1829 {strides = array<i32>} : memref<8x256xf32, #tpu.memory_space<vmem>>, vector<16xf32>,
    %add3A_1842 = arith.constant 240 : i32
    %add3A_1843 = vector.broadcast %add3A_1842 : i32 to vector<16xi32>
    %add3A_1844 = arith.addi %iota3A, %add3A_1843 : vector<16xi32>
    %broadcast_in_dim3A_1845 = arith.constant 0 : i32
    %broadcast_in_dim3A_1846 = vector.broadcast %broadcast_in_dim3A_1845 : i32 to vector<16xi32>
    %gather3A_1847 = tpu.vector_load_idx %arg7[%add3A_1844, %broadcast_in_dim3A_1846] : memref<256x16xf32, #tpu.memory_space<vmem>>[vector<16xi32>, vector<16xi32>], vector<16xf32>,
    %broadcast_in_dim3A_1848 = arith.constant 1 : i32
    %broadcast_in_dim3A_1849 = vector.broadcast %broadcast_in_dim3A_1848 : i32 to vector<16xi32>
    %gather3A_1850 = tpu.vector_load_idx %arg7[%add3A_1844, %broadcast_in_dim3A_1849] : memref<256x16xf32, #tpu.memory_space<vmem>>[vector<16xi32>, vector<16xi32>], vector<16xf32>,
    %broadcast_in_dim3A_1851 = arith.constant 2 : i32
    %broadcast_in_dim3A_1852 = vector.broadcast %broadcast_in_dim3A_1851 : i32 to vector<16xi32>
    %gather3A_1853 = tpu.vector_load_idx %arg7[%add3A_1844, %broadcast_in_dim3A_1852] : memref<256x16xf32, #tpu.memory_space<vmem>>[vector<16xi32>, vector<16xi32>], vector<16xf32>,
    %mul3A_1854 = arith.constant -2.000000e+00 : f32
    %mul3A_1855 = vector.broadcast %mul3A_1854 : f32 to vector<16xf32>
    %mul3A_1856 = arith.mulf %mul3A_1855, %gather3A_1847 : vector<16xf32>
    %swap3A_1857 = arith.constant 0 : i32
    %swap3A_1858 = arith.index_cast %swap3A_1857 : i32 to index
    %swap3A_1859 = arith.constant 240 : index
    %swap3A_1860 = tpu.vector_load %arg8[%swap3A_1858, %swap3A_1859] {strides = array<i32>} : memref<8x256xf32, #tpu.memory_space<vmem>>, vector<16xf32>,
    tpu.vector_store %arg8[%swap3A_1858, %swap3A_1859], %mul3A_1856 {strides = array<i32>} : memref<8x256xf32, #tpu.memory_space<vmem>>, vector<16xf32>,
    %mul3A_1861 = arith.constant -2.000000e+00 : f32
    %mul3A_1862 = vector.broadcast %mul3A_1861 : f32 to vector<16xf32>
    %mul3A_1863 = arith.mulf %mul3A_1862, %gather3A_1850 : vector<16xf32>
    %swap3A_1864 = arith.constant 1 : i32
    %swap3A_1865 = arith.index_cast %swap3A_1864 : i32 to index
    %swap3A_1866 = arith.constant 240 : index
    %swap3A_1867 = tpu.vector_load %arg8[%swap3A_1865, %swap3A_1866] {strides = array<i32>} : memref<8x256xf32, #tpu.memory_space<vmem>>, vector<16xf32>,
    tpu.vector_store %arg8[%swap3A_1865, %swap3A_1866], %mul3A_1863 {strides = array<i32>} : memref<8x256xf32, #tpu.memory_space<vmem>>, vector<16xf32>,
    %mul3A_1868 = arith.constant -2.000000e+00 : f32
    %mul3A_1869 = vector.broadcast %mul3A_1868 : f32 to vector<16xf32>
    %mul3A_1870 = arith.mulf %mul3A_1869, %gather3A_1853 : vector<16xf32>
    %swap3A_1871 = arith.constant 2 : i32
    %swap3A_1872 = arith.index_cast %swap3A_1871 : i32 to index
    %swap3A_1873 = arith.constant 240 : index
    %swap3A_1874 = tpu.vector_load %arg8[%swap3A_1872, %swap3A_1873] {strides = array<i32>} : memref<8x256xf32, #tpu.memory_space<vmem>>, vector<16xf32>,
    tpu.vector_store %arg8[%swap3A_1872, %swap3A_1873], %mul3A_1870 {strides = array<i32>} : memref<8x256xf32, #tpu.memory_space<vmem>>, vector<16xf32>,
    %mul3A_1875 = arith.mulf %gather3A_1847, %gather3A_1847 : vector<16xf32>
    %mul3A_1876 = arith.mulf %gather3A_1850, %gather3A_1850 : vector<16xf32>
    %add3A_1877 = arith.addf %mul3A_1875, %mul3A_1876 : vector<16xf32>
    %mul3A_1878 = arith.mulf %gather3A_1853, %gather3A_1853 : vector<16xf32>
    %add3A_1879 = arith.addf %add3A_1877, %mul3A_1878 : vector<16xf32>
    %bitcast3A_1880 = vector.bitcast %add3A_1879 : vector<16xf32> to vector<16xi32>
    %add3A_1881 = arith.constant 32767 : i32
    %add3A_1882 = vector.broadcast %add3A_1881 : i32 to vector<16xi32>
    %add3A_1883 = arith.addi %bitcast3A_1880, %add3A_1882 : vector<16xi32>
    %shift_right_logical3A_1884 = arith.constant 16 : i32
    %shift_right_logical3A_1885 = vector.broadcast %shift_right_logical3A_1884 : i32 to vector<16xi32>
    %shift_right_logical3A_1886 = arith.shrui %bitcast3A_1880, %shift_right_logical3A_1885 : vector<16xi32>
    %and3A_1887 = arith.constant 1 : i32
    %and3A_1888 = vector.broadcast %and3A_1887 : i32 to vector<16xi32>
    %and3A_1889 = arith.andi %shift_right_logical3A_1886, %and3A_1888 : vector<16xi32>
    %add3A_1890 = arith.addi %add3A_1883, %and3A_1889 : vector<16xi32>
    %and3A_1891 = arith.constant -65536 : i32
    %and3A_1892 = vector.broadcast %and3A_1891 : i32 to vector<16xi32>
    %and3A_1893 = arith.andi %add3A_1890, %and3A_1892 : vector<16xi32>
    %bitcast3A_1894 = vector.bitcast %and3A_1893 : vector<16xi32> to vector<16xf32>
    %sub3A_1895 = arith.subf %add3A_1879, %bitcast3A_1894 : vector<16xf32>
    %bitcast3A_1896 = vector.bitcast %sub3A_1895 : vector<16xf32> to vector<16xi32>
    %add3A_1897 = arith.constant 32767 : i32
    %add3A_1898 = vector.broadcast %add3A_1897 : i32 to vector<16xi32>
    %add3A_1899 = arith.addi %bitcast3A_1896, %add3A_1898 : vector<16xi32>
    %shift_right_logical3A_1900 = arith.constant 16 : i32
    %shift_right_logical3A_1901 = vector.broadcast %shift_right_logical3A_1900 : i32 to vector<16xi32>
    %shift_right_logical3A_1902 = arith.shrui %bitcast3A_1896, %shift_right_logical3A_1901 : vector<16xi32>
    %and3A_1903 = arith.constant 1 : i32
    %and3A_1904 = vector.broadcast %and3A_1903 : i32 to vector<16xi32>
    %and3A_1905 = arith.andi %shift_right_logical3A_1902, %and3A_1904 : vector<16xi32>
    %add3A_1906 = arith.addi %add3A_1899, %and3A_1905 : vector<16xi32>
    %and3A_1907 = arith.constant -65536 : i32
    %and3A_1908 = vector.broadcast %and3A_1907 : i32 to vector<16xi32>
    %and3A_1909 = arith.andi %add3A_1906, %and3A_1908 : vector<16xi32>
    %bitcast3A_1910 = vector.bitcast %and3A_1909 : vector<16xi32> to vector<16xf32>
    %sub3A_1911 = arith.subf %sub3A_1895, %bitcast3A_1910 : vector<16xf32>
    %bitcast3A_1912 = vector.bitcast %sub3A_1911 : vector<16xf32> to vector<16xi32>
    %add3A_1913 = arith.constant 32767 : i32
    %add3A_1914 = vector.broadcast %add3A_1913 : i32 to vector<16xi32>
    %add3A_1915 = arith.addi %bitcast3A_1912, %add3A_1914 : vector<16xi32>
    %shift_right_logical3A_1916 = arith.constant 16 : i32
    %shift_right_logical3A_1917 = vector.broadcast %shift_right_logical3A_1916 : i32 to vector<16xi32>
    %shift_right_logical3A_1918 = arith.shrui %bitcast3A_1912, %shift_right_logical3A_1917 : vector<16xi32>
    %and3A_1919 = arith.constant 1 : i32
    %and3A_1920 = vector.broadcast %and3A_1919 : i32 to vector<16xi32>
    %and3A_1921 = arith.andi %shift_right_logical3A_1918, %and3A_1920 : vector<16xi32>
    %add3A_1922 = arith.addi %add3A_1915, %and3A_1921 : vector<16xi32>
    %and3A_1923 = arith.constant -65536 : i32
    %and3A_1924 = vector.broadcast %and3A_1923 : i32 to vector<16xi32>
    %and3A_1925 = arith.andi %add3A_1922, %and3A_1924 : vector<16xi32>
    %bitcast3A_1926 = vector.bitcast %and3A_1925 : vector<16xi32> to vector<16xf32>
    %swap3A_1927 = arith.constant 3 : i32
    %swap3A_1928 = arith.index_cast %swap3A_1927 : i32 to index
    %swap3A_1929 = arith.constant 240 : index
    %swap3A_1930 = tpu.vector_load %arg8[%swap3A_1928, %swap3A_1929] {strides = array<i32>} : memref<8x256xf32, #tpu.memory_space<vmem>>, vector<16xf32>,
    tpu.vector_store %arg8[%swap3A_1928, %swap3A_1929], %bitcast3A_1894 {strides = array<i32>} : memref<8x256xf32, #tpu.memory_space<vmem>>, vector<16xf32>,
    %swap3A_1931 = arith.constant 4 : i32
    %swap3A_1932 = arith.index_cast %swap3A_1931 : i32 to index
    %swap3A_1933 = arith.constant 240 : index
    %swap3A_1934 = tpu.vector_load %arg8[%swap3A_1932, %swap3A_1933] {strides = array<i32>} : memref<8x256xf32, #tpu.memory_space<vmem>>, vector<16xf32>,
    tpu.vector_store %arg8[%swap3A_1932, %swap3A_1933], %bitcast3A_1910 {strides = array<i32>} : memref<8x256xf32, #tpu.memory_space<vmem>>, vector<16xf32>,
    %swap3A_1935 = arith.constant 5 : i32
    %swap3A_1936 = arith.index_cast %swap3A_1935 : i32 to index
    %swap3A_1937 = arith.constant 240 : index
    %swap3A_1938 = tpu.vector_load %arg8[%swap3A_1936, %swap3A_1937] {strides = array<i32>} : memref<8x256xf32, #tpu.memory_space<vmem>>, vector<16xf32>,
    tpu.vector_store %arg8[%swap3A_1936, %swap3A_1937], %bitcast3A_1926 {strides = array<i32>} : memref<8x256xf32, #tpu.memory_space<vmem>>, vector<16xf32>,
    "tpu.region"() ({
      %run_scoped3A = tpu.sem_alloc : memref<!tpu.dma_semaphore, #tpu.memory_space<semaphore_mem>>
      %dma_start3A_1939 = arith.constant 0 : i32
      %dma_start3A_1940 = tpu.memref_slice %arg4[%select_n3A_9, %dma_start3A_1939, %mul3A_32] : memref<4x8x2048xf32, #tpu.memory_space<hbm>> -> memref<1x8x256xf32, #tpu.memory_space<hbm>>
      %dma_start3A_1941 = tpu.memref_squeeze %dma_start3A_1940 : memref<1x8x256xf32, #tpu.memory_space<hbm>> -> memref<8x256xf32, #tpu.memory_space<hbm>>
      %dma_start3A_1942 = arith.constant 0 : i32
      %dma_start3A_1943 = tpu.memref_slice %arg4[%select_n3A_9, %dma_start3A_1942, %mul3A_32] : memref<4x8x2048xf32, #tpu.memory_space<hbm>> -> memref<1x8x256xf32, #tpu.memory_space<hbm>>
      %dma_start3A_1944 = tpu.memref_squeeze %dma_start3A_1943 : memref<1x8x256xf32, #tpu.memory_space<hbm>> -> memref<8x256xf32, #tpu.memory_space<hbm>>
      tpu.enqueue_dma source(%arg8 : memref<8x256xf32, #tpu.memory_space<vmem>>) target(%dma_start3A_1944 : memref<8x256xf32, #tpu.memory_space<hbm>>) target_semaphore(%run_scoped3A : memref<!tpu.dma_semaphore, #tpu.memory_space<semaphore_mem>>)
      %dma_wait3A_1945 = arith.constant 0 : i32
      %dma_wait3A_1946 = tpu.memref_slice %arg4[%select_n3A_9, %dma_wait3A_1945, %mul3A_32] : memref<4x8x2048xf32, #tpu.memory_space<hbm>> -> memref<1x8x256xf32, #tpu.memory_space<hbm>>
      %dma_wait3A_1947 = tpu.memref_squeeze %dma_wait3A_1946 : memref<1x8x256xf32, #tpu.memory_space<hbm>> -> memref<8x256xf32, #tpu.memory_space<hbm>>
      %dma_wait3A_1948 = arith.constant 0 : i32
      %dma_wait3A_1949 = tpu.memref_slice %arg4[%select_n3A_9, %dma_wait3A_1948, %mul3A_32] : memref<4x8x2048xf32, #tpu.memory_space<hbm>> -> memref<1x8x256xf32, #tpu.memory_space<hbm>>
      %dma_wait3A_1950 = tpu.memref_squeeze %dma_wait3A_1949 : memref<1x8x256xf32, #tpu.memory_space<hbm>> -> memref<8x256xf32, #tpu.memory_space<hbm>>
      tpu.wait_dma2 semaphore(%run_scoped3A : memref<!tpu.dma_semaphore, #tpu.memory_space<semaphore_mem>>) src(%arg8 : memref<8x256xf32, #tpu.memory_space<vmem>>) dst(%dma_wait3A_1950 : memref<8x256xf32, #tpu.memory_space<hbm>>)
      tpu.yield
    }) : () -> ()
    return
  }
}

module attributes {stable_mosaic.version = 14 : i64} {
  func.func @body(%arg0: i32, %arg1: i32, %arg2: memref<1x3x2048xf32, #tpu.memory_space<vmem>>, %arg3: memref<1x8x2048xf32, #tpu.memory_space<vmem>>, %arg4: memref<1x2048xf32, #tpu.memory_space<vmem>>, %arg5: memref<1x2x2048xi32, #tpu.memory_space<vmem>>) attributes {dimension_semantics = [#tpu.dimension_semantics<arbitrary>, #tpu.dimension_semantics<arbitrary>], iteration_bounds = array<i64: 4, 4>, scalar_prefetch = 0 : i64, scratch_operands = 0 : i64, tpu.core_type = #tpu.core_type<tc>, window_params = [{transform_indices = @transform_0, window_bounds = array<i64: 1, 3, 2048>}, {transform_indices = @transform_1, window_bounds = array<i64: 1, 8, 2048>}, {pipeline_mode = #tpu.pipeline_mode<synchronous>, transform_indices = @transform_2, window_bounds = array<i64: 1, 2048>}, {transform_indices = @transform_3, window_bounds = array<i64: 1, 2, 2048>}]} {
    %get3A = arith.constant 0 : index
    %get3A_0 = arith.constant 0 : index
    %get3A_1 = arith.constant 0 : index
    %get3A_2 = vector.load %arg2[%get3A, %get3A_0, %get3A_1] : memref<1x3x2048xf32, #tpu.memory_space<vmem>>, vector<1x3x2048xf32>
    %get3A_3 = vector.shape_cast %get3A_2 : vector<1x3x2048xf32> to vector<3x2048xf32>
    %broadcast_in_dim3A = arith.constant 1.000000e+00 : f32
    %broadcast_in_dim3A_4 = vector.broadcast %broadcast_in_dim3A : f32 to vector<3x2048xf32>
    %concatenate3A = tpu.concatenate %get3A_3, %broadcast_in_dim3A_4 in 0 : vector<3x2048xf32>, vector<3x2048xf32> -> vector<6x2048xf32>
    %get3A_5 = arith.constant 0 : index
    %get3A_6 = arith.constant 0 : index
    %get3A_7 = arith.constant 0 : index
    %get3A_8 = vector.load %arg3[%get3A_5, %get3A_6, %get3A_7] : memref<1x8x2048xf32, #tpu.memory_space<vmem>>, vector<1x6x2048xf32>
    %get3A_9 = vector.shape_cast %get3A_8 : vector<1x6x2048xf32> to vector<6x2048xf32>
    %dot_general3A = arith.constant dense<0.000000e+00> : vector<2048x2048xf32>
    %dot_general3A_10 = tpu.matmul %concatenate3A, %get3A_9, %dot_general3A {dimension_numbers = #tpu.dot_dimension_numbers<[0], [0], [1], [1], [0, 1, 1, 1], [], []>, transpose_lhs_hint = false} : vector<6x2048xf32>, vector<6x2048xf32>, vector<2048x2048xf32> -> vector<2048x2048xf32>
    %slice3A = vector.extract_strided_slice %dot_general3A_10 {offsets = [0, 0], sizes = [2048, 128], strides = [1, 1]} : vector<2048x2048xf32> to vector<2048x128xf32>
    %broadcast_in_dim3A_11 = arith.constant 0.000000e+00 : f32
    %broadcast_in_dim3A_12 = vector.broadcast %broadcast_in_dim3A_11 : f32 to vector<2048x128xf32>
    %slice3A_13 = vector.extract_strided_slice %dot_general3A_10 {offsets = [0, 128], sizes = [2048, 128], strides = [1, 1]} : vector<2048x2048xf32> to vector<2048x128xf32>
    %lt3A = arith.cmpf olt, %slice3A_13, %slice3A : vector<2048x128xf32>
    %min3A = arith.minimumf %slice3A, %slice3A_13 : vector<2048x128xf32>
    %jit3A = arith.constant 1.000000e+00 : f32
    %broadcast_in_dim3A_14 = vector.broadcast %jit3A : f32 to vector<2048x128xf32>
    %select_n3A = arith.select %lt3A, %broadcast_in_dim3A_14, %broadcast_in_dim3A_12 : vector<2048x128xi1>, vector<2048x128xf32>
    %slice3A_15 = vector.extract_strided_slice %dot_general3A_10 {offsets = [0, 256], sizes = [2048, 128], strides = [1, 1]} : vector<2048x2048xf32> to vector<2048x128xf32>
    %lt3A_16 = arith.cmpf olt, %slice3A_15, %min3A : vector<2048x128xf32>
    %min3A_17 = arith.minimumf %min3A, %slice3A_15 : vector<2048x128xf32>
    %jit3A_18 = arith.constant 2.000000e+00 : f32
    %broadcast_in_dim3A_19 = vector.broadcast %jit3A_18 : f32 to vector<2048x128xf32>
    %select_n3A_20 = arith.select %lt3A_16, %broadcast_in_dim3A_19, %select_n3A : vector<2048x128xi1>, vector<2048x128xf32>
    %slice3A_21 = vector.extract_strided_slice %dot_general3A_10 {offsets = [0, 384], sizes = [2048, 128], strides = [1, 1]} : vector<2048x2048xf32> to vector<2048x128xf32>
    %lt3A_22 = arith.cmpf olt, %slice3A_21, %min3A_17 : vector<2048x128xf32>
    %min3A_23 = arith.minimumf %min3A_17, %slice3A_21 : vector<2048x128xf32>
    %jit3A_24 = arith.constant 3.000000e+00 : f32
    %broadcast_in_dim3A_25 = vector.broadcast %jit3A_24 : f32 to vector<2048x128xf32>
    %select_n3A_26 = arith.select %lt3A_22, %broadcast_in_dim3A_25, %select_n3A_20 : vector<2048x128xi1>, vector<2048x128xf32>
    %slice3A_27 = vector.extract_strided_slice %dot_general3A_10 {offsets = [0, 512], sizes = [2048, 128], strides = [1, 1]} : vector<2048x2048xf32> to vector<2048x128xf32>
    %lt3A_28 = arith.cmpf olt, %slice3A_27, %min3A_23 : vector<2048x128xf32>
    %min3A_29 = arith.minimumf %min3A_23, %slice3A_27 : vector<2048x128xf32>
    %jit3A_30 = arith.constant 4.000000e+00 : f32
    %broadcast_in_dim3A_31 = vector.broadcast %jit3A_30 : f32 to vector<2048x128xf32>
    %select_n3A_32 = arith.select %lt3A_28, %broadcast_in_dim3A_31, %select_n3A_26 : vector<2048x128xi1>, vector<2048x128xf32>
    %slice3A_33 = vector.extract_strided_slice %dot_general3A_10 {offsets = [0, 640], sizes = [2048, 128], strides = [1, 1]} : vector<2048x2048xf32> to vector<2048x128xf32>
    %lt3A_34 = arith.cmpf olt, %slice3A_33, %min3A_29 : vector<2048x128xf32>
    %min3A_35 = arith.minimumf %min3A_29, %slice3A_33 : vector<2048x128xf32>
    %jit3A_36 = arith.constant 5.000000e+00 : f32
    %broadcast_in_dim3A_37 = vector.broadcast %jit3A_36 : f32 to vector<2048x128xf32>
    %select_n3A_38 = arith.select %lt3A_34, %broadcast_in_dim3A_37, %select_n3A_32 : vector<2048x128xi1>, vector<2048x128xf32>
    %slice3A_39 = vector.extract_strided_slice %dot_general3A_10 {offsets = [0, 768], sizes = [2048, 128], strides = [1, 1]} : vector<2048x2048xf32> to vector<2048x128xf32>
    %lt3A_40 = arith.cmpf olt, %slice3A_39, %min3A_35 : vector<2048x128xf32>
    %min3A_41 = arith.minimumf %min3A_35, %slice3A_39 : vector<2048x128xf32>
    %jit3A_42 = arith.constant 6.000000e+00 : f32
    %broadcast_in_dim3A_43 = vector.broadcast %jit3A_42 : f32 to vector<2048x128xf32>
    %select_n3A_44 = arith.select %lt3A_40, %broadcast_in_dim3A_43, %select_n3A_38 : vector<2048x128xi1>, vector<2048x128xf32>
    %slice3A_45 = vector.extract_strided_slice %dot_general3A_10 {offsets = [0, 896], sizes = [2048, 128], strides = [1, 1]} : vector<2048x2048xf32> to vector<2048x128xf32>
    %lt3A_46 = arith.cmpf olt, %slice3A_45, %min3A_41 : vector<2048x128xf32>
    %min3A_47 = arith.minimumf %min3A_41, %slice3A_45 : vector<2048x128xf32>
    %jit3A_48 = arith.constant 7.000000e+00 : f32
    %broadcast_in_dim3A_49 = vector.broadcast %jit3A_48 : f32 to vector<2048x128xf32>
    %select_n3A_50 = arith.select %lt3A_46, %broadcast_in_dim3A_49, %select_n3A_44 : vector<2048x128xi1>, vector<2048x128xf32>
    %slice3A_51 = vector.extract_strided_slice %dot_general3A_10 {offsets = [0, 1024], sizes = [2048, 128], strides = [1, 1]} : vector<2048x2048xf32> to vector<2048x128xf32>
    %lt3A_52 = arith.cmpf olt, %slice3A_51, %min3A_47 : vector<2048x128xf32>
    %min3A_53 = arith.minimumf %min3A_47, %slice3A_51 : vector<2048x128xf32>
    %jit3A_54 = arith.constant 8.000000e+00 : f32
    %broadcast_in_dim3A_55 = vector.broadcast %jit3A_54 : f32 to vector<2048x128xf32>
    %select_n3A_56 = arith.select %lt3A_52, %broadcast_in_dim3A_55, %select_n3A_50 : vector<2048x128xi1>, vector<2048x128xf32>
    %slice3A_57 = vector.extract_strided_slice %dot_general3A_10 {offsets = [0, 1152], sizes = [2048, 128], strides = [1, 1]} : vector<2048x2048xf32> to vector<2048x128xf32>
    %lt3A_58 = arith.cmpf olt, %slice3A_57, %min3A_53 : vector<2048x128xf32>
    %min3A_59 = arith.minimumf %min3A_53, %slice3A_57 : vector<2048x128xf32>
    %jit3A_60 = arith.constant 9.000000e+00 : f32
    %broadcast_in_dim3A_61 = vector.broadcast %jit3A_60 : f32 to vector<2048x128xf32>
    %select_n3A_62 = arith.select %lt3A_58, %broadcast_in_dim3A_61, %select_n3A_56 : vector<2048x128xi1>, vector<2048x128xf32>
    %slice3A_63 = vector.extract_strided_slice %dot_general3A_10 {offsets = [0, 1280], sizes = [2048, 128], strides = [1, 1]} : vector<2048x2048xf32> to vector<2048x128xf32>
    %lt3A_64 = arith.cmpf olt, %slice3A_63, %min3A_59 : vector<2048x128xf32>
    %min3A_65 = arith.minimumf %min3A_59, %slice3A_63 : vector<2048x128xf32>
    %jit3A_66 = arith.constant 1.000000e+01 : f32
    %broadcast_in_dim3A_67 = vector.broadcast %jit3A_66 : f32 to vector<2048x128xf32>
    %select_n3A_68 = arith.select %lt3A_64, %broadcast_in_dim3A_67, %select_n3A_62 : vector<2048x128xi1>, vector<2048x128xf32>
    %slice3A_69 = vector.extract_strided_slice %dot_general3A_10 {offsets = [0, 1408], sizes = [2048, 128], strides = [1, 1]} : vector<2048x2048xf32> to vector<2048x128xf32>
    %lt3A_70 = arith.cmpf olt, %slice3A_69, %min3A_65 : vector<2048x128xf32>
    %min3A_71 = arith.minimumf %min3A_65, %slice3A_69 : vector<2048x128xf32>
    %jit3A_72 = arith.constant 1.100000e+01 : f32
    %broadcast_in_dim3A_73 = vector.broadcast %jit3A_72 : f32 to vector<2048x128xf32>
    %select_n3A_74 = arith.select %lt3A_70, %broadcast_in_dim3A_73, %select_n3A_68 : vector<2048x128xi1>, vector<2048x128xf32>
    %slice3A_75 = vector.extract_strided_slice %dot_general3A_10 {offsets = [0, 1536], sizes = [2048, 128], strides = [1, 1]} : vector<2048x2048xf32> to vector<2048x128xf32>
    %lt3A_76 = arith.cmpf olt, %slice3A_75, %min3A_71 : vector<2048x128xf32>
    %min3A_77 = arith.minimumf %min3A_71, %slice3A_75 : vector<2048x128xf32>
    %jit3A_78 = arith.constant 1.200000e+01 : f32
    %broadcast_in_dim3A_79 = vector.broadcast %jit3A_78 : f32 to vector<2048x128xf32>
    %select_n3A_80 = arith.select %lt3A_76, %broadcast_in_dim3A_79, %select_n3A_74 : vector<2048x128xi1>, vector<2048x128xf32>
    %slice3A_81 = vector.extract_strided_slice %dot_general3A_10 {offsets = [0, 1664], sizes = [2048, 128], strides = [1, 1]} : vector<2048x2048xf32> to vector<2048x128xf32>
    %lt3A_82 = arith.cmpf olt, %slice3A_81, %min3A_77 : vector<2048x128xf32>
    %min3A_83 = arith.minimumf %min3A_77, %slice3A_81 : vector<2048x128xf32>
    %jit3A_84 = arith.constant 1.300000e+01 : f32
    %broadcast_in_dim3A_85 = vector.broadcast %jit3A_84 : f32 to vector<2048x128xf32>
    %select_n3A_86 = arith.select %lt3A_82, %broadcast_in_dim3A_85, %select_n3A_80 : vector<2048x128xi1>, vector<2048x128xf32>
    %slice3A_87 = vector.extract_strided_slice %dot_general3A_10 {offsets = [0, 1792], sizes = [2048, 128], strides = [1, 1]} : vector<2048x2048xf32> to vector<2048x128xf32>
    %lt3A_88 = arith.cmpf olt, %slice3A_87, %min3A_83 : vector<2048x128xf32>
    %min3A_89 = arith.minimumf %min3A_83, %slice3A_87 : vector<2048x128xf32>
    %jit3A_90 = arith.constant 1.400000e+01 : f32
    %broadcast_in_dim3A_91 = vector.broadcast %jit3A_90 : f32 to vector<2048x128xf32>
    %select_n3A_92 = arith.select %lt3A_88, %broadcast_in_dim3A_91, %select_n3A_86 : vector<2048x128xi1>, vector<2048x128xf32>
    %slice3A_93 = vector.extract_strided_slice %dot_general3A_10 {offsets = [0, 1920], sizes = [2048, 128], strides = [1, 1]} : vector<2048x2048xf32> to vector<2048x128xf32>
    %lt3A_94 = arith.cmpf olt, %slice3A_93, %min3A_89 : vector<2048x128xf32>
    %min3A_95 = arith.minimumf %min3A_89, %slice3A_93 : vector<2048x128xf32>
    %jit3A_96 = arith.constant 1.500000e+01 : f32
    %broadcast_in_dim3A_97 = vector.broadcast %jit3A_96 : f32 to vector<2048x128xf32>
    %select_n3A_98 = arith.select %lt3A_94, %broadcast_in_dim3A_97, %select_n3A_92 : vector<2048x128xi1>, vector<2048x128xf32>
    %mul3A = arith.constant 1.280000e+02 : f32
    %mul3A_99 = vector.broadcast %mul3A : f32 to vector<2048x128xf32>
    %mul3A_100 = arith.mulf %select_n3A_98, %mul3A_99 : vector<2048x128xf32>
    %get3A_101 = arith.constant 0 : index
    %get3A_102 = arith.constant 0 : index
    %get3A_103 = vector.load %arg4[%get3A_101, %get3A_102] : memref<1x2048xf32, #tpu.memory_space<vmem>>, vector<1x128xf32>
    %add3A = vector.broadcast %get3A_103 : vector<1x128xf32> to vector<2048x128xf32>
    %add3A_104 = arith.addf %mul3A_100, %add3A : vector<2048x128xf32>
    %reduce_min3A = arith.constant dense<0x7F800000> : vector<2048xf32>
    %reduce_min3A_105 = vector.multi_reduction <minimumf>, %min3A_95, %reduce_min3A [1] : vector<2048x128xf32> to vector<2048xf32>
    %broadcast_in_dim3A_106 = vector.shape_cast %reduce_min3A_105 : vector<2048xf32> to vector<2048x1xf32>
    %eq3A = vector.broadcast %broadcast_in_dim3A_106 : vector<2048x1xf32> to vector<2048x128xf32>
    %eq3A_107 = arith.cmpf oeq, %min3A_95, %eq3A : vector<2048x128xf32>
    %jit3A_108 = arith.constant 2.048000e+03 : f32
    %broadcast_in_dim3A_109 = vector.broadcast %jit3A_108 : f32 to vector<2048x128xf32>
    %select_n3A_110 = arith.select %eq3A_107, %add3A_104, %broadcast_in_dim3A_109 : vector<2048x128xi1>, vector<2048x128xf32>
    %reduce_min3A_111 = arith.constant dense<0x7F800000> : vector<2048xf32>
    %reduce_min3A_112 = vector.multi_reduction <minimumf>, %select_n3A_110, %reduce_min3A_111 [1] : vector<2048x128xf32> to vector<2048xf32>
    %convert_element_type3A = arith.fptosi %reduce_min3A_112 : vector<2048xf32> to vector<2048xi32>
    %add3A_113 = arith.constant 0 : i32
    %add3A_114 = arith.addi %arg0, %add3A_113 : i32
    %broadcast_in_dim3A_115 = vector.broadcast %add3A_114 : i32 to vector<1x2048xi32>
    %reshape3A = vector.shape_cast %convert_element_type3A : vector<2048xi32> to vector<1x2048xi32>
    %concatenate3A_116 = tpu.concatenate %broadcast_in_dim3A_115, %reshape3A in 0 : vector<1x2048xi32>, vector<1x2048xi32> -> vector<2x2048xi32>
    %swap3A = arith.constant 0 : index
    %swap3A_117 = arith.constant 0 : index
    %swap3A_118 = arith.constant 0 : index
    %swap3A_119 = vector.load %arg5[%swap3A, %swap3A_117, %swap3A_118] : memref<1x2x2048xi32, #tpu.memory_space<vmem>>, vector<1x2x2048xi32>
    %swap3A_120 = vector.shape_cast %swap3A_119 : vector<1x2x2048xi32> to vector<2x2048xi32>
    %swap3A_121 = vector.shape_cast %concatenate3A_116 : vector<2x2048xi32> to vector<1x2x2048xi32>
    tpu.vector_store %arg5[%swap3A, %swap3A_117, %swap3A_118], %swap3A_121 {strides = array<i32>} : memref<1x2x2048xi32, #tpu.memory_space<vmem>>, vector<1x2x2048xi32>,
    return
  }
  func.func @transform_0(%arg0: i32, %arg1: i32) -> (i32, i32, i32) {
    %c0_i32 = arith.constant 0 : i32
    %c0_i32_0 = arith.constant 0 : i32
    return %arg0, %c0_i32, %arg1 : i32, i32, i32
  }
  func.func @transform_1(%arg0: i32, %arg1: i32) -> (i32, i32, i32) {
    %c0_i32 = arith.constant 0 : i32
    %c0_i32_0 = arith.constant 0 : i32
    %c0_i32_1 = arith.constant 0 : i32
    return %arg0, %c0_i32, %c0_i32_0 : i32, i32, i32
  }
  func.func @transform_2(%arg0: i32, %arg1: i32) -> (i32, i32) {
    %c0_i32 = arith.constant 0 : i32
    %c0_i32_0 = arith.constant 0 : i32
    %c0_i32_1 = arith.constant 0 : i32
    return %c0_i32, %c0_i32_0 : i32, i32
  }
  func.func @transform_3(%arg0: i32, %arg1: i32) -> (i32, i32, i32) {
    %c0_i32 = arith.constant 0 : i32
    %c0_i32_0 = arith.constant 0 : i32
    return %arg0, %c0_i32, %arg1 : i32, i32, i32
  }
}

module attributes {stable_mosaic.version = 14 : i64} {
  func.func @body(%arg0: i32, %arg1: i32, %arg2: memref<1x3x2048xf32, #tpu.memory_space<vmem>>, %arg3: memref<1x8x2048xf32, #tpu.memory_space<vmem>>, %arg4: memref<1x2048xf32, #tpu.memory_space<vmem>>, %arg5: memref<1x2x2048xi32, #tpu.memory_space<vmem>>) attributes {dimension_semantics = [#tpu.dimension_semantics<arbitrary>, #tpu.dimension_semantics<arbitrary>], iteration_bounds = array<i64: 4, 4>, scalar_prefetch = 0 : i64, scratch_operands = 0 : i64, tpu.core_type = #tpu.core_type<tc>, window_params = [{transform_indices = @transform_0, window_bounds = array<i64: 1, 3, 2048>}, {transform_indices = @transform_1, window_bounds = array<i64: 1, 8, 2048>}, {pipeline_mode = #tpu.pipeline_mode<synchronous>, transform_indices = @transform_2, window_bounds = array<i64: 1, 2048>}, {transform_indices = @transform_3, window_bounds = array<i64: 1, 2, 2048>}]} {
    %get3A = arith.constant 0 : index
    %get3A_0 = arith.constant 0 : index
    %get3A_1 = arith.constant 0 : index
    %get3A_2 = vector.load %arg2[%get3A, %get3A_0, %get3A_1] : memref<1x3x2048xf32, #tpu.memory_space<vmem>>, vector<1x3x2048xf32>
    %get3A_3 = vector.shape_cast %get3A_2 : vector<1x3x2048xf32> to vector<3x2048xf32>
    %broadcast_in_dim3A = arith.constant 1.000000e+00 : f32
    %broadcast_in_dim3A_4 = vector.broadcast %broadcast_in_dim3A : f32 to vector<3x2048xf32>
    %concatenate3A = tpu.concatenate %get3A_3, %broadcast_in_dim3A_4 in 0 : vector<3x2048xf32>, vector<3x2048xf32> -> vector<6x2048xf32>
    %get3A_5 = arith.constant 0 : index
    %get3A_6 = arith.constant 0 : index
    %get3A_7 = arith.constant 0 : index
    %get3A_8 = vector.load %arg3[%get3A_5, %get3A_6, %get3A_7] : memref<1x8x2048xf32, #tpu.memory_space<vmem>>, vector<1x6x2048xf32>
    %get3A_9 = vector.shape_cast %get3A_8 : vector<1x6x2048xf32> to vector<6x2048xf32>
    %dot_general3A = arith.constant dense<0.000000e+00> : vector<2048x2048xf32>
    %dot_general3A_10 = tpu.matmul %concatenate3A, %get3A_9, %dot_general3A {dimension_numbers = #tpu.dot_dimension_numbers<[0], [0], [1], [1], [0, 1, 1, 1], [], []>, transpose_lhs_hint = false} : vector<6x2048xf32>, vector<6x2048xf32>, vector<2048x2048xf32> -> vector<2048x2048xf32>
    %slice3A = vector.extract_strided_slice %dot_general3A_10 {offsets = [0, 0], sizes = [2048, 128], strides = [1, 1]} : vector<2048x2048xf32> to vector<2048x128xf32>
    %broadcast_in_dim3A_11 = arith.constant 0.000000e+00 : f32
    %broadcast_in_dim3A_12 = vector.broadcast %broadcast_in_dim3A_11 : f32 to vector<2048x128xf32>
    %slice3A_13 = vector.extract_strided_slice %dot_general3A_10 {offsets = [0, 128], sizes = [2048, 128], strides = [1, 1]} : vector<2048x2048xf32> to vector<2048x128xf32>
    %lt3A = arith.cmpf olt, %slice3A_13, %slice3A : vector<2048x128xf32>
    %min3A = arith.minimumf %slice3A, %slice3A_13 : vector<2048x128xf32>
    %jit3A = arith.constant 1.000000e+00 : f32
    %broadcast_in_dim3A_14 = vector.broadcast %jit3A : f32 to vector<2048x128xf32>
    %select_n3A = arith.select %lt3A, %broadcast_in_dim3A_14, %broadcast_in_dim3A_12 : vector<2048x128xi1>, vector<2048x128xf32>
    %slice3A_15 = vector.extract_strided_slice %dot_general3A_10 {offsets = [0, 256], sizes = [2048, 128], strides = [1, 1]} : vector<2048x2048xf32> to vector<2048x128xf32>
    %lt3A_16 = arith.cmpf olt, %slice3A_15, %min3A : vector<2048x128xf32>
    %min3A_17 = arith.minimumf %min3A, %slice3A_15 : vector<2048x128xf32>
    %jit3A_18 = arith.constant 2.000000e+00 : f32
    %broadcast_in_dim3A_19 = vector.broadcast %jit3A_18 : f32 to vector<2048x128xf32>
    %select_n3A_20 = arith.select %lt3A_16, %broadcast_in_dim3A_19, %select_n3A : vector<2048x128xi1>, vector<2048x128xf32>
    %slice3A_21 = vector.extract_strided_slice %dot_general3A_10 {offsets = [0, 384], sizes = [2048, 128], strides = [1, 1]} : vector<2048x2048xf32> to vector<2048x128xf32>
    %lt3A_22 = arith.cmpf olt, %slice3A_21, %min3A_17 : vector<2048x128xf32>
    %min3A_23 = arith.minimumf %min3A_17, %slice3A_21 : vector<2048x128xf32>
    %jit3A_24 = arith.constant 3.000000e+00 : f32
    %broadcast_in_dim3A_25 = vector.broadcast %jit3A_24 : f32 to vector<2048x128xf32>
    %select_n3A_26 = arith.select %lt3A_22, %broadcast_in_dim3A_25, %select_n3A_20 : vector<2048x128xi1>, vector<2048x128xf32>
    %slice3A_27 = vector.extract_strided_slice %dot_general3A_10 {offsets = [0, 512], sizes = [2048, 128], strides = [1, 1]} : vector<2048x2048xf32> to vector<2048x128xf32>
    %lt3A_28 = arith.cmpf olt, %slice3A_27, %min3A_23 : vector<2048x128xf32>
    %min3A_29 = arith.minimumf %min3A_23, %slice3A_27 : vector<2048x128xf32>
    %jit3A_30 = arith.constant 4.000000e+00 : f32
    %broadcast_in_dim3A_31 = vector.broadcast %jit3A_30 : f32 to vector<2048x128xf32>
    %select_n3A_32 = arith.select %lt3A_28, %broadcast_in_dim3A_31, %select_n3A_26 : vector<2048x128xi1>, vector<2048x128xf32>
    %slice3A_33 = vector.extract_strided_slice %dot_general3A_10 {offsets = [0, 640], sizes = [2048, 128], strides = [1, 1]} : vector<2048x2048xf32> to vector<2048x128xf32>
    %lt3A_34 = arith.cmpf olt, %slice3A_33, %min3A_29 : vector<2048x128xf32>
    %min3A_35 = arith.minimumf %min3A_29, %slice3A_33 : vector<2048x128xf32>
    %jit3A_36 = arith.constant 5.000000e+00 : f32
    %broadcast_in_dim3A_37 = vector.broadcast %jit3A_36 : f32 to vector<2048x128xf32>
    %select_n3A_38 = arith.select %lt3A_34, %broadcast_in_dim3A_37, %select_n3A_32 : vector<2048x128xi1>, vector<2048x128xf32>
    %slice3A_39 = vector.extract_strided_slice %dot_general3A_10 {offsets = [0, 768], sizes = [2048, 128], strides = [1, 1]} : vector<2048x2048xf32> to vector<2048x128xf32>
    %lt3A_40 = arith.cmpf olt, %slice3A_39, %min3A_35 : vector<2048x128xf32>
    %min3A_41 = arith.minimumf %min3A_35, %slice3A_39 : vector<2048x128xf32>
    %jit3A_42 = arith.constant 6.000000e+00 : f32
    %broadcast_in_dim3A_43 = vector.broadcast %jit3A_42 : f32 to vector<2048x128xf32>
    %select_n3A_44 = arith.select %lt3A_40, %broadcast_in_dim3A_43, %select_n3A_38 : vector<2048x128xi1>, vector<2048x128xf32>
    %slice3A_45 = vector.extract_strided_slice %dot_general3A_10 {offsets = [0, 896], sizes = [2048, 128], strides = [1, 1]} : vector<2048x2048xf32> to vector<2048x128xf32>
    %lt3A_46 = arith.cmpf olt, %slice3A_45, %min3A_41 : vector<2048x128xf32>
    %min3A_47 = arith.minimumf %min3A_41, %slice3A_45 : vector<2048x128xf32>
    %jit3A_48 = arith.constant 7.000000e+00 : f32
    %broadcast_in_dim3A_49 = vector.broadcast %jit3A_48 : f32 to vector<2048x128xf32>
    %select_n3A_50 = arith.select %lt3A_46, %broadcast_in_dim3A_49, %select_n3A_44 : vector<2048x128xi1>, vector<2048x128xf32>
    %slice3A_51 = vector.extract_strided_slice %dot_general3A_10 {offsets = [0, 1024], sizes = [2048, 128], strides = [1, 1]} : vector<2048x2048xf32> to vector<2048x128xf32>
    %lt3A_52 = arith.cmpf olt, %slice3A_51, %min3A_47 : vector<2048x128xf32>
    %min3A_53 = arith.minimumf %min3A_47, %slice3A_51 : vector<2048x128xf32>
    %jit3A_54 = arith.constant 8.000000e+00 : f32
    %broadcast_in_dim3A_55 = vector.broadcast %jit3A_54 : f32 to vector<2048x128xf32>
    %select_n3A_56 = arith.select %lt3A_52, %broadcast_in_dim3A_55, %select_n3A_50 : vector<2048x128xi1>, vector<2048x128xf32>
    %slice3A_57 = vector.extract_strided_slice %dot_general3A_10 {offsets = [0, 1152], sizes = [2048, 128], strides = [1, 1]} : vector<2048x2048xf32> to vector<2048x128xf32>
    %lt3A_58 = arith.cmpf olt, %slice3A_57, %min3A_53 : vector<2048x128xf32>
    %min3A_59 = arith.minimumf %min3A_53, %slice3A_57 : vector<2048x128xf32>
    %jit3A_60 = arith.constant 9.000000e+00 : f32
    %broadcast_in_dim3A_61 = vector.broadcast %jit3A_60 : f32 to vector<2048x128xf32>
    %select_n3A_62 = arith.select %lt3A_58, %broadcast_in_dim3A_61, %select_n3A_56 : vector<2048x128xi1>, vector<2048x128xf32>
    %slice3A_63 = vector.extract_strided_slice %dot_general3A_10 {offsets = [0, 1280], sizes = [2048, 128], strides = [1, 1]} : vector<2048x2048xf32> to vector<2048x128xf32>
    %lt3A_64 = arith.cmpf olt, %slice3A_63, %min3A_59 : vector<2048x128xf32>
    %min3A_65 = arith.minimumf %min3A_59, %slice3A_63 : vector<2048x128xf32>
    %jit3A_66 = arith.constant 1.000000e+01 : f32
    %broadcast_in_dim3A_67 = vector.broadcast %jit3A_66 : f32 to vector<2048x128xf32>
    %select_n3A_68 = arith.select %lt3A_64, %broadcast_in_dim3A_67, %select_n3A_62 : vector<2048x128xi1>, vector<2048x128xf32>
    %slice3A_69 = vector.extract_strided_slice %dot_general3A_10 {offsets = [0, 1408], sizes = [2048, 128], strides = [1, 1]} : vector<2048x2048xf32> to vector<2048x128xf32>
    %lt3A_70 = arith.cmpf olt, %slice3A_69, %min3A_65 : vector<2048x128xf32>
    %min3A_71 = arith.minimumf %min3A_65, %slice3A_69 : vector<2048x128xf32>
    %jit3A_72 = arith.constant 1.100000e+01 : f32
    %broadcast_in_dim3A_73 = vector.broadcast %jit3A_72 : f32 to vector<2048x128xf32>
    %select_n3A_74 = arith.select %lt3A_70, %broadcast_in_dim3A_73, %select_n3A_68 : vector<2048x128xi1>, vector<2048x128xf32>
    %slice3A_75 = vector.extract_strided_slice %dot_general3A_10 {offsets = [0, 1536], sizes = [2048, 128], strides = [1, 1]} : vector<2048x2048xf32> to vector<2048x128xf32>
    %lt3A_76 = arith.cmpf olt, %slice3A_75, %min3A_71 : vector<2048x128xf32>
    %min3A_77 = arith.minimumf %min3A_71, %slice3A_75 : vector<2048x128xf32>
    %jit3A_78 = arith.constant 1.200000e+01 : f32
    %broadcast_in_dim3A_79 = vector.broadcast %jit3A_78 : f32 to vector<2048x128xf32>
    %select_n3A_80 = arith.select %lt3A_76, %broadcast_in_dim3A_79, %select_n3A_74 : vector<2048x128xi1>, vector<2048x128xf32>
    %slice3A_81 = vector.extract_strided_slice %dot_general3A_10 {offsets = [0, 1664], sizes = [2048, 128], strides = [1, 1]} : vector<2048x2048xf32> to vector<2048x128xf32>
    %lt3A_82 = arith.cmpf olt, %slice3A_81, %min3A_77 : vector<2048x128xf32>
    %min3A_83 = arith.minimumf %min3A_77, %slice3A_81 : vector<2048x128xf32>
    %jit3A_84 = arith.constant 1.300000e+01 : f32
    %broadcast_in_dim3A_85 = vector.broadcast %jit3A_84 : f32 to vector<2048x128xf32>
    %select_n3A_86 = arith.select %lt3A_82, %broadcast_in_dim3A_85, %select_n3A_80 : vector<2048x128xi1>, vector<2048x128xf32>
    %slice3A_87 = vector.extract_strided_slice %dot_general3A_10 {offsets = [0, 1792], sizes = [2048, 128], strides = [1, 1]} : vector<2048x2048xf32> to vector<2048x128xf32>
    %lt3A_88 = arith.cmpf olt, %slice3A_87, %min3A_83 : vector<2048x128xf32>
    %min3A_89 = arith.minimumf %min3A_83, %slice3A_87 : vector<2048x128xf32>
    %jit3A_90 = arith.constant 1.400000e+01 : f32
    %broadcast_in_dim3A_91 = vector.broadcast %jit3A_90 : f32 to vector<2048x128xf32>
    %select_n3A_92 = arith.select %lt3A_88, %broadcast_in_dim3A_91, %select_n3A_86 : vector<2048x128xi1>, vector<2048x128xf32>
    %slice3A_93 = vector.extract_strided_slice %dot_general3A_10 {offsets = [0, 1920], sizes = [2048, 128], strides = [1, 1]} : vector<2048x2048xf32> to vector<2048x128xf32>
    %lt3A_94 = arith.cmpf olt, %slice3A_93, %min3A_89 : vector<2048x128xf32>
    %min3A_95 = arith.minimumf %min3A_89, %slice3A_93 : vector<2048x128xf32>
    %jit3A_96 = arith.constant 1.500000e+01 : f32
    %broadcast_in_dim3A_97 = vector.broadcast %jit3A_96 : f32 to vector<2048x128xf32>
    %select_n3A_98 = arith.select %lt3A_94, %broadcast_in_dim3A_97, %select_n3A_92 : vector<2048x128xi1>, vector<2048x128xf32>
    %mul3A = arith.constant 1.280000e+02 : f32
    %mul3A_99 = vector.broadcast %mul3A : f32 to vector<2048x128xf32>
    %mul3A_100 = arith.mulf %select_n3A_98, %mul3A_99 : vector<2048x128xf32>
    %get3A_101 = arith.constant 0 : index
    %get3A_102 = arith.constant 0 : index
    %get3A_103 = vector.load %arg4[%get3A_101, %get3A_102] : memref<1x2048xf32, #tpu.memory_space<vmem>>, vector<1x128xf32>
    %add3A = vector.broadcast %get3A_103 : vector<1x128xf32> to vector<2048x128xf32>
    %add3A_104 = arith.addf %mul3A_100, %add3A : vector<2048x128xf32>
    %reduce_min3A = arith.constant dense<0x7F800000> : vector<2048xf32>
    %reduce_min3A_105 = vector.multi_reduction <minimumf>, %min3A_95, %reduce_min3A [1] : vector<2048x128xf32> to vector<2048xf32>
    %broadcast_in_dim3A_106 = vector.shape_cast %reduce_min3A_105 : vector<2048xf32> to vector<2048x1xf32>
    %eq3A = vector.broadcast %broadcast_in_dim3A_106 : vector<2048x1xf32> to vector<2048x128xf32>
    %eq3A_107 = arith.cmpf oeq, %min3A_95, %eq3A : vector<2048x128xf32>
    %jit3A_108 = arith.constant 2.048000e+03 : f32
    %broadcast_in_dim3A_109 = vector.broadcast %jit3A_108 : f32 to vector<2048x128xf32>
    %select_n3A_110 = arith.select %eq3A_107, %add3A_104, %broadcast_in_dim3A_109 : vector<2048x128xi1>, vector<2048x128xf32>
    %reduce_min3A_111 = arith.constant dense<0x7F800000> : vector<2048xf32>
    %reduce_min3A_112 = vector.multi_reduction <minimumf>, %select_n3A_110, %reduce_min3A_111 [1] : vector<2048x128xf32> to vector<2048xf32>
    %convert_element_type3A = arith.fptosi %reduce_min3A_112 : vector<2048xf32> to vector<2048xi32>
    %add3A_113 = arith.constant 4 : i32
    %add3A_114 = arith.addi %arg0, %add3A_113 : i32
    %broadcast_in_dim3A_115 = vector.broadcast %add3A_114 : i32 to vector<1x2048xi32>
    %reshape3A = vector.shape_cast %convert_element_type3A : vector<2048xi32> to vector<1x2048xi32>
    %concatenate3A_116 = tpu.concatenate %broadcast_in_dim3A_115, %reshape3A in 0 : vector<1x2048xi32>, vector<1x2048xi32> -> vector<2x2048xi32>
    %swap3A = arith.constant 0 : index
    %swap3A_117 = arith.constant 0 : index
    %swap3A_118 = arith.constant 0 : index
    %swap3A_119 = vector.load %arg5[%swap3A, %swap3A_117, %swap3A_118] : memref<1x2x2048xi32, #tpu.memory_space<vmem>>, vector<1x2x2048xi32>
    %swap3A_120 = vector.shape_cast %swap3A_119 : vector<1x2x2048xi32> to vector<2x2048xi32>
    %swap3A_121 = vector.shape_cast %concatenate3A_116 : vector<2x2048xi32> to vector<1x2x2048xi32>
    tpu.vector_store %arg5[%swap3A, %swap3A_117, %swap3A_118], %swap3A_121 {strides = array<i32>} : memref<1x2x2048xi32, #tpu.memory_space<vmem>>, vector<1x2x2048xi32>,
    return
  }
  func.func @transform_0(%arg0: i32, %arg1: i32) -> (i32, i32, i32) {
    %c0_i32 = arith.constant 0 : i32
    %c0_i32_0 = arith.constant 0 : i32
    return %arg0, %c0_i32, %arg1 : i32, i32, i32
  }
  func.func @transform_1(%arg0: i32, %arg1: i32) -> (i32, i32, i32) {
    %c0_i32 = arith.constant 0 : i32
    %c0_i32_0 = arith.constant 0 : i32
    %c0_i32_1 = arith.constant 0 : i32
    return %arg0, %c0_i32, %c0_i32_0 : i32, i32, i32
  }
  func.func @transform_2(%arg0: i32, %arg1: i32) -> (i32, i32) {
    %c0_i32 = arith.constant 0 : i32
    %c0_i32_0 = arith.constant 0 : i32
    %c0_i32_1 = arith.constant 0 : i32
    return %c0_i32, %c0_i32_0 : i32, i32
  }
  func.func @transform_3(%arg0: i32, %arg1: i32) -> (i32, i32, i32) {
    %c0_i32 = arith.constant 0 : i32
    %c0_i32_0 = arith.constant 0 : i32
    return %arg0, %c0_i32, %arg1 : i32, i32, i32
  }
}

</mosaic_0001>

<sc_bundles>
// kernel: kernel.6.cloned.1.call-start
scs
__scs_entry_jumppad:
0x0: {  	(pc) =	sbr.rel $0x88, $3  }
0x1: {  	(tag) =	ssettag $0x0;
	lr =	simm.s32 $0x1  }
0x2: {  	[smem:$0x3F9E] =	sst lr;
	_ =	strace $0xD0000000  }
0x3: {  	_ = 	snop  }
0x4: {  	_ = 	snop  }
0x5: {  	_ = 	snop  }
0x6: {  	_ = 	snop  }
0x7: {  	_ = 	snop  }
__scs_overlays_trampoline_lowered:
0x8: {  	[smem:$0x3FAD] =	sst s0  }
0x9: {  	[smem:$0x3FAE] =	sst s1  }
0xa: {  	[smem:$0x3FAF] =	sst s2  }
0xb: {  	[smem:$0x3FB0] =	sst s3  }
0xc: {  	[smem:$0x3FB1] =	sst s4  }
0xd: {  	[smem:$0x3FB2] =	sst s5  }
0xe: {  	[smem:$0x3FB3] =	sst s6  }
0xf: {  	[smem:$0x3FB4] =	sst s7  }
0x10: {  	[smem:$0x3FB5] =	sst s8  }
0x11: {  	[smem:$0x3FB6] =	sst s9;
	s0 =	simm.s32 @!p0 $0x0  }
0x12: {  	s1 =	sld [smem:$0x3F9C];
	s0 =	simm.s32 @p0 $0x1  }
0x13: {  	[smem:$0x3FB7] =	sst s0;
	s0 =	simm.s32 @!p1 $0x0  }
0x14: {  	s2 =	sld [smem:$0x3F9B];
	s0 =	simm.s32 @p1 $0x1  }
0x15: {  	[smem:$0x3FB8] =	sst s0;
	s0 =	simm.s32 @!p2 $0x0  }
0x16: {  	s3 =	sld [smem:$0x3FDB];
	s0 =	simm.s32 @p2 $0x1  }
0x17: {  	s4 =	simm.s32 $0x1BF5;
	[smem:$0x3FBA] =	sst s0  }
0x18: {  	s0 =	sld [smem:$0x3F9D];
	_ =	swait.ge [sflag:s4], $0x0  }
0x19: {  	s7 =	sld [smem:$0x3F9E]  }
0x1a: {  	s8 =	sadd.s32 $0xFFFFE003, lr  }
0x1b: {  	s9 =	sadd.s32 $0xFFFFFEF7, lr;
	s5 =	simm.s32 $0xFFFFFFFF;
	p2 =	slt.u32 s8, $0xFFFFF086  }
0x1c: {  	p1 =	slt.u32 s9, $0xF7A;
	s5 =	simm.s32 @!p2 $0x0  }
0x1d: {  	s5 =	simm.s32 @p1 $0x1;
	p0 =	seq.s32 s7, s2  }
0x1e: {  	s7 =	smul.u32 @!p0 $0xF7A, s2;
	p2 =	seq.s32 @!p0 s5, $0x0  }
0x1f: {  	s9 =	smul.u32 $0xF7A, s1;
	s8 =	simm.s32 @!p0 $0x1BF5;
	p2 =	por !p2, p0  }
0x20: {  	[sflag:s8] =	ssyncset.s32 @!p0 $0xFFFFF086;
	s6 =	sadd.s32 @!p0 s3, s7;
	s7 =	simm.s32 @!p0 $0x108  }
0x21: {  	s3 =	sadd.s32 s3, s9;
	s6 =	sadd.s32 @!p0 $0x88, s6;
	s7 =	simm.s32 @p2 $0x1082  }
0x22: {  	[simem:s7], [sflag:s8] =	dma.local @!p0 [hbm:s6], $0xF7A  }
0x23: {  	s9 =	sor.u32 $0xD0000000, s2;
	s6 =	simm.s32 $0x108;
	_ =	swait.ge @!p0 [sflag:s8], $0x0  }
0x24: {  	s3 =	sadd.s32 $0x88, s3;
	s6 =	simm.s32 @!p1 $0x1082;
	[sflag:s4] =	ssyncset.s32 $0xFFFFF086  }
0x25: {  	[simem:s6], [sflag:s4] =	dma.local [hbm:s3], $0xF7A  }
0x26: {  	[smem:$0x3F9E] =	sst s1;
	(tag) =	ssettag s2;
	_ =	strace s9  }
0x27: {  	s1 =	sld [smem:$0x3FAE]  }
0x28: {  	s2 =	sld [smem:$0x3FAF]  }
0x29: {  	s4 =	sld [smem:$0x3FB1]  }
0x2a: {  	p0 =	seq.s32 s5, $0x0;
	s5 =	sld [smem:$0x3FB2]  }
0x2b: {  	s6 =	sld [smem:$0x3FB3]  }
0x2c: {  	s7 =	sld [smem:$0x3FB4]  }
0x2d: {  	s3 =	simm.s32 $0x108;
	s8 =	sld [smem:$0x3FB5]  }
0x2e: {  	s3 =	simm.s32 @!p0 $0x1082;
	s9 =	sld [smem:$0x3FB6]  }
0x2f: {  	lr =	sadd.s32 s0, s3;
	s0 =	sld [smem:$0x3FAD]  }
0x30: {  	s3 =	sld [smem:$0x3FB0]  }
0x31: {  	[smem:$0x3FB9] =	sst s10  }
0x32: {  	s10 =	sld [smem:$0x3FB7];
	_ =	sdelay $0x3  }
0x33: {  	p0 =	seq.s32 s10, $0x1;
	s10 =	sld [smem:$0x3FB9];
	_ =	sdelay $0x3  }
0x34: {  	[smem:$0x3FB9] =	sst s10  }
0x35: {  	s10 =	sld [smem:$0x3FB8];
	_ =	sdelay $0x3  }
0x36: {  	p1 =	seq.s32 s10, $0x1;
	s10 =	sld [smem:$0x3FB9];
	_ =	sdelay $0x3  }
0x37: {  	[smem:$0x3FB9] =	sst s10  }
0x38: {  	s10 =	sld [smem:$0x3FBA]  }
0x39: {  	_ = 	snop;
	(pc) =	sbr.ind lr, $3  }
0x3a: {  	_ = 	snop  }
0x3b: {  	_ = 	snop  }
0x3c: {  	p2 =	seq.s32 s10, $0x1;
	s10 =	sld [smem:$0x3FB9]  }
0x3d: {  	_ =	shalt  }
0x3e: {  	_ =	shalt  }
0x3f: {  	_ =	shalt  }
0x40: {  	_ =	shalt  }
0x41: {  	_ =	shalt  }
0x42: {  	_ =	shalt  }
0x43: {  	_ =	shalt  }
0x44: {  	_ =	shalt  }
0x45: {  	_ =	shalt  }
0x46: {  	_ =	shalt  }
0x47: {  	_ =	shalt  }
0x48: {  	_ =	shalt  }
0x49: {  	_ =	shalt  }
0x4a: {  	_ =	shalt  }
0x4b: {  	_ =	shalt  }
0x4c: {  	_ =	shalt  }
0x4d: {  	_ =	shalt  }
0x4e: {  	_ =	shalt  }
0x4f: {  	_ =	shalt  }
0x50: {  	_ =	shalt  }
0x51: {  	_ =	shalt  }
0x52: {  	_ =	shalt  }
0x53: {  	_ =	shalt  }
0x54: {  	_ =	shalt  }
0x55: {  	_ =	shalt  }
0x56: {  	_ =	shalt  }
0x57: {  	_ =	shalt  }
0x58: {  	_ =	shalt  }
0x59: {  	_ =	shalt  }
0x5a: {  	_ =	shalt  }
0x5b: {  	_ =	shalt  }
0x5c: {  	_ =	shalt  }
0x5d: {  	_ =	shalt  }
0x5e: {  	_ =	shalt  }
0x5f: {  	_ =	shalt  }
0x60: {  	_ =	shalt  }
0x61: {  	_ =	shalt  }
0x62: {  	_ =	shalt  }
0x63: {  	_ =	shalt  }
0x64: {  	_ =	shalt  }
0x65: {  	_ =	shalt  }
0x66: {  	_ =	shalt  }
0x67: {  	_ =	shalt  }
0x68: {  	_ =	shalt  }
0x69: {  	_ =	shalt  }
0x6a: {  	_ =	shalt  }
0x6b: {  	_ =	shalt  }
0x6c: {  	_ =	shalt  }
0x6d: {  	_ =	shalt  }
0x6e: {  	_ =	shalt  }
0x6f: {  	_ =	shalt  }
0x70: {  	_ =	shalt  }
0x71: {  	_ =	shalt  }
0x72: {  	_ =	shalt  }
0x73: {  	_ =	shalt  }
0x74: {  	_ =	shalt  }
0x75: {  	_ =	shalt  }
0x76: {  	_ =	shalt  }
0x77: {  	_ =	shalt  }
0x78: {  	_ =	shalt  }
0x79: {  	_ =	shalt  }
0x7a: {  	_ =	shalt  }
0x7b: {  	_ =	shalt  }
0x7c: {  	_ =	shalt  }
0x7d: {  	_ =	shalt  }
0x7e: {  	_ =	shalt  }
0x7f: {  	_ =	shalt  }
0x80: {  	_ =	shalt  }
0x81: {  	_ =	shalt  }
0x82: {  	_ =	shalt  }
0x83: {  	_ =	shalt  }
0x84: {  	_ =	shalt  }
0x85: {  	_ =	shalt  }
0x86: {  	_ =	shalt  }
0x87: {  	_ =	shalt  }
.Lfunc_end0:
.L_simem_size_0:
called_computation_lowered:
.L_overlay_start_0:
0x88: {  	s2 =	sld [smem:$0x3FD9]  }
0x89: {  	s3 =	sld [smem:$0x3FFE];
	_ =	sdelay $0x1  }
0x8a: {  	s1 =	srdreg.scid  }
0x8b: {  	s0 =	sand.u32 $0x1, s1  }
0x8c: {  	s17 =	sshll.u32 s0, $0xA;
	s2 =	sadd.s32 s3, s2  }
0x8d: {  	s2 =	sadd.s32 s2, s17  }
0x8e: {  	[smem:$0x3FC5] =	sst s2  }
0x8f: {  	_ = 	snop  }
0x90: {  	s2 =	sld [smem:$0x3FC7];
	(tm) =	ssettm $0x1  }
0x91: {  	s18 =	sld [smem:$0x3FFB];
	_ =	sdelay $0x3  }
0x92: {  	_ =	strace s18  }
0x93: {  	s3 =	sld [smem:$0x3FFC];
	_ =	sdelay $0x3  }
0x94: {  	_ =	strace s3  }
0x95: {  	s3 =	sld [smem:$0x3FFD];
	_ =	sdelay $0x3  }
0x96: {  	_ =	strace s3  }
0x97: {  	_ =	strace $0x8FFFFFFF  }
0x98: {  	s19 =	sld [smem:$0x3FDB];
	_ =	sdelay $0x1  }
0x99: {  	s4 =	simm.s32 $_scs_section_size  }
0x9a: {  	s5 =	simm.s32 $_size__tile_overlayer_lowered;
	s6 =	simm.s32 $_tile_overlayer_lowered  }
0x9b: {  	s22 =	simm.s32 $0x1BFF;
	s21 =	sshll.u32 s6, $0x1;
	s3 =	sadd.s32 s4, s19  }
0x9c: {  	s7 =	simm.s32 $0x0;
	s20 =	sshll.u32 s5, $0x1;
	s5 =	sadd.s32 s21, s3  }
0x9d: {  	[timem:s7], [sflag:s22] =	dma.local [hbm:s5], s20  }
0x9e: {  	_ =	swait.ge [sflag:s22], s20  }
0x9f: {  	s4 =	ssub.s32 $0x0, s20;
	[sflag:s22] =	ssyncset.done $0x0  }
0xa0: {  	[sflag:s22] =	ssyncadd.s32 s4;
	_ =	sdelay $0x1  }
0xa1: {  	s23 =	simm.s32 $0x1B8B  }
0xa2: {  	_ =	swait.ge [sflag:s23], $0x1  }
0xa3: {  	[sflag:s23] =	ssyncset.done $0x0  }
0xa4: {  	s25 =	simm.s32 $0x1B8E;
	s24 =	sld [smem:$0x3FFE];
	[sflag:s23] =	ssyncadd.s32 $0xFFFFFFFF  }
0xa5: {  	s26 =	simm.s32 $execute0_lowered;
	[smem:$0x3FD2] =	sst s25  }
0xa6: {  	s5 =	sshll.u32 s26, $0x1;
	_ =	strace $0x80000046;
	[dreg:$0x1] =	wrdreg $0xFFFFFFFF  }
0xa7: {  	s28 =	simm.s32 $_size_execute0_lowered;
	s3 =	sadd.s32 s3, s5;
	[dreg:$0x0] =	wrdreg $0x0  }
0xa8: {  	s5 =	sshll.u32 s28, $0x1;
	[dreg:$0x2] =	wrdreg s3  }
0xa9: {  	[dreg:$0x3] =	wrdreg s5  }
0xaa: {  	[dreg:$0x4] =	wrdreg $0xC0  }
0xab: {  	_ =	task [dreg:s7], $0x5FFFF  }
0xac: {  	[dreg:$0x1] =	wrdreg $0xFFFFFFFF  }
0xad: {  	[dreg:$0x0] =	wrdreg $0x60  }
0xae: {  	[dreg:$0x2] =	wrdreg s24  }
0xaf: {  	[dreg:$0x3] =	wrdreg s2  }
0xb0: {  	[dreg:$0x4] =	wrdreg $0x9  }
0xb1: {  	_ =	task.clear_ibuf [dreg:s7], $0x5FFFF;
	_ =	strace $0x90000046  }
0xb2: {  	s29 =	simm.s32 $0x9;
	_ =	strace $0x80000048  }
0xb3: {  	_ =	swait.ge [sflag:s29], $0x1  }
0xb4: {  	[sflag:s29] =	ssyncadd.s32 $0xFFFFFFFF  }
0xb5: {  	_ =	strace $0x90000048  }
0xb6: {  	_ =	sfence  }
0xb7: {  	s30 =	sld [smem:$0x0];
	_ =	sdelay $0x2  }
0xb8: {  	s31 =	sshll.u32 s1, $0xD;
	s1 =	sshrl.u32 s1, $0x2  }
0xb9: {  	s3 =	sand.u32 $0x4000, s31;
	s1 =	sadd.s32 s1, s30  }
0xba: {  	s0 =	sor.u32 s3, s0;
	s1 =	sshll.u32 s1, $0x11  }
0xbb: {  	s0 =	sor.u32 s1, s0  }
0xbc: {  	s0 =	sadd.s32 $0x8F2B, s0  }
0xbd: {  	[sflag:s0] =	ssyncadd.remote.s32 $0x1  }
0xbe: {  	_ =	sfence.sel $0xFFFF  }
0xbf: {  	[dreg:$0x0] =	wrdreg $0xFFFFFFFF;
	(pc) =	sbr.abs _section_cstart, $3  }
0xc0: {  	[dreg:$0x1] =	wrdreg $0xFFFFFFFF  }
0xc1: {  	_ =	task.clear_ibuf [dreg:s7], $0x2FFFF;
	_ =	strace $0x9FFFFFFF  }
0xc2: {  	(tm) =	ssettm $0x7FFFFFFF  }
0xc3: {  	_ =	shalt  }
tec
execute0_lowered:
.L_overlay_start_1:
0x0: {  	(tag) =	ssettag $0x1  }
0x1: {  	v0 =	vlaneseq.u32  }
0x2: {  	v0 =	vmul.u32 $0x10, v0  }
0x3: {  	v2 =	vimm.f32 $0.0e+00  }
0x4: {  	v3 =	vor.u32 $0x1, v0;
	v4 =	vor.u32 $0x2, v0;
	v5 =	vor.u32 $0x100, v0  }
0x5: {  	v6 =	vor.u32 $0x101, v0;
	v7 =	vor.u32 $0x102, v0;
	v8 =	vor.u32 $0x200, v0  }
0x6: {  	v9 =	vor.u32 $0x201, v0;
	v10 =	vor.u32 $0x202, v0;
	v11 =	vor.u32 $0x300, v0  }
0x7: {  	s0 =	stileid.u32;
	v12 =	vor.u32 $0x301, v0;
	v13 =	vor.u32 $0x302, v0;
	v14 =	vor.u32 $0x400, v0  }
0x8: {  	s1 =	srdreg.scid;
	s5 =	rddreg [dreg:$0x0];
	v15 =	vor.u32 $0x401, v0;
	v16 =	vor.u32 $0x402, v0;
	v17 =	vor.u32 $0x500, v0  }
0x9: {  	s6 =	rddreg [dreg:$0x1];
	s10 =	simm.s32 $0x200;
	s11 =	simm.s32 $0x180;
	v18 =	vor.u32 $0x501, v0;
	v19 =	vor.u32 $0x502, v0;
	v20 =	vor.u32 $0x600, v0  }
0xa: {  	s12 =	simm.s32 $0xA00;
	s13 =	simm.s32 $0x1;
	s14 =	simm.s32 $0x800;
	v21 =	vor.u32 $0x601, v0;
	v22 =	vor.u32 $0x602, v0;
	v23 =	vor.u32 $0x700, v0  }
0xb: {  	s15 =	simm.s32 $0x1200;
	s2 =	sshll.u32 s0, $0x1;
	s3 =	sand.u32 $0x1, s1;
	v24 =	vor.u32 $0x701, v0;
	v25 =	vor.u32 $0x702, v0;
	v26 =	vor.u32 $0x800, v0  }
0xc: {  	s7 =	sshll.u32 s0, $0x7;
	s30 =	sand.u32 $0x2, s2;
	s2 =	simm.s32 $0x0;
	v27 =	vor.u32 $0x801, v0;
	v28 =	vor.u32 $0x802, v0;
	v29 =	vor.u32 $0x900, v0  }
0xd: {  	s7 =	sand.u32 $0x700, s7;
	s8 =	ssub.s32 $0x2, s3;
	s4 =	sor.u32 s3, s30;
	v30 =	vor.u32 $0x901, v0;
	v31 =	vor.u32 $0x902, v0;
	v32 =	vor.u32 $0xA00, v0  }
0xe: {  	[smem:$0x7FF] =	sst s2;
	s3 =	sadd.s32 $0xC00, s5;
	s9 =	sshrl.u32 s8, $0x1;
	v33 =	vor.u32 $0xA01, v0;
	v34 =	vor.u32 $0xA02, v0;
	v35 =	vor.u32 $0xB00, v0  }
0xf: {  	s31 =	sshrl.u32 s7, $0x3;
	v36 =	vor.u32 $0xB01, v0;
	v37 =	vor.u32 $0xB02, v0;
	v38 =	vor.u32 $0xC00, v0;
	s1 =	sshll.u32 s4, $0xC;
	s4 =	sshll.u32 s4, $0xE  }
0x10: {  	v39 =	vor.u32 $0xC01, v0;
	v40 =	vor.u32 $0xC02, v0;
	v41 =	vor.u32 $0xD00, v0;
	s8 =	ssub.s32 s8, s9;
	s9 =	simm.s32 $0x100;
	s4 =	sor.u32 s7, s4  }
0x11: {  	v42 =	vor.u32 $0xD01, v0;
	v43 =	vor.u32 $0xD02, v0;
	v1 =	vmov s1;
	s1 =	rddreg [dreg:$0x2];
	_ =	strace $0x80000047;
	s4 =	sshrl.u32 s4, $0x3  }
0x12: {  	v44 =	vor.u32 $0xE00, v0;
	v45 =	vor.u32 $0xE01, v0;
	v46 =	vor.u32 $0xE02, v0;
	s7 =	simm.s32 $0x2;
	s5 =	sadd.s32 s4, s5;
	s4 =	sadd.s32 s6, s31  }
0x13: {  	v47 =	vor.u32 $0xF00, v0;
	v48 =	vor.u32 $0xF01, v0;
	v49 =	vor.u32 $0xF02, v0;
	s6 =	smax.u32 s8, $0x1;
	s8 =	simm.s32 $0x80;
	s5 =	sadd.s32 $0x10C00, s5  }
.LBB2_1:
0x14: {  	[tilespmem:s2], [sflag:$0x2] =	stream.linear.gather [hbm4b:s4+s2], $0x100, $0x38;
	[tilespmem:$0x1A00] =	vst v63  }
0x15: {  	_ =	swait.ge [sflag:s7], $0x100  }
0x16: {  	[sflag:s7] =	ssyncset.done $0x0  }
0x17: {  	[sflag:s7] =	ssyncadd.s32 $0xFFFFFF00  }
0x18: {  	v50 =	vld [tilespmem:$0x0]  }
0x19: {  	v51 =	vld [tilespmem:$0x10]  }
0x1a: {  	v52 =	vld [tilespmem:$0x20]  }
0x1b: {  	v53 =	vld [tilespmem:$0x30]  }
0x1c: {  	v54 =	vld [tilespmem:$0x40]  }
0x1d: {  	v55 =	vld [tilespmem:$0x50];
	v50 =	vadd.s32 v1, v50  }
0x1e: {  	v62 =	vld [tilespmem:$0x60];
	v61 =	vadd.s32 v1, v51;
	[tilespmem:$0x100] =	vst v50  }
0x1f: {  	v57 =	vld [tilespmem:$0x80];
	v63 =	vadd.s32 v1, v52;
	[tilespmem:$0x110] =	vst v61  }
0x20: {  	v59 =	vld [tilespmem:$0x90];
	v56 =	vadd.s32 v1, v53;
	[tilespmem:$0x120] =	vst v63  }
0x21: {  	v52 =	vld [tilespmem:$0x70];
	v58 =	vadd.s32 v1, v54;
	[tilespmem:$0x130] =	vst v56  }
0x22: {  	v60 =	vadd.s32 v1, v55;
	[tilespmem:$0x140] =	vst v58;
	v61 =	vld [tilespmem:$0xA0]  }
0x23: {  	v62 =	vadd.s32 v1, v62;
	[tilespmem:$0x150] =	vst v60;
	v63 =	vld [tilespmem:$0xB0]  }
0x24: {  	v57 =	vadd.s32 v1, v57;
	[tilespmem:$0x160] =	vst v62;
	v58 =	vld [tilespmem:$0xD0]  }
0x25: {  	v59 =	vadd.s32 v1, v59;
	[tilespmem:$0x180] =	vst v57;
	v60 =	vld [tilespmem:$0xE0]  }
0x26: {  	[tilespmem:$0x190] =	vst v59;
	v62 =	vld [tilespmem:$0xF0];
	v56 =	vadd.s32 v1, v52  }
0x27: {  	v52 =	vld [tilespmem:$0xC0];
	[tilespmem:$0x170] =	vst v56;
	v61 =	vadd.s32 v1, v61  }
0x28: {  	v63 =	vadd.s32 v1, v63;
	[tilespmem:$0x1A0] =	vst v61  }
0x29: {  	v56 =	vadd.s32 v1, v58;
	[tilespmem:$0x1B0] =	vst v63  }
0x2a: {  	v57 =	vadd.s32 v1, v60;
	[tilespmem:$0x1D0] =	vst v56  }
0x2b: {  	v58 =	vadd.s32 v1, v62;
	[tilespmem:$0x1E0] =	vst v57  }
0x2c: {  	[tilespmem:$0x1F0] =	vst v58;
	v52 =	vadd.s32 v1, v52  }
0x2d: {  	[tilespmem:$0x1C0] =	vst v52  }
0x2e: {  	[tilespmem:s10], [sflag:$0x1] =	stream.indirect.gather [hbm4b:s3+s8], $0x10, s9, s8, $0xb8;
	[tilespmem:$0x1A00] =	vst v63  }
0x2f: {  	_ = 	snop  }
0x30: {  	[tilespmem:s12], [sflag:$0x1] =	stream.indirect.gather [hbm4b:s3+s8], $0x10, s11, s8, $0xb8;
	[tilespmem:$0x1A00] =	vst v63  }
0x31: {  	[tilespmem:$0x1800] =	vst v2  }
0x32: {  	[tilespmem:$0x1810] =	vst v2  }
0x33: {  	[tilespmem:$0x1820] =	vst v2  }
0x34: {  	[tilespmem:$0x1830] =	vst v2  }
0x35: {  	[tilespmem:$0x1840] =	vst v2  }
0x36: {  	[tilespmem:$0x1850] =	vst v2  }
0x37: {  	[tilespmem:$0x1860] =	vst v2  }
0x38: {  	[tilespmem:$0x1870] =	vst v2  }
0x39: {  	[tilespmem:$0x1880] =	vst v2  }
0x3a: {  	[tilespmem:$0x1890] =	vst v2  }
0x3b: {  	[tilespmem:$0x18A0] =	vst v2  }
0x3c: {  	[tilespmem:$0x18B0] =	vst v2  }
0x3d: {  	[tilespmem:$0x18C0] =	vst v2  }
0x3e: {  	[tilespmem:$0x18D0] =	vst v2  }
0x3f: {  	[tilespmem:$0x18E0] =	vst v2  }
0x40: {  	[tilespmem:$0x18F0] =	vst v2  }
0x41: {  	[tilespmem:$0x1900] =	vst v2  }
0x42: {  	[tilespmem:$0x1910] =	vst v2  }
0x43: {  	[tilespmem:$0x1920] =	vst v2  }
0x44: {  	[tilespmem:$0x1930] =	vst v2  }
0x45: {  	[tilespmem:$0x1940] =	vst v2  }
0x46: {  	[tilespmem:$0x1950] =	vst v2  }
0x47: {  	[tilespmem:$0x1960] =	vst v2  }
0x48: {  	[tilespmem:$0x1970] =	vst v2  }
0x49: {  	[tilespmem:$0x1980] =	vst v2  }
0x4a: {  	[tilespmem:$0x1990] =	vst v2  }
0x4b: {  	[tilespmem:$0x19A0] =	vst v2  }
0x4c: {  	[tilespmem:$0x19B0] =	vst v2  }
0x4d: {  	[tilespmem:$0x19C0] =	vst v2  }
0x4e: {  	[tilespmem:$0x19D0] =	vst v2  }
0x4f: {  	[tilespmem:$0x19E0] =	vst v2  }
0x50: {  	[tilespmem:$0x19F0] =	vst v2  }
0x51: {  	_ =	swait.ge [sflag:s13], $0x800  }
0x52: {  	[sflag:s13] =	ssyncset.done $0x0  }
0x53: {  	[sflag:s13] =	ssyncadd.s32 $0xFFFFF800  }
0x54: {  	_ =	swait.ge [sflag:s13], $0x800  }
0x55: {  	[sflag:s13] =	ssyncset.done $0x0  }
0x56: {  	[sflag:s13] =	ssyncadd.s32 $0xFFFFF800  }
0x57: {  	v59 =	vld.idx.msk [tilespmem:v0+s10+$0x0], $0xffff  }
0x58: {  	v60 =	vld.idx.msk [tilespmem:v3+s10+$0x0], $0xffff;
	_ =	sdelay $0x1  }
0x59: {  	v61 =	vld.idx.msk [tilespmem:v4+s10+$0x0], $0xffff;
	_ =	sdelay $0x2  }
0x5a: {  	v62 =	vmul.f32 v59, v59;
	v63 =	vmul.f32 v60, v60;
	_ =	sdelay $0x1  }
0x5b: {  	v57 =	vmul.f32 v61, v61;
	v53 =	vadd.f32 v63, v62;
	_ =	sdelay $0x1  }
0x5c: {  	v53 =	vadd.f32 v57, v53;
	_ =	sdelay $0x1  }
0x5d: {  	v54 =	vshrl.u32 v53, $0x10  }
0x5e: {  	v54 =	vand.u32 $0x1, v54  }
0x5f: {  	v54 =	vadd.s32 v54, v53  }
0x60: {  	v54 =	vadd.s32 $0x7FFF, v54  }
0x61: {  	v54 =	vand.u32 $0xFFFF0000, v54  }
0x62: {  	v53 =	vsub.f32 v53, v54;
	_ =	sdelay $0x1  }
0x63: {  	v58 =	vshrl.u32 v53, $0x10  }
0x64: {  	v55 =	vand.u32 $0x1, v58  }
0x65: {  	v55 =	vadd.s32 v55, v53  }
0x66: {  	v55 =	vadd.s32 $0x7FFF, v55  }
0x67: {  	v55 =	vand.u32 $0xFFFF0000, v55  }
0x68: {  	v50 =	vmul.f32 $-2.000000000e+00, v59;
	v53 =	vsub.f32 v53, v55  }
0x69: {  	v51 =	vmul.f32 $-2.000000000e+00, v60  }
0x6a: {  	v59 =	vmul.f32 $-2.000000000e+00, v61;
	[tilespmem:$0x1200] =	vst v50;
	v60 =	vshrl.u32 v53, $0x10  }
0x6b: {  	[tilespmem:$0x1300] =	vst v51;
	v61 =	vand.u32 $0x1, v60  }
0x6c: {  	[tilespmem:$0x1400] =	vst v59;
	v62 =	vadd.s32 v61, v53  }
0x6d: {  	[tilespmem:$0x1500] =	vst v54;
	v50 =	vadd.s32 $0x7FFF, v62  }
0x6e: {  	[tilespmem:$0x1600] =	vst v55;
	v50 =	vand.u32 $0xFFFF0000, v50  }
0x6f: {  	[tilespmem:$0x1700] =	vst v50  }
0x70: {  	v50 =	vld.idx.msk [tilespmem:v5+s10+$0x0], $0xffff  }
0x71: {  	v63 =	vld.idx.msk [tilespmem:v6+s10+$0x0], $0xffff;
	_ =	sdelay $0x1  }
0x72: {  	v57 =	vld.idx.msk [tilespmem:v7+s10+$0x0], $0xffff;
	_ =	sdelay $0x2  }
0x73: {  	v58 =	vmul.f32 v50, v50;
	v59 =	vmul.f32 v63, v63;
	_ =	sdelay $0x1  }
0x74: {  	v60 =	vmul.f32 v57, v57;
	v53 =	vadd.f32 v59, v58;
	_ =	sdelay $0x1  }
0x75: {  	v53 =	vadd.f32 v60, v53;
	_ =	sdelay $0x1  }
0x76: {  	v54 =	vshrl.u32 v53, $0x10  }
0x77: {  	v54 =	vand.u32 $0x1, v54  }
0x78: {  	v54 =	vadd.s32 v54, v53  }
0x79: {  	v54 =	vadd.s32 $0x7FFF, v54  }
0x7a: {  	v54 =	vand.u32 $0xFFFF0000, v54  }
0x7b: {  	v53 =	vsub.f32 v53, v54;
	_ =	sdelay $0x1  }
0x7c: {  	v61 =	vshrl.u32 v53, $0x10  }
0x7d: {  	v55 =	vand.u32 $0x1, v61  }
0x7e: {  	v55 =	vadd.s32 v55, v53  }
0x7f: {  	v55 =	vadd.s32 $0x7FFF, v55  }
0x80: {  	v55 =	vand.u32 $0xFFFF0000, v55  }
0x81: {  	v50 =	vmul.f32 $-2.000000000e+00, v50;
	v53 =	vsub.f32 v53, v55  }
0x82: {  	v51 =	vmul.f32 $-2.000000000e+00, v63  }
0x83: {  	v62 =	vmul.f32 $-2.000000000e+00, v57;
	[tilespmem:$0x1210] =	vst v50;
	v63 =	vshrl.u32 v53, $0x10  }
0x84: {  	[tilespmem:$0x1310] =	vst v51;
	v56 =	vand.u32 $0x1, v63  }
0x85: {  	[tilespmem:$0x1410] =	vst v62;
	v57 =	vadd.s32 v56, v53  }
0x86: {  	[tilespmem:$0x1510] =	vst v54;
	v50 =	vadd.s32 $0x7FFF, v57  }
0x87: {  	[tilespmem:$0x1610] =	vst v55;
	v50 =	vand.u32 $0xFFFF0000, v50  }
0x88: {  	[tilespmem:$0x1710] =	vst v50  }
0x89: {  	v50 =	vld.idx.msk [tilespmem:v8+s10+$0x0], $0xffff  }
0x8a: {  	v58 =	vld.idx.msk [tilespmem:v9+s10+$0x0], $0xffff;
	_ =	sdelay $0x1  }
0x8b: {  	v59 =	vld.idx.msk [tilespmem:v10+s10+$0x0], $0xffff;
	_ =	sdelay $0x2  }
0x8c: {  	v60 =	vmul.f32 v50, v50;
	v61 =	vmul.f32 v58, v58;
	_ =	sdelay $0x1  }
0x8d: {  	v62 =	vmul.f32 v59, v59;
	v53 =	vadd.f32 v61, v60;
	_ =	sdelay $0x1  }
0x8e: {  	v53 =	vadd.f32 v62, v53;
	_ =	sdelay $0x1  }
0x8f: {  	v54 =	vshrl.u32 v53, $0x10  }
0x90: {  	v54 =	vand.u32 $0x1, v54  }
0x91: {  	v54 =	vadd.s32 v54, v53  }
0x92: {  	v54 =	vadd.s32 $0x7FFF, v54  }
0x93: {  	v54 =	vand.u32 $0xFFFF0000, v54  }
0x94: {  	v53 =	vsub.f32 v53, v54;
	_ =	sdelay $0x1  }
0x95: {  	v63 =	vshrl.u32 v53, $0x10  }
0x96: {  	v55 =	vand.u32 $0x1, v63  }
0x97: {  	v55 =	vadd.s32 v55, v53  }
0x98: {  	v55 =	vadd.s32 $0x7FFF, v55  }
0x99: {  	v55 =	vand.u32 $0xFFFF0000, v55  }
0x9a: {  	v50 =	vmul.f32 $-2.000000000e+00, v50;
	v53 =	vsub.f32 v53, v55  }
0x9b: {  	v51 =	vmul.f32 $-2.000000000e+00, v58  }
0x9c: {  	v56 =	vmul.f32 $-2.000000000e+00, v59;
	[tilespmem:$0x1220] =	vst v50;
	v57 =	vshrl.u32 v53, $0x10  }
0x9d: {  	[tilespmem:$0x1320] =	vst v51;
	v58 =	vand.u32 $0x1, v57  }
0x9e: {  	[tilespmem:$0x1420] =	vst v56;
	v59 =	vadd.s32 v58, v53  }
0x9f: {  	[tilespmem:$0x1520] =	vst v54;
	v50 =	vadd.s32 $0x7FFF, v59  }
0xa0: {  	[tilespmem:$0x1620] =	vst v55;
	v50 =	vand.u32 $0xFFFF0000, v50  }
0xa1: {  	[tilespmem:$0x1720] =	vst v50  }
0xa2: {  	v50 =	vld.idx.msk [tilespmem:v11+s10+$0x0], $0xffff  }
0xa3: {  	v60 =	vld.idx.msk [tilespmem:v12+s10+$0x0], $0xffff;
	_ =	sdelay $0x1  }
0xa4: {  	v61 =	vld.idx.msk [tilespmem:v13+s10+$0x0], $0xffff;
	_ =	sdelay $0x2  }
0xa5: {  	v62 =	vmul.f32 v50, v50;
	v63 =	vmul.f32 v60, v60;
	_ =	sdelay $0x1  }
0xa6: {  	v57 =	vmul.f32 v61, v61;
	v53 =	vadd.f32 v63, v62;
	_ =	sdelay $0x1  }
0xa7: {  	v53 =	vadd.f32 v57, v53;
	_ =	sdelay $0x1  }
0xa8: {  	v54 =	vshrl.u32 v53, $0x10  }
0xa9: {  	v54 =	vand.u32 $0x1, v54  }
0xaa: {  	v54 =	vadd.s32 v54, v53  }
0xab: {  	v54 =	vadd.s32 $0x7FFF, v54  }
0xac: {  	v54 =	vand.u32 $0xFFFF0000, v54  }
0xad: {  	v53 =	vsub.f32 v53, v54;
	_ =	sdelay $0x1  }
0xae: {  	v58 =	vshrl.u32 v53, $0x10  }
0xaf: {  	v55 =	vand.u32 $0x1, v58  }
0xb0: {  	v55 =	vadd.s32 v55, v53  }
0xb1: {  	v55 =	vadd.s32 $0x7FFF, v55  }
0xb2: {  	v55 =	vand.u32 $0xFFFF0000, v55  }
0xb3: {  	v50 =	vmul.f32 $-2.000000000e+00, v50;
	v53 =	vsub.f32 v53, v55  }
0xb4: {  	v51 =	vmul.f32 $-2.000000000e+00, v60  }
0xb5: {  	v59 =	vmul.f32 $-2.000000000e+00, v61;
	[tilespmem:$0x1230] =	vst v50;
	v60 =	vshrl.u32 v53, $0x10  }
0xb6: {  	[tilespmem:$0x1330] =	vst v51;
	v61 =	vand.u32 $0x1, v60  }
0xb7: {  	[tilespmem:$0x1430] =	vst v59;
	v62 =	vadd.s32 v61, v53  }
0xb8: {  	[tilespmem:$0x1530] =	vst v54;
	v50 =	vadd.s32 $0x7FFF, v62  }
0xb9: {  	[tilespmem:$0x1630] =	vst v55;
	v50 =	vand.u32 $0xFFFF0000, v50  }
0xba: {  	[tilespmem:$0x1730] =	vst v50  }
0xbb: {  	v50 =	vld.idx.msk [tilespmem:v14+s10+$0x0], $0xffff  }
0xbc: {  	v63 =	vld.idx.msk [tilespmem:v15+s10+$0x0], $0xffff;
	_ =	sdelay $0x1  }
0xbd: {  	v57 =	vld.idx.msk [tilespmem:v16+s10+$0x0], $0xffff;
	_ =	sdelay $0x2  }
0xbe: {  	v58 =	vmul.f32 v50, v50;
	v59 =	vmul.f32 v63, v63;
	_ =	sdelay $0x1  }
0xbf: {  	v60 =	vmul.f32 v57, v57;
	v53 =	vadd.f32 v59, v58;
	_ =	sdelay $0x1  }
0xc0: {  	v53 =	vadd.f32 v60, v53;
	_ =	sdelay $0x1  }
0xc1: {  	v54 =	vshrl.u32 v53, $0x10  }
0xc2: {  	v54 =	vand.u32 $0x1, v54  }
0xc3: {  	v54 =	vadd.s32 v54, v53  }
0xc4: {  	v54 =	vadd.s32 $0x7FFF, v54  }
0xc5: {  	v54 =	vand.u32 $0xFFFF0000, v54  }
0xc6: {  	v53 =	vsub.f32 v53, v54;
	_ =	sdelay $0x1  }
0xc7: {  	v61 =	vshrl.u32 v53, $0x10  }
0xc8: {  	v55 =	vand.u32 $0x1, v61  }
0xc9: {  	v55 =	vadd.s32 v55, v53  }
0xca: {  	v55 =	vadd.s32 $0x7FFF, v55  }
0xcb: {  	v55 =	vand.u32 $0xFFFF0000, v55  }
0xcc: {  	v50 =	vmul.f32 $-2.000000000e+00, v50;
	v53 =	vsub.f32 v53, v55  }
0xcd: {  	v51 =	vmul.f32 $-2.000000000e+00, v63  }
0xce: {  	v62 =	vmul.f32 $-2.000000000e+00, v57;
	[tilespmem:$0x1240] =	vst v50;
	v63 =	vshrl.u32 v53, $0x10  }
0xcf: {  	[tilespmem:$0x1340] =	vst v51;
	v56 =	vand.u32 $0x1, v63  }
0xd0: {  	[tilespmem:$0x1440] =	vst v62;
	v57 =	vadd.s32 v56, v53  }
0xd1: {  	[tilespmem:$0x1540] =	vst v54;
	v50 =	vadd.s32 $0x7FFF, v57  }
0xd2: {  	[tilespmem:$0x1640] =	vst v55;
	v50 =	vand.u32 $0xFFFF0000, v50  }
0xd3: {  	[tilespmem:$0x1740] =	vst v50  }
0xd4: {  	v50 =	vld.idx.msk [tilespmem:v17+s10+$0x0], $0xffff  }
0xd5: {  	v58 =	vld.idx.msk [tilespmem:v18+s10+$0x0], $0xffff;
	_ =	sdelay $0x1  }
0xd6: {  	v59 =	vld.idx.msk [tilespmem:v19+s10+$0x0], $0xffff;
	_ =	sdelay $0x2  }
0xd7: {  	v60 =	vmul.f32 v50, v50;
	v61 =	vmul.f32 v58, v58;
	_ =	sdelay $0x1  }
0xd8: {  	v62 =	vmul.f32 v59, v59;
	v53 =	vadd.f32 v61, v60;
	_ =	sdelay $0x1  }
0xd9: {  	v53 =	vadd.f32 v62, v53;
	_ =	sdelay $0x1  }
0xda: {  	v54 =	vshrl.u32 v53, $0x10  }
0xdb: {  	v54 =	vand.u32 $0x1, v54  }
0xdc: {  	v54 =	vadd.s32 v54, v53  }
0xdd: {  	v54 =	vadd.s32 $0x7FFF, v54  }
0xde: {  	v54 =	vand.u32 $0xFFFF0000, v54  }
0xdf: {  	v53 =	vsub.f32 v53, v54;
	_ =	sdelay $0x1  }
0xe0: {  	v63 =	vshrl.u32 v53, $0x10  }
0xe1: {  	v55 =	vand.u32 $0x1, v63  }
0xe2: {  	v55 =	vadd.s32 v55, v53  }
0xe3: {  	v55 =	vadd.s32 $0x7FFF, v55  }
0xe4: {  	v55 =	vand.u32 $0xFFFF0000, v55  }
0xe5: {  	v50 =	vmul.f32 $-2.000000000e+00, v50;
	v53 =	vsub.f32 v53, v55  }
0xe6: {  	v51 =	vmul.f32 $-2.000000000e+00, v58  }
0xe7: {  	v56 =	vmul.f32 $-2.000000000e+00, v59;
	[tilespmem:$0x1250] =	vst v50;
	v57 =	vshrl.u32 v53, $0x10  }
0xe8: {  	[tilespmem:$0x1350] =	vst v51;
	v58 =	vand.u32 $0x1, v57  }
0xe9: {  	[tilespmem:$0x1450] =	vst v56;
	v59 =	vadd.s32 v58, v53  }
0xea: {  	[tilespmem:$0x1550] =	vst v54;
	v50 =	vadd.s32 $0x7FFF, v59  }
0xeb: {  	[tilespmem:$0x1650] =	vst v55;
	v50 =	vand.u32 $0xFFFF0000, v50  }
0xec: {  	[tilespmem:$0x1750] =	vst v50  }
0xed: {  	v50 =	vld.idx.msk [tilespmem:v20+s10+$0x0], $0xffff  }
0xee: {  	v60 =	vld.idx.msk [tilespmem:v21+s10+$0x0], $0xffff;
	_ =	sdelay $0x1  }
0xef: {  	v61 =	vld.idx.msk [tilespmem:v22+s10+$0x0], $0xffff;
	_ =	sdelay $0x2  }
0xf0: {  	v62 =	vmul.f32 v50, v50;
	v63 =	vmul.f32 v60, v60;
	_ =	sdelay $0x1  }
0xf1: {  	v57 =	vmul.f32 v61, v61;
	v53 =	vadd.f32 v63, v62;
	_ =	sdelay $0x1  }
0xf2: {  	v53 =	vadd.f32 v57, v53;
	_ =	sdelay $0x1  }
0xf3: {  	v54 =	vshrl.u32 v53, $0x10  }
0xf4: {  	v54 =	vand.u32 $0x1, v54  }
0xf5: {  	v54 =	vadd.s32 v54, v53  }
0xf6: {  	v54 =	vadd.s32 $0x7FFF, v54  }
0xf7: {  	v54 =	vand.u32 $0xFFFF0000, v54  }
0xf8: {  	v53 =	vsub.f32 v53, v54;
	_ =	sdelay $0x1  }
0xf9: {  	v58 =	vshrl.u32 v53, $0x10  }
0xfa: {  	v55 =	vand.u32 $0x1, v58  }
0xfb: {  	v55 =	vadd.s32 v55, v53  }
0xfc: {  	v55 =	vadd.s32 $0x7FFF, v55  }
0xfd: {  	v55 =	vand.u32 $0xFFFF0000, v55  }
0xfe: {  	v50 =	vmul.f32 $-2.000000000e+00, v50;
	v53 =	vsub.f32 v53, v55  }
0xff: {  	v51 =	vmul.f32 $-2.000000000e+00, v60  }
0x100: {  	v59 =	vmul.f32 $-2.000000000e+00, v61;
	[tilespmem:$0x1260] =	vst v50;
	v60 =	vshrl.u32 v53, $0x10  }
0x101: {  	[tilespmem:$0x1360] =	vst v51;
	v61 =	vand.u32 $0x1, v60  }
0x102: {  	[tilespmem:$0x1460] =	vst v59;
	v62 =	vadd.s32 v61, v53  }
0x103: {  	[tilespmem:$0x1560] =	vst v54;
	v50 =	vadd.s32 $0x7FFF, v62  }
0x104: {  	[tilespmem:$0x1660] =	vst v55;
	v50 =	vand.u32 $0xFFFF0000, v50  }
0x105: {  	[tilespmem:$0x1760] =	vst v50  }
0x106: {  	v50 =	vld.idx.msk [tilespmem:v23+s10+$0x0], $0xffff  }
0x107: {  	v63 =	vld.idx.msk [tilespmem:v24+s10+$0x0], $0xffff;
	_ =	sdelay $0x1  }
0x108: {  	v57 =	vld.idx.msk [tilespmem:v25+s10+$0x0], $0xffff;
	_ =	sdelay $0x2  }
0x109: {  	v58 =	vmul.f32 v50, v50;
	v59 =	vmul.f32 v63, v63;
	_ =	sdelay $0x1  }
0x10a: {  	v60 =	vmul.f32 v57, v57;
	v53 =	vadd.f32 v59, v58;
	_ =	sdelay $0x1  }
0x10b: {  	v53 =	vadd.f32 v60, v53;
	_ =	sdelay $0x1  }
0x10c: {  	v54 =	vshrl.u32 v53, $0x10  }
0x10d: {  	v54 =	vand.u32 $0x1, v54  }
0x10e: {  	v54 =	vadd.s32 v54, v53  }
0x10f: {  	v54 =	vadd.s32 $0x7FFF, v54  }
0x110: {  	v54 =	vand.u32 $0xFFFF0000, v54  }
0x111: {  	v53 =	vsub.f32 v53, v54;
	_ =	sdelay $0x1  }
0x112: {  	v61 =	vshrl.u32 v53, $0x10  }
0x113: {  	v55 =	vand.u32 $0x1, v61  }
0x114: {  	v55 =	vadd.s32 v55, v53  }
0x115: {  	v55 =	vadd.s32 $0x7FFF, v55  }
0x116: {  	v55 =	vand.u32 $0xFFFF0000, v55  }
0x117: {  	v50 =	vmul.f32 $-2.000000000e+00, v50;
	v53 =	vsub.f32 v53, v55  }
0x118: {  	v51 =	vmul.f32 $-2.000000000e+00, v63  }
0x119: {  	v62 =	vmul.f32 $-2.000000000e+00, v57;
	[tilespmem:$0x1270] =	vst v50;
	v63 =	vshrl.u32 v53, $0x10  }
0x11a: {  	[tilespmem:$0x1370] =	vst v51;
	v56 =	vand.u32 $0x1, v63  }
0x11b: {  	[tilespmem:$0x1470] =	vst v62;
	v57 =	vadd.s32 v56, v53  }
0x11c: {  	[tilespmem:$0x1570] =	vst v54;
	v50 =	vadd.s32 $0x7FFF, v57  }
0x11d: {  	[tilespmem:$0x1670] =	vst v55;
	v50 =	vand.u32 $0xFFFF0000, v50  }
0x11e: {  	[tilespmem:$0x1770] =	vst v50  }
0x11f: {  	v50 =	vld.idx.msk [tilespmem:v26+s10+$0x0], $0xffff  }
0x120: {  	v58 =	vld.idx.msk [tilespmem:v27+s10+$0x0], $0xffff;
	_ =	sdelay $0x1  }
0x121: {  	v59 =	vld.idx.msk [tilespmem:v28+s10+$0x0], $0xffff;
	_ =	sdelay $0x2  }
0x122: {  	v60 =	vmul.f32 v50, v50;
	v61 =	vmul.f32 v58, v58;
	_ =	sdelay $0x1  }
0x123: {  	v62 =	vmul.f32 v59, v59;
	v53 =	vadd.f32 v61, v60;
	_ =	sdelay $0x1  }
0x124: {  	v53 =	vadd.f32 v62, v53;
	_ =	sdelay $0x1  }
0x125: {  	v54 =	vshrl.u32 v53, $0x10  }
0x126: {  	v54 =	vand.u32 $0x1, v54  }
0x127: {  	v54 =	vadd.s32 v54, v53  }
0x128: {  	v54 =	vadd.s32 $0x7FFF, v54  }
0x129: {  	v54 =	vand.u32 $0xFFFF0000, v54  }
0x12a: {  	v53 =	vsub.f32 v53, v54;
	_ =	sdelay $0x1  }
0x12b: {  	v63 =	vshrl.u32 v53, $0x10  }
0x12c: {  	v55 =	vand.u32 $0x1, v63  }
0x12d: {  	v55 =	vadd.s32 v55, v53  }
0x12e: {  	v55 =	vadd.s32 $0x7FFF, v55  }
0x12f: {  	v55 =	vand.u32 $0xFFFF0000, v55  }
0x130: {  	v50 =	vmul.f32 $-2.000000000e+00, v50;
	v53 =	vsub.f32 v53, v55  }
0x131: {  	v51 =	vmul.f32 $-2.000000000e+00, v58  }
0x132: {  	v56 =	vmul.f32 $-2.000000000e+00, v59;
	[tilespmem:$0x1280] =	vst v50;
	v57 =	vshrl.u32 v53, $0x10  }
0x133: {  	[tilespmem:$0x1380] =	vst v51;
	v58 =	vand.u32 $0x1, v57  }
0x134: {  	[tilespmem:$0x1480] =	vst v56;
	v59 =	vadd.s32 v58, v53  }
0x135: {  	[tilespmem:$0x1580] =	vst v54;
	v50 =	vadd.s32 $0x7FFF, v59  }
0x136: {  	[tilespmem:$0x1680] =	vst v55;
	v50 =	vand.u32 $0xFFFF0000, v50  }
0x137: {  	[tilespmem:$0x1780] =	vst v50  }
0x138: {  	v50 =	vld.idx.msk [tilespmem:v29+s10+$0x0], $0xffff  }
0x139: {  	v60 =	vld.idx.msk [tilespmem:v30+s10+$0x0], $0xffff;
	_ =	sdelay $0x1  }
0x13a: {  	v61 =	vld.idx.msk [tilespmem:v31+s10+$0x0], $0xffff;
	_ =	sdelay $0x2  }
0x13b: {  	v62 =	vmul.f32 v50, v50;
	v63 =	vmul.f32 v60, v60;
	_ =	sdelay $0x1  }
0x13c: {  	v57 =	vmul.f32 v61, v61;
	v53 =	vadd.f32 v63, v62;
	_ =	sdelay $0x1  }
0x13d: {  	v53 =	vadd.f32 v57, v53;
	_ =	sdelay $0x1  }
0x13e: {  	v54 =	vshrl.u32 v53, $0x10  }
0x13f: {  	v54 =	vand.u32 $0x1, v54  }
0x140: {  	v54 =	vadd.s32 v54, v53  }
0x141: {  	v54 =	vadd.s32 $0x7FFF, v54  }
0x142: {  	v54 =	vand.u32 $0xFFFF0000, v54  }
0x143: {  	v53 =	vsub.f32 v53, v54;
	_ =	sdelay $0x1  }
0x144: {  	v58 =	vshrl.u32 v53, $0x10  }
0x145: {  	v55 =	vand.u32 $0x1, v58  }
0x146: {  	v55 =	vadd.s32 v55, v53  }
0x147: {  	v55 =	vadd.s32 $0x7FFF, v55  }
0x148: {  	v55 =	vand.u32 $0xFFFF0000, v55  }
0x149: {  	v50 =	vmul.f32 $-2.000000000e+00, v50;
	v53 =	vsub.f32 v53, v55  }
0x14a: {  	v51 =	vmul.f32 $-2.000000000e+00, v60  }
0x14b: {  	v59 =	vmul.f32 $-2.000000000e+00, v61;
	[tilespmem:$0x1290] =	vst v50;
	v60 =	vshrl.u32 v53, $0x10  }
0x14c: {  	[tilespmem:$0x1390] =	vst v51;
	v61 =	vand.u32 $0x1, v60  }
0x14d: {  	[tilespmem:$0x1490] =	vst v59;
	v62 =	vadd.s32 v61, v53  }
0x14e: {  	[tilespmem:$0x1590] =	vst v54;
	v50 =	vadd.s32 $0x7FFF, v62  }
0x14f: {  	[tilespmem:$0x1690] =	vst v55;
	v50 =	vand.u32 $0xFFFF0000, v50  }
0x150: {  	[tilespmem:$0x1790] =	vst v50  }
0x151: {  	v50 =	vld.idx.msk [tilespmem:v32+s10+$0x0], $0xffff  }
0x152: {  	v63 =	vld.idx.msk [tilespmem:v33+s10+$0x0], $0xffff;
	_ =	sdelay $0x1  }
0x153: {  	v57 =	vld.idx.msk [tilespmem:v34+s10+$0x0], $0xffff;
	_ =	sdelay $0x2  }
0x154: {  	v58 =	vmul.f32 v50, v50;
	v59 =	vmul.f32 v63, v63;
	_ =	sdelay $0x1  }
0x155: {  	v60 =	vmul.f32 v57, v57;
	v53 =	vadd.f32 v59, v58;
	_ =	sdelay $0x1  }
0x156: {  	v53 =	vadd.f32 v60, v53;
	_ =	sdelay $0x1  }
0x157: {  	v54 =	vshrl.u32 v53, $0x10  }
0x158: {  	v54 =	vand.u32 $0x1, v54  }
0x159: {  	v54 =	vadd.s32 v54, v53  }
0x15a: {  	v54 =	vadd.s32 $0x7FFF, v54  }
0x15b: {  	v54 =	vand.u32 $0xFFFF0000, v54  }
0x15c: {  	v53 =	vsub.f32 v53, v54;
	_ =	sdelay $0x1  }
0x15d: {  	v61 =	vshrl.u32 v53, $0x10  }
0x15e: {  	v55 =	vand.u32 $0x1, v61  }
0x15f: {  	v55 =	vadd.s32 v55, v53  }
0x160: {  	v55 =	vadd.s32 $0x7FFF, v55  }
0x161: {  	v55 =	vand.u32 $0xFFFF0000, v55  }
0x162: {  	v50 =	vmul.f32 $-2.000000000e+00, v50;
	v53 =	vsub.f32 v53, v55  }
0x163: {  	v51 =	vmul.f32 $-2.000000000e+00, v63  }
0x164: {  	v62 =	vmul.f32 $-2.000000000e+00, v57;
	[tilespmem:$0x12A0] =	vst v50;
	v63 =	vshrl.u32 v53, $0x10  }
0x165: {  	[tilespmem:$0x13A0] =	vst v51;
	v56 =	vand.u32 $0x1, v63  }
0x166: {  	[tilespmem:$0x14A0] =	vst v62;
	v57 =	vadd.s32 v56, v53  }
0x167: {  	[tilespmem:$0x15A0] =	vst v54;
	v50 =	vadd.s32 $0x7FFF, v57  }
0x168: {  	[tilespmem:$0x16A0] =	vst v55;
	v50 =	vand.u32 $0xFFFF0000, v50  }
0x169: {  	[tilespmem:$0x17A0] =	vst v50  }
0x16a: {  	v50 =	vld.idx.msk [tilespmem:v35+s10+$0x0], $0xffff  }
0x16b: {  	v58 =	vld.idx.msk [tilespmem:v36+s10+$0x0], $0xffff;
	_ =	sdelay $0x1  }
0x16c: {  	v59 =	vld.idx.msk [tilespmem:v37+s10+$0x0], $0xffff;
	_ =	sdelay $0x2  }
0x16d: {  	v60 =	vmul.f32 v50, v50;
	v61 =	vmul.f32 v58, v58;
	_ =	sdelay $0x1  }
0x16e: {  	v62 =	vmul.f32 v59, v59;
	v53 =	vadd.f32 v61, v60;
	_ =	sdelay $0x1  }
0x16f: {  	v53 =	vadd.f32 v62, v53;
	_ =	sdelay $0x1  }
0x170: {  	v54 =	vshrl.u32 v53, $0x10  }
0x171: {  	v54 =	vand.u32 $0x1, v54  }
0x172: {  	v54 =	vadd.s32 v54, v53  }
0x173: {  	v54 =	vadd.s32 $0x7FFF, v54  }
0x174: {  	v54 =	vand.u32 $0xFFFF0000, v54  }
0x175: {  	v53 =	vsub.f32 v53, v54;
	_ =	sdelay $0x1  }
0x176: {  	v63 =	vshrl.u32 v53, $0x10  }
0x177: {  	v55 =	vand.u32 $0x1, v63  }
0x178: {  	v55 =	vadd.s32 v55, v53  }
0x179: {  	v55 =	vadd.s32 $0x7FFF, v55  }
0x17a: {  	v55 =	vand.u32 $0xFFFF0000, v55  }
0x17b: {  	v50 =	vmul.f32 $-2.000000000e+00, v50;
	v53 =	vsub.f32 v53, v55  }
0x17c: {  	v51 =	vmul.f32 $-2.000000000e+00, v58  }
0x17d: {  	v56 =	vmul.f32 $-2.000000000e+00, v59;
	[tilespmem:$0x12B0] =	vst v50;
	v57 =	vshrl.u32 v53, $0x10  }
0x17e: {  	[tilespmem:$0x13B0] =	vst v51;
	v58 =	vand.u32 $0x1, v57  }
0x17f: {  	[tilespmem:$0x14B0] =	vst v56;
	v59 =	vadd.s32 v58, v53  }
0x180: {  	[tilespmem:$0x15B0] =	vst v54;
	v50 =	vadd.s32 $0x7FFF, v59  }
0x181: {  	[tilespmem:$0x16B0] =	vst v55;
	v50 =	vand.u32 $0xFFFF0000, v50  }
0x182: {  	[tilespmem:$0x17B0] =	vst v50  }
0x183: {  	v50 =	vld.idx.msk [tilespmem:v38+s10+$0x0], $0xffff  }
0x184: {  	v60 =	vld.idx.msk [tilespmem:v39+s10+$0x0], $0xffff;
	_ =	sdelay $0x1  }
0x185: {  	v61 =	vld.idx.msk [tilespmem:v40+s10+$0x0], $0xffff;
	_ =	sdelay $0x2  }
0x186: {  	v62 =	vmul.f32 v50, v50;
	v63 =	vmul.f32 v60, v60;
	_ =	sdelay $0x1  }
0x187: {  	v57 =	vmul.f32 v61, v61;
	v53 =	vadd.f32 v63, v62;
	_ =	sdelay $0x1  }
0x188: {  	v53 =	vadd.f32 v57, v53;
	_ =	sdelay $0x1  }
0x189: {  	v54 =	vshrl.u32 v53, $0x10  }
0x18a: {  	v54 =	vand.u32 $0x1, v54  }
0x18b: {  	v54 =	vadd.s32 v54, v53  }
0x18c: {  	v54 =	vadd.s32 $0x7FFF, v54  }
0x18d: {  	v54 =	vand.u32 $0xFFFF0000, v54  }
0x18e: {  	v53 =	vsub.f32 v53, v54;
	_ =	sdelay $0x1  }
0x18f: {  	v58 =	vshrl.u32 v53, $0x10  }
0x190: {  	v55 =	vand.u32 $0x1, v58  }
0x191: {  	v55 =	vadd.s32 v55, v53  }
0x192: {  	v55 =	vadd.s32 $0x7FFF, v55  }
0x193: {  	v55 =	vand.u32 $0xFFFF0000, v55  }
0x194: {  	v50 =	vmul.f32 $-2.000000000e+00, v50;
	v53 =	vsub.f32 v53, v55  }
0x195: {  	v51 =	vmul.f32 $-2.000000000e+00, v60  }
0x196: {  	v59 =	vmul.f32 $-2.000000000e+00, v61;
	[tilespmem:$0x12C0] =	vst v50;
	v60 =	vshrl.u32 v53, $0x10  }
0x197: {  	[tilespmem:$0x13C0] =	vst v51;
	v61 =	vand.u32 $0x1, v60  }
0x198: {  	[tilespmem:$0x14C0] =	vst v59;
	v62 =	vadd.s32 v61, v53  }
0x199: {  	[tilespmem:$0x15C0] =	vst v54;
	v50 =	vadd.s32 $0x7FFF, v62  }
0x19a: {  	[tilespmem:$0x16C0] =	vst v55;
	v50 =	vand.u32 $0xFFFF0000, v50  }
0x19b: {  	[tilespmem:$0x17C0] =	vst v50  }
0x19c: {  	v50 =	vld.idx.msk [tilespmem:v41+s10+$0x0], $0xffff  }
0x19d: {  	v63 =	vld.idx.msk [tilespmem:v42+s10+$0x0], $0xffff;
	_ =	sdelay $0x1  }
0x19e: {  	v57 =	vld.idx.msk [tilespmem:v43+s10+$0x0], $0xffff;
	_ =	sdelay $0x2  }
0x19f: {  	v58 =	vmul.f32 v50, v50;
	v59 =	vmul.f32 v63, v63;
	_ =	sdelay $0x1  }
0x1a0: {  	v60 =	vmul.f32 v57, v57;
	v53 =	vadd.f32 v59, v58;
	_ =	sdelay $0x1  }
0x1a1: {  	v53 =	vadd.f32 v60, v53;
	_ =	sdelay $0x1  }
0x1a2: {  	v54 =	vshrl.u32 v53, $0x10  }
0x1a3: {  	v54 =	vand.u32 $0x1, v54  }
0x1a4: {  	v54 =	vadd.s32 v54, v53  }
0x1a5: {  	v54 =	vadd.s32 $0x7FFF, v54  }
0x1a6: {  	v54 =	vand.u32 $0xFFFF0000, v54  }
0x1a7: {  	v53 =	vsub.f32 v53, v54;
	_ =	sdelay $0x1  }
0x1a8: {  	v61 =	vshrl.u32 v53, $0x10  }
0x1a9: {  	v55 =	vand.u32 $0x1, v61  }
0x1aa: {  	v55 =	vadd.s32 v55, v53  }
0x1ab: {  	v55 =	vadd.s32 $0x7FFF, v55  }
0x1ac: {  	v55 =	vand.u32 $0xFFFF0000, v55  }
0x1ad: {  	v50 =	vmul.f32 $-2.000000000e+00, v50;
	v53 =	vsub.f32 v53, v55  }
0x1ae: {  	v51 =	vmul.f32 $-2.000000000e+00, v63  }
0x1af: {  	v62 =	vmul.f32 $-2.000000000e+00, v57;
	[tilespmem:$0x12D0] =	vst v50;
	v63 =	vshrl.u32 v53, $0x10  }
0x1b0: {  	[tilespmem:$0x13D0] =	vst v51;
	v56 =	vand.u32 $0x1, v63  }
0x1b1: {  	[tilespmem:$0x14D0] =	vst v62;
	v57 =	vadd.s32 v56, v53  }
0x1b2: {  	[tilespmem:$0x15D0] =	vst v54;
	v50 =	vadd.s32 $0x7FFF, v57  }
0x1b3: {  	[tilespmem:$0x16D0] =	vst v55;
	v50 =	vand.u32 $0xFFFF0000, v50  }
0x1b4: {  	[tilespmem:$0x17D0] =	vst v50  }
0x1b5: {  	v50 =	vld.idx.msk [tilespmem:v44+s10+$0x0], $0xffff  }
0x1b6: {  	v58 =	vld.idx.msk [tilespmem:v45+s10+$0x0], $0xffff;
	_ =	sdelay $0x1  }
0x1b7: {  	v59 =	vld.idx.msk [tilespmem:v46+s10+$0x0], $0xffff;
	_ =	sdelay $0x2  }
0x1b8: {  	v60 =	vmul.f32 v50, v50;
	v61 =	vmul.f32 v58, v58;
	_ =	sdelay $0x1  }
0x1b9: {  	v62 =	vmul.f32 v59, v59;
	v53 =	vadd.f32 v61, v60;
	_ =	sdelay $0x1  }
0x1ba: {  	v53 =	vadd.f32 v62, v53;
	_ =	sdelay $0x1  }
0x1bb: {  	v54 =	vshrl.u32 v53, $0x10  }
0x1bc: {  	v54 =	vand.u32 $0x1, v54  }
0x1bd: {  	v54 =	vadd.s32 v54, v53  }
0x1be: {  	v54 =	vadd.s32 $0x7FFF, v54  }
0x1bf: {  	v54 =	vand.u32 $0xFFFF0000, v54  }
0x1c0: {  	v53 =	vsub.f32 v53, v54;
	_ =	sdelay $0x1  }
0x1c1: {  	v63 =	vshrl.u32 v53, $0x10  }
0x1c2: {  	v55 =	vand.u32 $0x1, v63  }
0x1c3: {  	v55 =	vadd.s32 v55, v53  }
0x1c4: {  	v55 =	vadd.s32 $0x7FFF, v55  }
0x1c5: {  	v55 =	vand.u32 $0xFFFF0000, v55  }
0x1c6: {  	v50 =	vmul.f32 $-2.000000000e+00, v50;
	v53 =	vsub.f32 v53, v55  }
0x1c7: {  	v51 =	vmul.f32 $-2.000000000e+00, v58  }
0x1c8: {  	v57 =	vmul.f32 $-2.000000000e+00, v59;
	[tilespmem:$0x12E0] =	vst v50;
	v58 =	vshrl.u32 v53, $0x10  }
0x1c9: {  	[tilespmem:$0x13E0] =	vst v51;
	v59 =	vand.u32 $0x1, v58  }
0x1ca: {  	[tilespmem:$0x14E0] =	vst v57;
	v60 =	vadd.s32 v59, v53  }
0x1cb: {  	[tilespmem:$0x15E0] =	vst v54;
	v50 =	vadd.s32 $0x7FFF, v60  }
0x1cc: {  	[tilespmem:$0x16E0] =	vst v55;
	v50 =	vand.u32 $0xFFFF0000, v50  }
0x1cd: {  	[tilespmem:$0x17E0] =	vst v50  }
0x1ce: {  	v50 =	vld.idx.msk [tilespmem:v47+s10+$0x0], $0xffff  }
0x1cf: {  	v61 =	vld.idx.msk [tilespmem:v48+s10+$0x0], $0xffff;
	_ =	sdelay $0x1  }
0x1d0: {  	v62 =	vld.idx.msk [tilespmem:v49+s10+$0x0], $0xffff;
	_ =	sdelay $0x2  }
0x1d1: {  	v63 =	vmul.f32 v50, v50;
	v57 =	vmul.f32 v61, v61;
	_ =	sdelay $0x1  }
0x1d2: {  	v58 =	vmul.f32 v62, v62;
	v53 =	vadd.f32 v57, v63;
	_ =	sdelay $0x1  }
0x1d3: {  	v53 =	vadd.f32 v58, v53;
	_ =	sdelay $0x1  }
0x1d4: {  	v54 =	vshrl.u32 v53, $0x10  }
0x1d5: {  	v54 =	vand.u32 $0x1, v54  }
0x1d6: {  	v54 =	vadd.s32 v54, v53  }
0x1d7: {  	v54 =	vadd.s32 $0x7FFF, v54  }
0x1d8: {  	v54 =	vand.u32 $0xFFFF0000, v54  }
0x1d9: {  	v53 =	vsub.f32 v53, v54;
	_ =	sdelay $0x1  }
0x1da: {  	v59 =	vshrl.u32 v53, $0x10  }
0x1db: {  	v55 =	vand.u32 $0x1, v59  }
0x1dc: {  	v55 =	vadd.s32 v55, v53  }
0x1dd: {  	v55 =	vadd.s32 $0x7FFF, v55  }
0x1de: {  	v55 =	vand.u32 $0xFFFF0000, v55  }
0x1df: {  	v50 =	vmul.f32 $-2.000000000e+00, v50;
	v53 =	vsub.f32 v53, v55  }
0x1e0: {  	v51 =	vmul.f32 $-2.000000000e+00, v61  }
0x1e1: {  	v60 =	vmul.f32 $-2.000000000e+00, v62;
	[tilespmem:$0x12F0] =	vst v50;
	v61 =	vshrl.u32 v53, $0x10  }
0x1e2: {  	[tilespmem:$0x13F0] =	vst v51;
	v62 =	vand.u32 $0x1, v61  }
0x1e3: {  	[tilespmem:$0x14F0] =	vst v60;
	v63 =	vadd.s32 v62, v53  }
0x1e4: {  	[tilespmem:$0x15F0] =	vst v54;
	v50 =	vadd.s32 $0x7FFF, v63  }
0x1e5: {  	p0 =	sne.s32 s6, $0x1;
	[tilespmem:$0x16F0] =	vst v55;
	v50 =	vand.u32 $0xFFFF0000, v50  }
.Ltmp0:
0x1e6: {  	[tilespmem:$0x17F0] =	vst v50;
	(pc) =	sbr.rel @p0 .LBB2_1-.Ltmp0, $4  }
0x1e7: {  	[hbm4b:s5+s9] =	stream.strided.scatter [tilespmem:s15], [sflag:$0x2], $0x800, s14, s9, $0x38;
	[tilespmem:$0x1A00] =	vst v63  }
0x1e8: {  	_ =	swait.ge [sflag:s7], $0x800  }
0x1e9: {  	[sflag:s7] =	ssyncset.done $0x0  }
0x1ea: {  	s6 =	sadd.s32 $0xFFFFFFFF, s6;
	[sflag:s7] =	ssyncadd.s32 $0xFFFFF800  }
0x1eb: {  	_ =	sfence.sel $0x180000  }
0x1ec: {  	[bflag:$0x0] =	sbarrier.arrive $0xFFFF  }
0x1ed: {  	p0 =	sne.s32 s0, $0x0;
	_ =	strace $0x90000047  }
0x1ee: {  	s0 =	sadd.s32 @!p0 $0x100000, s1;
	[bflag:$0x2] =	sbarrier.arrive $0xFFFF  }
0x1ef: {  	[sflag:s0] =	ssyncadd.tile.s32 @!p0 $0x1;
	_ =	shalt  }
.Lfunc_end2:
_tile_overlayer_lowered:
.L_overlay_start_2:
0x1f0: {  	(tag) =	ssettag $0x2  }
0x1f1: {  	s0 =	rddreg [dreg:$0x0];
	s2 =	stileid.u32  }
0x1f2: {  	s1 =	rddreg [dreg:$0x1];
	p0 =	sne.s32 s2, $0x0  }
0x1f3: {  	s3 =	rddreg [dreg:$0x2];
	[bflag:$0x3] =	sbarrier.arrive $0xFFFF;
	s2 =	simm.s32 @!p0 $0x1C02  }
0x1f4: {  	[timem:s3], [sflag:s2] =	dma.local @!p0 [hbm:s0], s1  }
0x1f5: {  	s0 =	simm.s32 @!p0 $0x2  }
0x1f6: {  	_ =	swait.ge @!p0 [sflag:s0], s1  }
0x1f7: {  	s1 =	ssub.s32 @!p0 $0x0, s1;
	[sflag:s0] =	ssyncset.done @!p0 $0x0  }
0x1f8: {  	[sflag:s0] =	ssyncadd.s32 @!p0 s1  }
0x1f9: {  	[bflag:$0x3] =	sbarrier.arrive $0xFFFF  }
0x1fa: {  	_ =	shalt  }

// kernel: kernel.9.cloned.1.call-start
scs
__scs_entry_jumppad:
0x0: {  	(pc) =	sbr.rel $0x88, $3  }
0x1: {  	(tag) =	ssettag $0x0;
	lr =	simm.s32 $0x1  }
0x2: {  	[smem:$0x3F9E] =	sst lr;
	_ =	strace $0xD0000000  }
0x3: {  	_ = 	snop  }
0x4: {  	_ = 	snop  }
0x5: {  	_ = 	snop  }
0x6: {  	_ = 	snop  }
0x7: {  	_ = 	snop  }
__scs_overlays_trampoline_lowered:
0x8: {  	[smem:$0x3FAD] =	sst s0  }
0x9: {  	[smem:$0x3FAE] =	sst s1  }
0xa: {  	[smem:$0x3FAF] =	sst s2  }
0xb: {  	[smem:$0x3FB0] =	sst s3  }
0xc: {  	[smem:$0x3FB1] =	sst s4  }
0xd: {  	[smem:$0x3FB2] =	sst s5  }
0xe: {  	[smem:$0x3FB3] =	sst s6  }
0xf: {  	[smem:$0x3FB4] =	sst s7  }
0x10: {  	[smem:$0x3FB5] =	sst s8  }
0x11: {  	[smem:$0x3FB6] =	sst s9;
	s0 =	simm.s32 @!p0 $0x0  }
0x12: {  	s1 =	sld [smem:$0x3F9C];
	s0 =	simm.s32 @p0 $0x1  }
0x13: {  	[smem:$0x3FB7] =	sst s0;
	s0 =	simm.s32 @!p1 $0x0  }
0x14: {  	s2 =	sld [smem:$0x3F9B];
	s0 =	simm.s32 @p1 $0x1  }
0x15: {  	[smem:$0x3FB8] =	sst s0;
	s0 =	simm.s32 @!p2 $0x0  }
0x16: {  	s3 =	sld [smem:$0x3FDB];
	s0 =	simm.s32 @p2 $0x1  }
0x17: {  	s4 =	simm.s32 $0x1BF5;
	[smem:$0x3FBA] =	sst s0  }
0x18: {  	s0 =	sld [smem:$0x3F9D];
	_ =	swait.ge [sflag:s4], $0x0  }
0x19: {  	s7 =	sld [smem:$0x3F9E]  }
0x1a: {  	s8 =	sadd.s32 $0xFFFFE003, lr  }
0x1b: {  	s9 =	sadd.s32 $0xFFFFFEF7, lr;
	s5 =	simm.s32 $0xFFFFFFFF;
	p2 =	slt.u32 s8, $0xFFFFF086  }
0x1c: {  	p1 =	slt.u32 s9, $0xF7A;
	s5 =	simm.s32 @!p2 $0x0  }
0x1d: {  	s5 =	simm.s32 @p1 $0x1;
	p0 =	seq.s32 s7, s2  }
0x1e: {  	s7 =	smul.u32 @!p0 $0xF7A, s2;
	p2 =	seq.s32 @!p0 s5, $0x0  }
0x1f: {  	s9 =	smul.u32 $0xF7A, s1;
	s8 =	simm.s32 @!p0 $0x1BF5;
	p2 =	por !p2, p0  }
0x20: {  	[sflag:s8] =	ssyncset.s32 @!p0 $0xFFFFF086;
	s6 =	sadd.s32 @!p0 s3, s7;
	s7 =	simm.s32 @!p0 $0x108  }
0x21: {  	s3 =	sadd.s32 s3, s9;
	s6 =	sadd.s32 @!p0 $0x88, s6;
	s7 =	simm.s32 @p2 $0x1082  }
0x22: {  	[simem:s7], [sflag:s8] =	dma.local @!p0 [hbm:s6], $0xF7A  }
0x23: {  	s9 =	sor.u32 $0xD0000000, s2;
	s6 =	simm.s32 $0x108;
	_ =	swait.ge @!p0 [sflag:s8], $0x0  }
0x24: {  	s3 =	sadd.s32 $0x88, s3;
	s6 =	simm.s32 @!p1 $0x1082;
	[sflag:s4] =	ssyncset.s32 $0xFFFFF086  }
0x25: {  	[simem:s6], [sflag:s4] =	dma.local [hbm:s3], $0xF7A  }
0x26: {  	[smem:$0x3F9E] =	sst s1;
	(tag) =	ssettag s2;
	_ =	strace s9  }
0x27: {  	s1 =	sld [smem:$0x3FAE]  }
0x28: {  	s2 =	sld [smem:$0x3FAF]  }
0x29: {  	s4 =	sld [smem:$0x3FB1]  }
0x2a: {  	p0 =	seq.s32 s5, $0x0;
	s5 =	sld [smem:$0x3FB2]  }
0x2b: {  	s6 =	sld [smem:$0x3FB3]  }
0x2c: {  	s7 =	sld [smem:$0x3FB4]  }
0x2d: {  	s3 =	simm.s32 $0x108;
	s8 =	sld [smem:$0x3FB5]  }
0x2e: {  	s3 =	simm.s32 @!p0 $0x1082;
	s9 =	sld [smem:$0x3FB6]  }
0x2f: {  	lr =	sadd.s32 s0, s3;
	s0 =	sld [smem:$0x3FAD]  }
0x30: {  	s3 =	sld [smem:$0x3FB0]  }
0x31: {  	[smem:$0x3FB9] =	sst s10  }
0x32: {  	s10 =	sld [smem:$0x3FB7];
	_ =	sdelay $0x3  }
0x33: {  	p0 =	seq.s32 s10, $0x1;
	s10 =	sld [smem:$0x3FB9];
	_ =	sdelay $0x3  }
0x34: {  	[smem:$0x3FB9] =	sst s10  }
0x35: {  	s10 =	sld [smem:$0x3FB8];
	_ =	sdelay $0x3  }
0x36: {  	p1 =	seq.s32 s10, $0x1;
	s10 =	sld [smem:$0x3FB9];
	_ =	sdelay $0x3  }
0x37: {  	[smem:$0x3FB9] =	sst s10  }
0x38: {  	s10 =	sld [smem:$0x3FBA]  }
0x39: {  	_ = 	snop;
	(pc) =	sbr.ind lr, $3  }
0x3a: {  	_ = 	snop  }
0x3b: {  	_ = 	snop  }
0x3c: {  	p2 =	seq.s32 s10, $0x1;
	s10 =	sld [smem:$0x3FB9]  }
0x3d: {  	_ =	shalt  }
0x3e: {  	_ =	shalt  }
0x3f: {  	_ =	shalt  }
0x40: {  	_ =	shalt  }
0x41: {  	_ =	shalt  }
0x42: {  	_ =	shalt  }
0x43: {  	_ =	shalt  }
0x44: {  	_ =	shalt  }
0x45: {  	_ =	shalt  }
0x46: {  	_ =	shalt  }
0x47: {  	_ =	shalt  }
0x48: {  	_ =	shalt  }
0x49: {  	_ =	shalt  }
0x4a: {  	_ =	shalt  }
0x4b: {  	_ =	shalt  }
0x4c: {  	_ =	shalt  }
0x4d: {  	_ =	shalt  }
0x4e: {  	_ =	shalt  }
0x4f: {  	_ =	shalt  }
0x50: {  	_ =	shalt  }
0x51: {  	_ =	shalt  }
0x52: {  	_ =	shalt  }
0x53: {  	_ =	shalt  }
0x54: {  	_ =	shalt  }
0x55: {  	_ =	shalt  }
0x56: {  	_ =	shalt  }
0x57: {  	_ =	shalt  }
0x58: {  	_ =	shalt  }
0x59: {  	_ =	shalt  }
0x5a: {  	_ =	shalt  }
0x5b: {  	_ =	shalt  }
0x5c: {  	_ =	shalt  }
0x5d: {  	_ =	shalt  }
0x5e: {  	_ =	shalt  }
0x5f: {  	_ =	shalt  }
0x60: {  	_ =	shalt  }
0x61: {  	_ =	shalt  }
0x62: {  	_ =	shalt  }
0x63: {  	_ =	shalt  }
0x64: {  	_ =	shalt  }
0x65: {  	_ =	shalt  }
0x66: {  	_ =	shalt  }
0x67: {  	_ =	shalt  }
0x68: {  	_ =	shalt  }
0x69: {  	_ =	shalt  }
0x6a: {  	_ =	shalt  }
0x6b: {  	_ =	shalt  }
0x6c: {  	_ =	shalt  }
0x6d: {  	_ =	shalt  }
0x6e: {  	_ =	shalt  }
0x6f: {  	_ =	shalt  }
0x70: {  	_ =	shalt  }
0x71: {  	_ =	shalt  }
0x72: {  	_ =	shalt  }
0x73: {  	_ =	shalt  }
0x74: {  	_ =	shalt  }
0x75: {  	_ =	shalt  }
0x76: {  	_ =	shalt  }
0x77: {  	_ =	shalt  }
0x78: {  	_ =	shalt  }
0x79: {  	_ =	shalt  }
0x7a: {  	_ =	shalt  }
0x7b: {  	_ =	shalt  }
0x7c: {  	_ =	shalt  }
0x7d: {  	_ =	shalt  }
0x7e: {  	_ =	shalt  }
0x7f: {  	_ =	shalt  }
0x80: {  	_ =	shalt  }
0x81: {  	_ =	shalt  }
0x82: {  	_ =	shalt  }
0x83: {  	_ =	shalt  }
0x84: {  	_ =	shalt  }
0x85: {  	_ =	shalt  }
0x86: {  	_ =	shalt  }
0x87: {  	_ =	shalt  }
.Lfunc_end0:
.L_simem_size_0:
called_computation.1_lowered:
.L_overlay_start_0:
0x88: {  	s2 =	sld [smem:$0x3FD9]  }
0x89: {  	s3 =	sld [smem:$0x3FFE];
	_ =	sdelay $0x1  }
0x8a: {  	s1 =	srdreg.scid  }
0x8b: {  	s0 =	sand.u32 $0x1, s1  }
0x8c: {  	s17 =	sshll.u32 s0, $0xA;
	s2 =	sadd.s32 s3, s2  }
0x8d: {  	s2 =	sadd.s32 s2, s17  }
0x8e: {  	[smem:$0x3FC5] =	sst s2  }
0x8f: {  	_ = 	snop  }
0x90: {  	s18 =	sld [smem:$0x3FC7]  }
0x91: {  	s4 =	sld [smem:$0x3FD0];
	(tm) =	ssettm $0x1  }
0x92: {  	s19 =	sld [smem:$0x3FFB];
	_ =	sdelay $0x3  }
0x93: {  	_ =	strace s19  }
0x94: {  	s2 =	sld [smem:$0x3FFC];
	_ =	sdelay $0x3  }
0x95: {  	_ =	strace s2  }
0x96: {  	s2 =	sld [smem:$0x3FFD];
	_ =	sdelay $0x3  }
0x97: {  	_ =	strace s2  }
0x98: {  	_ =	strace $0x8FFFFFFF  }
0x99: {  	s20 =	sld [smem:$0x3FDB];
	_ =	sdelay $0x1  }
0x9a: {  	s5 =	simm.s32 $_scs_section_size  }
0x9b: {  	s6 =	simm.s32 $_size__tile_overlayer_lowered;
	s7 =	simm.s32 $_tile_overlayer_lowered  }
0x9c: {  	s8 =	simm.s32 $0x1BFF;
	s21 =	sshll.u32 s7, $0x1;
	s5 =	sadd.s32 s5, s20  }
0x9d: {  	s22 =	simm.s32 $0x0;
	s6 =	sshll.u32 s6, $0x1;
	s7 =	sadd.s32 s21, s5  }
0x9e: {  	[timem:s22], [sflag:s8] =	dma.local [hbm:s7], s6  }
0x9f: {  	_ =	swait.ge [sflag:s8], s6  }
0xa0: {  	s6 =	ssub.s32 $0x0, s6;
	[sflag:s8] =	ssyncset.done $0x0  }
0xa1: {  	[sflag:s8] =	ssyncadd.s32 s6;
	_ =	sdelay $0x1  }
0xa2: {  	s23 =	simm.s32 $0x1B8B  }
0xa3: {  	_ =	swait.ge [sflag:s23], $0x1  }
0xa4: {  	[sflag:s23] =	ssyncset.done $0x0  }
0xa5: {  	[sflag:s23] =	ssyncadd.s32 $0xFFFFFFFF  }
0xa6: {  	s6 =	sld [smem:$0x0]  }
0xa7: {  	s7 =	sand.u32 $0xFFFFFFFE, s1  }
0xa8: {  	p0 =	sne.s32 s1, s7  }
0xa9: {  	s7 =	sshll.u32 @p0 s7, $0xE  }
0xaa: {  	s7 =	sadd.s32 @p0 $0x11B8D, s7;
	s8 =	sshll.u32 @p0 s6, $0x11  }
0xab: {  	s7 =	sor.u32 @p0 s8, s7  }
0xac: {  	[sflag:s7] =	ssyncadd.remote.s32 @p0 $0x1;
	_ =	sdelay $0x1  }
0xad: {  	s7 =	simm.s32 @p0 $0x1B8D  }
0xae: {  	_ =	swait.eq @p0 [sflag:s7], $0x1  }
0xaf: {  	[sflag:s7] =	ssyncadd.s32 @p0 $0xFFFFFFFF  }
0xb0: {  	s8 =	sshll.u32 @!p0 s1, $0xE  }
0xb1: {  	s8 =	sor.u32 @!p0 $0x4000, s8;
	s7 =	simm.s32 @!p0 $0x1B8D  }
0xb2: {  	s6 =	sshll.u32 @!p0 s6, $0x11;
	s8 =	sadd.s32 @!p0 $0x11B8D, s8;
	_ =	swait.eq @!p0 [sflag:s7], $0x1  }
0xb3: {  	s6 =	sor.u32 @!p0 s6, s8;
	[sflag:s7] =	ssyncadd.s32 @!p0 $0xFFFFFFFF  }
0xb4: {  	s25 =	simm.s32 $0x1B8E;
	s24 =	sld [smem:$0x3FFE];
	[sflag:s6] =	ssyncadd.remote.s32 @!p0 $0x1  }
0xb5: {  	s26 =	simm.s32 $execute0_lowered;
	[smem:$0x3FD2] =	sst s25  }
0xb6: {  	s7 =	sshll.u32 s26, $0x1;
	_ =	strace $0x80000049;
	[dreg:$0x1] =	wrdreg $0xFFFFFFFF  }
0xb7: {  	s28 =	simm.s32 $_size_execute0_lowered;
	s5 =	sadd.s32 s5, s7;
	[dreg:$0x0] =	wrdreg $0x0  }
0xb8: {  	s7 =	sshll.u32 s28, $0x1;
	[dreg:$0x2] =	wrdreg s5  }
0xb9: {  	[dreg:$0x3] =	wrdreg s7  }
0xba: {  	[dreg:$0x4] =	wrdreg $0xC0  }
0xbb: {  	_ =	task [dreg:s22], $0x5FFFF  }
0xbc: {  	[dreg:$0x1] =	wrdreg $0xFFFFFFFF  }
0xbd: {  	[dreg:$0x0] =	wrdreg $0x60  }
0xbe: {  	[dreg:$0x2] =	wrdreg s24  }
0xbf: {  	[dreg:$0x3] =	wrdreg s18  }
0xc0: {  	[dreg:$0x4] =	wrdreg s4  }
0xc1: {  	[dreg:$0x5] =	wrdreg $0xA  }
0xc2: {  	_ =	task.clear_ibuf [dreg:s22], $0x6FFFF;
	_ =	strace $0x90000049  }
0xc3: {  	s29 =	simm.s32 $0xA;
	_ =	strace $0x8000004B  }
0xc4: {  	_ =	swait.ge [sflag:s29], $0x1  }
0xc5: {  	[sflag:s29] =	ssyncadd.s32 $0xFFFFFFFF  }
0xc6: {  	_ =	strace $0x9000004B  }
0xc7: {  	_ =	sfence  }
0xc8: {  	s30 =	sld [smem:$0x0];
	_ =	sdelay $0x2  }
0xc9: {  	s31 =	sshll.u32 s1, $0xD;
	s1 =	sshrl.u32 s1, $0x2  }
0xca: {  	s4 =	sand.u32 $0x4000, s31;
	s1 =	sadd.s32 s1, s30  }
0xcb: {  	s0 =	sor.u32 s4, s0;
	s1 =	sshll.u32 s1, $0x11  }
0xcc: {  	s0 =	sor.u32 s1, s0  }
0xcd: {  	s0 =	sadd.s32 $0x8F2B, s0  }
0xce: {  	[sflag:s0] =	ssyncadd.remote.s32 $0x1  }
0xcf: {  	_ =	sfence.sel $0xFFFF  }
0xd0: {  	[dreg:$0x0] =	wrdreg $0xFFFFFFFF;
	(pc) =	sbr.abs _section_cstart, $3  }
0xd1: {  	[dreg:$0x1] =	wrdreg $0xFFFFFFFF  }
0xd2: {  	_ =	task.clear_ibuf [dreg:s22], $0x2FFFF;
	_ =	strace $0x9FFFFFFF  }
0xd3: {  	(tm) =	ssettm $0x7FFFFFFF  }
tec
execute0_lowered:
.L_overlay_start_1:
0x0: {  	(tag) =	ssettag $0x1  }
0x1: {  	v0 =	vlaneseq.u32  }
0x2: {  	v0 =	vmul.u32 $0x10, v0  }
0x3: {  	v2 =	vimm.f32 $0.0e+00  }
0x4: {  	v3 =	vor.u32 $0x1, v0;
	v4 =	vor.u32 $0x2, v0;
	v5 =	vor.u32 $0x100, v0  }
0x5: {  	v6 =	vor.u32 $0x101, v0;
	v7 =	vor.u32 $0x102, v0;
	v8 =	vor.u32 $0x200, v0  }
0x6: {  	v9 =	vor.u32 $0x201, v0;
	v10 =	vor.u32 $0x202, v0;
	v11 =	vor.u32 $0x300, v0  }
0x7: {  	s0 =	stileid.u32;
	s5 =	rddreg [dreg:$0x0];
	v12 =	vor.u32 $0x301, v0;
	v13 =	vor.u32 $0x302, v0;
	v14 =	vor.u32 $0x400, v0  }
0x8: {  	s1 =	srdreg.scid;
	s6 =	rddreg [dreg:$0x1];
	v15 =	vor.u32 $0x401, v0;
	v16 =	vor.u32 $0x402, v0;
	v17 =	vor.u32 $0x500, v0  }
0x9: {  	s7 =	rddreg [dreg:$0x2];
	s10 =	simm.s32 $0x200;
	s11 =	simm.s32 $0x180;
	v18 =	vor.u32 $0x501, v0;
	v19 =	vor.u32 $0x502, v0;
	v20 =	vor.u32 $0x600, v0  }
0xa: {  	s12 =	simm.s32 $0xA00;
	s13 =	simm.s32 $0x1;
	s14 =	simm.s32 $0x800;
	v21 =	vor.u32 $0x601, v0;
	v22 =	vor.u32 $0x602, v0;
	v23 =	vor.u32 $0x700, v0  }
0xb: {  	s15 =	simm.s32 $0x1200;
	s2 =	sshll.u32 s0, $0x1;
	s3 =	sand.u32 $0x1, s1;
	v24 =	vor.u32 $0x701, v0;
	v25 =	vor.u32 $0x702, v0;
	v26 =	vor.u32 $0x800, v0  }
0xc: {  	s8 =	sshll.u32 s0, $0x7;
	s28 =	sand.u32 $0x2, s2;
	s2 =	simm.s32 $0x0;
	v27 =	vor.u32 $0x801, v0;
	v28 =	vor.u32 $0x802, v0;
	v29 =	vor.u32 $0x900, v0  }
0xd: {  	s9 =	ssub.s32 $0x2, s3;
	s8 =	sand.u32 $0x700, s8;
	s4 =	sor.u32 s3, s28;
	v30 =	vor.u32 $0x901, v0;
	v31 =	vor.u32 $0x902, v0;
	v32 =	vor.u32 $0xA00, v0  }
0xe: {  	[smem:$0x7FF] =	sst s2;
	s3 =	sadd.s32 $0xC00, s5;
	s29 =	sshrl.u32 s9, $0x1;
	v33 =	vor.u32 $0xA01, v0;
	v34 =	vor.u32 $0xA02, v0;
	v35 =	vor.u32 $0xB00, v0  }
0xf: {  	s30 =	sshrl.u32 s8, $0x3;
	v36 =	vor.u32 $0xB01, v0;
	v37 =	vor.u32 $0xB02, v0;
	v38 =	vor.u32 $0xC00, v0;
	s1 =	sshll.u32 s4, $0xC;
	s4 =	sshll.u32 s4, $0xE  }
0x10: {  	v39 =	vor.u32 $0xC01, v0;
	v40 =	vor.u32 $0xC02, v0;
	v41 =	vor.u32 $0xD00, v0;
	s9 =	ssub.s32 s9, s29;
	s1 =	sor.u32 $0x4000, s1;
	s4 =	sor.u32 s8, s4  }
0x11: {  	v42 =	vor.u32 $0xD01, v0;
	v43 =	vor.u32 $0xD02, v0;
	s8 =	simm.s32 $0x80;
	v1 =	vmov s1;
	s1 =	rddreg [dreg:$0x3];
	_ =	strace $0x8000004A  }
0x12: {  	v44 =	vor.u32 $0xE00, v0;
	v45 =	vor.u32 $0xE01, v0;
	v46 =	vor.u32 $0xE02, v0;
	s31 =	sshrl.u32 s4, $0x3;
	s4 =	sadd.s32 s6, s30;
	s6 =	smax.u32 s9, $0x1  }
0x13: {  	v47 =	vor.u32 $0xF00, v0;
	v48 =	vor.u32 $0xF01, v0;
	v49 =	vor.u32 $0xF02, v0;
	s9 =	simm.s32 $0x100;
	s5 =	sadd.s32 s7, s31;
	s7 =	simm.s32 $0x2  }
.LBB2_1:
0x14: {  	[tilespmem:s2], [sflag:$0x2] =	stream.linear.gather [hbm4b:s4+s2], $0x100, $0x38;
	[tilespmem:$0x1A00] =	vst v63  }
0x15: {  	_ =	swait.ge [sflag:s7], $0x100  }
0x16: {  	[sflag:s7] =	ssyncset.done $0x0  }
0x17: {  	[sflag:s7] =	ssyncadd.s32 $0xFFFFFF00  }
0x18: {  	v50 =	vld [tilespmem:$0x0]  }
0x19: {  	v51 =	vld [tilespmem:$0x10]  }
0x1a: {  	v52 =	vld [tilespmem:$0x20]  }
0x1b: {  	v53 =	vld [tilespmem:$0x30]  }
0x1c: {  	v54 =	vld [tilespmem:$0x40]  }
0x1d: {  	v55 =	vld [tilespmem:$0x50];
	v50 =	vadd.s32 v1, v50  }
0x1e: {  	v62 =	vld [tilespmem:$0x60];
	v61 =	vadd.s32 v1, v51;
	[tilespmem:$0x100] =	vst v50  }
0x1f: {  	v57 =	vld [tilespmem:$0x80];
	v63 =	vadd.s32 v1, v52;
	[tilespmem:$0x110] =	vst v61  }
0x20: {  	v59 =	vld [tilespmem:$0x90];
	v56 =	vadd.s32 v1, v53;
	[tilespmem:$0x120] =	vst v63  }
0x21: {  	v52 =	vld [tilespmem:$0x70];
	v58 =	vadd.s32 v1, v54;
	[tilespmem:$0x130] =	vst v56  }
0x22: {  	v60 =	vadd.s32 v1, v55;
	[tilespmem:$0x140] =	vst v58;
	v61 =	vld [tilespmem:$0xA0]  }
0x23: {  	v62 =	vadd.s32 v1, v62;
	[tilespmem:$0x150] =	vst v60;
	v63 =	vld [tilespmem:$0xB0]  }
0x24: {  	v57 =	vadd.s32 v1, v57;
	[tilespmem:$0x160] =	vst v62;
	v58 =	vld [tilespmem:$0xD0]  }
0x25: {  	v59 =	vadd.s32 v1, v59;
	[tilespmem:$0x180] =	vst v57;
	v60 =	vld [tilespmem:$0xE0]  }
0x26: {  	[tilespmem:$0x190] =	vst v59;
	v62 =	vld [tilespmem:$0xF0];
	v56 =	vadd.s32 v1, v52  }
0x27: {  	v52 =	vld [tilespmem:$0xC0];
	[tilespmem:$0x170] =	vst v56;
	v61 =	vadd.s32 v1, v61  }
0x28: {  	v63 =	vadd.s32 v1, v63;
	[tilespmem:$0x1A0] =	vst v61  }
0x29: {  	v56 =	vadd.s32 v1, v58;
	[tilespmem:$0x1B0] =	vst v63  }
0x2a: {  	v57 =	vadd.s32 v1, v60;
	[tilespmem:$0x1D0] =	vst v56  }
0x2b: {  	v58 =	vadd.s32 v1, v62;
	[tilespmem:$0x1E0] =	vst v57  }
0x2c: {  	[tilespmem:$0x1F0] =	vst v58;
	v52 =	vadd.s32 v1, v52  }
0x2d: {  	[tilespmem:$0x1C0] =	vst v52  }
0x2e: {  	[tilespmem:s10], [sflag:$0x1] =	stream.indirect.gather [hbm4b:s3+s8], $0x10, s9, s8, $0xb8;
	[tilespmem:$0x1A00] =	vst v63  }
0x2f: {  	_ = 	snop  }
0x30: {  	[tilespmem:s12], [sflag:$0x1] =	stream.indirect.gather [hbm4b:s3+s8], $0x10, s11, s8, $0xb8;
	[tilespmem:$0x1A00] =	vst v63  }
0x31: {  	[tilespmem:$0x1800] =	vst v2  }
0x32: {  	[tilespmem:$0x1810] =	vst v2  }
0x33: {  	[tilespmem:$0x1820] =	vst v2  }
0x34: {  	[tilespmem:$0x1830] =	vst v2  }
0x35: {  	[tilespmem:$0x1840] =	vst v2  }
0x36: {  	[tilespmem:$0x1850] =	vst v2  }
0x37: {  	[tilespmem:$0x1860] =	vst v2  }
0x38: {  	[tilespmem:$0x1870] =	vst v2  }
0x39: {  	[tilespmem:$0x1880] =	vst v2  }
0x3a: {  	[tilespmem:$0x1890] =	vst v2  }
0x3b: {  	[tilespmem:$0x18A0] =	vst v2  }
0x3c: {  	[tilespmem:$0x18B0] =	vst v2  }
0x3d: {  	[tilespmem:$0x18C0] =	vst v2  }
0x3e: {  	[tilespmem:$0x18D0] =	vst v2  }
0x3f: {  	[tilespmem:$0x18E0] =	vst v2  }
0x40: {  	[tilespmem:$0x18F0] =	vst v2  }
0x41: {  	[tilespmem:$0x1900] =	vst v2  }
0x42: {  	[tilespmem:$0x1910] =	vst v2  }
0x43: {  	[tilespmem:$0x1920] =	vst v2  }
0x44: {  	[tilespmem:$0x1930] =	vst v2  }
0x45: {  	[tilespmem:$0x1940] =	vst v2  }
0x46: {  	[tilespmem:$0x1950] =	vst v2  }
0x47: {  	[tilespmem:$0x1960] =	vst v2  }
0x48: {  	[tilespmem:$0x1970] =	vst v2  }
0x49: {  	[tilespmem:$0x1980] =	vst v2  }
0x4a: {  	[tilespmem:$0x1990] =	vst v2  }
0x4b: {  	[tilespmem:$0x19A0] =	vst v2  }
0x4c: {  	[tilespmem:$0x19B0] =	vst v2  }
0x4d: {  	[tilespmem:$0x19C0] =	vst v2  }
0x4e: {  	[tilespmem:$0x19D0] =	vst v2  }
0x4f: {  	[tilespmem:$0x19E0] =	vst v2  }
0x50: {  	[tilespmem:$0x19F0] =	vst v2  }
0x51: {  	_ =	swait.ge [sflag:s13], $0x800  }
0x52: {  	[sflag:s13] =	ssyncset.done $0x0  }
0x53: {  	[sflag:s13] =	ssyncadd.s32 $0xFFFFF800  }
0x54: {  	_ =	swait.ge [sflag:s13], $0x800  }
0x55: {  	[sflag:s13] =	ssyncset.done $0x0  }
0x56: {  	[sflag:s13] =	ssyncadd.s32 $0xFFFFF800  }
0x57: {  	v59 =	vld.idx.msk [tilespmem:v0+s10+$0x0], $0xffff  }
0x58: {  	v60 =	vld.idx.msk [tilespmem:v3+s10+$0x0], $0xffff;
	_ =	sdelay $0x1  }
0x59: {  	v61 =	vld.idx.msk [tilespmem:v4+s10+$0x0], $0xffff;
	_ =	sdelay $0x2  }
0x5a: {  	v62 =	vmul.f32 v59, v59;
	v63 =	vmul.f32 v60, v60;
	_ =	sdelay $0x1  }
0x5b: {  	v57 =	vmul.f32 v61, v61;
	v53 =	vadd.f32 v63, v62;
	_ =	sdelay $0x1  }
0x5c: {  	v53 =	vadd.f32 v57, v53;
	_ =	sdelay $0x1  }
0x5d: {  	v54 =	vshrl.u32 v53, $0x10  }
0x5e: {  	v54 =	vand.u32 $0x1, v54  }
0x5f: {  	v54 =	vadd.s32 v54, v53  }
0x60: {  	v54 =	vadd.s32 $0x7FFF, v54  }
0x61: {  	v54 =	vand.u32 $0xFFFF0000, v54  }
0x62: {  	v53 =	vsub.f32 v53, v54;
	_ =	sdelay $0x1  }
0x63: {  	v58 =	vshrl.u32 v53, $0x10  }
0x64: {  	v55 =	vand.u32 $0x1, v58  }
0x65: {  	v55 =	vadd.s32 v55, v53  }
0x66: {  	v55 =	vadd.s32 $0x7FFF, v55  }
0x67: {  	v55 =	vand.u32 $0xFFFF0000, v55  }
0x68: {  	v50 =	vmul.f32 $-2.000000000e+00, v59;
	v53 =	vsub.f32 v53, v55  }
0x69: {  	v51 =	vmul.f32 $-2.000000000e+00, v60  }
0x6a: {  	v59 =	vmul.f32 $-2.000000000e+00, v61;
	[tilespmem:$0x1200] =	vst v50;
	v60 =	vshrl.u32 v53, $0x10  }
0x6b: {  	[tilespmem:$0x1300] =	vst v51;
	v61 =	vand.u32 $0x1, v60  }
0x6c: {  	[tilespmem:$0x1400] =	vst v59;
	v62 =	vadd.s32 v61, v53  }
0x6d: {  	[tilespmem:$0x1500] =	vst v54;
	v50 =	vadd.s32 $0x7FFF, v62  }
0x6e: {  	[tilespmem:$0x1600] =	vst v55;
	v50 =	vand.u32 $0xFFFF0000, v50  }
0x6f: {  	[tilespmem:$0x1700] =	vst v50  }
0x70: {  	v50 =	vld.idx.msk [tilespmem:v5+s10+$0x0], $0xffff  }
0x71: {  	v63 =	vld.idx.msk [tilespmem:v6+s10+$0x0], $0xffff;
	_ =	sdelay $0x1  }
0x72: {  	v57 =	vld.idx.msk [tilespmem:v7+s10+$0x0], $0xffff;
	_ =	sdelay $0x2  }
0x73: {  	v58 =	vmul.f32 v50, v50;
	v59 =	vmul.f32 v63, v63;
	_ =	sdelay $0x1  }
0x74: {  	v60 =	vmul.f32 v57, v57;
	v53 =	vadd.f32 v59, v58;
	_ =	sdelay $0x1  }
0x75: {  	v53 =	vadd.f32 v60, v53;
	_ =	sdelay $0x1  }
0x76: {  	v54 =	vshrl.u32 v53, $0x10  }
0x77: {  	v54 =	vand.u32 $0x1, v54  }
0x78: {  	v54 =	vadd.s32 v54, v53  }
0x79: {  	v54 =	vadd.s32 $0x7FFF, v54  }
0x7a: {  	v54 =	vand.u32 $0xFFFF0000, v54  }
0x7b: {  	v53 =	vsub.f32 v53, v54;
	_ =	sdelay $0x1  }
0x7c: {  	v61 =	vshrl.u32 v53, $0x10  }
0x7d: {  	v55 =	vand.u32 $0x1, v61  }
0x7e: {  	v55 =	vadd.s32 v55, v53  }
0x7f: {  	v55 =	vadd.s32 $0x7FFF, v55  }
0x80: {  	v55 =	vand.u32 $0xFFFF0000, v55  }
0x81: {  	v50 =	vmul.f32 $-2.000000000e+00, v50;
	v53 =	vsub.f32 v53, v55  }
0x82: {  	v51 =	vmul.f32 $-2.000000000e+00, v63  }
0x83: {  	v62 =	vmul.f32 $-2.000000000e+00, v57;
	[tilespmem:$0x1210] =	vst v50;
	v63 =	vshrl.u32 v53, $0x10  }
0x84: {  	[tilespmem:$0x1310] =	vst v51;
	v56 =	vand.u32 $0x1, v63  }
0x85: {  	[tilespmem:$0x1410] =	vst v62;
	v57 =	vadd.s32 v56, v53  }
0x86: {  	[tilespmem:$0x1510] =	vst v54;
	v50 =	vadd.s32 $0x7FFF, v57  }
0x87: {  	[tilespmem:$0x1610] =	vst v55;
	v50 =	vand.u32 $0xFFFF0000, v50  }
0x88: {  	[tilespmem:$0x1710] =	vst v50  }
0x89: {  	v50 =	vld.idx.msk [tilespmem:v8+s10+$0x0], $0xffff  }
0x8a: {  	v58 =	vld.idx.msk [tilespmem:v9+s10+$0x0], $0xffff;
	_ =	sdelay $0x1  }
0x8b: {  	v59 =	vld.idx.msk [tilespmem:v10+s10+$0x0], $0xffff;
	_ =	sdelay $0x2  }
0x8c: {  	v60 =	vmul.f32 v50, v50;
	v61 =	vmul.f32 v58, v58;
	_ =	sdelay $0x1  }
0x8d: {  	v62 =	vmul.f32 v59, v59;
	v53 =	vadd.f32 v61, v60;
	_ =	sdelay $0x1  }
0x8e: {  	v53 =	vadd.f32 v62, v53;
	_ =	sdelay $0x1  }
0x8f: {  	v54 =	vshrl.u32 v53, $0x10  }
0x90: {  	v54 =	vand.u32 $0x1, v54  }
0x91: {  	v54 =	vadd.s32 v54, v53  }
0x92: {  	v54 =	vadd.s32 $0x7FFF, v54  }
0x93: {  	v54 =	vand.u32 $0xFFFF0000, v54  }
0x94: {  	v53 =	vsub.f32 v53, v54;
	_ =	sdelay $0x1  }
0x95: {  	v63 =	vshrl.u32 v53, $0x10  }
0x96: {  	v55 =	vand.u32 $0x1, v63  }
0x97: {  	v55 =	vadd.s32 v55, v53  }
0x98: {  	v55 =	vadd.s32 $0x7FFF, v55  }
0x99: {  	v55 =	vand.u32 $0xFFFF0000, v55  }
0x9a: {  	v50 =	vmul.f32 $-2.000000000e+00, v50;
	v53 =	vsub.f32 v53, v55  }
0x9b: {  	v51 =	vmul.f32 $-2.000000000e+00, v58  }
0x9c: {  	v56 =	vmul.f32 $-2.000000000e+00, v59;
	[tilespmem:$0x1220] =	vst v50;
	v57 =	vshrl.u32 v53, $0x10  }
0x9d: {  	[tilespmem:$0x1320] =	vst v51;
	v58 =	vand.u32 $0x1, v57  }
0x9e: {  	[tilespmem:$0x1420] =	vst v56;
	v59 =	vadd.s32 v58, v53  }
0x9f: {  	[tilespmem:$0x1520] =	vst v54;
	v50 =	vadd.s32 $0x7FFF, v59  }
0xa0: {  	[tilespmem:$0x1620] =	vst v55;
	v50 =	vand.u32 $0xFFFF0000, v50  }
0xa1: {  	[tilespmem:$0x1720] =	vst v50  }
0xa2: {  	v50 =	vld.idx.msk [tilespmem:v11+s10+$0x0], $0xffff  }
0xa3: {  	v60 =	vld.idx.msk [tilespmem:v12+s10+$0x0], $0xffff;
	_ =	sdelay $0x1  }
0xa4: {  	v61 =	vld.idx.msk [tilespmem:v13+s10+$0x0], $0xffff;
	_ =	sdelay $0x2  }
0xa5: {  	v62 =	vmul.f32 v50, v50;
	v63 =	vmul.f32 v60, v60;
	_ =	sdelay $0x1  }
0xa6: {  	v57 =	vmul.f32 v61, v61;
	v53 =	vadd.f32 v63, v62;
	_ =	sdelay $0x1  }
0xa7: {  	v53 =	vadd.f32 v57, v53;
	_ =	sdelay $0x1  }
0xa8: {  	v54 =	vshrl.u32 v53, $0x10  }
0xa9: {  	v54 =	vand.u32 $0x1, v54  }
0xaa: {  	v54 =	vadd.s32 v54, v53  }
0xab: {  	v54 =	vadd.s32 $0x7FFF, v54  }
0xac: {  	v54 =	vand.u32 $0xFFFF0000, v54  }
0xad: {  	v53 =	vsub.f32 v53, v54;
	_ =	sdelay $0x1  }
0xae: {  	v58 =	vshrl.u32 v53, $0x10  }
0xaf: {  	v55 =	vand.u32 $0x1, v58  }
0xb0: {  	v55 =	vadd.s32 v55, v53  }
0xb1: {  	v55 =	vadd.s32 $0x7FFF, v55  }
0xb2: {  	v55 =	vand.u32 $0xFFFF0000, v55  }
0xb3: {  	v50 =	vmul.f32 $-2.000000000e+00, v50;
	v53 =	vsub.f32 v53, v55  }
0xb4: {  	v51 =	vmul.f32 $-2.000000000e+00, v60  }
0xb5: {  	v59 =	vmul.f32 $-2.000000000e+00, v61;
	[tilespmem:$0x1230] =	vst v50;
	v60 =	vshrl.u32 v53, $0x10  }
0xb6: {  	[tilespmem:$0x1330] =	vst v51;
	v61 =	vand.u32 $0x1, v60  }
0xb7: {  	[tilespmem:$0x1430] =	vst v59;
	v62 =	vadd.s32 v61, v53  }
0xb8: {  	[tilespmem:$0x1530] =	vst v54;
	v50 =	vadd.s32 $0x7FFF, v62  }
0xb9: {  	[tilespmem:$0x1630] =	vst v55;
	v50 =	vand.u32 $0xFFFF0000, v50  }
0xba: {  	[tilespmem:$0x1730] =	vst v50  }
0xbb: {  	v50 =	vld.idx.msk [tilespmem:v14+s10+$0x0], $0xffff  }
0xbc: {  	v63 =	vld.idx.msk [tilespmem:v15+s10+$0x0], $0xffff;
	_ =	sdelay $0x1  }
0xbd: {  	v57 =	vld.idx.msk [tilespmem:v16+s10+$0x0], $0xffff;
	_ =	sdelay $0x2  }
0xbe: {  	v58 =	vmul.f32 v50, v50;
	v59 =	vmul.f32 v63, v63;
	_ =	sdelay $0x1  }
0xbf: {  	v60 =	vmul.f32 v57, v57;
	v53 =	vadd.f32 v59, v58;
	_ =	sdelay $0x1  }
0xc0: {  	v53 =	vadd.f32 v60, v53;
	_ =	sdelay $0x1  }
0xc1: {  	v54 =	vshrl.u32 v53, $0x10  }
0xc2: {  	v54 =	vand.u32 $0x1, v54  }
0xc3: {  	v54 =	vadd.s32 v54, v53  }
0xc4: {  	v54 =	vadd.s32 $0x7FFF, v54  }
0xc5: {  	v54 =	vand.u32 $0xFFFF0000, v54  }
0xc6: {  	v53 =	vsub.f32 v53, v54;
	_ =	sdelay $0x1  }
0xc7: {  	v61 =	vshrl.u32 v53, $0x10  }
0xc8: {  	v55 =	vand.u32 $0x1, v61  }
0xc9: {  	v55 =	vadd.s32 v55, v53  }
0xca: {  	v55 =	vadd.s32 $0x7FFF, v55  }
0xcb: {  	v55 =	vand.u32 $0xFFFF0000, v55  }
0xcc: {  	v50 =	vmul.f32 $-2.000000000e+00, v50;
	v53 =	vsub.f32 v53, v55  }
0xcd: {  	v51 =	vmul.f32 $-2.000000000e+00, v63  }
0xce: {  	v62 =	vmul.f32 $-2.000000000e+00, v57;
	[tilespmem:$0x1240] =	vst v50;
	v63 =	vshrl.u32 v53, $0x10  }
0xcf: {  	[tilespmem:$0x1340] =	vst v51;
	v56 =	vand.u32 $0x1, v63  }
0xd0: {  	[tilespmem:$0x1440] =	vst v62;
	v57 =	vadd.s32 v56, v53  }
0xd1: {  	[tilespmem:$0x1540] =	vst v54;
	v50 =	vadd.s32 $0x7FFF, v57  }
0xd2: {  	[tilespmem:$0x1640] =	vst v55;
	v50 =	vand.u32 $0xFFFF0000, v50  }
0xd3: {  	[tilespmem:$0x1740] =	vst v50  }
0xd4: {  	v50 =	vld.idx.msk [tilespmem:v17+s10+$0x0], $0xffff  }
0xd5: {  	v58 =	vld.idx.msk [tilespmem:v18+s10+$0x0], $0xffff;
	_ =	sdelay $0x1  }
0xd6: {  	v59 =	vld.idx.msk [tilespmem:v19+s10+$0x0], $0xffff;
	_ =	sdelay $0x2  }
0xd7: {  	v60 =	vmul.f32 v50, v50;
	v61 =	vmul.f32 v58, v58;
	_ =	sdelay $0x1  }
0xd8: {  	v62 =	vmul.f32 v59, v59;
	v53 =	vadd.f32 v61, v60;
	_ =	sdelay $0x1  }
0xd9: {  	v53 =	vadd.f32 v62, v53;
	_ =	sdelay $0x1  }
0xda: {  	v54 =	vshrl.u32 v53, $0x10  }
0xdb: {  	v54 =	vand.u32 $0x1, v54  }
0xdc: {  	v54 =	vadd.s32 v54, v53  }
0xdd: {  	v54 =	vadd.s32 $0x7FFF, v54  }
0xde: {  	v54 =	vand.u32 $0xFFFF0000, v54  }
0xdf: {  	v53 =	vsub.f32 v53, v54;
	_ =	sdelay $0x1  }
0xe0: {  	v63 =	vshrl.u32 v53, $0x10  }
0xe1: {  	v55 =	vand.u32 $0x1, v63  }
0xe2: {  	v55 =	vadd.s32 v55, v53  }
0xe3: {  	v55 =	vadd.s32 $0x7FFF, v55  }
0xe4: {  	v55 =	vand.u32 $0xFFFF0000, v55  }
0xe5: {  	v50 =	vmul.f32 $-2.000000000e+00, v50;
	v53 =	vsub.f32 v53, v55  }
0xe6: {  	v51 =	vmul.f32 $-2.000000000e+00, v58  }
0xe7: {  	v56 =	vmul.f32 $-2.000000000e+00, v59;
	[tilespmem:$0x1250] =	vst v50;
	v57 =	vshrl.u32 v53, $0x10  }
0xe8: {  	[tilespmem:$0x1350] =	vst v51;
	v58 =	vand.u32 $0x1, v57  }
0xe9: {  	[tilespmem:$0x1450] =	vst v56;
	v59 =	vadd.s32 v58, v53  }
0xea: {  	[tilespmem:$0x1550] =	vst v54;
	v50 =	vadd.s32 $0x7FFF, v59  }
0xeb: {  	[tilespmem:$0x1650] =	vst v55;
	v50 =	vand.u32 $0xFFFF0000, v50  }
0xec: {  	[tilespmem:$0x1750] =	vst v50  }
0xed: {  	v50 =	vld.idx.msk [tilespmem:v20+s10+$0x0], $0xffff  }
0xee: {  	v60 =	vld.idx.msk [tilespmem:v21+s10+$0x0], $0xffff;
	_ =	sdelay $0x1  }
0xef: {  	v61 =	vld.idx.msk [tilespmem:v22+s10+$0x0], $0xffff;
	_ =	sdelay $0x2  }
0xf0: {  	v62 =	vmul.f32 v50, v50;
	v63 =	vmul.f32 v60, v60;
	_ =	sdelay $0x1  }
0xf1: {  	v57 =	vmul.f32 v61, v61;
	v53 =	vadd.f32 v63, v62;
	_ =	sdelay $0x1  }
0xf2: {  	v53 =	vadd.f32 v57, v53;
	_ =	sdelay $0x1  }
0xf3: {  	v54 =	vshrl.u32 v53, $0x10  }
0xf4: {  	v54 =	vand.u32 $0x1, v54  }
0xf5: {  	v54 =	vadd.s32 v54, v53  }
0xf6: {  	v54 =	vadd.s32 $0x7FFF, v54  }
0xf7: {  	v54 =	vand.u32 $0xFFFF0000, v54  }
0xf8: {  	v53 =	vsub.f32 v53, v54;
	_ =	sdelay $0x1  }
0xf9: {  	v58 =	vshrl.u32 v53, $0x10  }
0xfa: {  	v55 =	vand.u32 $0x1, v58  }
0xfb: {  	v55 =	vadd.s32 v55, v53  }
0xfc: {  	v55 =	vadd.s32 $0x7FFF, v55  }
0xfd: {  	v55 =	vand.u32 $0xFFFF0000, v55  }
0xfe: {  	v50 =	vmul.f32 $-2.000000000e+00, v50;
	v53 =	vsub.f32 v53, v55  }
0xff: {  	v51 =	vmul.f32 $-2.000000000e+00, v60  }
0x100: {  	v59 =	vmul.f32 $-2.000000000e+00, v61;
	[tilespmem:$0x1260] =	vst v50;
	v60 =	vshrl.u32 v53, $0x10  }
0x101: {  	[tilespmem:$0x1360] =	vst v51;
	v61 =	vand.u32 $0x1, v60  }
0x102: {  	[tilespmem:$0x1460] =	vst v59;
	v62 =	vadd.s32 v61, v53  }
0x103: {  	[tilespmem:$0x1560] =	vst v54;
	v50 =	vadd.s32 $0x7FFF, v62  }
0x104: {  	[tilespmem:$0x1660] =	vst v55;
	v50 =	vand.u32 $0xFFFF0000, v50  }
0x105: {  	[tilespmem:$0x1760] =	vst v50  }
0x106: {  	v50 =	vld.idx.msk [tilespmem:v23+s10+$0x0], $0xffff  }
0x107: {  	v63 =	vld.idx.msk [tilespmem:v24+s10+$0x0], $0xffff;
	_ =	sdelay $0x1  }
0x108: {  	v57 =	vld.idx.msk [tilespmem:v25+s10+$0x0], $0xffff;
	_ =	sdelay $0x2  }
0x109: {  	v58 =	vmul.f32 v50, v50;
	v59 =	vmul.f32 v63, v63;
	_ =	sdelay $0x1  }
0x10a: {  	v60 =	vmul.f32 v57, v57;
	v53 =	vadd.f32 v59, v58;
	_ =	sdelay $0x1  }
0x10b: {  	v53 =	vadd.f32 v60, v53;
	_ =	sdelay $0x1  }
0x10c: {  	v54 =	vshrl.u32 v53, $0x10  }
0x10d: {  	v54 =	vand.u32 $0x1, v54  }
0x10e: {  	v54 =	vadd.s32 v54, v53  }
0x10f: {  	v54 =	vadd.s32 $0x7FFF, v54  }
0x110: {  	v54 =	vand.u32 $0xFFFF0000, v54  }
0x111: {  	v53 =	vsub.f32 v53, v54;
	_ =	sdelay $0x1  }
0x112: {  	v61 =	vshrl.u32 v53, $0x10  }
0x113: {  	v55 =	vand.u32 $0x1, v61  }
0x114: {  	v55 =	vadd.s32 v55, v53  }
0x115: {  	v55 =	vadd.s32 $0x7FFF, v55  }
0x116: {  	v55 =	vand.u32 $0xFFFF0000, v55  }
0x117: {  	v50 =	vmul.f32 $-2.000000000e+00, v50;
	v53 =	vsub.f32 v53, v55  }
0x118: {  	v51 =	vmul.f32 $-2.000000000e+00, v63  }
0x119: {  	v62 =	vmul.f32 $-2.000000000e+00, v57;
	[tilespmem:$0x1270] =	vst v50;
	v63 =	vshrl.u32 v53, $0x10  }
0x11a: {  	[tilespmem:$0x1370] =	vst v51;
	v56 =	vand.u32 $0x1, v63  }
0x11b: {  	[tilespmem:$0x1470] =	vst v62;
	v57 =	vadd.s32 v56, v53  }
0x11c: {  	[tilespmem:$0x1570] =	vst v54;
	v50 =	vadd.s32 $0x7FFF, v57  }
0x11d: {  	[tilespmem:$0x1670] =	vst v55;
	v50 =	vand.u32 $0xFFFF0000, v50  }
0x11e: {  	[tilespmem:$0x1770] =	vst v50  }
0x11f: {  	v50 =	vld.idx.msk [tilespmem:v26+s10+$0x0], $0xffff  }
0x120: {  	v58 =	vld.idx.msk [tilespmem:v27+s10+$0x0], $0xffff;
	_ =	sdelay $0x1  }
0x121: {  	v59 =	vld.idx.msk [tilespmem:v28+s10+$0x0], $0xffff;
	_ =	sdelay $0x2  }
0x122: {  	v60 =	vmul.f32 v50, v50;
	v61 =	vmul.f32 v58, v58;
	_ =	sdelay $0x1  }
0x123: {  	v62 =	vmul.f32 v59, v59;
	v53 =	vadd.f32 v61, v60;
	_ =	sdelay $0x1  }
0x124: {  	v53 =	vadd.f32 v62, v53;
	_ =	sdelay $0x1  }
0x125: {  	v54 =	vshrl.u32 v53, $0x10  }
0x126: {  	v54 =	vand.u32 $0x1, v54  }
0x127: {  	v54 =	vadd.s32 v54, v53  }
0x128: {  	v54 =	vadd.s32 $0x7FFF, v54  }
0x129: {  	v54 =	vand.u32 $0xFFFF0000, v54  }
0x12a: {  	v53 =	vsub.f32 v53, v54;
	_ =	sdelay $0x1  }
0x12b: {  	v63 =	vshrl.u32 v53, $0x10  }
0x12c: {  	v55 =	vand.u32 $0x1, v63  }
0x12d: {  	v55 =	vadd.s32 v55, v53  }
0x12e: {  	v55 =	vadd.s32 $0x7FFF, v55  }
0x12f: {  	v55 =	vand.u32 $0xFFFF0000, v55  }
0x130: {  	v50 =	vmul.f32 $-2.000000000e+00, v50;
	v53 =	vsub.f32 v53, v55  }
0x131: {  	v51 =	vmul.f32 $-2.000000000e+00, v58  }
0x132: {  	v56 =	vmul.f32 $-2.000000000e+00, v59;
	[tilespmem:$0x1280] =	vst v50;
	v57 =	vshrl.u32 v53, $0x10  }
0x133: {  	[tilespmem:$0x1380] =	vst v51;
	v58 =	vand.u32 $0x1, v57  }
0x134: {  	[tilespmem:$0x1480] =	vst v56;
	v59 =	vadd.s32 v58, v53  }
0x135: {  	[tilespmem:$0x1580] =	vst v54;
	v50 =	vadd.s32 $0x7FFF, v59  }
0x136: {  	[tilespmem:$0x1680] =	vst v55;
	v50 =	vand.u32 $0xFFFF0000, v50  }
0x137: {  	[tilespmem:$0x1780] =	vst v50  }
0x138: {  	v50 =	vld.idx.msk [tilespmem:v29+s10+$0x0], $0xffff  }
0x139: {  	v60 =	vld.idx.msk [tilespmem:v30+s10+$0x0], $0xffff;
	_ =	sdelay $0x1  }
0x13a: {  	v61 =	vld.idx.msk [tilespmem:v31+s10+$0x0], $0xffff;
	_ =	sdelay $0x2  }
0x13b: {  	v62 =	vmul.f32 v50, v50;
	v63 =	vmul.f32 v60, v60;
	_ =	sdelay $0x1  }
0x13c: {  	v57 =	vmul.f32 v61, v61;
	v53 =	vadd.f32 v63, v62;
	_ =	sdelay $0x1  }
0x13d: {  	v53 =	vadd.f32 v57, v53;
	_ =	sdelay $0x1  }
0x13e: {  	v54 =	vshrl.u32 v53, $0x10  }
0x13f: {  	v54 =	vand.u32 $0x1, v54  }
0x140: {  	v54 =	vadd.s32 v54, v53  }
0x141: {  	v54 =	vadd.s32 $0x7FFF, v54  }
0x142: {  	v54 =	vand.u32 $0xFFFF0000, v54  }
0x143: {  	v53 =	vsub.f32 v53, v54;
	_ =	sdelay $0x1  }
0x144: {  	v58 =	vshrl.u32 v53, $0x10  }
0x145: {  	v55 =	vand.u32 $0x1, v58  }
0x146: {  	v55 =	vadd.s32 v55, v53  }
0x147: {  	v55 =	vadd.s32 $0x7FFF, v55  }
0x148: {  	v55 =	vand.u32 $0xFFFF0000, v55  }
0x149: {  	v50 =	vmul.f32 $-2.000000000e+00, v50;
	v53 =	vsub.f32 v53, v55  }
0x14a: {  	v51 =	vmul.f32 $-2.000000000e+00, v60  }
0x14b: {  	v59 =	vmul.f32 $-2.000000000e+00, v61;
	[tilespmem:$0x1290] =	vst v50;
	v60 =	vshrl.u32 v53, $0x10  }
0x14c: {  	[tilespmem:$0x1390] =	vst v51;
	v61 =	vand.u32 $0x1, v60  }
0x14d: {  	[tilespmem:$0x1490] =	vst v59;
	v62 =	vadd.s32 v61, v53  }
0x14e: {  	[tilespmem:$0x1590] =	vst v54;
	v50 =	vadd.s32 $0x7FFF, v62  }
0x14f: {  	[tilespmem:$0x1690] =	vst v55;
	v50 =	vand.u32 $0xFFFF0000, v50  }
0x150: {  	[tilespmem:$0x1790] =	vst v50  }
0x151: {  	v50 =	vld.idx.msk [tilespmem:v32+s10+$0x0], $0xffff  }
0x152: {  	v63 =	vld.idx.msk [tilespmem:v33+s10+$0x0], $0xffff;
	_ =	sdelay $0x1  }
0x153: {  	v57 =	vld.idx.msk [tilespmem:v34+s10+$0x0], $0xffff;
	_ =	sdelay $0x2  }
0x154: {  	v58 =	vmul.f32 v50, v50;
	v59 =	vmul.f32 v63, v63;
	_ =	sdelay $0x1  }
0x155: {  	v60 =	vmul.f32 v57, v57;
	v53 =	vadd.f32 v59, v58;
	_ =	sdelay $0x1  }
0x156: {  	v53 =	vadd.f32 v60, v53;
	_ =	sdelay $0x1  }
0x157: {  	v54 =	vshrl.u32 v53, $0x10  }
0x158: {  	v54 =	vand.u32 $0x1, v54  }
0x159: {  	v54 =	vadd.s32 v54, v53  }
0x15a: {  	v54 =	vadd.s32 $0x7FFF, v54  }
0x15b: {  	v54 =	vand.u32 $0xFFFF0000, v54  }
0x15c: {  	v53 =	vsub.f32 v53, v54;
	_ =	sdelay $0x1  }
0x15d: {  	v61 =	vshrl.u32 v53, $0x10  }
0x15e: {  	v55 =	vand.u32 $0x1, v61  }
0x15f: {  	v55 =	vadd.s32 v55, v53  }
0x160: {  	v55 =	vadd.s32 $0x7FFF, v55  }
0x161: {  	v55 =	vand.u32 $0xFFFF0000, v55  }
0x162: {  	v50 =	vmul.f32 $-2.000000000e+00, v50;
	v53 =	vsub.f32 v53, v55  }
0x163: {  	v51 =	vmul.f32 $-2.000000000e+00, v63  }
0x164: {  	v62 =	vmul.f32 $-2.000000000e+00, v57;
	[tilespmem:$0x12A0] =	vst v50;
	v63 =	vshrl.u32 v53, $0x10  }
0x165: {  	[tilespmem:$0x13A0] =	vst v51;
	v56 =	vand.u32 $0x1, v63  }
0x166: {  	[tilespmem:$0x14A0] =	vst v62;
	v57 =	vadd.s32 v56, v53  }
0x167: {  	[tilespmem:$0x15A0] =	vst v54;
	v50 =	vadd.s32 $0x7FFF, v57  }
0x168: {  	[tilespmem:$0x16A0] =	vst v55;
	v50 =	vand.u32 $0xFFFF0000, v50  }
0x169: {  	[tilespmem:$0x17A0] =	vst v50  }
0x16a: {  	v50 =	vld.idx.msk [tilespmem:v35+s10+$0x0], $0xffff  }
0x16b: {  	v58 =	vld.idx.msk [tilespmem:v36+s10+$0x0], $0xffff;
	_ =	sdelay $0x1  }
0x16c: {  	v59 =	vld.idx.msk [tilespmem:v37+s10+$0x0], $0xffff;
	_ =	sdelay $0x2  }
0x16d: {  	v60 =	vmul.f32 v50, v50;
	v61 =	vmul.f32 v58, v58;
	_ =	sdelay $0x1  }
0x16e: {  	v62 =	vmul.f32 v59, v59;
	v53 =	vadd.f32 v61, v60;
	_ =	sdelay $0x1  }
0x16f: {  	v53 =	vadd.f32 v62, v53;
	_ =	sdelay $0x1  }
0x170: {  	v54 =	vshrl.u32 v53, $0x10  }
0x171: {  	v54 =	vand.u32 $0x1, v54  }
0x172: {  	v54 =	vadd.s32 v54, v53  }
0x173: {  	v54 =	vadd.s32 $0x7FFF, v54  }
0x174: {  	v54 =	vand.u32 $0xFFFF0000, v54  }
0x175: {  	v53 =	vsub.f32 v53, v54;
	_ =	sdelay $0x1  }
0x176: {  	v63 =	vshrl.u32 v53, $0x10  }
0x177: {  	v55 =	vand.u32 $0x1, v63  }
0x178: {  	v55 =	vadd.s32 v55, v53  }
0x179: {  	v55 =	vadd.s32 $0x7FFF, v55  }
0x17a: {  	v55 =	vand.u32 $0xFFFF0000, v55  }
0x17b: {  	v50 =	vmul.f32 $-2.000000000e+00, v50;
	v53 =	vsub.f32 v53, v55  }
0x17c: {  	v51 =	vmul.f32 $-2.000000000e+00, v58  }
0x17d: {  	v56 =	vmul.f32 $-2.000000000e+00, v59;
	[tilespmem:$0x12B0] =	vst v50;
	v57 =	vshrl.u32 v53, $0x10  }
0x17e: {  	[tilespmem:$0x13B0] =	vst v51;
	v58 =	vand.u32 $0x1, v57  }
0x17f: {  	[tilespmem:$0x14B0] =	vst v56;
	v59 =	vadd.s32 v58, v53  }
0x180: {  	[tilespmem:$0x15B0] =	vst v54;
	v50 =	vadd.s32 $0x7FFF, v59  }
0x181: {  	[tilespmem:$0x16B0] =	vst v55;
	v50 =	vand.u32 $0xFFFF0000, v50  }
0x182: {  	[tilespmem:$0x17B0] =	vst v50  }
0x183: {  	v50 =	vld.idx.msk [tilespmem:v38+s10+$0x0], $0xffff  }
0x184: {  	v60 =	vld.idx.msk [tilespmem:v39+s10+$0x0], $0xffff;
	_ =	sdelay $0x1  }
0x185: {  	v61 =	vld.idx.msk [tilespmem:v40+s10+$0x0], $0xffff;
	_ =	sdelay $0x2  }
0x186: {  	v62 =	vmul.f32 v50, v50;
	v63 =	vmul.f32 v60, v60;
	_ =	sdelay $0x1  }
0x187: {  	v57 =	vmul.f32 v61, v61;
	v53 =	vadd.f32 v63, v62;
	_ =	sdelay $0x1  }
0x188: {  	v53 =	vadd.f32 v57, v53;
	_ =	sdelay $0x1  }
0x189: {  	v54 =	vshrl.u32 v53, $0x10  }
0x18a: {  	v54 =	vand.u32 $0x1, v54  }
0x18b: {  	v54 =	vadd.s32 v54, v53  }
0x18c: {  	v54 =	vadd.s32 $0x7FFF, v54  }
0x18d: {  	v54 =	vand.u32 $0xFFFF0000, v54  }
0x18e: {  	v53 =	vsub.f32 v53, v54;
	_ =	sdelay $0x1  }
0x18f: {  	v58 =	vshrl.u32 v53, $0x10  }
0x190: {  	v55 =	vand.u32 $0x1, v58  }
0x191: {  	v55 =	vadd.s32 v55, v53  }
0x192: {  	v55 =	vadd.s32 $0x7FFF, v55  }
0x193: {  	v55 =	vand.u32 $0xFFFF0000, v55  }
0x194: {  	v50 =	vmul.f32 $-2.000000000e+00, v50;
	v53 =	vsub.f32 v53, v55  }
0x195: {  	v51 =	vmul.f32 $-2.000000000e+00, v60  }
0x196: {  	v59 =	vmul.f32 $-2.000000000e+00, v61;
	[tilespmem:$0x12C0] =	vst v50;
	v60 =	vshrl.u32 v53, $0x10  }
0x197: {  	[tilespmem:$0x13C0] =	vst v51;
	v61 =	vand.u32 $0x1, v60  }
0x198: {  	[tilespmem:$0x14C0] =	vst v59;
	v62 =	vadd.s32 v61, v53  }
0x199: {  	[tilespmem:$0x15C0] =	vst v54;
	v50 =	vadd.s32 $0x7FFF, v62  }
0x19a: {  	[tilespmem:$0x16C0] =	vst v55;
	v50 =	vand.u32 $0xFFFF0000, v50  }
0x19b: {  	[tilespmem:$0x17C0] =	vst v50  }
0x19c: {  	v50 =	vld.idx.msk [tilespmem:v41+s10+$0x0], $0xffff  }
0x19d: {  	v63 =	vld.idx.msk [tilespmem:v42+s10+$0x0], $0xffff;
	_ =	sdelay $0x1  }
0x19e: {  	v57 =	vld.idx.msk [tilespmem:v43+s10+$0x0], $0xffff;
	_ =	sdelay $0x2  }
0x19f: {  	v58 =	vmul.f32 v50, v50;
	v59 =	vmul.f32 v63, v63;
	_ =	sdelay $0x1  }
0x1a0: {  	v60 =	vmul.f32 v57, v57;
	v53 =	vadd.f32 v59, v58;
	_ =	sdelay $0x1  }
0x1a1: {  	v53 =	vadd.f32 v60, v53;
	_ =	sdelay $0x1  }
0x1a2: {  	v54 =	vshrl.u32 v53, $0x10  }
0x1a3: {  	v54 =	vand.u32 $0x1, v54  }
0x1a4: {  	v54 =	vadd.s32 v54, v53  }
0x1a5: {  	v54 =	vadd.s32 $0x7FFF, v54  }
0x1a6: {  	v54 =	vand.u32 $0xFFFF0000, v54  }
0x1a7: {  	v53 =	vsub.f32 v53, v54;
	_ =	sdelay $0x1  }
0x1a8: {  	v61 =	vshrl.u32 v53, $0x10  }
0x1a9: {  	v55 =	vand.u32 $0x1, v61  }
0x1aa: {  	v55 =	vadd.s32 v55, v53  }
0x1ab: {  	v55 =	vadd.s32 $0x7FFF, v55  }
0x1ac: {  	v55 =	vand.u32 $0xFFFF0000, v55  }
0x1ad: {  	v50 =	vmul.f32 $-2.000000000e+00, v50;
	v53 =	vsub.f32 v53, v55  }
0x1ae: {  	v51 =	vmul.f32 $-2.000000000e+00, v63  }
0x1af: {  	v62 =	vmul.f32 $-2.000000000e+00, v57;
	[tilespmem:$0x12D0] =	vst v50;
	v63 =	vshrl.u32 v53, $0x10  }
0x1b0: {  	[tilespmem:$0x13D0] =	vst v51;
	v56 =	vand.u32 $0x1, v63  }
0x1b1: {  	[tilespmem:$0x14D0] =	vst v62;
	v57 =	vadd.s32 v56, v53  }
0x1b2: {  	[tilespmem:$0x15D0] =	vst v54;
	v50 =	vadd.s32 $0x7FFF, v57  }
0x1b3: {  	[tilespmem:$0x16D0] =	vst v55;
	v50 =	vand.u32 $0xFFFF0000, v50  }
0x1b4: {  	[tilespmem:$0x17D0] =	vst v50  }
0x1b5: {  	v50 =	vld.idx.msk [tilespmem:v44+s10+$0x0], $0xffff  }
0x1b6: {  	v58 =	vld.idx.msk [tilespmem:v45+s10+$0x0], $0xffff;
	_ =	sdelay $0x1  }
0x1b7: {  	v59 =	vld.idx.msk [tilespmem:v46+s10+$0x0], $0xffff;
	_ =	sdelay $0x2  }
0x1b8: {  	v60 =	vmul.f32 v50, v50;
	v61 =	vmul.f32 v58, v58;
	_ =	sdelay $0x1  }
0x1b9: {  	v62 =	vmul.f32 v59, v59;
	v53 =	vadd.f32 v61, v60;
	_ =	sdelay $0x1  }
0x1ba: {  	v53 =	vadd.f32 v62, v53;
	_ =	sdelay $0x1  }
0x1bb: {  	v54 =	vshrl.u32 v53, $0x10  }
0x1bc: {  	v54 =	vand.u32 $0x1, v54  }
0x1bd: {  	v54 =	vadd.s32 v54, v53  }
0x1be: {  	v54 =	vadd.s32 $0x7FFF, v54  }
0x1bf: {  	v54 =	vand.u32 $0xFFFF0000, v54  }
0x1c0: {  	v53 =	vsub.f32 v53, v54;
	_ =	sdelay $0x1  }
0x1c1: {  	v63 =	vshrl.u32 v53, $0x10  }
0x1c2: {  	v55 =	vand.u32 $0x1, v63  }
0x1c3: {  	v55 =	vadd.s32 v55, v53  }
0x1c4: {  	v55 =	vadd.s32 $0x7FFF, v55  }
0x1c5: {  	v55 =	vand.u32 $0xFFFF0000, v55  }
0x1c6: {  	v50 =	vmul.f32 $-2.000000000e+00, v50;
	v53 =	vsub.f32 v53, v55  }
0x1c7: {  	v51 =	vmul.f32 $-2.000000000e+00, v58  }
0x1c8: {  	v57 =	vmul.f32 $-2.000000000e+00, v59;
	[tilespmem:$0x12E0] =	vst v50;
	v58 =	vshrl.u32 v53, $0x10  }
0x1c9: {  	[tilespmem:$0x13E0] =	vst v51;
	v59 =	vand.u32 $0x1, v58  }
0x1ca: {  	[tilespmem:$0x14E0] =	vst v57;
	v60 =	vadd.s32 v59, v53  }
0x1cb: {  	[tilespmem:$0x15E0] =	vst v54;
	v50 =	vadd.s32 $0x7FFF, v60  }
0x1cc: {  	[tilespmem:$0x16E0] =	vst v55;
	v50 =	vand.u32 $0xFFFF0000, v50  }
0x1cd: {  	[tilespmem:$0x17E0] =	vst v50  }
0x1ce: {  	v50 =	vld.idx.msk [tilespmem:v47+s10+$0x0], $0xffff  }
0x1cf: {  	v61 =	vld.idx.msk [tilespmem:v48+s10+$0x0], $0xffff;
	_ =	sdelay $0x1  }
0x1d0: {  	v62 =	vld.idx.msk [tilespmem:v49+s10+$0x0], $0xffff;
	_ =	sdelay $0x2  }
0x1d1: {  	v63 =	vmul.f32 v50, v50;
	v57 =	vmul.f32 v61, v61;
	_ =	sdelay $0x1  }
0x1d2: {  	v58 =	vmul.f32 v62, v62;
	v53 =	vadd.f32 v57, v63;
	_ =	sdelay $0x1  }
0x1d3: {  	v53 =	vadd.f32 v58, v53;
	_ =	sdelay $0x1  }
0x1d4: {  	v54 =	vshrl.u32 v53, $0x10  }
0x1d5: {  	v54 =	vand.u32 $0x1, v54  }
0x1d6: {  	v54 =	vadd.s32 v54, v53  }
0x1d7: {  	v54 =	vadd.s32 $0x7FFF, v54  }
0x1d8: {  	v54 =	vand.u32 $0xFFFF0000, v54  }
0x1d9: {  	v53 =	vsub.f32 v53, v54;
	_ =	sdelay $0x1  }
0x1da: {  	v59 =	vshrl.u32 v53, $0x10  }
0x1db: {  	v55 =	vand.u32 $0x1, v59  }
0x1dc: {  	v55 =	vadd.s32 v55, v53  }
0x1dd: {  	v55 =	vadd.s32 $0x7FFF, v55  }
0x1de: {  	v55 =	vand.u32 $0xFFFF0000, v55  }
0x1df: {  	v50 =	vmul.f32 $-2.000000000e+00, v50;
	v53 =	vsub.f32 v53, v55  }
0x1e0: {  	v51 =	vmul.f32 $-2.000000000e+00, v61  }
0x1e1: {  	v60 =	vmul.f32 $-2.000000000e+00, v62;
	[tilespmem:$0x12F0] =	vst v50;
	v61 =	vshrl.u32 v53, $0x10  }
0x1e2: {  	[tilespmem:$0x13F0] =	vst v51;
	v62 =	vand.u32 $0x1, v61  }
0x1e3: {  	[tilespmem:$0x14F0] =	vst v60;
	v63 =	vadd.s32 v62, v53  }
0x1e4: {  	[tilespmem:$0x15F0] =	vst v54;
	v50 =	vadd.s32 $0x7FFF, v63  }
0x1e5: {  	p0 =	sne.s32 s6, $0x1;
	[tilespmem:$0x16F0] =	vst v55;
	v50 =	vand.u32 $0xFFFF0000, v50  }
.Ltmp0:
0x1e6: {  	[tilespmem:$0x17F0] =	vst v50;
	(pc) =	sbr.rel @p0 .LBB2_1-.Ltmp0, $4  }
0x1e7: {  	[hbm4b:s5+s9] =	stream.strided.scatter [tilespmem:s15], [sflag:$0x2], $0x800, s14, s9, $0x38;
	[tilespmem:$0x1A00] =	vst v63  }
0x1e8: {  	_ =	swait.ge [sflag:s7], $0x800  }
0x1e9: {  	[sflag:s7] =	ssyncset.done $0x0  }
0x1ea: {  	s6 =	sadd.s32 $0xFFFFFFFF, s6;
	[sflag:s7] =	ssyncadd.s32 $0xFFFFF800  }
0x1eb: {  	_ =	sfence.sel $0x180000  }
0x1ec: {  	[bflag:$0x0] =	sbarrier.arrive $0xFFFF  }
0x1ed: {  	p0 =	sne.s32 s0, $0x0;
	_ =	strace $0x9000004A  }
0x1ee: {  	s0 =	sadd.s32 @!p0 $0x100000, s1;
	[bflag:$0x2] =	sbarrier.arrive $0xFFFF  }
0x1ef: {  	[sflag:s0] =	ssyncadd.tile.s32 @!p0 $0x1;
	_ =	shalt  }
.Lfunc_end2:
_tile_overlayer_lowered:
.L_overlay_start_2:
0x1f0: {  	(tag) =	ssettag $0x2  }
0x1f1: {  	s0 =	rddreg [dreg:$0x0];
	s2 =	stileid.u32  }
0x1f2: {  	s1 =	rddreg [dreg:$0x1];
	p0 =	sne.s32 s2, $0x0  }
0x1f3: {  	s3 =	rddreg [dreg:$0x2];
	[bflag:$0x3] =	sbarrier.arrive $0xFFFF;
	s2 =	simm.s32 @!p0 $0x1C02  }
0x1f4: {  	[timem:s3], [sflag:s2] =	dma.local @!p0 [hbm:s0], s1  }
0x1f5: {  	s0 =	simm.s32 @!p0 $0x2  }
0x1f6: {  	_ =	swait.ge @!p0 [sflag:s0], s1  }
0x1f7: {  	s1 =	ssub.s32 @!p0 $0x0, s1;
	[sflag:s0] =	ssyncset.done @!p0 $0x0  }
0x1f8: {  	[sflag:s0] =	ssyncadd.s32 @!p0 s1  }
0x1f9: {  	[bflag:$0x3] =	sbarrier.arrive $0xFFFF  }
0x1fa: {  	_ =	shalt  }

</sc_bundles>
